<compile_context>
chip_gen: v7x
topology: tpu7x:2x2x1
jax: 0.10.2.dev20260603
libtpu: 0.0.44.dev20260713+nightly
codegen_flags: <defaults>
</compile_context>

<pallas_src>
import functools

import jax
import jax.numpy as jnp
from jax import lax
from jax.experimental import pallas as pl
from jax.experimental.pallas import tpu as pltpu
from jax.experimental.pallas import tpu_sc as plsc


@functools.lru_cache(maxsize=None)
def _build(n_nodes: int, d: int, n_edges: int):
    dp = d // 2
    info = plsc.get_sparse_core_info()
    NC, NS, L = info.num_cores, info.num_subcores, info.num_lanes
    NW = NC * NS
    assert n_edges % NW == 0
    PER_W = n_edges // NW
    B = 80
    assert PER_W % B == 0
    NBLK = PER_W // B
    G = B // L
    assert B % L == 0 and dp % L == 0

    mesh = plsc.VectorSubcoreMesh(core_axis_name="c", subcore_axis_name="s")

    @functools.partial(
        pl.kernel,
        mesh=mesh,
        out_type=jax.ShapeDtypeStruct((n_edges,), jnp.float32),
        scratch_types=[
            pltpu.VMEM((PER_W,), jnp.int32),
            pltpu.VMEM((PER_W,), jnp.int32),
            pltpu.VMEM((2 * B, dp), jnp.int32),
            pltpu.VMEM((2 * B, dp), jnp.int32),
            pltpu.VMEM((PER_W,), jnp.float32),
            pltpu.VMEM_SHARED((n_nodes, dp), jnp.int32),
            pltpu.SemaphoreType.DMA,
            pltpu.SemaphoreType.DMA,
        ],
        compiler_params=pltpu.CompilerParams(
            needs_layout_passes=False, use_tc_tiling_on_sc=False),
    )
    def dot_scores(src_hbm, dst_hbm, h_hbm, out_hbm,
                   sidx, didx, rows0, rows1, outv, hsh,
                   sem0, sem1):
        sid = lax.axis_index("s")
        wid = sid * NC + lax.axis_index("c")
        base = wid * PER_W

        bufs = ((rows0, sem0), (rows1, sem1))

        stripe = n_nodes // NS
        pltpu.sync_copy(h_hbm.at[pl.ds(sid * stripe, stripe)],
                        hsh.at[pl.ds(sid * stripe, stripe)])

        pltpu.sync_copy(src_hbm.at[pl.ds(base, PER_W)], sidx)
        pltpu.sync_copy(dst_hbm.at[pl.ds(base, PER_W)], didx)

        plsc.subcore_barrier()

        def fire(blk, slot):
            off = blk * B
            rows, sem = bufs[slot]
            pltpu.async_copy(hsh.at[sidx.at[pl.ds(off, B)]],
                             rows.at[pl.ds(0, B)], sem)
            pltpu.async_copy(hsh.at[didx.at[pl.ds(off, B)]],
                             rows.at[pl.ds(B, B)], sem)

        def drain(slot):
            rows, sem = bufs[slot]
            pltpu.make_async_copy(h_hbm.at[pl.ds(0, 2 * B)], rows,
                                  sem).wait()

        lane = lax.broadcasted_iota(jnp.int32, (L,), 0)
        bitrev = [int(f"{t:04b}"[::-1], 2) for t in range(L)]

        def edge_partial(rows, e):
            prods = []
            for c in range(dp // L):
                s = plsc.bitcast(rows[e, pl.ds(c * L, L)], jnp.bfloat16)
                t = plsc.bitcast(rows[B + e, pl.ds(c * L, L)],
                                 jnp.bfloat16)
                prods.append(s * t)
            pr = (prods[0] + prods[1]) + (prods[2] + prods[3])
            pa, pb = plsc.unpack(pr, format=plsc.PackFormat.INTERLEAVED)
            return pa + pb

        def merge16(vs):
            dist = L // 2
            while len(vs) > 1:
                mask = (lane & dist) == 0
                perm = lane ^ dist
                nxt = []
                for k in range(0, len(vs), 2):
                    ta = vs[k] + vs[k].at[perm].get(
                        mode="promise_in_bounds")
                    tb = vs[k + 1] + vs[k + 1].at[perm].get(
                        mode="promise_in_bounds")
                    nxt.append(jnp.where(mask, ta, tb))
                vs = nxt
                dist //= 2
            return vs[0]

        def compute(blk, slot):
            rows, _ = bufs[slot]

            def gbody(g, carry):
                res = merge16([edge_partial(rows, g * L + bitrev[t])
                               for t in range(L)])
                outv[pl.ds(blk * B + g * L, L)] = res
                return carry

            lax.fori_loop(0, G, gbody, 0)

        fire(0, 0)
        fire(1, 1)

        def body(i0, carry):
            blk0 = 2 * i0
            drain(0)
            compute(blk0, 0)
            fire(blk0 + 2, 0)

            blk1 = blk0 + 1
            drain(1)
            compute(blk1, 1)

            @pl.when(blk1 + 2 < NBLK)
            def _():
                fire(blk1 + 2, 1)

            return carry

        lax.fori_loop(0, (NBLK - 1) // 2, body, 0)

        drain(0)
        compute(NBLK - 1, 0)

        pltpu.sync_copy(outv, out_hbm.at[pl.ds(base, PER_W)])

    return dot_scores


def kernel(h, edge_index):
    n_nodes, d = h.shape
    n_edges = edge_index.shape[1]
    ei = edge_index.astype(jnp.int32)
    h_packed = lax.bitcast_convert_type(
        h.astype(jnp.bfloat16).reshape(n_nodes, d // 2, 2), jnp.int32)
    scores = _build(n_nodes, d, n_edges)(ei[0], ei[1], h_packed)
    return scores.reshape(n_edges, 1)

# --- scband reference (transcript-rebuilt; emitter-appended) ---
"""Pipeline reference for scband-dot-predictor-12704513261757 (READ-ONLY COPY).

The authoritative reference and input builder live on the scoring server;
editing this copy changes nothing except your own understanding.
"""

import jax, jax.numpy as jnp
import numpy as np


def setup_inputs(seed: int = 0) -> dict:
    key = jax.random.key(seed)
    k1, k2 = jax.random.split(key)
    h = jax.random.normal(k1, (10000, 128), dtype=jnp.float32)
    edge_index = jax.random.randint(k2, (2, 320000), 0, 10000, dtype=jnp.int64)
    return {"h": h, "edge_index": edge_index}


def reference(h, edge_index):
    # DGL DotPredictor: for each edge (u, v), score = dot(h[u], h[v]).
    # fn.u_dot_v('h', 'h', 'score') produces edge feature of shape [E, 1].
    src = edge_index[0]
    dst = edge_index[1]
    h_u = jnp.take(h, src, axis=0)
    h_v = jnp.take(h, dst, axis=0)
    score = jnp.sum(h_u * h_v, axis=-1, keepdims=True)
    return score

if __name__ == "__main__":
    import jax
    _d = setup_inputs()
    print(jax.jit(kernel)(*tuple(_d.values())))

</pallas_src>

<mosaic_0001>
#map = affine_map<(d0, d1) -> (0)>
#map1 = affine_map<(d0, d1) -> (0, 0)>
module attributes {stable_mosaic.version = 14 : i64} {
  func.func @dot_scores(%arg0: i32, %arg1: i32, %arg2: memref<320000xi32, #tpu.memory_space<hbm>>, %arg3: memref<320000xi32, #tpu.memory_space<hbm>>, %arg4: memref<10000x64xi32, #tpu.memory_space<hbm>>, %arg5: memref<320000xf32, #tpu.memory_space<hbm>>, %arg6: memref<10000xi32, #tpu.memory_space<vmem>>, %arg7: memref<10000xi32, #tpu.memory_space<vmem>>, %arg8: memref<160x64xi32, #tpu.memory_space<vmem>>, %arg9: memref<160x64xi32, #tpu.memory_space<vmem>>, %arg10: memref<10000xf32, #tpu.memory_space<vmem>>, %arg11: memref<10000x64xi32, #tpu.memory_space<vmem_shared>>, %arg12: memref<!tpu.dma_semaphore, #tpu.memory_space<semaphore_mem>>, %arg13: memref<!tpu.dma_semaphore, #tpu.memory_space<semaphore_mem>>) attributes {dimension_semantics = [#tpu.dimension_semantics<core_parallel>, #tpu.dimension_semantics<subcore_parallel>], iteration_bounds = array<i64: 2, 16>, scalar_prefetch = 0 : i64, scratch_operands = 8 : i64, tpu.core_type = #tpu.core_type<sc_vector_subcore>, window_params = [{transform_indices = #map}, {transform_indices = #map}, {transform_indices = #map1}, {transform_indices = #map}]} {
    %mul3A = arith.constant 2 : i32
    %mul3A_0 = arith.muli %arg1, %mul3A : i32
    %add3A = arith.addi %mul3A_0, %arg0 : i32
    %mul3A_1 = arith.constant 10000 : i32
    %mul3A_2 = arith.muli %add3A, %mul3A_1 : i32
    %mul3A_3 = arith.constant 625 : i32
    %mul3A_4 = arith.muli %arg1, %mul3A_3 : i32
    %mul3A_5 = arith.constant 625 : i32
    %mul3A_6 = arith.muli %arg1, %mul3A_5 : i32
    "tpu.region"() ({
      %run_scoped3A = tpu.sem_alloc : memref<!tpu.dma_semaphore, #tpu.memory_space<semaphore_mem>>
      %dma_start3A_54 = arith.constant 0 : i32
      %dma_start3A_55 = tpu.memref_slice %arg11[%mul3A_6, %dma_start3A_54] : memref<10000x64xi32, #tpu.memory_space<vmem_shared>> -> memref<625x64xi32, #tpu.memory_space<vmem_shared>>
      %dma_start3A_56 = arith.constant 0 : i32
      %dma_start3A_57 = tpu.memref_slice %arg4[%mul3A_4, %dma_start3A_56] : memref<10000x64xi32, #tpu.memory_space<hbm>> -> memref<625x64xi32, #tpu.memory_space<hbm>>
      tpu.enqueue_dma source(%dma_start3A_57 : memref<625x64xi32, #tpu.memory_space<hbm>>) target(%dma_start3A_55 : memref<625x64xi32, #tpu.memory_space<vmem_shared>>) target_semaphore(%run_scoped3A : memref<!tpu.dma_semaphore, #tpu.memory_space<semaphore_mem>>)
      %dma_wait3A_58 = arith.constant 0 : i32
      %dma_wait3A_59 = tpu.memref_slice %arg11[%mul3A_6, %dma_wait3A_58] : memref<10000x64xi32, #tpu.memory_space<vmem_shared>> -> memref<625x64xi32, #tpu.memory_space<vmem_shared>>
      %dma_wait3A_60 = arith.constant 0 : i32
      %dma_wait3A_61 = tpu.memref_slice %arg4[%mul3A_4, %dma_wait3A_60] : memref<10000x64xi32, #tpu.memory_space<hbm>> -> memref<625x64xi32, #tpu.memory_space<hbm>>
      tpu.wait_dma2 semaphore(%run_scoped3A : memref<!tpu.dma_semaphore, #tpu.memory_space<semaphore_mem>>) src(%dma_wait3A_61 : memref<625x64xi32, #tpu.memory_space<hbm>>) dst(%dma_wait3A_59 : memref<625x64xi32, #tpu.memory_space<vmem_shared>>)
      tpu.yield
    }) : () -> ()
    "tpu.region"() ({
      %run_scoped3A = tpu.sem_alloc : memref<!tpu.dma_semaphore, #tpu.memory_space<semaphore_mem>>
      %dma_start3A_54 = tpu.memref_slice %arg2[%mul3A_2] : memref<320000xi32, #tpu.memory_space<hbm>> -> memref<10000xi32, #tpu.memory_space<hbm>>
      %dma_start3A_55 = tpu.memref_slice %arg2[%mul3A_2] : memref<320000xi32, #tpu.memory_space<hbm>> -> memref<10000xi32, #tpu.memory_space<hbm>>
      tpu.enqueue_dma source(%dma_start3A_55 : memref<10000xi32, #tpu.memory_space<hbm>>) target(%arg6 : memref<10000xi32, #tpu.memory_space<vmem>>) target_semaphore(%run_scoped3A : memref<!tpu.dma_semaphore, #tpu.memory_space<semaphore_mem>>)
      %dma_wait3A_56 = tpu.memref_slice %arg2[%mul3A_2] : memref<320000xi32, #tpu.memory_space<hbm>> -> memref<10000xi32, #tpu.memory_space<hbm>>
      %dma_wait3A_57 = tpu.memref_slice %arg2[%mul3A_2] : memref<320000xi32, #tpu.memory_space<hbm>> -> memref<10000xi32, #tpu.memory_space<hbm>>
      tpu.wait_dma2 semaphore(%run_scoped3A : memref<!tpu.dma_semaphore, #tpu.memory_space<semaphore_mem>>) src(%dma_wait3A_57 : memref<10000xi32, #tpu.memory_space<hbm>>) dst(%arg6 : memref<10000xi32, #tpu.memory_space<vmem>>)
      tpu.yield
    }) : () -> ()
    "tpu.region"() ({
      %run_scoped3A = tpu.sem_alloc : memref<!tpu.dma_semaphore, #tpu.memory_space<semaphore_mem>>
      %dma_start3A_54 = tpu.memref_slice %arg3[%mul3A_2] : memref<320000xi32, #tpu.memory_space<hbm>> -> memref<10000xi32, #tpu.memory_space<hbm>>
      %dma_start3A_55 = tpu.memref_slice %arg3[%mul3A_2] : memref<320000xi32, #tpu.memory_space<hbm>> -> memref<10000xi32, #tpu.memory_space<hbm>>
      tpu.enqueue_dma source(%dma_start3A_55 : memref<10000xi32, #tpu.memory_space<hbm>>) target(%arg7 : memref<10000xi32, #tpu.memory_space<vmem>>) target_semaphore(%run_scoped3A : memref<!tpu.dma_semaphore, #tpu.memory_space<semaphore_mem>>)
      %dma_wait3A_56 = tpu.memref_slice %arg3[%mul3A_2] : memref<320000xi32, #tpu.memory_space<hbm>> -> memref<10000xi32, #tpu.memory_space<hbm>>
      %dma_wait3A_57 = tpu.memref_slice %arg3[%mul3A_2] : memref<320000xi32, #tpu.memory_space<hbm>> -> memref<10000xi32, #tpu.memory_space<hbm>>
      tpu.wait_dma2 semaphore(%run_scoped3A : memref<!tpu.dma_semaphore, #tpu.memory_space<semaphore_mem>>) src(%dma_wait3A_57 : memref<10000xi32, #tpu.memory_space<hbm>>) dst(%arg7 : memref<10000xi32, #tpu.memory_space<vmem>>)
      tpu.yield
    }) : () -> ()
    %barrier3A = arith.constant 0 : index
    tpu.barrier barrier_id(%barrier3A)
    %iota3A = tpu.iota {dimensions = array<i32: 0>} : vector<16xi32>
    %dma_start3A = arith.constant 0 : i32
    %dma_start3A_7 = arith.constant 0 : i32
    %dma_start3A_8 = tpu.memref_slice %arg8[%dma_start3A, %dma_start3A_7] : memref<160x64xi32, #tpu.memory_space<vmem>> -> memref<80x64xi32, #tpu.memory_space<vmem>>
    %dma_start3A_9 = arith.constant 0 : i32
    %dma_start3A_10 = tpu.memref_slice %arg6[%dma_start3A_9] : memref<10000xi32, #tpu.memory_space<vmem>> -> memref<80xi32, #tpu.memory_space<vmem>>
    %dma_start3A_11 = arith.constant 0 : i32
    %dma_start3A_12 = arith.constant 0 : i32
    %dma_start3A_13 = tpu.memref_slice %arg11[%dma_start3A_11, %dma_start3A_12] : memref<10000x64xi32, #tpu.memory_space<vmem_shared>> -> memref<10000x64xi32, #tpu.memory_space<vmem_shared>>
    tpu.enqueue_indirect_dma source(%dma_start3A_13 : memref<10000x64xi32, #tpu.memory_space<vmem_shared>>) target(%dma_start3A_8 : memref<80x64xi32, #tpu.memory_space<vmem>>) offsets(%dma_start3A_10 : memref<80xi32, #tpu.memory_space<vmem>>) semaphore(%arg12 : memref<!tpu.dma_semaphore, #tpu.memory_space<semaphore_mem>>)
    %dma_start3A_14 = arith.constant 80 : i32
    %dma_start3A_15 = arith.constant 0 : i32
    %dma_start3A_16 = tpu.memref_slice %arg8[%dma_start3A_14, %dma_start3A_15] : memref<160x64xi32, #tpu.memory_space<vmem>> -> memref<80x64xi32, #tpu.memory_space<vmem>>
    %dma_start3A_17 = arith.constant 0 : i32
    %dma_start3A_18 = tpu.memref_slice %arg7[%dma_start3A_17] : memref<10000xi32, #tpu.memory_space<vmem>> -> memref<80xi32, #tpu.memory_space<vmem>>
    %dma_start3A_19 = arith.constant 0 : i32
    %dma_start3A_20 = arith.constant 0 : i32
    %dma_start3A_21 = tpu.memref_slice %arg11[%dma_start3A_19, %dma_start3A_20] : memref<10000x64xi32, #tpu.memory_space<vmem_shared>> -> memref<10000x64xi32, #tpu.memory_space<vmem_shared>>
    tpu.enqueue_indirect_dma source(%dma_start3A_21 : memref<10000x64xi32, #tpu.memory_space<vmem_shared>>) target(%dma_start3A_16 : memref<80x64xi32, #tpu.memory_space<vmem>>) offsets(%dma_start3A_18 : memref<80xi32, #tpu.memory_space<vmem>>) semaphore(%arg12 : memref<!tpu.dma_semaphore, #tpu.memory_space<semaphore_mem>>)
    %dma_start3A_22 = arith.constant 0 : i32
    %dma_start3A_23 = arith.constant 0 : i32
    %dma_start3A_24 = tpu.memref_slice %arg9[%dma_start3A_22, %dma_start3A_23] : memref<160x64xi32, #tpu.memory_space<vmem>> -> memref<80x64xi32, #tpu.memory_space<vmem>>
    %dma_start3A_25 = arith.constant 80 : i32
    %dma_start3A_26 = tpu.memref_slice %arg6[%dma_start3A_25] : memref<10000xi32, #tpu.memory_space<vmem>> -> memref<80xi32, #tpu.memory_space<vmem>>
    %dma_start3A_27 = arith.constant 0 : i32
    %dma_start3A_28 = arith.constant 0 : i32
    %dma_start3A_29 = tpu.memref_slice %arg11[%dma_start3A_27, %dma_start3A_28] : memref<10000x64xi32, #tpu.memory_space<vmem_shared>> -> memref<10000x64xi32, #tpu.memory_space<vmem_shared>>
    tpu.enqueue_indirect_dma source(%dma_start3A_29 : memref<10000x64xi32, #tpu.memory_space<vmem_shared>>) target(%dma_start3A_24 : memref<80x64xi32, #tpu.memory_space<vmem>>) offsets(%dma_start3A_26 : memref<80xi32, #tpu.memory_space<vmem>>) semaphore(%arg13 : memref<!tpu.dma_semaphore, #tpu.memory_space<semaphore_mem>>)
    %dma_start3A_30 = arith.constant 80 : i32
    %dma_start3A_31 = arith.constant 0 : i32
    %dma_start3A_32 = tpu.memref_slice %arg9[%dma_start3A_30, %dma_start3A_31] : memref<160x64xi32, #tpu.memory_space<vmem>> -> memref<80x64xi32, #tpu.memory_space<vmem>>
    %dma_start3A_33 = arith.constant 80 : i32
    %dma_start3A_34 = tpu.memref_slice %arg7[%dma_start3A_33] : memref<10000xi32, #tpu.memory_space<vmem>> -> memref<80xi32, #tpu.memory_space<vmem>>
    %dma_start3A_35 = arith.constant 0 : i32
    %dma_start3A_36 = arith.constant 0 : i32
    %dma_start3A_37 = tpu.memref_slice %arg11[%dma_start3A_35, %dma_start3A_36] : memref<10000x64xi32, #tpu.memory_space<vmem_shared>> -> memref<10000x64xi32, #tpu.memory_space<vmem_shared>>
    tpu.enqueue_indirect_dma source(%dma_start3A_37 : memref<10000x64xi32, #tpu.memory_space<vmem_shared>>) target(%dma_start3A_32 : memref<80x64xi32, #tpu.memory_space<vmem>>) offsets(%dma_start3A_34 : memref<80xi32, #tpu.memory_space<vmem>>) semaphore(%arg13 : memref<!tpu.dma_semaphore, #tpu.memory_space<semaphore_mem>>)
    %scan3A = arith.constant 0 : i32
    %scan3A_38 = arith.constant 0 : i32
    %scan3A_39 = arith.constant 62 : i32
    %scan3A_40 = arith.addi %scan3A_38, %scan3A_39 : i32
    %scan3A_41 = arith.constant 1 : i32
    scf.for %scan3A_54 = %scan3A_38 to %scan3A_40 step %scan3A_41  : i32 {
      %mul3A_55 = arith.constant 2 : i32
      %mul3A_56 = arith.muli %mul3A_55, %scan3A_54 : i32
      %dma_wait3A_57 = arith.constant 0 : i32
      %dma_wait3A_58 = arith.constant 0 : i32
      %dma_wait3A_59 = tpu.memref_slice %arg4[%dma_wait3A_57, %dma_wait3A_58] : memref<10000x64xi32, #tpu.memory_space<hbm>> -> memref<160x64xi32, #tpu.memory_space<hbm>>
      %dma_wait3A_60 = arith.constant 0 : i32
      %dma_wait3A_61 = arith.constant 0 : i32
      %dma_wait3A_62 = tpu.memref_slice %arg4[%dma_wait3A_60, %dma_wait3A_61] : memref<10000x64xi32, #tpu.memory_space<hbm>> -> memref<160x64xi32, #tpu.memory_space<hbm>>
      tpu.wait_dma2 semaphore(%arg12 : memref<!tpu.dma_semaphore, #tpu.memory_space<semaphore_mem>>) src(%dma_wait3A_62 : memref<160x64xi32, #tpu.memory_space<hbm>>) dst(%arg8 : memref<160x64xi32, #tpu.memory_space<vmem>>)
      %scan3A_63 = arith.constant 0 : i32
      %scan3A_64 = arith.constant 0 : i32
      %scan3A_65 = arith.constant 5 : i32
      %scan3A_66 = arith.addi %scan3A_64, %scan3A_65 : i32
      %scan3A_67 = arith.constant 1 : i32
      scf.for %scan3A_105 = %scan3A_64 to %scan3A_66 step %scan3A_67  : i32 {
        %mul3A_106 = arith.constant 16 : i32
        %mul3A_107 = arith.muli %scan3A_105, %mul3A_106 : i32
        %add3A_108 = arith.constant 0 : i32
        %add3A_109 = arith.addi %mul3A_107, %add3A_108 : i32
        %get3A = arith.index_cast %add3A_109 : i32 to index
        %get3A_110 = arith.constant 0 : index
        %get3A_111 = tpu.vector_load %arg8[%get3A, %get3A_110] {strides = array<i32>} : memref<160x64xi32, #tpu.memory_space<vmem>>, vector<16xi32>,
        %bitcast3A = vector.bitcast %get3A_111 : vector<16xi32> to vector<32xbf16>
        %add3A_112 = arith.constant 80 : i32
        %add3A_113 = arith.addi %add3A_112, %add3A_109 : i32
        %get3A_114 = arith.index_cast %add3A_113 : i32 to index
        %get3A_115 = arith.constant 0 : index
        %get3A_116 = tpu.vector_load %arg8[%get3A_114, %get3A_115] {strides = array<i32>} : memref<160x64xi32, #tpu.memory_space<vmem>>, vector<16xi32>,
        %bitcast3A_117 = vector.bitcast %get3A_116 : vector<16xi32> to vector<32xbf16>
        %mul3A_118 = arith.mulf %bitcast3A, %bitcast3A_117 : vector<32xbf16>
        %get3A_119 = arith.index_cast %add3A_109 : i32 to index
        %get3A_120 = arith.constant 16 : index
        %get3A_121 = tpu.vector_load %arg8[%get3A_119, %get3A_120] {strides = array<i32>} : memref<160x64xi32, #tpu.memory_space<vmem>>, vector<16xi32>,
        %bitcast3A_122 = vector.bitcast %get3A_121 : vector<16xi32> to vector<32xbf16>
        %add3A_123 = arith.constant 80 : i32
        %add3A_124 = arith.addi %add3A_123, %add3A_109 : i32
        %get3A_125 = arith.index_cast %add3A_124 : i32 to index
        %get3A_126 = arith.constant 16 : index
        %get3A_127 = tpu.vector_load %arg8[%get3A_125, %get3A_126] {strides = array<i32>} : memref<160x64xi32, #tpu.memory_space<vmem>>, vector<16xi32>,
        %bitcast3A_128 = vector.bitcast %get3A_127 : vector<16xi32> to vector<32xbf16>
        %mul3A_129 = arith.mulf %bitcast3A_122, %bitcast3A_128 : vector<32xbf16>
        %get3A_130 = arith.index_cast %add3A_109 : i32 to index
        %get3A_131 = arith.constant 32 : index
        %get3A_132 = tpu.vector_load %arg8[%get3A_130, %get3A_131] {strides = array<i32>} : memref<160x64xi32, #tpu.memory_space<vmem>>, vector<16xi32>,
        %bitcast3A_133 = vector.bitcast %get3A_132 : vector<16xi32> to vector<32xbf16>
        %add3A_134 = arith.constant 80 : i32
        %add3A_135 = arith.addi %add3A_134, %add3A_109 : i32
        %get3A_136 = arith.index_cast %add3A_135 : i32 to index
        %get3A_137 = arith.constant 32 : index
        %get3A_138 = tpu.vector_load %arg8[%get3A_136, %get3A_137] {strides = array<i32>} : memref<160x64xi32, #tpu.memory_space<vmem>>, vector<16xi32>,
        %bitcast3A_139 = vector.bitcast %get3A_138 : vector<16xi32> to vector<32xbf16>
        %mul3A_140 = arith.mulf %bitcast3A_133, %bitcast3A_139 : vector<32xbf16>
        %get3A_141 = arith.index_cast %add3A_109 : i32 to index
        %get3A_142 = arith.constant 48 : index
        %get3A_143 = tpu.vector_load %arg8[%get3A_141, %get3A_142] {strides = array<i32>} : memref<160x64xi32, #tpu.memory_space<vmem>>, vector<16xi32>,
        %bitcast3A_144 = vector.bitcast %get3A_143 : vector<16xi32> to vector<32xbf16>
        %add3A_145 = arith.constant 80 : i32
        %add3A_146 = arith.addi %add3A_145, %add3A_109 : i32
        %get3A_147 = arith.index_cast %add3A_146 : i32 to index
        %get3A_148 = arith.constant 48 : index
        %get3A_149 = tpu.vector_load %arg8[%get3A_147, %get3A_148] {strides = array<i32>} : memref<160x64xi32, #tpu.memory_space<vmem>>, vector<16xi32>,
        %bitcast3A_150 = vector.bitcast %get3A_149 : vector<16xi32> to vector<32xbf16>
        %mul3A_151 = arith.mulf %bitcast3A_144, %bitcast3A_150 : vector<32xbf16>
        %add3A_152 = arith.addf %mul3A_118, %mul3A_129 : vector<32xbf16>
        %add3A_153 = arith.addf %mul3A_140, %mul3A_151 : vector<32xbf16>
        %add3A_154 = arith.addf %add3A_152, %add3A_153 : vector<32xbf16>
        %unpack3A = tpu.unpack_subelements %add3A_154, 0 {pack_format = #tpu.pack_format<interleaved>} : vector<32xbf16> -> vector<16xf32>
        %unpack3A_155 = tpu.unpack_subelements %add3A_154, 1 {pack_format = #tpu.pack_format<interleaved>} : vector<32xbf16> -> vector<16xf32>
        %add3A_156 = arith.addf %unpack3A, %unpack3A_155 : vector<16xf32>
        %mul3A_157 = arith.constant 16 : i32
        %mul3A_158 = arith.muli %scan3A_105, %mul3A_157 : i32
        %add3A_159 = arith.constant 8 : i32
        %add3A_160 = arith.addi %mul3A_158, %add3A_159 : i32
        %get3A_161 = arith.index_cast %add3A_160 : i32 to index
        %get3A_162 = arith.constant 0 : index
        %get3A_163 = tpu.vector_load %arg8[%get3A_161, %get3A_162] {strides = array<i32>} : memref<160x64xi32, #tpu.memory_space<vmem>>, vector<16xi32>,
        %bitcast3A_164 = vector.bitcast %get3A_163 : vector<16xi32> to vector<32xbf16>
        %add3A_165 = arith.constant 80 : i32
        %add3A_166 = arith.addi %add3A_165, %add3A_160 : i32
        %get3A_167 = arith.index_cast %add3A_166 : i32 to index
        %get3A_168 = arith.constant 0 : index
        %get3A_169 = tpu.vector_load %arg8[%get3A_167, %get3A_168] {strides = array<i32>} : memref<160x64xi32, #tpu.memory_space<vmem>>, vector<16xi32>,
        %bitcast3A_170 = vector.bitcast %get3A_169 : vector<16xi32> to vector<32xbf16>
        %mul3A_171 = arith.mulf %bitcast3A_164, %bitcast3A_170 : vector<32xbf16>
        %get3A_172 = arith.index_cast %add3A_160 : i32 to index
        %get3A_173 = arith.constant 16 : index
        %get3A_174 = tpu.vector_load %arg8[%get3A_172, %get3A_173] {strides = array<i32>} : memref<160x64xi32, #tpu.memory_space<vmem>>, vector<16xi32>,
        %bitcast3A_175 = vector.bitcast %get3A_174 : vector<16xi32> to vector<32xbf16>
        %add3A_176 = arith.constant 80 : i32
        %add3A_177 = arith.addi %add3A_176, %add3A_160 : i32
        %get3A_178 = arith.index_cast %add3A_177 : i32 to index
        %get3A_179 = arith.constant 16 : index
        %get3A_180 = tpu.vector_load %arg8[%get3A_178, %get3A_179] {strides = array<i32>} : memref<160x64xi32, #tpu.memory_space<vmem>>, vector<16xi32>,
        %bitcast3A_181 = vector.bitcast %get3A_180 : vector<16xi32> to vector<32xbf16>
        %mul3A_182 = arith.mulf %bitcast3A_175, %bitcast3A_181 : vector<32xbf16>
        %get3A_183 = arith.index_cast %add3A_160 : i32 to index
        %get3A_184 = arith.constant 32 : index
        %get3A_185 = tpu.vector_load %arg8[%get3A_183, %get3A_184] {strides = array<i32>} : memref<160x64xi32, #tpu.memory_space<vmem>>, vector<16xi32>,
        %bitcast3A_186 = vector.bitcast %get3A_185 : vector<16xi32> to vector<32xbf16>
        %add3A_187 = arith.constant 80 : i32
        %add3A_188 = arith.addi %add3A_187, %add3A_160 : i32
        %get3A_189 = arith.index_cast %add3A_188 : i32 to index
        %get3A_190 = arith.constant 32 : index
        %get3A_191 = tpu.vector_load %arg8[%get3A_189, %get3A_190] {strides = array<i32>} : memref<160x64xi32, #tpu.memory_space<vmem>>, vector<16xi32>,
        %bitcast3A_192 = vector.bitcast %get3A_191 : vector<16xi32> to vector<32xbf16>
        %mul3A_193 = arith.mulf %bitcast3A_186, %bitcast3A_192 : vector<32xbf16>
        %get3A_194 = arith.index_cast %add3A_160 : i32 to index
        %get3A_195 = arith.constant 48 : index
        %get3A_196 = tpu.vector_load %arg8[%get3A_194, %get3A_195] {strides = array<i32>} : memref<160x64xi32, #tpu.memory_space<vmem>>, vector<16xi32>,
        %bitcast3A_197 = vector.bitcast %get3A_196 : vector<16xi32> to vector<32xbf16>
        %add3A_198 = arith.constant 80 : i32
        %add3A_199 = arith.addi %add3A_198, %add3A_160 : i32
        %get3A_200 = arith.index_cast %add3A_199 : i32 to index
        %get3A_201 = arith.constant 48 : index
        %get3A_202 = tpu.vector_load %arg8[%get3A_200, %get3A_201] {strides = array<i32>} : memref<160x64xi32, #tpu.memory_space<vmem>>, vector<16xi32>,
        %bitcast3A_203 = vector.bitcast %get3A_202 : vector<16xi32> to vector<32xbf16>
        %mul3A_204 = arith.mulf %bitcast3A_197, %bitcast3A_203 : vector<32xbf16>
        %add3A_205 = arith.addf %mul3A_171, %mul3A_182 : vector<32xbf16>
        %add3A_206 = arith.addf %mul3A_193, %mul3A_204 : vector<32xbf16>
        %add3A_207 = arith.addf %add3A_205, %add3A_206 : vector<32xbf16>
        %unpack3A_208 = tpu.unpack_subelements %add3A_207, 0 {pack_format = #tpu.pack_format<interleaved>} : vector<32xbf16> -> vector<16xf32>
        %unpack3A_209 = tpu.unpack_subelements %add3A_207, 1 {pack_format = #tpu.pack_format<interleaved>} : vector<32xbf16> -> vector<16xf32>
        %add3A_210 = arith.addf %unpack3A_208, %unpack3A_209 : vector<16xf32>
        %mul3A_211 = arith.constant 16 : i32
        %mul3A_212 = arith.muli %scan3A_105, %mul3A_211 : i32
        %add3A_213 = arith.constant 4 : i32
        %add3A_214 = arith.addi %mul3A_212, %add3A_213 : i32
        %get3A_215 = arith.index_cast %add3A_214 : i32 to index
        %get3A_216 = arith.constant 0 : index
        %get3A_217 = tpu.vector_load %arg8[%get3A_215, %get3A_216] {strides = array<i32>} : memref<160x64xi32, #tpu.memory_space<vmem>>, vector<16xi32>,
        %bitcast3A_218 = vector.bitcast %get3A_217 : vector<16xi32> to vector<32xbf16>
        %add3A_219 = arith.constant 80 : i32
        %add3A_220 = arith.addi %add3A_219, %add3A_214 : i32
        %get3A_221 = arith.index_cast %add3A_220 : i32 to index
        %get3A_222 = arith.constant 0 : index
        %get3A_223 = tpu.vector_load %arg8[%get3A_221, %get3A_222] {strides = array<i32>} : memref<160x64xi32, #tpu.memory_space<vmem>>, vector<16xi32>,
        %bitcast3A_224 = vector.bitcast %get3A_223 : vector<16xi32> to vector<32xbf16>
        %mul3A_225 = arith.mulf %bitcast3A_218, %bitcast3A_224 : vector<32xbf16>
        %get3A_226 = arith.index_cast %add3A_214 : i32 to index
        %get3A_227 = arith.constant 16 : index
        %get3A_228 = tpu.vector_load %arg8[%get3A_226, %get3A_227] {strides = array<i32>} : memref<160x64xi32, #tpu.memory_space<vmem>>, vector<16xi32>,
        %bitcast3A_229 = vector.bitcast %get3A_228 : vector<16xi32> to vector<32xbf16>
        %add3A_230 = arith.constant 80 : i32
        %add3A_231 = arith.addi %add3A_230, %add3A_214 : i32
        %get3A_232 = arith.index_cast %add3A_231 : i32 to index
        %get3A_233 = arith.constant 16 : index
        %get3A_234 = tpu.vector_load %arg8[%get3A_232, %get3A_233] {strides = array<i32>} : memref<160x64xi32, #tpu.memory_space<vmem>>, vector<16xi32>,
        %bitcast3A_235 = vector.bitcast %get3A_234 : vector<16xi32> to vector<32xbf16>
        %mul3A_236 = arith.mulf %bitcast3A_229, %bitcast3A_235 : vector<32xbf16>
        %get3A_237 = arith.index_cast %add3A_214 : i32 to index
        %get3A_238 = arith.constant 32 : index
        %get3A_239 = tpu.vector_load %arg8[%get3A_237, %get3A_238] {strides = array<i32>} : memref<160x64xi32, #tpu.memory_space<vmem>>, vector<16xi32>,
        %bitcast3A_240 = vector.bitcast %get3A_239 : vector<16xi32> to vector<32xbf16>
        %add3A_241 = arith.constant 80 : i32
        %add3A_242 = arith.addi %add3A_241, %add3A_214 : i32
        %get3A_243 = arith.index_cast %add3A_242 : i32 to index
        %get3A_244 = arith.constant 32 : index
        %get3A_245 = tpu.vector_load %arg8[%get3A_243, %get3A_244] {strides = array<i32>} : memref<160x64xi32, #tpu.memory_space<vmem>>, vector<16xi32>,
        %bitcast3A_246 = vector.bitcast %get3A_245 : vector<16xi32> to vector<32xbf16>
        %mul3A_247 = arith.mulf %bitcast3A_240, %bitcast3A_246 : vector<32xbf16>
        %get3A_248 = arith.index_cast %add3A_214 : i32 to index
        %get3A_249 = arith.constant 48 : index
        %get3A_250 = tpu.vector_load %arg8[%get3A_248, %get3A_249] {strides = array<i32>} : memref<160x64xi32, #tpu.memory_space<vmem>>, vector<16xi32>,
        %bitcast3A_251 = vector.bitcast %get3A_250 : vector<16xi32> to vector<32xbf16>
        %add3A_252 = arith.constant 80 : i32
        %add3A_253 = arith.addi %add3A_252, %add3A_214 : i32
        %get3A_254 = arith.index_cast %add3A_253 : i32 to index
        %get3A_255 = arith.constant 48 : index
        %get3A_256 = tpu.vector_load %arg8[%get3A_254, %get3A_255] {strides = array<i32>} : memref<160x64xi32, #tpu.memory_space<vmem>>, vector<16xi32>,
        %bitcast3A_257 = vector.bitcast %get3A_256 : vector<16xi32> to vector<32xbf16>
        %mul3A_258 = arith.mulf %bitcast3A_251, %bitcast3A_257 : vector<32xbf16>
        %add3A_259 = arith.addf %mul3A_225, %mul3A_236 : vector<32xbf16>
        %add3A_260 = arith.addf %mul3A_247, %mul3A_258 : vector<32xbf16>
        %add3A_261 = arith.addf %add3A_259, %add3A_260 : vector<32xbf16>
        %unpack3A_262 = tpu.unpack_subelements %add3A_261, 0 {pack_format = #tpu.pack_format<interleaved>} : vector<32xbf16> -> vector<16xf32>
        %unpack3A_263 = tpu.unpack_subelements %add3A_261, 1 {pack_format = #tpu.pack_format<interleaved>} : vector<32xbf16> -> vector<16xf32>
        %add3A_264 = arith.addf %unpack3A_262, %unpack3A_263 : vector<16xf32>
        %mul3A_265 = arith.constant 16 : i32
        %mul3A_266 = arith.muli %scan3A_105, %mul3A_265 : i32
        %add3A_267 = arith.constant 12 : i32
        %add3A_268 = arith.addi %mul3A_266, %add3A_267 : i32
        %get3A_269 = arith.index_cast %add3A_268 : i32 to index
        %get3A_270 = arith.constant 0 : index
        %get3A_271 = tpu.vector_load %arg8[%get3A_269, %get3A_270] {strides = array<i32>} : memref<160x64xi32, #tpu.memory_space<vmem>>, vector<16xi32>,
        %bitcast3A_272 = vector.bitcast %get3A_271 : vector<16xi32> to vector<32xbf16>
        %add3A_273 = arith.constant 80 : i32
        %add3A_274 = arith.addi %add3A_273, %add3A_268 : i32
        %get3A_275 = arith.index_cast %add3A_274 : i32 to index
        %get3A_276 = arith.constant 0 : index
        %get3A_277 = tpu.vector_load %arg8[%get3A_275, %get3A_276] {strides = array<i32>} : memref<160x64xi32, #tpu.memory_space<vmem>>, vector<16xi32>,
        %bitcast3A_278 = vector.bitcast %get3A_277 : vector<16xi32> to vector<32xbf16>
        %mul3A_279 = arith.mulf %bitcast3A_272, %bitcast3A_278 : vector<32xbf16>
        %get3A_280 = arith.index_cast %add3A_268 : i32 to index
        %get3A_281 = arith.constant 16 : index
        %get3A_282 = tpu.vector_load %arg8[%get3A_280, %get3A_281] {strides = array<i32>} : memref<160x64xi32, #tpu.memory_space<vmem>>, vector<16xi32>,
        %bitcast3A_283 = vector.bitcast %get3A_282 : vector<16xi32> to vector<32xbf16>
        %add3A_284 = arith.constant 80 : i32
        %add3A_285 = arith.addi %add3A_284, %add3A_268 : i32
        %get3A_286 = arith.index_cast %add3A_285 : i32 to index
        %get3A_287 = arith.constant 16 : index
        %get3A_288 = tpu.vector_load %arg8[%get3A_286, %get3A_287] {strides = array<i32>} : memref<160x64xi32, #tpu.memory_space<vmem>>, vector<16xi32>,
        %bitcast3A_289 = vector.bitcast %get3A_288 : vector<16xi32> to vector<32xbf16>
        %mul3A_290 = arith.mulf %bitcast3A_283, %bitcast3A_289 : vector<32xbf16>
        %get3A_291 = arith.index_cast %add3A_268 : i32 to index
        %get3A_292 = arith.constant 32 : index
        %get3A_293 = tpu.vector_load %arg8[%get3A_291, %get3A_292] {strides = array<i32>} : memref<160x64xi32, #tpu.memory_space<vmem>>, vector<16xi32>,
        %bitcast3A_294 = vector.bitcast %get3A_293 : vector<16xi32> to vector<32xbf16>
        %add3A_295 = arith.constant 80 : i32
        %add3A_296 = arith.addi %add3A_295, %add3A_268 : i32
        %get3A_297 = arith.index_cast %add3A_296 : i32 to index
        %get3A_298 = arith.constant 32 : index
        %get3A_299 = tpu.vector_load %arg8[%get3A_297, %get3A_298] {strides = array<i32>} : memref<160x64xi32, #tpu.memory_space<vmem>>, vector<16xi32>,
        %bitcast3A_300 = vector.bitcast %get3A_299 : vector<16xi32> to vector<32xbf16>
        %mul3A_301 = arith.mulf %bitcast3A_294, %bitcast3A_300 : vector<32xbf16>
        %get3A_302 = arith.index_cast %add3A_268 : i32 to index
        %get3A_303 = arith.constant 48 : index
        %get3A_304 = tpu.vector_load %arg8[%get3A_302, %get3A_303] {strides = array<i32>} : memref<160x64xi32, #tpu.memory_space<vmem>>, vector<16xi32>,
        %bitcast3A_305 = vector.bitcast %get3A_304 : vector<16xi32> to vector<32xbf16>
        %add3A_306 = arith.constant 80 : i32
        %add3A_307 = arith.addi %add3A_306, %add3A_268 : i32
        %get3A_308 = arith.index_cast %add3A_307 : i32 to index
        %get3A_309 = arith.constant 48 : index
        %get3A_310 = tpu.vector_load %arg8[%get3A_308, %get3A_309] {strides = array<i32>} : memref<160x64xi32, #tpu.memory_space<vmem>>, vector<16xi32>,
        %bitcast3A_311 = vector.bitcast %get3A_310 : vector<16xi32> to vector<32xbf16>
        %mul3A_312 = arith.mulf %bitcast3A_305, %bitcast3A_311 : vector<32xbf16>
        %add3A_313 = arith.addf %mul3A_279, %mul3A_290 : vector<32xbf16>
        %add3A_314 = arith.addf %mul3A_301, %mul3A_312 : vector<32xbf16>
        %add3A_315 = arith.addf %add3A_313, %add3A_314 : vector<32xbf16>
        %unpack3A_316 = tpu.unpack_subelements %add3A_315, 0 {pack_format = #tpu.pack_format<interleaved>} : vector<32xbf16> -> vector<16xf32>
        %unpack3A_317 = tpu.unpack_subelements %add3A_315, 1 {pack_format = #tpu.pack_format<interleaved>} : vector<32xbf16> -> vector<16xf32>
        %add3A_318 = arith.addf %unpack3A_316, %unpack3A_317 : vector<16xf32>
        %mul3A_319 = arith.constant 16 : i32
        %mul3A_320 = arith.muli %scan3A_105, %mul3A_319 : i32
        %add3A_321 = arith.constant 2 : i32
        %add3A_322 = arith.addi %mul3A_320, %add3A_321 : i32
        %get3A_323 = arith.index_cast %add3A_322 : i32 to index
        %get3A_324 = arith.constant 0 : index
        %get3A_325 = tpu.vector_load %arg8[%get3A_323, %get3A_324] {strides = array<i32>} : memref<160x64xi32, #tpu.memory_space<vmem>>, vector<16xi32>,
        %bitcast3A_326 = vector.bitcast %get3A_325 : vector<16xi32> to vector<32xbf16>
        %add3A_327 = arith.constant 80 : i32
        %add3A_328 = arith.addi %add3A_327, %add3A_322 : i32
        %get3A_329 = arith.index_cast %add3A_328 : i32 to index
        %get3A_330 = arith.constant 0 : index
        %get3A_331 = tpu.vector_load %arg8[%get3A_329, %get3A_330] {strides = array<i32>} : memref<160x64xi32, #tpu.memory_space<vmem>>, vector<16xi32>,
        %bitcast3A_332 = vector.bitcast %get3A_331 : vector<16xi32> to vector<32xbf16>
        %mul3A_333 = arith.mulf %bitcast3A_326, %bitcast3A_332 : vector<32xbf16>
        %get3A_334 = arith.index_cast %add3A_322 : i32 to index
        %get3A_335 = arith.constant 16 : index
        %get3A_336 = tpu.vector_load %arg8[%get3A_334, %get3A_335] {strides = array<i32>} : memref<160x64xi32, #tpu.memory_space<vmem>>, vector<16xi32>,
        %bitcast3A_337 = vector.bitcast %get3A_336 : vector<16xi32> to vector<32xbf16>
        %add3A_338 = arith.constant 80 : i32
        %add3A_339 = arith.addi %add3A_338, %add3A_322 : i32
        %get3A_340 = arith.index_cast %add3A_339 : i32 to index
        %get3A_341 = arith.constant 16 : index
        %get3A_342 = tpu.vector_load %arg8[%get3A_340, %get3A_341] {strides = array<i32>} : memref<160x64xi32, #tpu.memory_space<vmem>>, vector<16xi32>,
        %bitcast3A_343 = vector.bitcast %get3A_342 : vector<16xi32> to vector<32xbf16>
        %mul3A_344 = arith.mulf %bitcast3A_337, %bitcast3A_343 : vector<32xbf16>
        %get3A_345 = arith.index_cast %add3A_322 : i32 to index
        %get3A_346 = arith.constant 32 : index
        %get3A_347 = tpu.vector_load %arg8[%get3A_345, %get3A_346] {strides = array<i32>} : memref<160x64xi32, #tpu.memory_space<vmem>>, vector<16xi32>,
        %bitcast3A_348 = vector.bitcast %get3A_347 : vector<16xi32> to vector<32xbf16>
        %add3A_349 = arith.constant 80 : i32
        %add3A_350 = arith.addi %add3A_349, %add3A_322 : i32
        %get3A_351 = arith.index_cast %add3A_350 : i32 to index
        %get3A_352 = arith.constant 32 : index
        %get3A_353 = tpu.vector_load %arg8[%get3A_351, %get3A_352] {strides = array<i32>} : memref<160x64xi32, #tpu.memory_space<vmem>>, vector<16xi32>,
        %bitcast3A_354 = vector.bitcast %get3A_353 : vector<16xi32> to vector<32xbf16>
        %mul3A_355 = arith.mulf %bitcast3A_348, %bitcast3A_354 : vector<32xbf16>
        %get3A_356 = arith.index_cast %add3A_322 : i32 to index
        %get3A_357 = arith.constant 48 : index
        %get3A_358 = tpu.vector_load %arg8[%get3A_356, %get3A_357] {strides = array<i32>} : memref<160x64xi32, #tpu.memory_space<vmem>>, vector<16xi32>,
        %bitcast3A_359 = vector.bitcast %get3A_358 : vector<16xi32> to vector<32xbf16>
        %add3A_360 = arith.constant 80 : i32
        %add3A_361 = arith.addi %add3A_360, %add3A_322 : i32
        %get3A_362 = arith.index_cast %add3A_361 : i32 to index
        %get3A_363 = arith.constant 48 : index
        %get3A_364 = tpu.vector_load %arg8[%get3A_362, %get3A_363] {strides = array<i32>} : memref<160x64xi32, #tpu.memory_space<vmem>>, vector<16xi32>,
        %bitcast3A_365 = vector.bitcast %get3A_364 : vector<16xi32> to vector<32xbf16>
        %mul3A_366 = arith.mulf %bitcast3A_359, %bitcast3A_365 : vector<32xbf16>
        %add3A_367 = arith.addf %mul3A_333, %mul3A_344 : vector<32xbf16>
        %add3A_368 = arith.addf %mul3A_355, %mul3A_366 : vector<32xbf16>
        %add3A_369 = arith.addf %add3A_367, %add3A_368 : vector<32xbf16>
        %unpack3A_370 = tpu.unpack_subelements %add3A_369, 0 {pack_format = #tpu.pack_format<interleaved>} : vector<32xbf16> -> vector<16xf32>
        %unpack3A_371 = tpu.unpack_subelements %add3A_369, 1 {pack_format = #tpu.pack_format<interleaved>} : vector<32xbf16> -> vector<16xf32>
        %add3A_372 = arith.addf %unpack3A_370, %unpack3A_371 : vector<16xf32>
        %mul3A_373 = arith.constant 16 : i32
        %mul3A_374 = arith.muli %scan3A_105, %mul3A_373 : i32
        %add3A_375 = arith.constant 10 : i32
        %add3A_376 = arith.addi %mul3A_374, %add3A_375 : i32
        %get3A_377 = arith.index_cast %add3A_376 : i32 to index
        %get3A_378 = arith.constant 0 : index
        %get3A_379 = tpu.vector_load %arg8[%get3A_377, %get3A_378] {strides = array<i32>} : memref<160x64xi32, #tpu.memory_space<vmem>>, vector<16xi32>,
        %bitcast3A_380 = vector.bitcast %get3A_379 : vector<16xi32> to vector<32xbf16>
        %add3A_381 = arith.constant 80 : i32
        %add3A_382 = arith.addi %add3A_381, %add3A_376 : i32
        %get3A_383 = arith.index_cast %add3A_382 : i32 to index
        %get3A_384 = arith.constant 0 : index
        %get3A_385 = tpu.vector_load %arg8[%get3A_383, %get3A_384] {strides = array<i32>} : memref<160x64xi32, #tpu.memory_space<vmem>>, vector<16xi32>,
        %bitcast3A_386 = vector.bitcast %get3A_385 : vector<16xi32> to vector<32xbf16>
        %mul3A_387 = arith.mulf %bitcast3A_380, %bitcast3A_386 : vector<32xbf16>
        %get3A_388 = arith.index_cast %add3A_376 : i32 to index
        %get3A_389 = arith.constant 16 : index
        %get3A_390 = tpu.vector_load %arg8[%get3A_388, %get3A_389] {strides = array<i32>} : memref<160x64xi32, #tpu.memory_space<vmem>>, vector<16xi32>,
        %bitcast3A_391 = vector.bitcast %get3A_390 : vector<16xi32> to vector<32xbf16>
        %add3A_392 = arith.constant 80 : i32
        %add3A_393 = arith.addi %add3A_392, %add3A_376 : i32
        %get3A_394 = arith.index_cast %add3A_393 : i32 to index
        %get3A_395 = arith.constant 16 : index
        %get3A_396 = tpu.vector_load %arg8[%get3A_394, %get3A_395] {strides = array<i32>} : memref<160x64xi32, #tpu.memory_space<vmem>>, vector<16xi32>,
        %bitcast3A_397 = vector.bitcast %get3A_396 : vector<16xi32> to vector<32xbf16>
        %mul3A_398 = arith.mulf %bitcast3A_391, %bitcast3A_397 : vector<32xbf16>
        %get3A_399 = arith.index_cast %add3A_376 : i32 to index
        %get3A_400 = arith.constant 32 : index
        %get3A_401 = tpu.vector_load %arg8[%get3A_399, %get3A_400] {strides = array<i32>} : memref<160x64xi32, #tpu.memory_space<vmem>>, vector<16xi32>,
        %bitcast3A_402 = vector.bitcast %get3A_401 : vector<16xi32> to vector<32xbf16>
        %add3A_403 = arith.constant 80 : i32
        %add3A_404 = arith.addi %add3A_403, %add3A_376 : i32
        %get3A_405 = arith.index_cast %add3A_404 : i32 to index
        %get3A_406 = arith.constant 32 : index
        %get3A_407 = tpu.vector_load %arg8[%get3A_405, %get3A_406] {strides = array<i32>} : memref<160x64xi32, #tpu.memory_space<vmem>>, vector<16xi32>,
        %bitcast3A_408 = vector.bitcast %get3A_407 : vector<16xi32> to vector<32xbf16>
        %mul3A_409 = arith.mulf %bitcast3A_402, %bitcast3A_408 : vector<32xbf16>
        %get3A_410 = arith.index_cast %add3A_376 : i32 to index
        %get3A_411 = arith.constant 48 : index
        %get3A_412 = tpu.vector_load %arg8[%get3A_410, %get3A_411] {strides = array<i32>} : memref<160x64xi32, #tpu.memory_space<vmem>>, vector<16xi32>,
        %bitcast3A_413 = vector.bitcast %get3A_412 : vector<16xi32> to vector<32xbf16>
        %add3A_414 = arith.constant 80 : i32
        %add3A_415 = arith.addi %add3A_414, %add3A_376 : i32
        %get3A_416 = arith.index_cast %add3A_415 : i32 to index
        %get3A_417 = arith.constant 48 : index
        %get3A_418 = tpu.vector_load %arg8[%get3A_416, %get3A_417] {strides = array<i32>} : memref<160x64xi32, #tpu.memory_space<vmem>>, vector<16xi32>,
        %bitcast3A_419 = vector.bitcast %get3A_418 : vector<16xi32> to vector<32xbf16>
        %mul3A_420 = arith.mulf %bitcast3A_413, %bitcast3A_419 : vector<32xbf16>
        %add3A_421 = arith.addf %mul3A_387, %mul3A_398 : vector<32xbf16>
        %add3A_422 = arith.addf %mul3A_409, %mul3A_420 : vector<32xbf16>
        %add3A_423 = arith.addf %add3A_421, %add3A_422 : vector<32xbf16>
        %unpack3A_424 = tpu.unpack_subelements %add3A_423, 0 {pack_format = #tpu.pack_format<interleaved>} : vector<32xbf16> -> vector<16xf32>
        %unpack3A_425 = tpu.unpack_subelements %add3A_423, 1 {pack_format = #tpu.pack_format<interleaved>} : vector<32xbf16> -> vector<16xf32>
        %add3A_426 = arith.addf %unpack3A_424, %unpack3A_425 : vector<16xf32>
        %mul3A_427 = arith.constant 16 : i32
        %mul3A_428 = arith.muli %scan3A_105, %mul3A_427 : i32
        %add3A_429 = arith.constant 6 : i32
        %add3A_430 = arith.addi %mul3A_428, %add3A_429 : i32
        %get3A_431 = arith.index_cast %add3A_430 : i32 to index
        %get3A_432 = arith.constant 0 : index
        %get3A_433 = tpu.vector_load %arg8[%get3A_431, %get3A_432] {strides = array<i32>} : memref<160x64xi32, #tpu.memory_space<vmem>>, vector<16xi32>,
        %bitcast3A_434 = vector.bitcast %get3A_433 : vector<16xi32> to vector<32xbf16>
        %add3A_435 = arith.constant 80 : i32
        %add3A_436 = arith.addi %add3A_435, %add3A_430 : i32
        %get3A_437 = arith.index_cast %add3A_436 : i32 to index
        %get3A_438 = arith.constant 0 : index
        %get3A_439 = tpu.vector_load %arg8[%get3A_437, %get3A_438] {strides = array<i32>} : memref<160x64xi32, #tpu.memory_space<vmem>>, vector<16xi32>,
        %bitcast3A_440 = vector.bitcast %get3A_439 : vector<16xi32> to vector<32xbf16>
        %mul3A_441 = arith.mulf %bitcast3A_434, %bitcast3A_440 : vector<32xbf16>
        %get3A_442 = arith.index_cast %add3A_430 : i32 to index
        %get3A_443 = arith.constant 16 : index
        %get3A_444 = tpu.vector_load %arg8[%get3A_442, %get3A_443] {strides = array<i32>} : memref<160x64xi32, #tpu.memory_space<vmem>>, vector<16xi32>,
        %bitcast3A_445 = vector.bitcast %get3A_444 : vector<16xi32> to vector<32xbf16>
        %add3A_446 = arith.constant 80 : i32
        %add3A_447 = arith.addi %add3A_446, %add3A_430 : i32
        %get3A_448 = arith.index_cast %add3A_447 : i32 to index
        %get3A_449 = arith.constant 16 : index
        %get3A_450 = tpu.vector_load %arg8[%get3A_448, %get3A_449] {strides = array<i32>} : memref<160x64xi32, #tpu.memory_space<vmem>>, vector<16xi32>,
        %bitcast3A_451 = vector.bitcast %get3A_450 : vector<16xi32> to vector<32xbf16>
        %mul3A_452 = arith.mulf %bitcast3A_445, %bitcast3A_451 : vector<32xbf16>
        %get3A_453 = arith.index_cast %add3A_430 : i32 to index
        %get3A_454 = arith.constant 32 : index
        %get3A_455 = tpu.vector_load %arg8[%get3A_453, %get3A_454] {strides = array<i32>} : memref<160x64xi32, #tpu.memory_space<vmem>>, vector<16xi32>,
        %bitcast3A_456 = vector.bitcast %get3A_455 : vector<16xi32> to vector<32xbf16>
        %add3A_457 = arith.constant 80 : i32
        %add3A_458 = arith.addi %add3A_457, %add3A_430 : i32
        %get3A_459 = arith.index_cast %add3A_458 : i32 to index
        %get3A_460 = arith.constant 32 : index
        %get3A_461 = tpu.vector_load %arg8[%get3A_459, %get3A_460] {strides = array<i32>} : memref<160x64xi32, #tpu.memory_space<vmem>>, vector<16xi32>,
        %bitcast3A_462 = vector.bitcast %get3A_461 : vector<16xi32> to vector<32xbf16>
        %mul3A_463 = arith.mulf %bitcast3A_456, %bitcast3A_462 : vector<32xbf16>
        %get3A_464 = arith.index_cast %add3A_430 : i32 to index
        %get3A_465 = arith.constant 48 : index
        %get3A_466 = tpu.vector_load %arg8[%get3A_464, %get3A_465] {strides = array<i32>} : memref<160x64xi32, #tpu.memory_space<vmem>>, vector<16xi32>,
        %bitcast3A_467 = vector.bitcast %get3A_466 : vector<16xi32> to vector<32xbf16>
        %add3A_468 = arith.constant 80 : i32
        %add3A_469 = arith.addi %add3A_468, %add3A_430 : i32
        %get3A_470 = arith.index_cast %add3A_469 : i32 to index
        %get3A_471 = arith.constant 48 : index
        %get3A_472 = tpu.vector_load %arg8[%get3A_470, %get3A_471] {strides = array<i32>} : memref<160x64xi32, #tpu.memory_space<vmem>>, vector<16xi32>,
        %bitcast3A_473 = vector.bitcast %get3A_472 : vector<16xi32> to vector<32xbf16>
        %mul3A_474 = arith.mulf %bitcast3A_467, %bitcast3A_473 : vector<32xbf16>
        %add3A_475 = arith.addf %mul3A_441, %mul3A_452 : vector<32xbf16>
        %add3A_476 = arith.addf %mul3A_463, %mul3A_474 : vector<32xbf16>
        %add3A_477 = arith.addf %add3A_475, %add3A_476 : vector<32xbf16>
        %unpack3A_478 = tpu.unpack_subelements %add3A_477, 0 {pack_format = #tpu.pack_format<interleaved>} : vector<32xbf16> -> vector<16xf32>
        %unpack3A_479 = tpu.unpack_subelements %add3A_477, 1 {pack_format = #tpu.pack_format<interleaved>} : vector<32xbf16> -> vector<16xf32>
        %add3A_480 = arith.addf %unpack3A_478, %unpack3A_479 : vector<16xf32>
        %mul3A_481 = arith.constant 16 : i32
        %mul3A_482 = arith.muli %scan3A_105, %mul3A_481 : i32
        %add3A_483 = arith.constant 14 : i32
        %add3A_484 = arith.addi %mul3A_482, %add3A_483 : i32
        %get3A_485 = arith.index_cast %add3A_484 : i32 to index
        %get3A_486 = arith.constant 0 : index
        %get3A_487 = tpu.vector_load %arg8[%get3A_485, %get3A_486] {strides = array<i32>} : memref<160x64xi32, #tpu.memory_space<vmem>>, vector<16xi32>,
        %bitcast3A_488 = vector.bitcast %get3A_487 : vector<16xi32> to vector<32xbf16>
        %add3A_489 = arith.constant 80 : i32
        %add3A_490 = arith.addi %add3A_489, %add3A_484 : i32
        %get3A_491 = arith.index_cast %add3A_490 : i32 to index
        %get3A_492 = arith.constant 0 : index
        %get3A_493 = tpu.vector_load %arg8[%get3A_491, %get3A_492] {strides = array<i32>} : memref<160x64xi32, #tpu.memory_space<vmem>>, vector<16xi32>,
        %bitcast3A_494 = vector.bitcast %get3A_493 : vector<16xi32> to vector<32xbf16>
        %mul3A_495 = arith.mulf %bitcast3A_488, %bitcast3A_494 : vector<32xbf16>
        %get3A_496 = arith.index_cast %add3A_484 : i32 to index
        %get3A_497 = arith.constant 16 : index
        %get3A_498 = tpu.vector_load %arg8[%get3A_496, %get3A_497] {strides = array<i32>} : memref<160x64xi32, #tpu.memory_space<vmem>>, vector<16xi32>,
        %bitcast3A_499 = vector.bitcast %get3A_498 : vector<16xi32> to vector<32xbf16>
        %add3A_500 = arith.constant 80 : i32
        %add3A_501 = arith.addi %add3A_500, %add3A_484 : i32
        %get3A_502 = arith.index_cast %add3A_501 : i32 to index
        %get3A_503 = arith.constant 16 : index
        %get3A_504 = tpu.vector_load %arg8[%get3A_502, %get3A_503] {strides = array<i32>} : memref<160x64xi32, #tpu.memory_space<vmem>>, vector<16xi32>,
        %bitcast3A_505 = vector.bitcast %get3A_504 : vector<16xi32> to vector<32xbf16>
        %mul3A_506 = arith.mulf %bitcast3A_499, %bitcast3A_505 : vector<32xbf16>
        %get3A_507 = arith.index_cast %add3A_484 : i32 to index
        %get3A_508 = arith.constant 32 : index
        %get3A_509 = tpu.vector_load %arg8[%get3A_507, %get3A_508] {strides = array<i32>} : memref<160x64xi32, #tpu.memory_space<vmem>>, vector<16xi32>,
        %bitcast3A_510 = vector.bitcast %get3A_509 : vector<16xi32> to vector<32xbf16>
        %add3A_511 = arith.constant 80 : i32
        %add3A_512 = arith.addi %add3A_511, %add3A_484 : i32
        %get3A_513 = arith.index_cast %add3A_512 : i32 to index
        %get3A_514 = arith.constant 32 : index
        %get3A_515 = tpu.vector_load %arg8[%get3A_513, %get3A_514] {strides = array<i32>} : memref<160x64xi32, #tpu.memory_space<vmem>>, vector<16xi32>,
        %bitcast3A_516 = vector.bitcast %get3A_515 : vector<16xi32> to vector<32xbf16>
        %mul3A_517 = arith.mulf %bitcast3A_510, %bitcast3A_516 : vector<32xbf16>
        %get3A_518 = arith.index_cast %add3A_484 : i32 to index
        %get3A_519 = arith.constant 48 : index
        %get3A_520 = tpu.vector_load %arg8[%get3A_518, %get3A_519] {strides = array<i32>} : memref<160x64xi32, #tpu.memory_space<vmem>>, vector<16xi32>,
        %bitcast3A_521 = vector.bitcast %get3A_520 : vector<16xi32> to vector<32xbf16>
        %add3A_522 = arith.constant 80 : i32
        %add3A_523 = arith.addi %add3A_522, %add3A_484 : i32
        %get3A_524 = arith.index_cast %add3A_523 : i32 to index
        %get3A_525 = arith.constant 48 : index
        %get3A_526 = tpu.vector_load %arg8[%get3A_524, %get3A_525] {strides = array<i32>} : memref<160x64xi32, #tpu.memory_space<vmem>>, vector<16xi32>,
        %bitcast3A_527 = vector.bitcast %get3A_526 : vector<16xi32> to vector<32xbf16>
        %mul3A_528 = arith.mulf %bitcast3A_521, %bitcast3A_527 : vector<32xbf16>
        %add3A_529 = arith.addf %mul3A_495, %mul3A_506 : vector<32xbf16>
        %add3A_530 = arith.addf %mul3A_517, %mul3A_528 : vector<32xbf16>
        %add3A_531 = arith.addf %add3A_529, %add3A_530 : vector<32xbf16>
        %unpack3A_532 = tpu.unpack_subelements %add3A_531, 0 {pack_format = #tpu.pack_format<interleaved>} : vector<32xbf16> -> vector<16xf32>
        %unpack3A_533 = tpu.unpack_subelements %add3A_531, 1 {pack_format = #tpu.pack_format<interleaved>} : vector<32xbf16> -> vector<16xf32>
        %add3A_534 = arith.addf %unpack3A_532, %unpack3A_533 : vector<16xf32>
        %mul3A_535 = arith.constant 16 : i32
        %mul3A_536 = arith.muli %scan3A_105, %mul3A_535 : i32
        %add3A_537 = arith.constant 1 : i32
        %add3A_538 = arith.addi %mul3A_536, %add3A_537 : i32
        %get3A_539 = arith.index_cast %add3A_538 : i32 to index
        %get3A_540 = arith.constant 0 : index
        %get3A_541 = tpu.vector_load %arg8[%get3A_539, %get3A_540] {strides = array<i32>} : memref<160x64xi32, #tpu.memory_space<vmem>>, vector<16xi32>,
        %bitcast3A_542 = vector.bitcast %get3A_541 : vector<16xi32> to vector<32xbf16>
        %add3A_543 = arith.constant 80 : i32
        %add3A_544 = arith.addi %add3A_543, %add3A_538 : i32
        %get3A_545 = arith.index_cast %add3A_544 : i32 to index
        %get3A_546 = arith.constant 0 : index
        %get3A_547 = tpu.vector_load %arg8[%get3A_545, %get3A_546] {strides = array<i32>} : memref<160x64xi32, #tpu.memory_space<vmem>>, vector<16xi32>,
        %bitcast3A_548 = vector.bitcast %get3A_547 : vector<16xi32> to vector<32xbf16>
        %mul3A_549 = arith.mulf %bitcast3A_542, %bitcast3A_548 : vector<32xbf16>
        %get3A_550 = arith.index_cast %add3A_538 : i32 to index
        %get3A_551 = arith.constant 16 : index
        %get3A_552 = tpu.vector_load %arg8[%get3A_550, %get3A_551] {strides = array<i32>} : memref<160x64xi32, #tpu.memory_space<vmem>>, vector<16xi32>,
        %bitcast3A_553 = vector.bitcast %get3A_552 : vector<16xi32> to vector<32xbf16>
        %add3A_554 = arith.constant 80 : i32
        %add3A_555 = arith.addi %add3A_554, %add3A_538 : i32
        %get3A_556 = arith.index_cast %add3A_555 : i32 to index
        %get3A_557 = arith.constant 16 : index
        %get3A_558 = tpu.vector_load %arg8[%get3A_556, %get3A_557] {strides = array<i32>} : memref<160x64xi32, #tpu.memory_space<vmem>>, vector<16xi32>,
        %bitcast3A_559 = vector.bitcast %get3A_558 : vector<16xi32> to vector<32xbf16>
        %mul3A_560 = arith.mulf %bitcast3A_553, %bitcast3A_559 : vector<32xbf16>
        %get3A_561 = arith.index_cast %add3A_538 : i32 to index
        %get3A_562 = arith.constant 32 : index
        %get3A_563 = tpu.vector_load %arg8[%get3A_561, %get3A_562] {strides = array<i32>} : memref<160x64xi32, #tpu.memory_space<vmem>>, vector<16xi32>,
        %bitcast3A_564 = vector.bitcast %get3A_563 : vector<16xi32> to vector<32xbf16>
        %add3A_565 = arith.constant 80 : i32
        %add3A_566 = arith.addi %add3A_565, %add3A_538 : i32
        %get3A_567 = arith.index_cast %add3A_566 : i32 to index
        %get3A_568 = arith.constant 32 : index
        %get3A_569 = tpu.vector_load %arg8[%get3A_567, %get3A_568] {strides = array<i32>} : memref<160x64xi32, #tpu.memory_space<vmem>>, vector<16xi32>,
        %bitcast3A_570 = vector.bitcast %get3A_569 : vector<16xi32> to vector<32xbf16>
        %mul3A_571 = arith.mulf %bitcast3A_564, %bitcast3A_570 : vector<32xbf16>
        %get3A_572 = arith.index_cast %add3A_538 : i32 to index
        %get3A_573 = arith.constant 48 : index
        %get3A_574 = tpu.vector_load %arg8[%get3A_572, %get3A_573] {strides = array<i32>} : memref<160x64xi32, #tpu.memory_space<vmem>>, vector<16xi32>,
        %bitcast3A_575 = vector.bitcast %get3A_574 : vector<16xi32> to vector<32xbf16>
        %add3A_576 = arith.constant 80 : i32
        %add3A_577 = arith.addi %add3A_576, %add3A_538 : i32
        %get3A_578 = arith.index_cast %add3A_577 : i32 to index
        %get3A_579 = arith.constant 48 : index
        %get3A_580 = tpu.vector_load %arg8[%get3A_578, %get3A_579] {strides = array<i32>} : memref<160x64xi32, #tpu.memory_space<vmem>>, vector<16xi32>,
        %bitcast3A_581 = vector.bitcast %get3A_580 : vector<16xi32> to vector<32xbf16>
        %mul3A_582 = arith.mulf %bitcast3A_575, %bitcast3A_581 : vector<32xbf16>
        %add3A_583 = arith.addf %mul3A_549, %mul3A_560 : vector<32xbf16>
        %add3A_584 = arith.addf %mul3A_571, %mul3A_582 : vector<32xbf16>
        %add3A_585 = arith.addf %add3A_583, %add3A_584 : vector<32xbf16>
        %unpack3A_586 = tpu.unpack_subelements %add3A_585, 0 {pack_format = #tpu.pack_format<interleaved>} : vector<32xbf16> -> vector<16xf32>
        %unpack3A_587 = tpu.unpack_subelements %add3A_585, 1 {pack_format = #tpu.pack_format<interleaved>} : vector<32xbf16> -> vector<16xf32>
        %add3A_588 = arith.addf %unpack3A_586, %unpack3A_587 : vector<16xf32>
        %mul3A_589 = arith.constant 16 : i32
        %mul3A_590 = arith.muli %scan3A_105, %mul3A_589 : i32
        %add3A_591 = arith.constant 9 : i32
        %add3A_592 = arith.addi %mul3A_590, %add3A_591 : i32
        %get3A_593 = arith.index_cast %add3A_592 : i32 to index
        %get3A_594 = arith.constant 0 : index
        %get3A_595 = tpu.vector_load %arg8[%get3A_593, %get3A_594] {strides = array<i32>} : memref<160x64xi32, #tpu.memory_space<vmem>>, vector<16xi32>,
        %bitcast3A_596 = vector.bitcast %get3A_595 : vector<16xi32> to vector<32xbf16>
        %add3A_597 = arith.constant 80 : i32
        %add3A_598 = arith.addi %add3A_597, %add3A_592 : i32
        %get3A_599 = arith.index_cast %add3A_598 : i32 to index
        %get3A_600 = arith.constant 0 : index
        %get3A_601 = tpu.vector_load %arg8[%get3A_599, %get3A_600] {strides = array<i32>} : memref<160x64xi32, #tpu.memory_space<vmem>>, vector<16xi32>,
        %bitcast3A_602 = vector.bitcast %get3A_601 : vector<16xi32> to vector<32xbf16>
        %mul3A_603 = arith.mulf %bitcast3A_596, %bitcast3A_602 : vector<32xbf16>
        %get3A_604 = arith.index_cast %add3A_592 : i32 to index
        %get3A_605 = arith.constant 16 : index
        %get3A_606 = tpu.vector_load %arg8[%get3A_604, %get3A_605] {strides = array<i32>} : memref<160x64xi32, #tpu.memory_space<vmem>>, vector<16xi32>,
        %bitcast3A_607 = vector.bitcast %get3A_606 : vector<16xi32> to vector<32xbf16>
        %add3A_608 = arith.constant 80 : i32
        %add3A_609 = arith.addi %add3A_608, %add3A_592 : i32
        %get3A_610 = arith.index_cast %add3A_609 : i32 to index
        %get3A_611 = arith.constant 16 : index
        %get3A_612 = tpu.vector_load %arg8[%get3A_610, %get3A_611] {strides = array<i32>} : memref<160x64xi32, #tpu.memory_space<vmem>>, vector<16xi32>,
        %bitcast3A_613 = vector.bitcast %get3A_612 : vector<16xi32> to vector<32xbf16>
        %mul3A_614 = arith.mulf %bitcast3A_607, %bitcast3A_613 : vector<32xbf16>
        %get3A_615 = arith.index_cast %add3A_592 : i32 to index
        %get3A_616 = arith.constant 32 : index
        %get3A_617 = tpu.vector_load %arg8[%get3A_615, %get3A_616] {strides = array<i32>} : memref<160x64xi32, #tpu.memory_space<vmem>>, vector<16xi32>,
        %bitcast3A_618 = vector.bitcast %get3A_617 : vector<16xi32> to vector<32xbf16>
        %add3A_619 = arith.constant 80 : i32
        %add3A_620 = arith.addi %add3A_619, %add3A_592 : i32
        %get3A_621 = arith.index_cast %add3A_620 : i32 to index
        %get3A_622 = arith.constant 32 : index
        %get3A_623 = tpu.vector_load %arg8[%get3A_621, %get3A_622] {strides = array<i32>} : memref<160x64xi32, #tpu.memory_space<vmem>>, vector<16xi32>,
        %bitcast3A_624 = vector.bitcast %get3A_623 : vector<16xi32> to vector<32xbf16>
        %mul3A_625 = arith.mulf %bitcast3A_618, %bitcast3A_624 : vector<32xbf16>
        %get3A_626 = arith.index_cast %add3A_592 : i32 to index
        %get3A_627 = arith.constant 48 : index
        %get3A_628 = tpu.vector_load %arg8[%get3A_626, %get3A_627] {strides = array<i32>} : memref<160x64xi32, #tpu.memory_space<vmem>>, vector<16xi32>,
        %bitcast3A_629 = vector.bitcast %get3A_628 : vector<16xi32> to vector<32xbf16>
        %add3A_630 = arith.constant 80 : i32
        %add3A_631 = arith.addi %add3A_630, %add3A_592 : i32
        %get3A_632 = arith.index_cast %add3A_631 : i32 to index
        %get3A_633 = arith.constant 48 : index
        %get3A_634 = tpu.vector_load %arg8[%get3A_632, %get3A_633] {strides = array<i32>} : memref<160x64xi32, #tpu.memory_space<vmem>>, vector<16xi32>,
        %bitcast3A_635 = vector.bitcast %get3A_634 : vector<16xi32> to vector<32xbf16>
        %mul3A_636 = arith.mulf %bitcast3A_629, %bitcast3A_635 : vector<32xbf16>
        %add3A_637 = arith.addf %mul3A_603, %mul3A_614 : vector<32xbf16>
        %add3A_638 = arith.addf %mul3A_625, %mul3A_636 : vector<32xbf16>
        %add3A_639 = arith.addf %add3A_637, %add3A_638 : vector<32xbf16>
        %unpack3A_640 = tpu.unpack_subelements %add3A_639, 0 {pack_format = #tpu.pack_format<interleaved>} : vector<32xbf16> -> vector<16xf32>
        %unpack3A_641 = tpu.unpack_subelements %add3A_639, 1 {pack_format = #tpu.pack_format<interleaved>} : vector<32xbf16> -> vector<16xf32>
        %add3A_642 = arith.addf %unpack3A_640, %unpack3A_641 : vector<16xf32>
        %mul3A_643 = arith.constant 16 : i32
        %mul3A_644 = arith.muli %scan3A_105, %mul3A_643 : i32
        %add3A_645 = arith.constant 5 : i32
        %add3A_646 = arith.addi %mul3A_644, %add3A_645 : i32
        %get3A_647 = arith.index_cast %add3A_646 : i32 to index
        %get3A_648 = arith.constant 0 : index
        %get3A_649 = tpu.vector_load %arg8[%get3A_647, %get3A_648] {strides = array<i32>} : memref<160x64xi32, #tpu.memory_space<vmem>>, vector<16xi32>,
        %bitcast3A_650 = vector.bitcast %get3A_649 : vector<16xi32> to vector<32xbf16>
        %add3A_651 = arith.constant 80 : i32
        %add3A_652 = arith.addi %add3A_651, %add3A_646 : i32
        %get3A_653 = arith.index_cast %add3A_652 : i32 to index
        %get3A_654 = arith.constant 0 : index
        %get3A_655 = tpu.vector_load %arg8[%get3A_653, %get3A_654] {strides = array<i32>} : memref<160x64xi32, #tpu.memory_space<vmem>>, vector<16xi32>,
        %bitcast3A_656 = vector.bitcast %get3A_655 : vector<16xi32> to vector<32xbf16>
        %mul3A_657 = arith.mulf %bitcast3A_650, %bitcast3A_656 : vector<32xbf16>
        %get3A_658 = arith.index_cast %add3A_646 : i32 to index
        %get3A_659 = arith.constant 16 : index
        %get3A_660 = tpu.vector_load %arg8[%get3A_658, %get3A_659] {strides = array<i32>} : memref<160x64xi32, #tpu.memory_space<vmem>>, vector<16xi32>,
        %bitcast3A_661 = vector.bitcast %get3A_660 : vector<16xi32> to vector<32xbf16>
        %add3A_662 = arith.constant 80 : i32
        %add3A_663 = arith.addi %add3A_662, %add3A_646 : i32
        %get3A_664 = arith.index_cast %add3A_663 : i32 to index
        %get3A_665 = arith.constant 16 : index
        %get3A_666 = tpu.vector_load %arg8[%get3A_664, %get3A_665] {strides = array<i32>} : memref<160x64xi32, #tpu.memory_space<vmem>>, vector<16xi32>,
        %bitcast3A_667 = vector.bitcast %get3A_666 : vector<16xi32> to vector<32xbf16>
        %mul3A_668 = arith.mulf %bitcast3A_661, %bitcast3A_667 : vector<32xbf16>
        %get3A_669 = arith.index_cast %add3A_646 : i32 to index
        %get3A_670 = arith.constant 32 : index
        %get3A_671 = tpu.vector_load %arg8[%get3A_669, %get3A_670] {strides = array<i32>} : memref<160x64xi32, #tpu.memory_space<vmem>>, vector<16xi32>,
        %bitcast3A_672 = vector.bitcast %get3A_671 : vector<16xi32> to vector<32xbf16>
        %add3A_673 = arith.constant 80 : i32
        %add3A_674 = arith.addi %add3A_673, %add3A_646 : i32
        %get3A_675 = arith.index_cast %add3A_674 : i32 to index
        %get3A_676 = arith.constant 32 : index
        %get3A_677 = tpu.vector_load %arg8[%get3A_675, %get3A_676] {strides = array<i32>} : memref<160x64xi32, #tpu.memory_space<vmem>>, vector<16xi32>,
        %bitcast3A_678 = vector.bitcast %get3A_677 : vector<16xi32> to vector<32xbf16>
        %mul3A_679 = arith.mulf %bitcast3A_672, %bitcast3A_678 : vector<32xbf16>
        %get3A_680 = arith.index_cast %add3A_646 : i32 to index
        %get3A_681 = arith.constant 48 : index
        %get3A_682 = tpu.vector_load %arg8[%get3A_680, %get3A_681] {strides = array<i32>} : memref<160x64xi32, #tpu.memory_space<vmem>>, vector<16xi32>,
        %bitcast3A_683 = vector.bitcast %get3A_682 : vector<16xi32> to vector<32xbf16>
        %add3A_684 = arith.constant 80 : i32
        %add3A_685 = arith.addi %add3A_684, %add3A_646 : i32
        %get3A_686 = arith.index_cast %add3A_685 : i32 to index
        %get3A_687 = arith.constant 48 : index
        %get3A_688 = tpu.vector_load %arg8[%get3A_686, %get3A_687] {strides = array<i32>} : memref<160x64xi32, #tpu.memory_space<vmem>>, vector<16xi32>,
        %bitcast3A_689 = vector.bitcast %get3A_688 : vector<16xi32> to vector<32xbf16>
        %mul3A_690 = arith.mulf %bitcast3A_683, %bitcast3A_689 : vector<32xbf16>
        %add3A_691 = arith.addf %mul3A_657, %mul3A_668 : vector<32xbf16>
        %add3A_692 = arith.addf %mul3A_679, %mul3A_690 : vector<32xbf16>
        %add3A_693 = arith.addf %add3A_691, %add3A_692 : vector<32xbf16>
        %unpack3A_694 = tpu.unpack_subelements %add3A_693, 0 {pack_format = #tpu.pack_format<interleaved>} : vector<32xbf16> -> vector<16xf32>
        %unpack3A_695 = tpu.unpack_subelements %add3A_693, 1 {pack_format = #tpu.pack_format<interleaved>} : vector<32xbf16> -> vector<16xf32>
        %add3A_696 = arith.addf %unpack3A_694, %unpack3A_695 : vector<16xf32>
        %mul3A_697 = arith.constant 16 : i32
        %mul3A_698 = arith.muli %scan3A_105, %mul3A_697 : i32
        %add3A_699 = arith.constant 13 : i32
        %add3A_700 = arith.addi %mul3A_698, %add3A_699 : i32
        %get3A_701 = arith.index_cast %add3A_700 : i32 to index
        %get3A_702 = arith.constant 0 : index
        %get3A_703 = tpu.vector_load %arg8[%get3A_701, %get3A_702] {strides = array<i32>} : memref<160x64xi32, #tpu.memory_space<vmem>>, vector<16xi32>,
        %bitcast3A_704 = vector.bitcast %get3A_703 : vector<16xi32> to vector<32xbf16>
        %add3A_705 = arith.constant 80 : i32
        %add3A_706 = arith.addi %add3A_705, %add3A_700 : i32
        %get3A_707 = arith.index_cast %add3A_706 : i32 to index
        %get3A_708 = arith.constant 0 : index
        %get3A_709 = tpu.vector_load %arg8[%get3A_707, %get3A_708] {strides = array<i32>} : memref<160x64xi32, #tpu.memory_space<vmem>>, vector<16xi32>,
        %bitcast3A_710 = vector.bitcast %get3A_709 : vector<16xi32> to vector<32xbf16>
        %mul3A_711 = arith.mulf %bitcast3A_704, %bitcast3A_710 : vector<32xbf16>
        %get3A_712 = arith.index_cast %add3A_700 : i32 to index
        %get3A_713 = arith.constant 16 : index
        %get3A_714 = tpu.vector_load %arg8[%get3A_712, %get3A_713] {strides = array<i32>} : memref<160x64xi32, #tpu.memory_space<vmem>>, vector<16xi32>,
        %bitcast3A_715 = vector.bitcast %get3A_714 : vector<16xi32> to vector<32xbf16>
        %add3A_716 = arith.constant 80 : i32
        %add3A_717 = arith.addi %add3A_716, %add3A_700 : i32
        %get3A_718 = arith.index_cast %add3A_717 : i32 to index
        %get3A_719 = arith.constant 16 : index
        %get3A_720 = tpu.vector_load %arg8[%get3A_718, %get3A_719] {strides = array<i32>} : memref<160x64xi32, #tpu.memory_space<vmem>>, vector<16xi32>,
        %bitcast3A_721 = vector.bitcast %get3A_720 : vector<16xi32> to vector<32xbf16>
        %mul3A_722 = arith.mulf %bitcast3A_715, %bitcast3A_721 : vector<32xbf16>
        %get3A_723 = arith.index_cast %add3A_700 : i32 to index
        %get3A_724 = arith.constant 32 : index
        %get3A_725 = tpu.vector_load %arg8[%get3A_723, %get3A_724] {strides = array<i32>} : memref<160x64xi32, #tpu.memory_space<vmem>>, vector<16xi32>,
        %bitcast3A_726 = vector.bitcast %get3A_725 : vector<16xi32> to vector<32xbf16>
        %add3A_727 = arith.constant 80 : i32
        %add3A_728 = arith.addi %add3A_727, %add3A_700 : i32
        %get3A_729 = arith.index_cast %add3A_728 : i32 to index
        %get3A_730 = arith.constant 32 : index
        %get3A_731 = tpu.vector_load %arg8[%get3A_729, %get3A_730] {strides = array<i32>} : memref<160x64xi32, #tpu.memory_space<vmem>>, vector<16xi32>,
        %bitcast3A_732 = vector.bitcast %get3A_731 : vector<16xi32> to vector<32xbf16>
        %mul3A_733 = arith.mulf %bitcast3A_726, %bitcast3A_732 : vector<32xbf16>
        %get3A_734 = arith.index_cast %add3A_700 : i32 to index
        %get3A_735 = arith.constant 48 : index
        %get3A_736 = tpu.vector_load %arg8[%get3A_734, %get3A_735] {strides = array<i32>} : memref<160x64xi32, #tpu.memory_space<vmem>>, vector<16xi32>,
        %bitcast3A_737 = vector.bitcast %get3A_736 : vector<16xi32> to vector<32xbf16>
        %add3A_738 = arith.constant 80 : i32
        %add3A_739 = arith.addi %add3A_738, %add3A_700 : i32
        %get3A_740 = arith.index_cast %add3A_739 : i32 to index
        %get3A_741 = arith.constant 48 : index
        %get3A_742 = tpu.vector_load %arg8[%get3A_740, %get3A_741] {strides = array<i32>} : memref<160x64xi32, #tpu.memory_space<vmem>>, vector<16xi32>,
        %bitcast3A_743 = vector.bitcast %get3A_742 : vector<16xi32> to vector<32xbf16>
        %mul3A_744 = arith.mulf %bitcast3A_737, %bitcast3A_743 : vector<32xbf16>
        %add3A_745 = arith.addf %mul3A_711, %mul3A_722 : vector<32xbf16>
        %add3A_746 = arith.addf %mul3A_733, %mul3A_744 : vector<32xbf16>
        %add3A_747 = arith.addf %add3A_745, %add3A_746 : vector<32xbf16>
        %unpack3A_748 = tpu.unpack_subelements %add3A_747, 0 {pack_format = #tpu.pack_format<interleaved>} : vector<32xbf16> -> vector<16xf32>
        %unpack3A_749 = tpu.unpack_subelements %add3A_747, 1 {pack_format = #tpu.pack_format<interleaved>} : vector<32xbf16> -> vector<16xf32>
        %add3A_750 = arith.addf %unpack3A_748, %unpack3A_749 : vector<16xf32>
        %mul3A_751 = arith.constant 16 : i32
        %mul3A_752 = arith.muli %scan3A_105, %mul3A_751 : i32
        %add3A_753 = arith.constant 3 : i32
        %add3A_754 = arith.addi %mul3A_752, %add3A_753 : i32
        %get3A_755 = arith.index_cast %add3A_754 : i32 to index
        %get3A_756 = arith.constant 0 : index
        %get3A_757 = tpu.vector_load %arg8[%get3A_755, %get3A_756] {strides = array<i32>} : memref<160x64xi32, #tpu.memory_space<vmem>>, vector<16xi32>,
        %bitcast3A_758 = vector.bitcast %get3A_757 : vector<16xi32> to vector<32xbf16>
        %add3A_759 = arith.constant 80 : i32
        %add3A_760 = arith.addi %add3A_759, %add3A_754 : i32
        %get3A_761 = arith.index_cast %add3A_760 : i32 to index
        %get3A_762 = arith.constant 0 : index
        %get3A_763 = tpu.vector_load %arg8[%get3A_761, %get3A_762] {strides = array<i32>} : memref<160x64xi32, #tpu.memory_space<vmem>>, vector<16xi32>,
        %bitcast3A_764 = vector.bitcast %get3A_763 : vector<16xi32> to vector<32xbf16>
        %mul3A_765 = arith.mulf %bitcast3A_758, %bitcast3A_764 : vector<32xbf16>
        %get3A_766 = arith.index_cast %add3A_754 : i32 to index
        %get3A_767 = arith.constant 16 : index
        %get3A_768 = tpu.vector_load %arg8[%get3A_766, %get3A_767] {strides = array<i32>} : memref<160x64xi32, #tpu.memory_space<vmem>>, vector<16xi32>,
        %bitcast3A_769 = vector.bitcast %get3A_768 : vector<16xi32> to vector<32xbf16>
        %add3A_770 = arith.constant 80 : i32
        %add3A_771 = arith.addi %add3A_770, %add3A_754 : i32
        %get3A_772 = arith.index_cast %add3A_771 : i32 to index
        %get3A_773 = arith.constant 16 : index
        %get3A_774 = tpu.vector_load %arg8[%get3A_772, %get3A_773] {strides = array<i32>} : memref<160x64xi32, #tpu.memory_space<vmem>>, vector<16xi32>,
        %bitcast3A_775 = vector.bitcast %get3A_774 : vector<16xi32> to vector<32xbf16>
        %mul3A_776 = arith.mulf %bitcast3A_769, %bitcast3A_775 : vector<32xbf16>
        %get3A_777 = arith.index_cast %add3A_754 : i32 to index
        %get3A_778 = arith.constant 32 : index
        %get3A_779 = tpu.vector_load %arg8[%get3A_777, %get3A_778] {strides = array<i32>} : memref<160x64xi32, #tpu.memory_space<vmem>>, vector<16xi32>,
        %bitcast3A_780 = vector.bitcast %get3A_779 : vector<16xi32> to vector<32xbf16>
        %add3A_781 = arith.constant 80 : i32
        %add3A_782 = arith.addi %add3A_781, %add3A_754 : i32
        %get3A_783 = arith.index_cast %add3A_782 : i32 to index
        %get3A_784 = arith.constant 32 : index
        %get3A_785 = tpu.vector_load %arg8[%get3A_783, %get3A_784] {strides = array<i32>} : memref<160x64xi32, #tpu.memory_space<vmem>>, vector<16xi32>,
        %bitcast3A_786 = vector.bitcast %get3A_785 : vector<16xi32> to vector<32xbf16>
        %mul3A_787 = arith.mulf %bitcast3A_780, %bitcast3A_786 : vector<32xbf16>
        %get3A_788 = arith.index_cast %add3A_754 : i32 to index
        %get3A_789 = arith.constant 48 : index
        %get3A_790 = tpu.vector_load %arg8[%get3A_788, %get3A_789] {strides = array<i32>} : memref<160x64xi32, #tpu.memory_space<vmem>>, vector<16xi32>,
        %bitcast3A_791 = vector.bitcast %get3A_790 : vector<16xi32> to vector<32xbf16>
        %add3A_792 = arith.constant 80 : i32
        %add3A_793 = arith.addi %add3A_792, %add3A_754 : i32
        %get3A_794 = arith.index_cast %add3A_793 : i32 to index
        %get3A_795 = arith.constant 48 : index
        %get3A_796 = tpu.vector_load %arg8[%get3A_794, %get3A_795] {strides = array<i32>} : memref<160x64xi32, #tpu.memory_space<vmem>>, vector<16xi32>,
        %bitcast3A_797 = vector.bitcast %get3A_796 : vector<16xi32> to vector<32xbf16>
        %mul3A_798 = arith.mulf %bitcast3A_791, %bitcast3A_797 : vector<32xbf16>
        %add3A_799 = arith.addf %mul3A_765, %mul3A_776 : vector<32xbf16>
        %add3A_800 = arith.addf %mul3A_787, %mul3A_798 : vector<32xbf16>
        %add3A_801 = arith.addf %add3A_799, %add3A_800 : vector<32xbf16>
        %unpack3A_802 = tpu.unpack_subelements %add3A_801, 0 {pack_format = #tpu.pack_format<interleaved>} : vector<32xbf16> -> vector<16xf32>
        %unpack3A_803 = tpu.unpack_subelements %add3A_801, 1 {pack_format = #tpu.pack_format<interleaved>} : vector<32xbf16> -> vector<16xf32>
        %add3A_804 = arith.addf %unpack3A_802, %unpack3A_803 : vector<16xf32>
        %mul3A_805 = arith.constant 16 : i32
        %mul3A_806 = arith.muli %scan3A_105, %mul3A_805 : i32
        %add3A_807 = arith.constant 11 : i32
        %add3A_808 = arith.addi %mul3A_806, %add3A_807 : i32
        %get3A_809 = arith.index_cast %add3A_808 : i32 to index
        %get3A_810 = arith.constant 0 : index
        %get3A_811 = tpu.vector_load %arg8[%get3A_809, %get3A_810] {strides = array<i32>} : memref<160x64xi32, #tpu.memory_space<vmem>>, vector<16xi32>,
        %bitcast3A_812 = vector.bitcast %get3A_811 : vector<16xi32> to vector<32xbf16>
        %add3A_813 = arith.constant 80 : i32
        %add3A_814 = arith.addi %add3A_813, %add3A_808 : i32
        %get3A_815 = arith.index_cast %add3A_814 : i32 to index
        %get3A_816 = arith.constant 0 : index
        %get3A_817 = tpu.vector_load %arg8[%get3A_815, %get3A_816] {strides = array<i32>} : memref<160x64xi32, #tpu.memory_space<vmem>>, vector<16xi32>,
        %bitcast3A_818 = vector.bitcast %get3A_817 : vector<16xi32> to vector<32xbf16>
        %mul3A_819 = arith.mulf %bitcast3A_812, %bitcast3A_818 : vector<32xbf16>
        %get3A_820 = arith.index_cast %add3A_808 : i32 to index
        %get3A_821 = arith.constant 16 : index
        %get3A_822 = tpu.vector_load %arg8[%get3A_820, %get3A_821] {strides = array<i32>} : memref<160x64xi32, #tpu.memory_space<vmem>>, vector<16xi32>,
        %bitcast3A_823 = vector.bitcast %get3A_822 : vector<16xi32> to vector<32xbf16>
        %add3A_824 = arith.constant 80 : i32
        %add3A_825 = arith.addi %add3A_824, %add3A_808 : i32
        %get3A_826 = arith.index_cast %add3A_825 : i32 to index
        %get3A_827 = arith.constant 16 : index
        %get3A_828 = tpu.vector_load %arg8[%get3A_826, %get3A_827] {strides = array<i32>} : memref<160x64xi32, #tpu.memory_space<vmem>>, vector<16xi32>,
        %bitcast3A_829 = vector.bitcast %get3A_828 : vector<16xi32> to vector<32xbf16>
        %mul3A_830 = arith.mulf %bitcast3A_823, %bitcast3A_829 : vector<32xbf16>
        %get3A_831 = arith.index_cast %add3A_808 : i32 to index
        %get3A_832 = arith.constant 32 : index
        %get3A_833 = tpu.vector_load %arg8[%get3A_831, %get3A_832] {strides = array<i32>} : memref<160x64xi32, #tpu.memory_space<vmem>>, vector<16xi32>,
        %bitcast3A_834 = vector.bitcast %get3A_833 : vector<16xi32> to vector<32xbf16>
        %add3A_835 = arith.constant 80 : i32
        %add3A_836 = arith.addi %add3A_835, %add3A_808 : i32
        %get3A_837 = arith.index_cast %add3A_836 : i32 to index
        %get3A_838 = arith.constant 32 : index
        %get3A_839 = tpu.vector_load %arg8[%get3A_837, %get3A_838] {strides = array<i32>} : memref<160x64xi32, #tpu.memory_space<vmem>>, vector<16xi32>,
        %bitcast3A_840 = vector.bitcast %get3A_839 : vector<16xi32> to vector<32xbf16>
        %mul3A_841 = arith.mulf %bitcast3A_834, %bitcast3A_840 : vector<32xbf16>
        %get3A_842 = arith.index_cast %add3A_808 : i32 to index
        %get3A_843 = arith.constant 48 : index
        %get3A_844 = tpu.vector_load %arg8[%get3A_842, %get3A_843] {strides = array<i32>} : memref<160x64xi32, #tpu.memory_space<vmem>>, vector<16xi32>,
        %bitcast3A_845 = vector.bitcast %get3A_844 : vector<16xi32> to vector<32xbf16>
        %add3A_846 = arith.constant 80 : i32
        %add3A_847 = arith.addi %add3A_846, %add3A_808 : i32
        %get3A_848 = arith.index_cast %add3A_847 : i32 to index
        %get3A_849 = arith.constant 48 : index
        %get3A_850 = tpu.vector_load %arg8[%get3A_848, %get3A_849] {strides = array<i32>} : memref<160x64xi32, #tpu.memory_space<vmem>>, vector<16xi32>,
        %bitcast3A_851 = vector.bitcast %get3A_850 : vector<16xi32> to vector<32xbf16>
        %mul3A_852 = arith.mulf %bitcast3A_845, %bitcast3A_851 : vector<32xbf16>
        %add3A_853 = arith.addf %mul3A_819, %mul3A_830 : vector<32xbf16>
        %add3A_854 = arith.addf %mul3A_841, %mul3A_852 : vector<32xbf16>
        %add3A_855 = arith.addf %add3A_853, %add3A_854 : vector<32xbf16>
        %unpack3A_856 = tpu.unpack_subelements %add3A_855, 0 {pack_format = #tpu.pack_format<interleaved>} : vector<32xbf16> -> vector<16xf32>
        %unpack3A_857 = tpu.unpack_subelements %add3A_855, 1 {pack_format = #tpu.pack_format<interleaved>} : vector<32xbf16> -> vector<16xf32>
        %add3A_858 = arith.addf %unpack3A_856, %unpack3A_857 : vector<16xf32>
        %mul3A_859 = arith.constant 16 : i32
        %mul3A_860 = arith.muli %scan3A_105, %mul3A_859 : i32
        %add3A_861 = arith.constant 7 : i32
        %add3A_862 = arith.addi %mul3A_860, %add3A_861 : i32
        %get3A_863 = arith.index_cast %add3A_862 : i32 to index
        %get3A_864 = arith.constant 0 : index
        %get3A_865 = tpu.vector_load %arg8[%get3A_863, %get3A_864] {strides = array<i32>} : memref<160x64xi32, #tpu.memory_space<vmem>>, vector<16xi32>,
        %bitcast3A_866 = vector.bitcast %get3A_865 : vector<16xi32> to vector<32xbf16>
        %add3A_867 = arith.constant 80 : i32
        %add3A_868 = arith.addi %add3A_867, %add3A_862 : i32
        %get3A_869 = arith.index_cast %add3A_868 : i32 to index
        %get3A_870 = arith.constant 0 : index
        %get3A_871 = tpu.vector_load %arg8[%get3A_869, %get3A_870] {strides = array<i32>} : memref<160x64xi32, #tpu.memory_space<vmem>>, vector<16xi32>,
        %bitcast3A_872 = vector.bitcast %get3A_871 : vector<16xi32> to vector<32xbf16>
        %mul3A_873 = arith.mulf %bitcast3A_866, %bitcast3A_872 : vector<32xbf16>
        %get3A_874 = arith.index_cast %add3A_862 : i32 to index
        %get3A_875 = arith.constant 16 : index
        %get3A_876 = tpu.vector_load %arg8[%get3A_874, %get3A_875] {strides = array<i32>} : memref<160x64xi32, #tpu.memory_space<vmem>>, vector<16xi32>,
        %bitcast3A_877 = vector.bitcast %get3A_876 : vector<16xi32> to vector<32xbf16>
        %add3A_878 = arith.constant 80 : i32
        %add3A_879 = arith.addi %add3A_878, %add3A_862 : i32
        %get3A_880 = arith.index_cast %add3A_879 : i32 to index
        %get3A_881 = arith.constant 16 : index
        %get3A_882 = tpu.vector_load %arg8[%get3A_880, %get3A_881] {strides = array<i32>} : memref<160x64xi32, #tpu.memory_space<vmem>>, vector<16xi32>,
        %bitcast3A_883 = vector.bitcast %get3A_882 : vector<16xi32> to vector<32xbf16>
        %mul3A_884 = arith.mulf %bitcast3A_877, %bitcast3A_883 : vector<32xbf16>
        %get3A_885 = arith.index_cast %add3A_862 : i32 to index
        %get3A_886 = arith.constant 32 : index
        %get3A_887 = tpu.vector_load %arg8[%get3A_885, %get3A_886] {strides = array<i32>} : memref<160x64xi32, #tpu.memory_space<vmem>>, vector<16xi32>,
        %bitcast3A_888 = vector.bitcast %get3A_887 : vector<16xi32> to vector<32xbf16>
        %add3A_889 = arith.constant 80 : i32
        %add3A_890 = arith.addi %add3A_889, %add3A_862 : i32
        %get3A_891 = arith.index_cast %add3A_890 : i32 to index
        %get3A_892 = arith.constant 32 : index
        %get3A_893 = tpu.vector_load %arg8[%get3A_891, %get3A_892] {strides = array<i32>} : memref<160x64xi32, #tpu.memory_space<vmem>>, vector<16xi32>,
        %bitcast3A_894 = vector.bitcast %get3A_893 : vector<16xi32> to vector<32xbf16>
        %mul3A_895 = arith.mulf %bitcast3A_888, %bitcast3A_894 : vector<32xbf16>
        %get3A_896 = arith.index_cast %add3A_862 : i32 to index
        %get3A_897 = arith.constant 48 : index
        %get3A_898 = tpu.vector_load %arg8[%get3A_896, %get3A_897] {strides = array<i32>} : memref<160x64xi32, #tpu.memory_space<vmem>>, vector<16xi32>,
        %bitcast3A_899 = vector.bitcast %get3A_898 : vector<16xi32> to vector<32xbf16>
        %add3A_900 = arith.constant 80 : i32
        %add3A_901 = arith.addi %add3A_900, %add3A_862 : i32
        %get3A_902 = arith.index_cast %add3A_901 : i32 to index
        %get3A_903 = arith.constant 48 : index
        %get3A_904 = tpu.vector_load %arg8[%get3A_902, %get3A_903] {strides = array<i32>} : memref<160x64xi32, #tpu.memory_space<vmem>>, vector<16xi32>,
        %bitcast3A_905 = vector.bitcast %get3A_904 : vector<16xi32> to vector<32xbf16>
        %mul3A_906 = arith.mulf %bitcast3A_899, %bitcast3A_905 : vector<32xbf16>
        %add3A_907 = arith.addf %mul3A_873, %mul3A_884 : vector<32xbf16>
        %add3A_908 = arith.addf %mul3A_895, %mul3A_906 : vector<32xbf16>
        %add3A_909 = arith.addf %add3A_907, %add3A_908 : vector<32xbf16>
        %unpack3A_910 = tpu.unpack_subelements %add3A_909, 0 {pack_format = #tpu.pack_format<interleaved>} : vector<32xbf16> -> vector<16xf32>
        %unpack3A_911 = tpu.unpack_subelements %add3A_909, 1 {pack_format = #tpu.pack_format<interleaved>} : vector<32xbf16> -> vector<16xf32>
        %add3A_912 = arith.addf %unpack3A_910, %unpack3A_911 : vector<16xf32>
        %mul3A_913 = arith.constant 16 : i32
        %mul3A_914 = arith.muli %scan3A_105, %mul3A_913 : i32
        %add3A_915 = arith.constant 15 : i32
        %add3A_916 = arith.addi %mul3A_914, %add3A_915 : i32
        %get3A_917 = arith.index_cast %add3A_916 : i32 to index
        %get3A_918 = arith.constant 0 : index
        %get3A_919 = tpu.vector_load %arg8[%get3A_917, %get3A_918] {strides = array<i32>} : memref<160x64xi32, #tpu.memory_space<vmem>>, vector<16xi32>,
        %bitcast3A_920 = vector.bitcast %get3A_919 : vector<16xi32> to vector<32xbf16>
        %add3A_921 = arith.constant 80 : i32
        %add3A_922 = arith.addi %add3A_921, %add3A_916 : i32
        %get3A_923 = arith.index_cast %add3A_922 : i32 to index
        %get3A_924 = arith.constant 0 : index
        %get3A_925 = tpu.vector_load %arg8[%get3A_923, %get3A_924] {strides = array<i32>} : memref<160x64xi32, #tpu.memory_space<vmem>>, vector<16xi32>,
        %bitcast3A_926 = vector.bitcast %get3A_925 : vector<16xi32> to vector<32xbf16>
        %mul3A_927 = arith.mulf %bitcast3A_920, %bitcast3A_926 : vector<32xbf16>
        %get3A_928 = arith.index_cast %add3A_916 : i32 to index
        %get3A_929 = arith.constant 16 : index
        %get3A_930 = tpu.vector_load %arg8[%get3A_928, %get3A_929] {strides = array<i32>} : memref<160x64xi32, #tpu.memory_space<vmem>>, vector<16xi32>,
        %bitcast3A_931 = vector.bitcast %get3A_930 : vector<16xi32> to vector<32xbf16>
        %add3A_932 = arith.constant 80 : i32
        %add3A_933 = arith.addi %add3A_932, %add3A_916 : i32
        %get3A_934 = arith.index_cast %add3A_933 : i32 to index
        %get3A_935 = arith.constant 16 : index
        %get3A_936 = tpu.vector_load %arg8[%get3A_934, %get3A_935] {strides = array<i32>} : memref<160x64xi32, #tpu.memory_space<vmem>>, vector<16xi32>,
        %bitcast3A_937 = vector.bitcast %get3A_936 : vector<16xi32> to vector<32xbf16>
        %mul3A_938 = arith.mulf %bitcast3A_931, %bitcast3A_937 : vector<32xbf16>
        %get3A_939 = arith.index_cast %add3A_916 : i32 to index
        %get3A_940 = arith.constant 32 : index
        %get3A_941 = tpu.vector_load %arg8[%get3A_939, %get3A_940] {strides = array<i32>} : memref<160x64xi32, #tpu.memory_space<vmem>>, vector<16xi32>,
        %bitcast3A_942 = vector.bitcast %get3A_941 : vector<16xi32> to vector<32xbf16>
        %add3A_943 = arith.constant 80 : i32
        %add3A_944 = arith.addi %add3A_943, %add3A_916 : i32
        %get3A_945 = arith.index_cast %add3A_944 : i32 to index
        %get3A_946 = arith.constant 32 : index
        %get3A_947 = tpu.vector_load %arg8[%get3A_945, %get3A_946] {strides = array<i32>} : memref<160x64xi32, #tpu.memory_space<vmem>>, vector<16xi32>,
        %bitcast3A_948 = vector.bitcast %get3A_947 : vector<16xi32> to vector<32xbf16>
        %mul3A_949 = arith.mulf %bitcast3A_942, %bitcast3A_948 : vector<32xbf16>
        %get3A_950 = arith.index_cast %add3A_916 : i32 to index
        %get3A_951 = arith.constant 48 : index
        %get3A_952 = tpu.vector_load %arg8[%get3A_950, %get3A_951] {strides = array<i32>} : memref<160x64xi32, #tpu.memory_space<vmem>>, vector<16xi32>,
        %bitcast3A_953 = vector.bitcast %get3A_952 : vector<16xi32> to vector<32xbf16>
        %add3A_954 = arith.constant 80 : i32
        %add3A_955 = arith.addi %add3A_954, %add3A_916 : i32
        %get3A_956 = arith.index_cast %add3A_955 : i32 to index
        %get3A_957 = arith.constant 48 : index
        %get3A_958 = tpu.vector_load %arg8[%get3A_956, %get3A_957] {strides = array<i32>} : memref<160x64xi32, #tpu.memory_space<vmem>>, vector<16xi32>,
        %bitcast3A_959 = vector.bitcast %get3A_958 : vector<16xi32> to vector<32xbf16>
        %mul3A_960 = arith.mulf %bitcast3A_953, %bitcast3A_959 : vector<32xbf16>
        %add3A_961 = arith.addf %mul3A_927, %mul3A_938 : vector<32xbf16>
        %add3A_962 = arith.addf %mul3A_949, %mul3A_960 : vector<32xbf16>
        %add3A_963 = arith.addf %add3A_961, %add3A_962 : vector<32xbf16>
        %unpack3A_964 = tpu.unpack_subelements %add3A_963, 0 {pack_format = #tpu.pack_format<interleaved>} : vector<32xbf16> -> vector<16xf32>
        %unpack3A_965 = tpu.unpack_subelements %add3A_963, 1 {pack_format = #tpu.pack_format<interleaved>} : vector<32xbf16> -> vector<16xf32>
        %add3A_966 = arith.addf %unpack3A_964, %unpack3A_965 : vector<16xf32>
        %and3A = arith.constant 8 : i32
        %and3A_967 = vector.broadcast %and3A : i32 to vector<16xi32>
        %and3A_968 = arith.andi %iota3A, %and3A_967 : vector<16xi32>
        %eq3A = arith.constant 0 : i32
        %eq3A_969 = vector.broadcast %eq3A : i32 to vector<16xi32>
        %eq3A_970 = arith.cmpi eq, %and3A_968, %eq3A_969 : vector<16xi32>
        %xor3A = arith.constant 8 : i32
        %xor3A_971 = vector.broadcast %xor3A : i32 to vector<16xi32>
        %xor3A_972 = arith.xori %iota3A, %xor3A_971 : vector<16xi32>
        %lt3A_973 = arith.constant 0 : i32
        %lt3A_974 = vector.broadcast %lt3A_973 : i32 to vector<16xi32>
        %lt3A_975 = arith.cmpi slt, %xor3A_972, %lt3A_974 : vector<16xi32>
        %add3A_976 = arith.constant 16 : i32
        %add3A_977 = vector.broadcast %add3A_976 : i32 to vector<16xi32>
        %add3A_978 = arith.addi %xor3A_972, %add3A_977 : vector<16xi32>
        %select_n3A = arith.select %lt3A_975, %add3A_978, %xor3A_972 : vector<16xi1>, vector<16xi32>
        %broadcast_in_dim3A = vector.shape_cast %select_n3A : vector<16xi32> to vector<16x1xi32>
        %gather3A = vector.shape_cast %broadcast_in_dim3A : vector<16x1xi32> to vector<16xi32>
        %gather3A_979 = tpu.dynamic_gather %add3A_156[%gather3A] in [0] : vector<16xf32>, vector<16xi32> -> vector<16xf32>
        %add3A_980 = arith.addf %add3A_156, %gather3A_979 : vector<16xf32>
        %lt3A_981 = arith.constant 0 : i32
        %lt3A_982 = vector.broadcast %lt3A_981 : i32 to vector<16xi32>
        %lt3A_983 = arith.cmpi slt, %xor3A_972, %lt3A_982 : vector<16xi32>
        %add3A_984 = arith.constant 16 : i32
        %add3A_985 = vector.broadcast %add3A_984 : i32 to vector<16xi32>
        %add3A_986 = arith.addi %xor3A_972, %add3A_985 : vector<16xi32>
        %select_n3A_987 = arith.select %lt3A_983, %add3A_986, %xor3A_972 : vector<16xi1>, vector<16xi32>
        %broadcast_in_dim3A_988 = vector.shape_cast %select_n3A_987 : vector<16xi32> to vector<16x1xi32>
        %gather3A_989 = vector.shape_cast %broadcast_in_dim3A_988 : vector<16x1xi32> to vector<16xi32>
        %gather3A_990 = tpu.dynamic_gather %add3A_210[%gather3A_989] in [0] : vector<16xf32>, vector<16xi32> -> vector<16xf32>
        %add3A_991 = arith.addf %add3A_210, %gather3A_990 : vector<16xf32>
        %select_n3A_992 = arith.select %eq3A_970, %add3A_980, %add3A_991 : vector<16xi1>, vector<16xf32>
        %lt3A_993 = arith.constant 0 : i32
        %lt3A_994 = vector.broadcast %lt3A_993 : i32 to vector<16xi32>
        %lt3A_995 = arith.cmpi slt, %xor3A_972, %lt3A_994 : vector<16xi32>
        %add3A_996 = arith.constant 16 : i32
        %add3A_997 = vector.broadcast %add3A_996 : i32 to vector<16xi32>
        %add3A_998 = arith.addi %xor3A_972, %add3A_997 : vector<16xi32>
        %select_n3A_999 = arith.select %lt3A_995, %add3A_998, %xor3A_972 : vector<16xi1>, vector<16xi32>
        %broadcast_in_dim3A_1000 = vector.shape_cast %select_n3A_999 : vector<16xi32> to vector<16x1xi32>
        %gather3A_1001 = vector.shape_cast %broadcast_in_dim3A_1000 : vector<16x1xi32> to vector<16xi32>
        %gather3A_1002 = tpu.dynamic_gather %add3A_264[%gather3A_1001] in [0] : vector<16xf32>, vector<16xi32> -> vector<16xf32>
        %add3A_1003 = arith.addf %add3A_264, %gather3A_1002 : vector<16xf32>
        %lt3A_1004 = arith.constant 0 : i32
        %lt3A_1005 = vector.broadcast %lt3A_1004 : i32 to vector<16xi32>
        %lt3A_1006 = arith.cmpi slt, %xor3A_972, %lt3A_1005 : vector<16xi32>
        %add3A_1007 = arith.constant 16 : i32
        %add3A_1008 = vector.broadcast %add3A_1007 : i32 to vector<16xi32>
        %add3A_1009 = arith.addi %xor3A_972, %add3A_1008 : vector<16xi32>
        %select_n3A_1010 = arith.select %lt3A_1006, %add3A_1009, %xor3A_972 : vector<16xi1>, vector<16xi32>
        %broadcast_in_dim3A_1011 = vector.shape_cast %select_n3A_1010 : vector<16xi32> to vector<16x1xi32>
        %gather3A_1012 = vector.shape_cast %broadcast_in_dim3A_1011 : vector<16x1xi32> to vector<16xi32>
        %gather3A_1013 = tpu.dynamic_gather %add3A_318[%gather3A_1012] in [0] : vector<16xf32>, vector<16xi32> -> vector<16xf32>
        %add3A_1014 = arith.addf %add3A_318, %gather3A_1013 : vector<16xf32>
        %select_n3A_1015 = arith.select %eq3A_970, %add3A_1003, %add3A_1014 : vector<16xi1>, vector<16xf32>
        %lt3A_1016 = arith.constant 0 : i32
        %lt3A_1017 = vector.broadcast %lt3A_1016 : i32 to vector<16xi32>
        %lt3A_1018 = arith.cmpi slt, %xor3A_972, %lt3A_1017 : vector<16xi32>
        %add3A_1019 = arith.constant 16 : i32
        %add3A_1020 = vector.broadcast %add3A_1019 : i32 to vector<16xi32>
        %add3A_1021 = arith.addi %xor3A_972, %add3A_1020 : vector<16xi32>
        %select_n3A_1022 = arith.select %lt3A_1018, %add3A_1021, %xor3A_972 : vector<16xi1>, vector<16xi32>
        %broadcast_in_dim3A_1023 = vector.shape_cast %select_n3A_1022 : vector<16xi32> to vector<16x1xi32>
        %gather3A_1024 = vector.shape_cast %broadcast_in_dim3A_1023 : vector<16x1xi32> to vector<16xi32>
        %gather3A_1025 = tpu.dynamic_gather %add3A_372[%gather3A_1024] in [0] : vector<16xf32>, vector<16xi32> -> vector<16xf32>
        %add3A_1026 = arith.addf %add3A_372, %gather3A_1025 : vector<16xf32>
        %lt3A_1027 = arith.constant 0 : i32
        %lt3A_1028 = vector.broadcast %lt3A_1027 : i32 to vector<16xi32>
        %lt3A_1029 = arith.cmpi slt, %xor3A_972, %lt3A_1028 : vector<16xi32>
        %add3A_1030 = arith.constant 16 : i32
        %add3A_1031 = vector.broadcast %add3A_1030 : i32 to vector<16xi32>
        %add3A_1032 = arith.addi %xor3A_972, %add3A_1031 : vector<16xi32>
        %select_n3A_1033 = arith.select %lt3A_1029, %add3A_1032, %xor3A_972 : vector<16xi1>, vector<16xi32>
        %broadcast_in_dim3A_1034 = vector.shape_cast %select_n3A_1033 : vector<16xi32> to vector<16x1xi32>
        %gather3A_1035 = vector.shape_cast %broadcast_in_dim3A_1034 : vector<16x1xi32> to vector<16xi32>
        %gather3A_1036 = tpu.dynamic_gather %add3A_426[%gather3A_1035] in [0] : vector<16xf32>, vector<16xi32> -> vector<16xf32>
        %add3A_1037 = arith.addf %add3A_426, %gather3A_1036 : vector<16xf32>
        %select_n3A_1038 = arith.select %eq3A_970, %add3A_1026, %add3A_1037 : vector<16xi1>, vector<16xf32>
        %lt3A_1039 = arith.constant 0 : i32
        %lt3A_1040 = vector.broadcast %lt3A_1039 : i32 to vector<16xi32>
        %lt3A_1041 = arith.cmpi slt, %xor3A_972, %lt3A_1040 : vector<16xi32>
        %add3A_1042 = arith.constant 16 : i32
        %add3A_1043 = vector.broadcast %add3A_1042 : i32 to vector<16xi32>
        %add3A_1044 = arith.addi %xor3A_972, %add3A_1043 : vector<16xi32>
        %select_n3A_1045 = arith.select %lt3A_1041, %add3A_1044, %xor3A_972 : vector<16xi1>, vector<16xi32>
        %broadcast_in_dim3A_1046 = vector.shape_cast %select_n3A_1045 : vector<16xi32> to vector<16x1xi32>
        %gather3A_1047 = vector.shape_cast %broadcast_in_dim3A_1046 : vector<16x1xi32> to vector<16xi32>
        %gather3A_1048 = tpu.dynamic_gather %add3A_480[%gather3A_1047] in [0] : vector<16xf32>, vector<16xi32> -> vector<16xf32>
        %add3A_1049 = arith.addf %add3A_480, %gather3A_1048 : vector<16xf32>
        %lt3A_1050 = arith.constant 0 : i32
        %lt3A_1051 = vector.broadcast %lt3A_1050 : i32 to vector<16xi32>
        %lt3A_1052 = arith.cmpi slt, %xor3A_972, %lt3A_1051 : vector<16xi32>
        %add3A_1053 = arith.constant 16 : i32
        %add3A_1054 = vector.broadcast %add3A_1053 : i32 to vector<16xi32>
        %add3A_1055 = arith.addi %xor3A_972, %add3A_1054 : vector<16xi32>
        %select_n3A_1056 = arith.select %lt3A_1052, %add3A_1055, %xor3A_972 : vector<16xi1>, vector<16xi32>
        %broadcast_in_dim3A_1057 = vector.shape_cast %select_n3A_1056 : vector<16xi32> to vector<16x1xi32>
        %gather3A_1058 = vector.shape_cast %broadcast_in_dim3A_1057 : vector<16x1xi32> to vector<16xi32>
        %gather3A_1059 = tpu.dynamic_gather %add3A_534[%gather3A_1058] in [0] : vector<16xf32>, vector<16xi32> -> vector<16xf32>
        %add3A_1060 = arith.addf %add3A_534, %gather3A_1059 : vector<16xf32>
        %select_n3A_1061 = arith.select %eq3A_970, %add3A_1049, %add3A_1060 : vector<16xi1>, vector<16xf32>
        %lt3A_1062 = arith.constant 0 : i32
        %lt3A_1063 = vector.broadcast %lt3A_1062 : i32 to vector<16xi32>
        %lt3A_1064 = arith.cmpi slt, %xor3A_972, %lt3A_1063 : vector<16xi32>
        %add3A_1065 = arith.constant 16 : i32
        %add3A_1066 = vector.broadcast %add3A_1065 : i32 to vector<16xi32>
        %add3A_1067 = arith.addi %xor3A_972, %add3A_1066 : vector<16xi32>
        %select_n3A_1068 = arith.select %lt3A_1064, %add3A_1067, %xor3A_972 : vector<16xi1>, vector<16xi32>
        %broadcast_in_dim3A_1069 = vector.shape_cast %select_n3A_1068 : vector<16xi32> to vector<16x1xi32>
        %gather3A_1070 = vector.shape_cast %broadcast_in_dim3A_1069 : vector<16x1xi32> to vector<16xi32>
        %gather3A_1071 = tpu.dynamic_gather %add3A_588[%gather3A_1070] in [0] : vector<16xf32>, vector<16xi32> -> vector<16xf32>
        %add3A_1072 = arith.addf %add3A_588, %gather3A_1071 : vector<16xf32>
        %lt3A_1073 = arith.constant 0 : i32
        %lt3A_1074 = vector.broadcast %lt3A_1073 : i32 to vector<16xi32>
        %lt3A_1075 = arith.cmpi slt, %xor3A_972, %lt3A_1074 : vector<16xi32>
        %add3A_1076 = arith.constant 16 : i32
        %add3A_1077 = vector.broadcast %add3A_1076 : i32 to vector<16xi32>
        %add3A_1078 = arith.addi %xor3A_972, %add3A_1077 : vector<16xi32>
        %select_n3A_1079 = arith.select %lt3A_1075, %add3A_1078, %xor3A_972 : vector<16xi1>, vector<16xi32>
        %broadcast_in_dim3A_1080 = vector.shape_cast %select_n3A_1079 : vector<16xi32> to vector<16x1xi32>
        %gather3A_1081 = vector.shape_cast %broadcast_in_dim3A_1080 : vector<16x1xi32> to vector<16xi32>
        %gather3A_1082 = tpu.dynamic_gather %add3A_642[%gather3A_1081] in [0] : vector<16xf32>, vector<16xi32> -> vector<16xf32>
        %add3A_1083 = arith.addf %add3A_642, %gather3A_1082 : vector<16xf32>
        %select_n3A_1084 = arith.select %eq3A_970, %add3A_1072, %add3A_1083 : vector<16xi1>, vector<16xf32>
        %lt3A_1085 = arith.constant 0 : i32
        %lt3A_1086 = vector.broadcast %lt3A_1085 : i32 to vector<16xi32>
        %lt3A_1087 = arith.cmpi slt, %xor3A_972, %lt3A_1086 : vector<16xi32>
        %add3A_1088 = arith.constant 16 : i32
        %add3A_1089 = vector.broadcast %add3A_1088 : i32 to vector<16xi32>
        %add3A_1090 = arith.addi %xor3A_972, %add3A_1089 : vector<16xi32>
        %select_n3A_1091 = arith.select %lt3A_1087, %add3A_1090, %xor3A_972 : vector<16xi1>, vector<16xi32>
        %broadcast_in_dim3A_1092 = vector.shape_cast %select_n3A_1091 : vector<16xi32> to vector<16x1xi32>
        %gather3A_1093 = vector.shape_cast %broadcast_in_dim3A_1092 : vector<16x1xi32> to vector<16xi32>
        %gather3A_1094 = tpu.dynamic_gather %add3A_696[%gather3A_1093] in [0] : vector<16xf32>, vector<16xi32> -> vector<16xf32>
        %add3A_1095 = arith.addf %add3A_696, %gather3A_1094 : vector<16xf32>
        %lt3A_1096 = arith.constant 0 : i32
        %lt3A_1097 = vector.broadcast %lt3A_1096 : i32 to vector<16xi32>
        %lt3A_1098 = arith.cmpi slt, %xor3A_972, %lt3A_1097 : vector<16xi32>
        %add3A_1099 = arith.constant 16 : i32
        %add3A_1100 = vector.broadcast %add3A_1099 : i32 to vector<16xi32>
        %add3A_1101 = arith.addi %xor3A_972, %add3A_1100 : vector<16xi32>
        %select_n3A_1102 = arith.select %lt3A_1098, %add3A_1101, %xor3A_972 : vector<16xi1>, vector<16xi32>
        %broadcast_in_dim3A_1103 = vector.shape_cast %select_n3A_1102 : vector<16xi32> to vector<16x1xi32>
        %gather3A_1104 = vector.shape_cast %broadcast_in_dim3A_1103 : vector<16x1xi32> to vector<16xi32>
        %gather3A_1105 = tpu.dynamic_gather %add3A_750[%gather3A_1104] in [0] : vector<16xf32>, vector<16xi32> -> vector<16xf32>
        %add3A_1106 = arith.addf %add3A_750, %gather3A_1105 : vector<16xf32>
        %select_n3A_1107 = arith.select %eq3A_970, %add3A_1095, %add3A_1106 : vector<16xi1>, vector<16xf32>
        %lt3A_1108 = arith.constant 0 : i32
        %lt3A_1109 = vector.broadcast %lt3A_1108 : i32 to vector<16xi32>
        %lt3A_1110 = arith.cmpi slt, %xor3A_972, %lt3A_1109 : vector<16xi32>
        %add3A_1111 = arith.constant 16 : i32
        %add3A_1112 = vector.broadcast %add3A_1111 : i32 to vector<16xi32>
        %add3A_1113 = arith.addi %xor3A_972, %add3A_1112 : vector<16xi32>
        %select_n3A_1114 = arith.select %lt3A_1110, %add3A_1113, %xor3A_972 : vector<16xi1>, vector<16xi32>
        %broadcast_in_dim3A_1115 = vector.shape_cast %select_n3A_1114 : vector<16xi32> to vector<16x1xi32>
        %gather3A_1116 = vector.shape_cast %broadcast_in_dim3A_1115 : vector<16x1xi32> to vector<16xi32>
        %gather3A_1117 = tpu.dynamic_gather %add3A_804[%gather3A_1116] in [0] : vector<16xf32>, vector<16xi32> -> vector<16xf32>
        %add3A_1118 = arith.addf %add3A_804, %gather3A_1117 : vector<16xf32>
        %lt3A_1119 = arith.constant 0 : i32
        %lt3A_1120 = vector.broadcast %lt3A_1119 : i32 to vector<16xi32>
        %lt3A_1121 = arith.cmpi slt, %xor3A_972, %lt3A_1120 : vector<16xi32>
        %add3A_1122 = arith.constant 16 : i32
        %add3A_1123 = vector.broadcast %add3A_1122 : i32 to vector<16xi32>
        %add3A_1124 = arith.addi %xor3A_972, %add3A_1123 : vector<16xi32>
        %select_n3A_1125 = arith.select %lt3A_1121, %add3A_1124, %xor3A_972 : vector<16xi1>, vector<16xi32>
        %broadcast_in_dim3A_1126 = vector.shape_cast %select_n3A_1125 : vector<16xi32> to vector<16x1xi32>
        %gather3A_1127 = vector.shape_cast %broadcast_in_dim3A_1126 : vector<16x1xi32> to vector<16xi32>
        %gather3A_1128 = tpu.dynamic_gather %add3A_858[%gather3A_1127] in [0] : vector<16xf32>, vector<16xi32> -> vector<16xf32>
        %add3A_1129 = arith.addf %add3A_858, %gather3A_1128 : vector<16xf32>
        %select_n3A_1130 = arith.select %eq3A_970, %add3A_1118, %add3A_1129 : vector<16xi1>, vector<16xf32>
        %lt3A_1131 = arith.constant 0 : i32
        %lt3A_1132 = vector.broadcast %lt3A_1131 : i32 to vector<16xi32>
        %lt3A_1133 = arith.cmpi slt, %xor3A_972, %lt3A_1132 : vector<16xi32>
        %add3A_1134 = arith.constant 16 : i32
        %add3A_1135 = vector.broadcast %add3A_1134 : i32 to vector<16xi32>
        %add3A_1136 = arith.addi %xor3A_972, %add3A_1135 : vector<16xi32>
        %select_n3A_1137 = arith.select %lt3A_1133, %add3A_1136, %xor3A_972 : vector<16xi1>, vector<16xi32>
        %broadcast_in_dim3A_1138 = vector.shape_cast %select_n3A_1137 : vector<16xi32> to vector<16x1xi32>
        %gather3A_1139 = vector.shape_cast %broadcast_in_dim3A_1138 : vector<16x1xi32> to vector<16xi32>
        %gather3A_1140 = tpu.dynamic_gather %add3A_912[%gather3A_1139] in [0] : vector<16xf32>, vector<16xi32> -> vector<16xf32>
        %add3A_1141 = arith.addf %add3A_912, %gather3A_1140 : vector<16xf32>
        %lt3A_1142 = arith.constant 0 : i32
        %lt3A_1143 = vector.broadcast %lt3A_1142 : i32 to vector<16xi32>
        %lt3A_1144 = arith.cmpi slt, %xor3A_972, %lt3A_1143 : vector<16xi32>
        %add3A_1145 = arith.constant 16 : i32
        %add3A_1146 = vector.broadcast %add3A_1145 : i32 to vector<16xi32>
        %add3A_1147 = arith.addi %xor3A_972, %add3A_1146 : vector<16xi32>
        %select_n3A_1148 = arith.select %lt3A_1144, %add3A_1147, %xor3A_972 : vector<16xi1>, vector<16xi32>
        %broadcast_in_dim3A_1149 = vector.shape_cast %select_n3A_1148 : vector<16xi32> to vector<16x1xi32>
        %gather3A_1150 = vector.shape_cast %broadcast_in_dim3A_1149 : vector<16x1xi32> to vector<16xi32>
        %gather3A_1151 = tpu.dynamic_gather %add3A_966[%gather3A_1150] in [0] : vector<16xf32>, vector<16xi32> -> vector<16xf32>
        %add3A_1152 = arith.addf %add3A_966, %gather3A_1151 : vector<16xf32>
        %select_n3A_1153 = arith.select %eq3A_970, %add3A_1141, %add3A_1152 : vector<16xi1>, vector<16xf32>
        %and3A_1154 = arith.constant 4 : i32
        %and3A_1155 = vector.broadcast %and3A_1154 : i32 to vector<16xi32>
        %and3A_1156 = arith.andi %iota3A, %and3A_1155 : vector<16xi32>
        %eq3A_1157 = arith.constant 0 : i32
        %eq3A_1158 = vector.broadcast %eq3A_1157 : i32 to vector<16xi32>
        %eq3A_1159 = arith.cmpi eq, %and3A_1156, %eq3A_1158 : vector<16xi32>
        %xor3A_1160 = arith.constant 4 : i32
        %xor3A_1161 = vector.broadcast %xor3A_1160 : i32 to vector<16xi32>
        %xor3A_1162 = arith.xori %iota3A, %xor3A_1161 : vector<16xi32>
        %lt3A_1163 = arith.constant 0 : i32
        %lt3A_1164 = vector.broadcast %lt3A_1163 : i32 to vector<16xi32>
        %lt3A_1165 = arith.cmpi slt, %xor3A_1162, %lt3A_1164 : vector<16xi32>
        %add3A_1166 = arith.constant 16 : i32
        %add3A_1167 = vector.broadcast %add3A_1166 : i32 to vector<16xi32>
        %add3A_1168 = arith.addi %xor3A_1162, %add3A_1167 : vector<16xi32>
        %select_n3A_1169 = arith.select %lt3A_1165, %add3A_1168, %xor3A_1162 : vector<16xi1>, vector<16xi32>
        %broadcast_in_dim3A_1170 = vector.shape_cast %select_n3A_1169 : vector<16xi32> to vector<16x1xi32>
        %gather3A_1171 = vector.shape_cast %broadcast_in_dim3A_1170 : vector<16x1xi32> to vector<16xi32>
        %gather3A_1172 = tpu.dynamic_gather %select_n3A_992[%gather3A_1171] in [0] : vector<16xf32>, vector<16xi32> -> vector<16xf32>
        %add3A_1173 = arith.addf %select_n3A_992, %gather3A_1172 : vector<16xf32>
        %lt3A_1174 = arith.constant 0 : i32
        %lt3A_1175 = vector.broadcast %lt3A_1174 : i32 to vector<16xi32>
        %lt3A_1176 = arith.cmpi slt, %xor3A_1162, %lt3A_1175 : vector<16xi32>
        %add3A_1177 = arith.constant 16 : i32
        %add3A_1178 = vector.broadcast %add3A_1177 : i32 to vector<16xi32>
        %add3A_1179 = arith.addi %xor3A_1162, %add3A_1178 : vector<16xi32>
        %select_n3A_1180 = arith.select %lt3A_1176, %add3A_1179, %xor3A_1162 : vector<16xi1>, vector<16xi32>
        %broadcast_in_dim3A_1181 = vector.shape_cast %select_n3A_1180 : vector<16xi32> to vector<16x1xi32>
        %gather3A_1182 = vector.shape_cast %broadcast_in_dim3A_1181 : vector<16x1xi32> to vector<16xi32>
        %gather3A_1183 = tpu.dynamic_gather %select_n3A_1015[%gather3A_1182] in [0] : vector<16xf32>, vector<16xi32> -> vector<16xf32>
        %add3A_1184 = arith.addf %select_n3A_1015, %gather3A_1183 : vector<16xf32>
        %select_n3A_1185 = arith.select %eq3A_1159, %add3A_1173, %add3A_1184 : vector<16xi1>, vector<16xf32>
        %lt3A_1186 = arith.constant 0 : i32
        %lt3A_1187 = vector.broadcast %lt3A_1186 : i32 to vector<16xi32>
        %lt3A_1188 = arith.cmpi slt, %xor3A_1162, %lt3A_1187 : vector<16xi32>
        %add3A_1189 = arith.constant 16 : i32
        %add3A_1190 = vector.broadcast %add3A_1189 : i32 to vector<16xi32>
        %add3A_1191 = arith.addi %xor3A_1162, %add3A_1190 : vector<16xi32>
        %select_n3A_1192 = arith.select %lt3A_1188, %add3A_1191, %xor3A_1162 : vector<16xi1>, vector<16xi32>
        %broadcast_in_dim3A_1193 = vector.shape_cast %select_n3A_1192 : vector<16xi32> to vector<16x1xi32>
        %gather3A_1194 = vector.shape_cast %broadcast_in_dim3A_1193 : vector<16x1xi32> to vector<16xi32>
        %gather3A_1195 = tpu.dynamic_gather %select_n3A_1038[%gather3A_1194] in [0] : vector<16xf32>, vector<16xi32> -> vector<16xf32>
        %add3A_1196 = arith.addf %select_n3A_1038, %gather3A_1195 : vector<16xf32>
        %lt3A_1197 = arith.constant 0 : i32
        %lt3A_1198 = vector.broadcast %lt3A_1197 : i32 to vector<16xi32>
        %lt3A_1199 = arith.cmpi slt, %xor3A_1162, %lt3A_1198 : vector<16xi32>
        %add3A_1200 = arith.constant 16 : i32
        %add3A_1201 = vector.broadcast %add3A_1200 : i32 to vector<16xi32>
        %add3A_1202 = arith.addi %xor3A_1162, %add3A_1201 : vector<16xi32>
        %select_n3A_1203 = arith.select %lt3A_1199, %add3A_1202, %xor3A_1162 : vector<16xi1>, vector<16xi32>
        %broadcast_in_dim3A_1204 = vector.shape_cast %select_n3A_1203 : vector<16xi32> to vector<16x1xi32>
        %gather3A_1205 = vector.shape_cast %broadcast_in_dim3A_1204 : vector<16x1xi32> to vector<16xi32>
        %gather3A_1206 = tpu.dynamic_gather %select_n3A_1061[%gather3A_1205] in [0] : vector<16xf32>, vector<16xi32> -> vector<16xf32>
        %add3A_1207 = arith.addf %select_n3A_1061, %gather3A_1206 : vector<16xf32>
        %select_n3A_1208 = arith.select %eq3A_1159, %add3A_1196, %add3A_1207 : vector<16xi1>, vector<16xf32>
        %lt3A_1209 = arith.constant 0 : i32
        %lt3A_1210 = vector.broadcast %lt3A_1209 : i32 to vector<16xi32>
        %lt3A_1211 = arith.cmpi slt, %xor3A_1162, %lt3A_1210 : vector<16xi32>
        %add3A_1212 = arith.constant 16 : i32
        %add3A_1213 = vector.broadcast %add3A_1212 : i32 to vector<16xi32>
        %add3A_1214 = arith.addi %xor3A_1162, %add3A_1213 : vector<16xi32>
        %select_n3A_1215 = arith.select %lt3A_1211, %add3A_1214, %xor3A_1162 : vector<16xi1>, vector<16xi32>
        %broadcast_in_dim3A_1216 = vector.shape_cast %select_n3A_1215 : vector<16xi32> to vector<16x1xi32>
        %gather3A_1217 = vector.shape_cast %broadcast_in_dim3A_1216 : vector<16x1xi32> to vector<16xi32>
        %gather3A_1218 = tpu.dynamic_gather %select_n3A_1084[%gather3A_1217] in [0] : vector<16xf32>, vector<16xi32> -> vector<16xf32>
        %add3A_1219 = arith.addf %select_n3A_1084, %gather3A_1218 : vector<16xf32>
        %lt3A_1220 = arith.constant 0 : i32
        %lt3A_1221 = vector.broadcast %lt3A_1220 : i32 to vector<16xi32>
        %lt3A_1222 = arith.cmpi slt, %xor3A_1162, %lt3A_1221 : vector<16xi32>
        %add3A_1223 = arith.constant 16 : i32
        %add3A_1224 = vector.broadcast %add3A_1223 : i32 to vector<16xi32>
        %add3A_1225 = arith.addi %xor3A_1162, %add3A_1224 : vector<16xi32>
        %select_n3A_1226 = arith.select %lt3A_1222, %add3A_1225, %xor3A_1162 : vector<16xi1>, vector<16xi32>
        %broadcast_in_dim3A_1227 = vector.shape_cast %select_n3A_1226 : vector<16xi32> to vector<16x1xi32>
        %gather3A_1228 = vector.shape_cast %broadcast_in_dim3A_1227 : vector<16x1xi32> to vector<16xi32>
        %gather3A_1229 = tpu.dynamic_gather %select_n3A_1107[%gather3A_1228] in [0] : vector<16xf32>, vector<16xi32> -> vector<16xf32>
        %add3A_1230 = arith.addf %select_n3A_1107, %gather3A_1229 : vector<16xf32>
        %select_n3A_1231 = arith.select %eq3A_1159, %add3A_1219, %add3A_1230 : vector<16xi1>, vector<16xf32>
        %lt3A_1232 = arith.constant 0 : i32
        %lt3A_1233 = vector.broadcast %lt3A_1232 : i32 to vector<16xi32>
        %lt3A_1234 = arith.cmpi slt, %xor3A_1162, %lt3A_1233 : vector<16xi32>
        %add3A_1235 = arith.constant 16 : i32
        %add3A_1236 = vector.broadcast %add3A_1235 : i32 to vector<16xi32>
        %add3A_1237 = arith.addi %xor3A_1162, %add3A_1236 : vector<16xi32>
        %select_n3A_1238 = arith.select %lt3A_1234, %add3A_1237, %xor3A_1162 : vector<16xi1>, vector<16xi32>
        %broadcast_in_dim3A_1239 = vector.shape_cast %select_n3A_1238 : vector<16xi32> to vector<16x1xi32>
        %gather3A_1240 = vector.shape_cast %broadcast_in_dim3A_1239 : vector<16x1xi32> to vector<16xi32>
        %gather3A_1241 = tpu.dynamic_gather %select_n3A_1130[%gather3A_1240] in [0] : vector<16xf32>, vector<16xi32> -> vector<16xf32>
        %add3A_1242 = arith.addf %select_n3A_1130, %gather3A_1241 : vector<16xf32>
        %lt3A_1243 = arith.constant 0 : i32
        %lt3A_1244 = vector.broadcast %lt3A_1243 : i32 to vector<16xi32>
        %lt3A_1245 = arith.cmpi slt, %xor3A_1162, %lt3A_1244 : vector<16xi32>
        %add3A_1246 = arith.constant 16 : i32
        %add3A_1247 = vector.broadcast %add3A_1246 : i32 to vector<16xi32>
        %add3A_1248 = arith.addi %xor3A_1162, %add3A_1247 : vector<16xi32>
        %select_n3A_1249 = arith.select %lt3A_1245, %add3A_1248, %xor3A_1162 : vector<16xi1>, vector<16xi32>
        %broadcast_in_dim3A_1250 = vector.shape_cast %select_n3A_1249 : vector<16xi32> to vector<16x1xi32>
        %gather3A_1251 = vector.shape_cast %broadcast_in_dim3A_1250 : vector<16x1xi32> to vector<16xi32>
        %gather3A_1252 = tpu.dynamic_gather %select_n3A_1153[%gather3A_1251] in [0] : vector<16xf32>, vector<16xi32> -> vector<16xf32>
        %add3A_1253 = arith.addf %select_n3A_1153, %gather3A_1252 : vector<16xf32>
        %select_n3A_1254 = arith.select %eq3A_1159, %add3A_1242, %add3A_1253 : vector<16xi1>, vector<16xf32>
        %and3A_1255 = arith.constant 2 : i32
        %and3A_1256 = vector.broadcast %and3A_1255 : i32 to vector<16xi32>
        %and3A_1257 = arith.andi %iota3A, %and3A_1256 : vector<16xi32>
        %eq3A_1258 = arith.constant 0 : i32
        %eq3A_1259 = vector.broadcast %eq3A_1258 : i32 to vector<16xi32>
        %eq3A_1260 = arith.cmpi eq, %and3A_1257, %eq3A_1259 : vector<16xi32>
        %xor3A_1261 = arith.constant 2 : i32
        %xor3A_1262 = vector.broadcast %xor3A_1261 : i32 to vector<16xi32>
        %xor3A_1263 = arith.xori %iota3A, %xor3A_1262 : vector<16xi32>
        %lt3A_1264 = arith.constant 0 : i32
        %lt3A_1265 = vector.broadcast %lt3A_1264 : i32 to vector<16xi32>
        %lt3A_1266 = arith.cmpi slt, %xor3A_1263, %lt3A_1265 : vector<16xi32>
        %add3A_1267 = arith.constant 16 : i32
        %add3A_1268 = vector.broadcast %add3A_1267 : i32 to vector<16xi32>
        %add3A_1269 = arith.addi %xor3A_1263, %add3A_1268 : vector<16xi32>
        %select_n3A_1270 = arith.select %lt3A_1266, %add3A_1269, %xor3A_1263 : vector<16xi1>, vector<16xi32>
        %broadcast_in_dim3A_1271 = vector.shape_cast %select_n3A_1270 : vector<16xi32> to vector<16x1xi32>
        %gather3A_1272 = vector.shape_cast %broadcast_in_dim3A_1271 : vector<16x1xi32> to vector<16xi32>
        %gather3A_1273 = tpu.dynamic_gather %select_n3A_1185[%gather3A_1272] in [0] : vector<16xf32>, vector<16xi32> -> vector<16xf32>
        %add3A_1274 = arith.addf %select_n3A_1185, %gather3A_1273 : vector<16xf32>
        %lt3A_1275 = arith.constant 0 : i32
        %lt3A_1276 = vector.broadcast %lt3A_1275 : i32 to vector<16xi32>
        %lt3A_1277 = arith.cmpi slt, %xor3A_1263, %lt3A_1276 : vector<16xi32>
        %add3A_1278 = arith.constant 16 : i32
        %add3A_1279 = vector.broadcast %add3A_1278 : i32 to vector<16xi32>
        %add3A_1280 = arith.addi %xor3A_1263, %add3A_1279 : vector<16xi32>
        %select_n3A_1281 = arith.select %lt3A_1277, %add3A_1280, %xor3A_1263 : vector<16xi1>, vector<16xi32>
        %broadcast_in_dim3A_1282 = vector.shape_cast %select_n3A_1281 : vector<16xi32> to vector<16x1xi32>
        %gather3A_1283 = vector.shape_cast %broadcast_in_dim3A_1282 : vector<16x1xi32> to vector<16xi32>
        %gather3A_1284 = tpu.dynamic_gather %select_n3A_1208[%gather3A_1283] in [0] : vector<16xf32>, vector<16xi32> -> vector<16xf32>
        %add3A_1285 = arith.addf %select_n3A_1208, %gather3A_1284 : vector<16xf32>
        %select_n3A_1286 = arith.select %eq3A_1260, %add3A_1274, %add3A_1285 : vector<16xi1>, vector<16xf32>
        %lt3A_1287 = arith.constant 0 : i32
        %lt3A_1288 = vector.broadcast %lt3A_1287 : i32 to vector<16xi32>
        %lt3A_1289 = arith.cmpi slt, %xor3A_1263, %lt3A_1288 : vector<16xi32>
        %add3A_1290 = arith.constant 16 : i32
        %add3A_1291 = vector.broadcast %add3A_1290 : i32 to vector<16xi32>
        %add3A_1292 = arith.addi %xor3A_1263, %add3A_1291 : vector<16xi32>
        %select_n3A_1293 = arith.select %lt3A_1289, %add3A_1292, %xor3A_1263 : vector<16xi1>, vector<16xi32>
        %broadcast_in_dim3A_1294 = vector.shape_cast %select_n3A_1293 : vector<16xi32> to vector<16x1xi32>
        %gather3A_1295 = vector.shape_cast %broadcast_in_dim3A_1294 : vector<16x1xi32> to vector<16xi32>
        %gather3A_1296 = tpu.dynamic_gather %select_n3A_1231[%gather3A_1295] in [0] : vector<16xf32>, vector<16xi32> -> vector<16xf32>
        %add3A_1297 = arith.addf %select_n3A_1231, %gather3A_1296 : vector<16xf32>
        %lt3A_1298 = arith.constant 0 : i32
        %lt3A_1299 = vector.broadcast %lt3A_1298 : i32 to vector<16xi32>
        %lt3A_1300 = arith.cmpi slt, %xor3A_1263, %lt3A_1299 : vector<16xi32>
        %add3A_1301 = arith.constant 16 : i32
        %add3A_1302 = vector.broadcast %add3A_1301 : i32 to vector<16xi32>
        %add3A_1303 = arith.addi %xor3A_1263, %add3A_1302 : vector<16xi32>
        %select_n3A_1304 = arith.select %lt3A_1300, %add3A_1303, %xor3A_1263 : vector<16xi1>, vector<16xi32>
        %broadcast_in_dim3A_1305 = vector.shape_cast %select_n3A_1304 : vector<16xi32> to vector<16x1xi32>
        %gather3A_1306 = vector.shape_cast %broadcast_in_dim3A_1305 : vector<16x1xi32> to vector<16xi32>
        %gather3A_1307 = tpu.dynamic_gather %select_n3A_1254[%gather3A_1306] in [0] : vector<16xf32>, vector<16xi32> -> vector<16xf32>
        %add3A_1308 = arith.addf %select_n3A_1254, %gather3A_1307 : vector<16xf32>
        %select_n3A_1309 = arith.select %eq3A_1260, %add3A_1297, %add3A_1308 : vector<16xi1>, vector<16xf32>
        %and3A_1310 = arith.constant 1 : i32
        %and3A_1311 = vector.broadcast %and3A_1310 : i32 to vector<16xi32>
        %and3A_1312 = arith.andi %iota3A, %and3A_1311 : vector<16xi32>
        %eq3A_1313 = arith.constant 0 : i32
        %eq3A_1314 = vector.broadcast %eq3A_1313 : i32 to vector<16xi32>
        %eq3A_1315 = arith.cmpi eq, %and3A_1312, %eq3A_1314 : vector<16xi32>
        %xor3A_1316 = arith.constant 1 : i32
        %xor3A_1317 = vector.broadcast %xor3A_1316 : i32 to vector<16xi32>
        %xor3A_1318 = arith.xori %iota3A, %xor3A_1317 : vector<16xi32>
        %lt3A_1319 = arith.constant 0 : i32
        %lt3A_1320 = vector.broadcast %lt3A_1319 : i32 to vector<16xi32>
        %lt3A_1321 = arith.cmpi slt, %xor3A_1318, %lt3A_1320 : vector<16xi32>
        %add3A_1322 = arith.constant 16 : i32
        %add3A_1323 = vector.broadcast %add3A_1322 : i32 to vector<16xi32>
        %add3A_1324 = arith.addi %xor3A_1318, %add3A_1323 : vector<16xi32>
        %select_n3A_1325 = arith.select %lt3A_1321, %add3A_1324, %xor3A_1318 : vector<16xi1>, vector<16xi32>
        %broadcast_in_dim3A_1326 = vector.shape_cast %select_n3A_1325 : vector<16xi32> to vector<16x1xi32>
        %gather3A_1327 = vector.shape_cast %broadcast_in_dim3A_1326 : vector<16x1xi32> to vector<16xi32>
        %gather3A_1328 = tpu.dynamic_gather %select_n3A_1286[%gather3A_1327] in [0] : vector<16xf32>, vector<16xi32> -> vector<16xf32>
        %add3A_1329 = arith.addf %select_n3A_1286, %gather3A_1328 : vector<16xf32>
        %lt3A_1330 = arith.constant 0 : i32
        %lt3A_1331 = vector.broadcast %lt3A_1330 : i32 to vector<16xi32>
        %lt3A_1332 = arith.cmpi slt, %xor3A_1318, %lt3A_1331 : vector<16xi32>
        %add3A_1333 = arith.constant 16 : i32
        %add3A_1334 = vector.broadcast %add3A_1333 : i32 to vector<16xi32>
        %add3A_1335 = arith.addi %xor3A_1318, %add3A_1334 : vector<16xi32>
        %select_n3A_1336 = arith.select %lt3A_1332, %add3A_1335, %xor3A_1318 : vector<16xi1>, vector<16xi32>
        %broadcast_in_dim3A_1337 = vector.shape_cast %select_n3A_1336 : vector<16xi32> to vector<16x1xi32>
        %gather3A_1338 = vector.shape_cast %broadcast_in_dim3A_1337 : vector<16x1xi32> to vector<16xi32>
        %gather3A_1339 = tpu.dynamic_gather %select_n3A_1309[%gather3A_1338] in [0] : vector<16xf32>, vector<16xi32> -> vector<16xf32>
        %add3A_1340 = arith.addf %select_n3A_1309, %gather3A_1339 : vector<16xf32>
        %select_n3A_1341 = arith.select %eq3A_1315, %add3A_1329, %add3A_1340 : vector<16xi1>, vector<16xf32>
        %mul3A_1342 = arith.constant 80 : i32
        %mul3A_1343 = arith.muli %mul3A_56, %mul3A_1342 : i32
        %mul3A_1344 = arith.constant 16 : i32
        %mul3A_1345 = arith.muli %scan3A_105, %mul3A_1344 : i32
        %add3A_1346 = arith.addi %mul3A_1343, %mul3A_1345 : i32
        %swap3A = arith.index_cast %add3A_1346 : i32 to index
        %swap3A_1347 = tpu.vector_load %arg10[%swap3A] {strides = array<i32>} : memref<10000xf32, #tpu.memory_space<vmem>>, vector<16xf32>,
        tpu.vector_store %arg10[%swap3A], %select_n3A_1341 {strides = array<i32>} : memref<10000xf32, #tpu.memory_space<vmem>>, vector<16xf32>,
      }
      %scan3A_68 = arith.constant 5 : i32
      %add3A_69 = arith.constant 2 : i32
      %add3A_70 = arith.addi %mul3A_56, %add3A_69 : i32
      %mul3A_71 = arith.constant 80 : i32
      %mul3A_72 = arith.muli %add3A_70, %mul3A_71 : i32
      %dma_start3A_73 = arith.constant 0 : i32
      %dma_start3A_74 = arith.constant 0 : i32
      %dma_start3A_75 = tpu.memref_slice %arg8[%dma_start3A_73, %dma_start3A_74] : memref<160x64xi32, #tpu.memory_space<vmem>> -> memref<80x64xi32, #tpu.memory_space<vmem>>
      %dma_start3A_76 = tpu.memref_slice %arg6[%mul3A_72] : memref<10000xi32, #tpu.memory_space<vmem>> -> memref<80xi32, #tpu.memory_space<vmem>>
      %dma_start3A_77 = arith.constant 0 : i32
      %dma_start3A_78 = arith.constant 0 : i32
      %dma_start3A_79 = tpu.memref_slice %arg11[%dma_start3A_77, %dma_start3A_78] : memref<10000x64xi32, #tpu.memory_space<vmem_shared>> -> memref<10000x64xi32, #tpu.memory_space<vmem_shared>>
      tpu.enqueue_indirect_dma source(%dma_start3A_79 : memref<10000x64xi32, #tpu.memory_space<vmem_shared>>) target(%dma_start3A_75 : memref<80x64xi32, #tpu.memory_space<vmem>>) offsets(%dma_start3A_76 : memref<80xi32, #tpu.memory_space<vmem>>) semaphore(%arg12 : memref<!tpu.dma_semaphore, #tpu.memory_space<semaphore_mem>>)
      %dma_start3A_80 = arith.constant 80 : i32
      %dma_start3A_81 = arith.constant 0 : i32
      %dma_start3A_82 = tpu.memref_slice %arg8[%dma_start3A_80, %dma_start3A_81] : memref<160x64xi32, #tpu.memory_space<vmem>> -> memref<80x64xi32, #tpu.memory_space<vmem>>
      %dma_start3A_83 = tpu.memref_slice %arg7[%mul3A_72] : memref<10000xi32, #tpu.memory_space<vmem>> -> memref<80xi32, #tpu.memory_space<vmem>>
      %dma_start3A_84 = arith.constant 0 : i32
      %dma_start3A_85 = arith.constant 0 : i32
      %dma_start3A_86 = tpu.memref_slice %arg11[%dma_start3A_84, %dma_start3A_85] : memref<10000x64xi32, #tpu.memory_space<vmem_shared>> -> memref<10000x64xi32, #tpu.memory_space<vmem_shared>>
      tpu.enqueue_indirect_dma source(%dma_start3A_86 : memref<10000x64xi32, #tpu.memory_space<vmem_shared>>) target(%dma_start3A_82 : memref<80x64xi32, #tpu.memory_space<vmem>>) offsets(%dma_start3A_83 : memref<80xi32, #tpu.memory_space<vmem>>) semaphore(%arg12 : memref<!tpu.dma_semaphore, #tpu.memory_space<semaphore_mem>>)
      %add3A_87 = arith.constant 1 : i32
      %add3A_88 = arith.addi %mul3A_56, %add3A_87 : i32
      %dma_wait3A_89 = arith.constant 0 : i32
      %dma_wait3A_90 = arith.constant 0 : i32
      %dma_wait3A_91 = tpu.memref_slice %arg4[%dma_wait3A_89, %dma_wait3A_90] : memref<10000x64xi32, #tpu.memory_space<hbm>> -> memref<160x64xi32, #tpu.memory_space<hbm>>
      %dma_wait3A_92 = arith.constant 0 : i32
      %dma_wait3A_93 = arith.constant 0 : i32
      %dma_wait3A_94 = tpu.memref_slice %arg4[%dma_wait3A_92, %dma_wait3A_93] : memref<10000x64xi32, #tpu.memory_space<hbm>> -> memref<160x64xi32, #tpu.memory_space<hbm>>
      tpu.wait_dma2 semaphore(%arg13 : memref<!tpu.dma_semaphore, #tpu.memory_space<semaphore_mem>>) src(%dma_wait3A_94 : memref<160x64xi32, #tpu.memory_space<hbm>>) dst(%arg9 : memref<160x64xi32, #tpu.memory_space<vmem>>)
      %scan3A_95 = arith.constant 0 : i32
      %scan3A_96 = arith.constant 0 : i32
      %scan3A_97 = arith.constant 5 : i32
      %scan3A_98 = arith.addi %scan3A_96, %scan3A_97 : i32
      %scan3A_99 = arith.constant 1 : i32
      scf.for %scan3A_105 = %scan3A_96 to %scan3A_98 step %scan3A_99  : i32 {
        %mul3A_106 = arith.constant 16 : i32
        %mul3A_107 = arith.muli %scan3A_105, %mul3A_106 : i32
        %add3A_108 = arith.constant 0 : i32
        %add3A_109 = arith.addi %mul3A_107, %add3A_108 : i32
        %get3A = arith.index_cast %add3A_109 : i32 to index
        %get3A_110 = arith.constant 0 : index
        %get3A_111 = tpu.vector_load %arg9[%get3A, %get3A_110] {strides = array<i32>} : memref<160x64xi32, #tpu.memory_space<vmem>>, vector<16xi32>,
        %bitcast3A = vector.bitcast %get3A_111 : vector<16xi32> to vector<32xbf16>
        %add3A_112 = arith.constant 80 : i32
        %add3A_113 = arith.addi %add3A_112, %add3A_109 : i32
        %get3A_114 = arith.index_cast %add3A_113 : i32 to index
        %get3A_115 = arith.constant 0 : index
        %get3A_116 = tpu.vector_load %arg9[%get3A_114, %get3A_115] {strides = array<i32>} : memref<160x64xi32, #tpu.memory_space<vmem>>, vector<16xi32>,
        %bitcast3A_117 = vector.bitcast %get3A_116 : vector<16xi32> to vector<32xbf16>
        %mul3A_118 = arith.mulf %bitcast3A, %bitcast3A_117 : vector<32xbf16>
        %get3A_119 = arith.index_cast %add3A_109 : i32 to index
        %get3A_120 = arith.constant 16 : index
        %get3A_121 = tpu.vector_load %arg9[%get3A_119, %get3A_120] {strides = array<i32>} : memref<160x64xi32, #tpu.memory_space<vmem>>, vector<16xi32>,
        %bitcast3A_122 = vector.bitcast %get3A_121 : vector<16xi32> to vector<32xbf16>
        %add3A_123 = arith.constant 80 : i32
        %add3A_124 = arith.addi %add3A_123, %add3A_109 : i32
        %get3A_125 = arith.index_cast %add3A_124 : i32 to index
        %get3A_126 = arith.constant 16 : index
        %get3A_127 = tpu.vector_load %arg9[%get3A_125, %get3A_126] {strides = array<i32>} : memref<160x64xi32, #tpu.memory_space<vmem>>, vector<16xi32>,
        %bitcast3A_128 = vector.bitcast %get3A_127 : vector<16xi32> to vector<32xbf16>
        %mul3A_129 = arith.mulf %bitcast3A_122, %bitcast3A_128 : vector<32xbf16>
        %get3A_130 = arith.index_cast %add3A_109 : i32 to index
        %get3A_131 = arith.constant 32 : index
        %get3A_132 = tpu.vector_load %arg9[%get3A_130, %get3A_131] {strides = array<i32>} : memref<160x64xi32, #tpu.memory_space<vmem>>, vector<16xi32>,
        %bitcast3A_133 = vector.bitcast %get3A_132 : vector<16xi32> to vector<32xbf16>
        %add3A_134 = arith.constant 80 : i32
        %add3A_135 = arith.addi %add3A_134, %add3A_109 : i32
        %get3A_136 = arith.index_cast %add3A_135 : i32 to index
        %get3A_137 = arith.constant 32 : index
        %get3A_138 = tpu.vector_load %arg9[%get3A_136, %get3A_137] {strides = array<i32>} : memref<160x64xi32, #tpu.memory_space<vmem>>, vector<16xi32>,
        %bitcast3A_139 = vector.bitcast %get3A_138 : vector<16xi32> to vector<32xbf16>
        %mul3A_140 = arith.mulf %bitcast3A_133, %bitcast3A_139 : vector<32xbf16>
        %get3A_141 = arith.index_cast %add3A_109 : i32 to index
        %get3A_142 = arith.constant 48 : index
        %get3A_143 = tpu.vector_load %arg9[%get3A_141, %get3A_142] {strides = array<i32>} : memref<160x64xi32, #tpu.memory_space<vmem>>, vector<16xi32>,
        %bitcast3A_144 = vector.bitcast %get3A_143 : vector<16xi32> to vector<32xbf16>
        %add3A_145 = arith.constant 80 : i32
        %add3A_146 = arith.addi %add3A_145, %add3A_109 : i32
        %get3A_147 = arith.index_cast %add3A_146 : i32 to index
        %get3A_148 = arith.constant 48 : index
        %get3A_149 = tpu.vector_load %arg9[%get3A_147, %get3A_148] {strides = array<i32>} : memref<160x64xi32, #tpu.memory_space<vmem>>, vector<16xi32>,
        %bitcast3A_150 = vector.bitcast %get3A_149 : vector<16xi32> to vector<32xbf16>
        %mul3A_151 = arith.mulf %bitcast3A_144, %bitcast3A_150 : vector<32xbf16>
        %add3A_152 = arith.addf %mul3A_118, %mul3A_129 : vector<32xbf16>
        %add3A_153 = arith.addf %mul3A_140, %mul3A_151 : vector<32xbf16>
        %add3A_154 = arith.addf %add3A_152, %add3A_153 : vector<32xbf16>
        %unpack3A = tpu.unpack_subelements %add3A_154, 0 {pack_format = #tpu.pack_format<interleaved>} : vector<32xbf16> -> vector<16xf32>
        %unpack3A_155 = tpu.unpack_subelements %add3A_154, 1 {pack_format = #tpu.pack_format<interleaved>} : vector<32xbf16> -> vector<16xf32>
        %add3A_156 = arith.addf %unpack3A, %unpack3A_155 : vector<16xf32>
        %mul3A_157 = arith.constant 16 : i32
        %mul3A_158 = arith.muli %scan3A_105, %mul3A_157 : i32
        %add3A_159 = arith.constant 8 : i32
        %add3A_160 = arith.addi %mul3A_158, %add3A_159 : i32
        %get3A_161 = arith.index_cast %add3A_160 : i32 to index
        %get3A_162 = arith.constant 0 : index
        %get3A_163 = tpu.vector_load %arg9[%get3A_161, %get3A_162] {strides = array<i32>} : memref<160x64xi32, #tpu.memory_space<vmem>>, vector<16xi32>,
        %bitcast3A_164 = vector.bitcast %get3A_163 : vector<16xi32> to vector<32xbf16>
        %add3A_165 = arith.constant 80 : i32
        %add3A_166 = arith.addi %add3A_165, %add3A_160 : i32
        %get3A_167 = arith.index_cast %add3A_166 : i32 to index
        %get3A_168 = arith.constant 0 : index
        %get3A_169 = tpu.vector_load %arg9[%get3A_167, %get3A_168] {strides = array<i32>} : memref<160x64xi32, #tpu.memory_space<vmem>>, vector<16xi32>,
        %bitcast3A_170 = vector.bitcast %get3A_169 : vector<16xi32> to vector<32xbf16>
        %mul3A_171 = arith.mulf %bitcast3A_164, %bitcast3A_170 : vector<32xbf16>
        %get3A_172 = arith.index_cast %add3A_160 : i32 to index
        %get3A_173 = arith.constant 16 : index
        %get3A_174 = tpu.vector_load %arg9[%get3A_172, %get3A_173] {strides = array<i32>} : memref<160x64xi32, #tpu.memory_space<vmem>>, vector<16xi32>,
        %bitcast3A_175 = vector.bitcast %get3A_174 : vector<16xi32> to vector<32xbf16>
        %add3A_176 = arith.constant 80 : i32
        %add3A_177 = arith.addi %add3A_176, %add3A_160 : i32
        %get3A_178 = arith.index_cast %add3A_177 : i32 to index
        %get3A_179 = arith.constant 16 : index
        %get3A_180 = tpu.vector_load %arg9[%get3A_178, %get3A_179] {strides = array<i32>} : memref<160x64xi32, #tpu.memory_space<vmem>>, vector<16xi32>,
        %bitcast3A_181 = vector.bitcast %get3A_180 : vector<16xi32> to vector<32xbf16>
        %mul3A_182 = arith.mulf %bitcast3A_175, %bitcast3A_181 : vector<32xbf16>
        %get3A_183 = arith.index_cast %add3A_160 : i32 to index
        %get3A_184 = arith.constant 32 : index
        %get3A_185 = tpu.vector_load %arg9[%get3A_183, %get3A_184] {strides = array<i32>} : memref<160x64xi32, #tpu.memory_space<vmem>>, vector<16xi32>,
        %bitcast3A_186 = vector.bitcast %get3A_185 : vector<16xi32> to vector<32xbf16>
        %add3A_187 = arith.constant 80 : i32
        %add3A_188 = arith.addi %add3A_187, %add3A_160 : i32
        %get3A_189 = arith.index_cast %add3A_188 : i32 to index
        %get3A_190 = arith.constant 32 : index
        %get3A_191 = tpu.vector_load %arg9[%get3A_189, %get3A_190] {strides = array<i32>} : memref<160x64xi32, #tpu.memory_space<vmem>>, vector<16xi32>,
        %bitcast3A_192 = vector.bitcast %get3A_191 : vector<16xi32> to vector<32xbf16>
        %mul3A_193 = arith.mulf %bitcast3A_186, %bitcast3A_192 : vector<32xbf16>
        %get3A_194 = arith.index_cast %add3A_160 : i32 to index
        %get3A_195 = arith.constant 48 : index
        %get3A_196 = tpu.vector_load %arg9[%get3A_194, %get3A_195] {strides = array<i32>} : memref<160x64xi32, #tpu.memory_space<vmem>>, vector<16xi32>,
        %bitcast3A_197 = vector.bitcast %get3A_196 : vector<16xi32> to vector<32xbf16>
        %add3A_198 = arith.constant 80 : i32
        %add3A_199 = arith.addi %add3A_198, %add3A_160 : i32
        %get3A_200 = arith.index_cast %add3A_199 : i32 to index
        %get3A_201 = arith.constant 48 : index
        %get3A_202 = tpu.vector_load %arg9[%get3A_200, %get3A_201] {strides = array<i32>} : memref<160x64xi32, #tpu.memory_space<vmem>>, vector<16xi32>,
        %bitcast3A_203 = vector.bitcast %get3A_202 : vector<16xi32> to vector<32xbf16>
        %mul3A_204 = arith.mulf %bitcast3A_197, %bitcast3A_203 : vector<32xbf16>
        %add3A_205 = arith.addf %mul3A_171, %mul3A_182 : vector<32xbf16>
        %add3A_206 = arith.addf %mul3A_193, %mul3A_204 : vector<32xbf16>
        %add3A_207 = arith.addf %add3A_205, %add3A_206 : vector<32xbf16>
        %unpack3A_208 = tpu.unpack_subelements %add3A_207, 0 {pack_format = #tpu.pack_format<interleaved>} : vector<32xbf16> -> vector<16xf32>
        %unpack3A_209 = tpu.unpack_subelements %add3A_207, 1 {pack_format = #tpu.pack_format<interleaved>} : vector<32xbf16> -> vector<16xf32>
        %add3A_210 = arith.addf %unpack3A_208, %unpack3A_209 : vector<16xf32>
        %mul3A_211 = arith.constant 16 : i32
        %mul3A_212 = arith.muli %scan3A_105, %mul3A_211 : i32
        %add3A_213 = arith.constant 4 : i32
        %add3A_214 = arith.addi %mul3A_212, %add3A_213 : i32
        %get3A_215 = arith.index_cast %add3A_214 : i32 to index
        %get3A_216 = arith.constant 0 : index
        %get3A_217 = tpu.vector_load %arg9[%get3A_215, %get3A_216] {strides = array<i32>} : memref<160x64xi32, #tpu.memory_space<vmem>>, vector<16xi32>,
        %bitcast3A_218 = vector.bitcast %get3A_217 : vector<16xi32> to vector<32xbf16>
        %add3A_219 = arith.constant 80 : i32
        %add3A_220 = arith.addi %add3A_219, %add3A_214 : i32
        %get3A_221 = arith.index_cast %add3A_220 : i32 to index
        %get3A_222 = arith.constant 0 : index
        %get3A_223 = tpu.vector_load %arg9[%get3A_221, %get3A_222] {strides = array<i32>} : memref<160x64xi32, #tpu.memory_space<vmem>>, vector<16xi32>,
        %bitcast3A_224 = vector.bitcast %get3A_223 : vector<16xi32> to vector<32xbf16>
        %mul3A_225 = arith.mulf %bitcast3A_218, %bitcast3A_224 : vector<32xbf16>
        %get3A_226 = arith.index_cast %add3A_214 : i32 to index
        %get3A_227 = arith.constant 16 : index
        %get3A_228 = tpu.vector_load %arg9[%get3A_226, %get3A_227] {strides = array<i32>} : memref<160x64xi32, #tpu.memory_space<vmem>>, vector<16xi32>,
        %bitcast3A_229 = vector.bitcast %get3A_228 : vector<16xi32> to vector<32xbf16>
        %add3A_230 = arith.constant 80 : i32
        %add3A_231 = arith.addi %add3A_230, %add3A_214 : i32
        %get3A_232 = arith.index_cast %add3A_231 : i32 to index
        %get3A_233 = arith.constant 16 : index
        %get3A_234 = tpu.vector_load %arg9[%get3A_232, %get3A_233] {strides = array<i32>} : memref<160x64xi32, #tpu.memory_space<vmem>>, vector<16xi32>,
        %bitcast3A_235 = vector.bitcast %get3A_234 : vector<16xi32> to vector<32xbf16>
        %mul3A_236 = arith.mulf %bitcast3A_229, %bitcast3A_235 : vector<32xbf16>
        %get3A_237 = arith.index_cast %add3A_214 : i32 to index
        %get3A_238 = arith.constant 32 : index
        %get3A_239 = tpu.vector_load %arg9[%get3A_237, %get3A_238] {strides = array<i32>} : memref<160x64xi32, #tpu.memory_space<vmem>>, vector<16xi32>,
        %bitcast3A_240 = vector.bitcast %get3A_239 : vector<16xi32> to vector<32xbf16>
        %add3A_241 = arith.constant 80 : i32
        %add3A_242 = arith.addi %add3A_241, %add3A_214 : i32
        %get3A_243 = arith.index_cast %add3A_242 : i32 to index
        %get3A_244 = arith.constant 32 : index
        %get3A_245 = tpu.vector_load %arg9[%get3A_243, %get3A_244] {strides = array<i32>} : memref<160x64xi32, #tpu.memory_space<vmem>>, vector<16xi32>,
        %bitcast3A_246 = vector.bitcast %get3A_245 : vector<16xi32> to vector<32xbf16>
        %mul3A_247 = arith.mulf %bitcast3A_240, %bitcast3A_246 : vector<32xbf16>
        %get3A_248 = arith.index_cast %add3A_214 : i32 to index
        %get3A_249 = arith.constant 48 : index
        %get3A_250 = tpu.vector_load %arg9[%get3A_248, %get3A_249] {strides = array<i32>} : memref<160x64xi32, #tpu.memory_space<vmem>>, vector<16xi32>,
        %bitcast3A_251 = vector.bitcast %get3A_250 : vector<16xi32> to vector<32xbf16>
        %add3A_252 = arith.constant 80 : i32
        %add3A_253 = arith.addi %add3A_252, %add3A_214 : i32
        %get3A_254 = arith.index_cast %add3A_253 : i32 to index
        %get3A_255 = arith.constant 48 : index
        %get3A_256 = tpu.vector_load %arg9[%get3A_254, %get3A_255] {strides = array<i32>} : memref<160x64xi32, #tpu.memory_space<vmem>>, vector<16xi32>,
        %bitcast3A_257 = vector.bitcast %get3A_256 : vector<16xi32> to vector<32xbf16>
        %mul3A_258 = arith.mulf %bitcast3A_251, %bitcast3A_257 : vector<32xbf16>
        %add3A_259 = arith.addf %mul3A_225, %mul3A_236 : vector<32xbf16>
        %add3A_260 = arith.addf %mul3A_247, %mul3A_258 : vector<32xbf16>
        %add3A_261 = arith.addf %add3A_259, %add3A_260 : vector<32xbf16>
        %unpack3A_262 = tpu.unpack_subelements %add3A_261, 0 {pack_format = #tpu.pack_format<interleaved>} : vector<32xbf16> -> vector<16xf32>
        %unpack3A_263 = tpu.unpack_subelements %add3A_261, 1 {pack_format = #tpu.pack_format<interleaved>} : vector<32xbf16> -> vector<16xf32>
        %add3A_264 = arith.addf %unpack3A_262, %unpack3A_263 : vector<16xf32>
        %mul3A_265 = arith.constant 16 : i32
        %mul3A_266 = arith.muli %scan3A_105, %mul3A_265 : i32
        %add3A_267 = arith.constant 12 : i32
        %add3A_268 = arith.addi %mul3A_266, %add3A_267 : i32
        %get3A_269 = arith.index_cast %add3A_268 : i32 to index
        %get3A_270 = arith.constant 0 : index
        %get3A_271 = tpu.vector_load %arg9[%get3A_269, %get3A_270] {strides = array<i32>} : memref<160x64xi32, #tpu.memory_space<vmem>>, vector<16xi32>,
        %bitcast3A_272 = vector.bitcast %get3A_271 : vector<16xi32> to vector<32xbf16>
        %add3A_273 = arith.constant 80 : i32
        %add3A_274 = arith.addi %add3A_273, %add3A_268 : i32
        %get3A_275 = arith.index_cast %add3A_274 : i32 to index
        %get3A_276 = arith.constant 0 : index
        %get3A_277 = tpu.vector_load %arg9[%get3A_275, %get3A_276] {strides = array<i32>} : memref<160x64xi32, #tpu.memory_space<vmem>>, vector<16xi32>,
        %bitcast3A_278 = vector.bitcast %get3A_277 : vector<16xi32> to vector<32xbf16>
        %mul3A_279 = arith.mulf %bitcast3A_272, %bitcast3A_278 : vector<32xbf16>
        %get3A_280 = arith.index_cast %add3A_268 : i32 to index
        %get3A_281 = arith.constant 16 : index
        %get3A_282 = tpu.vector_load %arg9[%get3A_280, %get3A_281] {strides = array<i32>} : memref<160x64xi32, #tpu.memory_space<vmem>>, vector<16xi32>,
        %bitcast3A_283 = vector.bitcast %get3A_282 : vector<16xi32> to vector<32xbf16>
        %add3A_284 = arith.constant 80 : i32
        %add3A_285 = arith.addi %add3A_284, %add3A_268 : i32
        %get3A_286 = arith.index_cast %add3A_285 : i32 to index
        %get3A_287 = arith.constant 16 : index
        %get3A_288 = tpu.vector_load %arg9[%get3A_286, %get3A_287] {strides = array<i32>} : memref<160x64xi32, #tpu.memory_space<vmem>>, vector<16xi32>,
        %bitcast3A_289 = vector.bitcast %get3A_288 : vector<16xi32> to vector<32xbf16>
        %mul3A_290 = arith.mulf %bitcast3A_283, %bitcast3A_289 : vector<32xbf16>
        %get3A_291 = arith.index_cast %add3A_268 : i32 to index
        %get3A_292 = arith.constant 32 : index
        %get3A_293 = tpu.vector_load %arg9[%get3A_291, %get3A_292] {strides = array<i32>} : memref<160x64xi32, #tpu.memory_space<vmem>>, vector<16xi32>,
        %bitcast3A_294 = vector.bitcast %get3A_293 : vector<16xi32> to vector<32xbf16>
        %add3A_295 = arith.constant 80 : i32
        %add3A_296 = arith.addi %add3A_295, %add3A_268 : i32
        %get3A_297 = arith.index_cast %add3A_296 : i32 to index
        %get3A_298 = arith.constant 32 : index
        %get3A_299 = tpu.vector_load %arg9[%get3A_297, %get3A_298] {strides = array<i32>} : memref<160x64xi32, #tpu.memory_space<vmem>>, vector<16xi32>,
        %bitcast3A_300 = vector.bitcast %get3A_299 : vector<16xi32> to vector<32xbf16>
        %mul3A_301 = arith.mulf %bitcast3A_294, %bitcast3A_300 : vector<32xbf16>
        %get3A_302 = arith.index_cast %add3A_268 : i32 to index
        %get3A_303 = arith.constant 48 : index
        %get3A_304 = tpu.vector_load %arg9[%get3A_302, %get3A_303] {strides = array<i32>} : memref<160x64xi32, #tpu.memory_space<vmem>>, vector<16xi32>,
        %bitcast3A_305 = vector.bitcast %get3A_304 : vector<16xi32> to vector<32xbf16>
        %add3A_306 = arith.constant 80 : i32
        %add3A_307 = arith.addi %add3A_306, %add3A_268 : i32
        %get3A_308 = arith.index_cast %add3A_307 : i32 to index
        %get3A_309 = arith.constant 48 : index
        %get3A_310 = tpu.vector_load %arg9[%get3A_308, %get3A_309] {strides = array<i32>} : memref<160x64xi32, #tpu.memory_space<vmem>>, vector<16xi32>,
        %bitcast3A_311 = vector.bitcast %get3A_310 : vector<16xi32> to vector<32xbf16>
        %mul3A_312 = arith.mulf %bitcast3A_305, %bitcast3A_311 : vector<32xbf16>
        %add3A_313 = arith.addf %mul3A_279, %mul3A_290 : vector<32xbf16>
        %add3A_314 = arith.addf %mul3A_301, %mul3A_312 : vector<32xbf16>
        %add3A_315 = arith.addf %add3A_313, %add3A_314 : vector<32xbf16>
        %unpack3A_316 = tpu.unpack_subelements %add3A_315, 0 {pack_format = #tpu.pack_format<interleaved>} : vector<32xbf16> -> vector<16xf32>
        %unpack3A_317 = tpu.unpack_subelements %add3A_315, 1 {pack_format = #tpu.pack_format<interleaved>} : vector<32xbf16> -> vector<16xf32>
        %add3A_318 = arith.addf %unpack3A_316, %unpack3A_317 : vector<16xf32>
        %mul3A_319 = arith.constant 16 : i32
        %mul3A_320 = arith.muli %scan3A_105, %mul3A_319 : i32
        %add3A_321 = arith.constant 2 : i32
        %add3A_322 = arith.addi %mul3A_320, %add3A_321 : i32
        %get3A_323 = arith.index_cast %add3A_322 : i32 to index
        %get3A_324 = arith.constant 0 : index
        %get3A_325 = tpu.vector_load %arg9[%get3A_323, %get3A_324] {strides = array<i32>} : memref<160x64xi32, #tpu.memory_space<vmem>>, vector<16xi32>,
        %bitcast3A_326 = vector.bitcast %get3A_325 : vector<16xi32> to vector<32xbf16>
        %add3A_327 = arith.constant 80 : i32
        %add3A_328 = arith.addi %add3A_327, %add3A_322 : i32
        %get3A_329 = arith.index_cast %add3A_328 : i32 to index
        %get3A_330 = arith.constant 0 : index
        %get3A_331 = tpu.vector_load %arg9[%get3A_329, %get3A_330] {strides = array<i32>} : memref<160x64xi32, #tpu.memory_space<vmem>>, vector<16xi32>,
        %bitcast3A_332 = vector.bitcast %get3A_331 : vector<16xi32> to vector<32xbf16>
        %mul3A_333 = arith.mulf %bitcast3A_326, %bitcast3A_332 : vector<32xbf16>
        %get3A_334 = arith.index_cast %add3A_322 : i32 to index
        %get3A_335 = arith.constant 16 : index
        %get3A_336 = tpu.vector_load %arg9[%get3A_334, %get3A_335] {strides = array<i32>} : memref<160x64xi32, #tpu.memory_space<vmem>>, vector<16xi32>,
        %bitcast3A_337 = vector.bitcast %get3A_336 : vector<16xi32> to vector<32xbf16>
        %add3A_338 = arith.constant 80 : i32
        %add3A_339 = arith.addi %add3A_338, %add3A_322 : i32
        %get3A_340 = arith.index_cast %add3A_339 : i32 to index
        %get3A_341 = arith.constant 16 : index
        %get3A_342 = tpu.vector_load %arg9[%get3A_340, %get3A_341] {strides = array<i32>} : memref<160x64xi32, #tpu.memory_space<vmem>>, vector<16xi32>,
        %bitcast3A_343 = vector.bitcast %get3A_342 : vector<16xi32> to vector<32xbf16>
        %mul3A_344 = arith.mulf %bitcast3A_337, %bitcast3A_343 : vector<32xbf16>
        %get3A_345 = arith.index_cast %add3A_322 : i32 to index
        %get3A_346 = arith.constant 32 : index
        %get3A_347 = tpu.vector_load %arg9[%get3A_345, %get3A_346] {strides = array<i32>} : memref<160x64xi32, #tpu.memory_space<vmem>>, vector<16xi32>,
        %bitcast3A_348 = vector.bitcast %get3A_347 : vector<16xi32> to vector<32xbf16>
        %add3A_349 = arith.constant 80 : i32
        %add3A_350 = arith.addi %add3A_349, %add3A_322 : i32
        %get3A_351 = arith.index_cast %add3A_350 : i32 to index
        %get3A_352 = arith.constant 32 : index
        %get3A_353 = tpu.vector_load %arg9[%get3A_351, %get3A_352] {strides = array<i32>} : memref<160x64xi32, #tpu.memory_space<vmem>>, vector<16xi32>,
        %bitcast3A_354 = vector.bitcast %get3A_353 : vector<16xi32> to vector<32xbf16>
        %mul3A_355 = arith.mulf %bitcast3A_348, %bitcast3A_354 : vector<32xbf16>
        %get3A_356 = arith.index_cast %add3A_322 : i32 to index
        %get3A_357 = arith.constant 48 : index
        %get3A_358 = tpu.vector_load %arg9[%get3A_356, %get3A_357] {strides = array<i32>} : memref<160x64xi32, #tpu.memory_space<vmem>>, vector<16xi32>,
        %bitcast3A_359 = vector.bitcast %get3A_358 : vector<16xi32> to vector<32xbf16>
        %add3A_360 = arith.constant 80 : i32
        %add3A_361 = arith.addi %add3A_360, %add3A_322 : i32
        %get3A_362 = arith.index_cast %add3A_361 : i32 to index
        %get3A_363 = arith.constant 48 : index
        %get3A_364 = tpu.vector_load %arg9[%get3A_362, %get3A_363] {strides = array<i32>} : memref<160x64xi32, #tpu.memory_space<vmem>>, vector<16xi32>,
        %bitcast3A_365 = vector.bitcast %get3A_364 : vector<16xi32> to vector<32xbf16>
        %mul3A_366 = arith.mulf %bitcast3A_359, %bitcast3A_365 : vector<32xbf16>
        %add3A_367 = arith.addf %mul3A_333, %mul3A_344 : vector<32xbf16>
        %add3A_368 = arith.addf %mul3A_355, %mul3A_366 : vector<32xbf16>
        %add3A_369 = arith.addf %add3A_367, %add3A_368 : vector<32xbf16>
        %unpack3A_370 = tpu.unpack_subelements %add3A_369, 0 {pack_format = #tpu.pack_format<interleaved>} : vector<32xbf16> -> vector<16xf32>
        %unpack3A_371 = tpu.unpack_subelements %add3A_369, 1 {pack_format = #tpu.pack_format<interleaved>} : vector<32xbf16> -> vector<16xf32>
        %add3A_372 = arith.addf %unpack3A_370, %unpack3A_371 : vector<16xf32>
        %mul3A_373 = arith.constant 16 : i32
        %mul3A_374 = arith.muli %scan3A_105, %mul3A_373 : i32
        %add3A_375 = arith.constant 10 : i32
        %add3A_376 = arith.addi %mul3A_374, %add3A_375 : i32
        %get3A_377 = arith.index_cast %add3A_376 : i32 to index
        %get3A_378 = arith.constant 0 : index
        %get3A_379 = tpu.vector_load %arg9[%get3A_377, %get3A_378] {strides = array<i32>} : memref<160x64xi32, #tpu.memory_space<vmem>>, vector<16xi32>,
        %bitcast3A_380 = vector.bitcast %get3A_379 : vector<16xi32> to vector<32xbf16>
        %add3A_381 = arith.constant 80 : i32
        %add3A_382 = arith.addi %add3A_381, %add3A_376 : i32
        %get3A_383 = arith.index_cast %add3A_382 : i32 to index
        %get3A_384 = arith.constant 0 : index
        %get3A_385 = tpu.vector_load %arg9[%get3A_383, %get3A_384] {strides = array<i32>} : memref<160x64xi32, #tpu.memory_space<vmem>>, vector<16xi32>,
        %bitcast3A_386 = vector.bitcast %get3A_385 : vector<16xi32> to vector<32xbf16>
        %mul3A_387 = arith.mulf %bitcast3A_380, %bitcast3A_386 : vector<32xbf16>
        %get3A_388 = arith.index_cast %add3A_376 : i32 to index
        %get3A_389 = arith.constant 16 : index
        %get3A_390 = tpu.vector_load %arg9[%get3A_388, %get3A_389] {strides = array<i32>} : memref<160x64xi32, #tpu.memory_space<vmem>>, vector<16xi32>,
        %bitcast3A_391 = vector.bitcast %get3A_390 : vector<16xi32> to vector<32xbf16>
        %add3A_392 = arith.constant 80 : i32
        %add3A_393 = arith.addi %add3A_392, %add3A_376 : i32
        %get3A_394 = arith.index_cast %add3A_393 : i32 to index
        %get3A_395 = arith.constant 16 : index
        %get3A_396 = tpu.vector_load %arg9[%get3A_394, %get3A_395] {strides = array<i32>} : memref<160x64xi32, #tpu.memory_space<vmem>>, vector<16xi32>,
        %bitcast3A_397 = vector.bitcast %get3A_396 : vector<16xi32> to vector<32xbf16>
        %mul3A_398 = arith.mulf %bitcast3A_391, %bitcast3A_397 : vector<32xbf16>
        %get3A_399 = arith.index_cast %add3A_376 : i32 to index
        %get3A_400 = arith.constant 32 : index
        %get3A_401 = tpu.vector_load %arg9[%get3A_399, %get3A_400] {strides = array<i32>} : memref<160x64xi32, #tpu.memory_space<vmem>>, vector<16xi32>,
        %bitcast3A_402 = vector.bitcast %get3A_401 : vector<16xi32> to vector<32xbf16>
        %add3A_403 = arith.constant 80 : i32
        %add3A_404 = arith.addi %add3A_403, %add3A_376 : i32
        %get3A_405 = arith.index_cast %add3A_404 : i32 to index
        %get3A_406 = arith.constant 32 : index
        %get3A_407 = tpu.vector_load %arg9[%get3A_405, %get3A_406] {strides = array<i32>} : memref<160x64xi32, #tpu.memory_space<vmem>>, vector<16xi32>,
        %bitcast3A_408 = vector.bitcast %get3A_407 : vector<16xi32> to vector<32xbf16>
        %mul3A_409 = arith.mulf %bitcast3A_402, %bitcast3A_408 : vector<32xbf16>
        %get3A_410 = arith.index_cast %add3A_376 : i32 to index
        %get3A_411 = arith.constant 48 : index
        %get3A_412 = tpu.vector_load %arg9[%get3A_410, %get3A_411] {strides = array<i32>} : memref<160x64xi32, #tpu.memory_space<vmem>>, vector<16xi32>,
        %bitcast3A_413 = vector.bitcast %get3A_412 : vector<16xi32> to vector<32xbf16>
        %add3A_414 = arith.constant 80 : i32
        %add3A_415 = arith.addi %add3A_414, %add3A_376 : i32
        %get3A_416 = arith.index_cast %add3A_415 : i32 to index
        %get3A_417 = arith.constant 48 : index
        %get3A_418 = tpu.vector_load %arg9[%get3A_416, %get3A_417] {strides = array<i32>} : memref<160x64xi32, #tpu.memory_space<vmem>>, vector<16xi32>,
        %bitcast3A_419 = vector.bitcast %get3A_418 : vector<16xi32> to vector<32xbf16>
        %mul3A_420 = arith.mulf %bitcast3A_413, %bitcast3A_419 : vector<32xbf16>
        %add3A_421 = arith.addf %mul3A_387, %mul3A_398 : vector<32xbf16>
        %add3A_422 = arith.addf %mul3A_409, %mul3A_420 : vector<32xbf16>
        %add3A_423 = arith.addf %add3A_421, %add3A_422 : vector<32xbf16>
        %unpack3A_424 = tpu.unpack_subelements %add3A_423, 0 {pack_format = #tpu.pack_format<interleaved>} : vector<32xbf16> -> vector<16xf32>
        %unpack3A_425 = tpu.unpack_subelements %add3A_423, 1 {pack_format = #tpu.pack_format<interleaved>} : vector<32xbf16> -> vector<16xf32>
        %add3A_426 = arith.addf %unpack3A_424, %unpack3A_425 : vector<16xf32>
        %mul3A_427 = arith.constant 16 : i32
        %mul3A_428 = arith.muli %scan3A_105, %mul3A_427 : i32
        %add3A_429 = arith.constant 6 : i32
        %add3A_430 = arith.addi %mul3A_428, %add3A_429 : i32
        %get3A_431 = arith.index_cast %add3A_430 : i32 to index
        %get3A_432 = arith.constant 0 : index
        %get3A_433 = tpu.vector_load %arg9[%get3A_431, %get3A_432] {strides = array<i32>} : memref<160x64xi32, #tpu.memory_space<vmem>>, vector<16xi32>,
        %bitcast3A_434 = vector.bitcast %get3A_433 : vector<16xi32> to vector<32xbf16>
        %add3A_435 = arith.constant 80 : i32
        %add3A_436 = arith.addi %add3A_435, %add3A_430 : i32
        %get3A_437 = arith.index_cast %add3A_436 : i32 to index
        %get3A_438 = arith.constant 0 : index
        %get3A_439 = tpu.vector_load %arg9[%get3A_437, %get3A_438] {strides = array<i32>} : memref<160x64xi32, #tpu.memory_space<vmem>>, vector<16xi32>,
        %bitcast3A_440 = vector.bitcast %get3A_439 : vector<16xi32> to vector<32xbf16>
        %mul3A_441 = arith.mulf %bitcast3A_434, %bitcast3A_440 : vector<32xbf16>
        %get3A_442 = arith.index_cast %add3A_430 : i32 to index
        %get3A_443 = arith.constant 16 : index
        %get3A_444 = tpu.vector_load %arg9[%get3A_442, %get3A_443] {strides = array<i32>} : memref<160x64xi32, #tpu.memory_space<vmem>>, vector<16xi32>,
        %bitcast3A_445 = vector.bitcast %get3A_444 : vector<16xi32> to vector<32xbf16>
        %add3A_446 = arith.constant 80 : i32
        %add3A_447 = arith.addi %add3A_446, %add3A_430 : i32
        %get3A_448 = arith.index_cast %add3A_447 : i32 to index
        %get3A_449 = arith.constant 16 : index
        %get3A_450 = tpu.vector_load %arg9[%get3A_448, %get3A_449] {strides = array<i32>} : memref<160x64xi32, #tpu.memory_space<vmem>>, vector<16xi32>,
        %bitcast3A_451 = vector.bitcast %get3A_450 : vector<16xi32> to vector<32xbf16>
        %mul3A_452 = arith.mulf %bitcast3A_445, %bitcast3A_451 : vector<32xbf16>
        %get3A_453 = arith.index_cast %add3A_430 : i32 to index
        %get3A_454 = arith.constant 32 : index
        %get3A_455 = tpu.vector_load %arg9[%get3A_453, %get3A_454] {strides = array<i32>} : memref<160x64xi32, #tpu.memory_space<vmem>>, vector<16xi32>,
        %bitcast3A_456 = vector.bitcast %get3A_455 : vector<16xi32> to vector<32xbf16>
        %add3A_457 = arith.constant 80 : i32
        %add3A_458 = arith.addi %add3A_457, %add3A_430 : i32
        %get3A_459 = arith.index_cast %add3A_458 : i32 to index
        %get3A_460 = arith.constant 32 : index
        %get3A_461 = tpu.vector_load %arg9[%get3A_459, %get3A_460] {strides = array<i32>} : memref<160x64xi32, #tpu.memory_space<vmem>>, vector<16xi32>,
        %bitcast3A_462 = vector.bitcast %get3A_461 : vector<16xi32> to vector<32xbf16>
        %mul3A_463 = arith.mulf %bitcast3A_456, %bitcast3A_462 : vector<32xbf16>
        %get3A_464 = arith.index_cast %add3A_430 : i32 to index
        %get3A_465 = arith.constant 48 : index
        %get3A_466 = tpu.vector_load %arg9[%get3A_464, %get3A_465] {strides = array<i32>} : memref<160x64xi32, #tpu.memory_space<vmem>>, vector<16xi32>,
        %bitcast3A_467 = vector.bitcast %get3A_466 : vector<16xi32> to vector<32xbf16>
        %add3A_468 = arith.constant 80 : i32
        %add3A_469 = arith.addi %add3A_468, %add3A_430 : i32
        %get3A_470 = arith.index_cast %add3A_469 : i32 to index
        %get3A_471 = arith.constant 48 : index
        %get3A_472 = tpu.vector_load %arg9[%get3A_470, %get3A_471] {strides = array<i32>} : memref<160x64xi32, #tpu.memory_space<vmem>>, vector<16xi32>,
        %bitcast3A_473 = vector.bitcast %get3A_472 : vector<16xi32> to vector<32xbf16>
        %mul3A_474 = arith.mulf %bitcast3A_467, %bitcast3A_473 : vector<32xbf16>
        %add3A_475 = arith.addf %mul3A_441, %mul3A_452 : vector<32xbf16>
        %add3A_476 = arith.addf %mul3A_463, %mul3A_474 : vector<32xbf16>
        %add3A_477 = arith.addf %add3A_475, %add3A_476 : vector<32xbf16>
        %unpack3A_478 = tpu.unpack_subelements %add3A_477, 0 {pack_format = #tpu.pack_format<interleaved>} : vector<32xbf16> -> vector<16xf32>
        %unpack3A_479 = tpu.unpack_subelements %add3A_477, 1 {pack_format = #tpu.pack_format<interleaved>} : vector<32xbf16> -> vector<16xf32>
        %add3A_480 = arith.addf %unpack3A_478, %unpack3A_479 : vector<16xf32>
        %mul3A_481 = arith.constant 16 : i32
        %mul3A_482 = arith.muli %scan3A_105, %mul3A_481 : i32
        %add3A_483 = arith.constant 14 : i32
        %add3A_484 = arith.addi %mul3A_482, %add3A_483 : i32
        %get3A_485 = arith.index_cast %add3A_484 : i32 to index
        %get3A_486 = arith.constant 0 : index
        %get3A_487 = tpu.vector_load %arg9[%get3A_485, %get3A_486] {strides = array<i32>} : memref<160x64xi32, #tpu.memory_space<vmem>>, vector<16xi32>,
        %bitcast3A_488 = vector.bitcast %get3A_487 : vector<16xi32> to vector<32xbf16>
        %add3A_489 = arith.constant 80 : i32
        %add3A_490 = arith.addi %add3A_489, %add3A_484 : i32
        %get3A_491 = arith.index_cast %add3A_490 : i32 to index
        %get3A_492 = arith.constant 0 : index
        %get3A_493 = tpu.vector_load %arg9[%get3A_491, %get3A_492] {strides = array<i32>} : memref<160x64xi32, #tpu.memory_space<vmem>>, vector<16xi32>,
        %bitcast3A_494 = vector.bitcast %get3A_493 : vector<16xi32> to vector<32xbf16>
        %mul3A_495 = arith.mulf %bitcast3A_488, %bitcast3A_494 : vector<32xbf16>
        %get3A_496 = arith.index_cast %add3A_484 : i32 to index
        %get3A_497 = arith.constant 16 : index
        %get3A_498 = tpu.vector_load %arg9[%get3A_496, %get3A_497] {strides = array<i32>} : memref<160x64xi32, #tpu.memory_space<vmem>>, vector<16xi32>,
        %bitcast3A_499 = vector.bitcast %get3A_498 : vector<16xi32> to vector<32xbf16>
        %add3A_500 = arith.constant 80 : i32
        %add3A_501 = arith.addi %add3A_500, %add3A_484 : i32
        %get3A_502 = arith.index_cast %add3A_501 : i32 to index
        %get3A_503 = arith.constant 16 : index
        %get3A_504 = tpu.vector_load %arg9[%get3A_502, %get3A_503] {strides = array<i32>} : memref<160x64xi32, #tpu.memory_space<vmem>>, vector<16xi32>,
        %bitcast3A_505 = vector.bitcast %get3A_504 : vector<16xi32> to vector<32xbf16>
        %mul3A_506 = arith.mulf %bitcast3A_499, %bitcast3A_505 : vector<32xbf16>
        %get3A_507 = arith.index_cast %add3A_484 : i32 to index
        %get3A_508 = arith.constant 32 : index
        %get3A_509 = tpu.vector_load %arg9[%get3A_507, %get3A_508] {strides = array<i32>} : memref<160x64xi32, #tpu.memory_space<vmem>>, vector<16xi32>,
        %bitcast3A_510 = vector.bitcast %get3A_509 : vector<16xi32> to vector<32xbf16>
        %add3A_511 = arith.constant 80 : i32
        %add3A_512 = arith.addi %add3A_511, %add3A_484 : i32
        %get3A_513 = arith.index_cast %add3A_512 : i32 to index
        %get3A_514 = arith.constant 32 : index
        %get3A_515 = tpu.vector_load %arg9[%get3A_513, %get3A_514] {strides = array<i32>} : memref<160x64xi32, #tpu.memory_space<vmem>>, vector<16xi32>,
        %bitcast3A_516 = vector.bitcast %get3A_515 : vector<16xi32> to vector<32xbf16>
        %mul3A_517 = arith.mulf %bitcast3A_510, %bitcast3A_516 : vector<32xbf16>
        %get3A_518 = arith.index_cast %add3A_484 : i32 to index
        %get3A_519 = arith.constant 48 : index
        %get3A_520 = tpu.vector_load %arg9[%get3A_518, %get3A_519] {strides = array<i32>} : memref<160x64xi32, #tpu.memory_space<vmem>>, vector<16xi32>,
        %bitcast3A_521 = vector.bitcast %get3A_520 : vector<16xi32> to vector<32xbf16>
        %add3A_522 = arith.constant 80 : i32
        %add3A_523 = arith.addi %add3A_522, %add3A_484 : i32
        %get3A_524 = arith.index_cast %add3A_523 : i32 to index
        %get3A_525 = arith.constant 48 : index
        %get3A_526 = tpu.vector_load %arg9[%get3A_524, %get3A_525] {strides = array<i32>} : memref<160x64xi32, #tpu.memory_space<vmem>>, vector<16xi32>,
        %bitcast3A_527 = vector.bitcast %get3A_526 : vector<16xi32> to vector<32xbf16>
        %mul3A_528 = arith.mulf %bitcast3A_521, %bitcast3A_527 : vector<32xbf16>
        %add3A_529 = arith.addf %mul3A_495, %mul3A_506 : vector<32xbf16>
        %add3A_530 = arith.addf %mul3A_517, %mul3A_528 : vector<32xbf16>
        %add3A_531 = arith.addf %add3A_529, %add3A_530 : vector<32xbf16>
        %unpack3A_532 = tpu.unpack_subelements %add3A_531, 0 {pack_format = #tpu.pack_format<interleaved>} : vector<32xbf16> -> vector<16xf32>
        %unpack3A_533 = tpu.unpack_subelements %add3A_531, 1 {pack_format = #tpu.pack_format<interleaved>} : vector<32xbf16> -> vector<16xf32>
        %add3A_534 = arith.addf %unpack3A_532, %unpack3A_533 : vector<16xf32>
        %mul3A_535 = arith.constant 16 : i32
        %mul3A_536 = arith.muli %scan3A_105, %mul3A_535 : i32
        %add3A_537 = arith.constant 1 : i32
        %add3A_538 = arith.addi %mul3A_536, %add3A_537 : i32
        %get3A_539 = arith.index_cast %add3A_538 : i32 to index
        %get3A_540 = arith.constant 0 : index
        %get3A_541 = tpu.vector_load %arg9[%get3A_539, %get3A_540] {strides = array<i32>} : memref<160x64xi32, #tpu.memory_space<vmem>>, vector<16xi32>,
        %bitcast3A_542 = vector.bitcast %get3A_541 : vector<16xi32> to vector<32xbf16>
        %add3A_543 = arith.constant 80 : i32
        %add3A_544 = arith.addi %add3A_543, %add3A_538 : i32
        %get3A_545 = arith.index_cast %add3A_544 : i32 to index
        %get3A_546 = arith.constant 0 : index
        %get3A_547 = tpu.vector_load %arg9[%get3A_545, %get3A_546] {strides = array<i32>} : memref<160x64xi32, #tpu.memory_space<vmem>>, vector<16xi32>,
        %bitcast3A_548 = vector.bitcast %get3A_547 : vector<16xi32> to vector<32xbf16>
        %mul3A_549 = arith.mulf %bitcast3A_542, %bitcast3A_548 : vector<32xbf16>
        %get3A_550 = arith.index_cast %add3A_538 : i32 to index
        %get3A_551 = arith.constant 16 : index
        %get3A_552 = tpu.vector_load %arg9[%get3A_550, %get3A_551] {strides = array<i32>} : memref<160x64xi32, #tpu.memory_space<vmem>>, vector<16xi32>,
        %bitcast3A_553 = vector.bitcast %get3A_552 : vector<16xi32> to vector<32xbf16>
        %add3A_554 = arith.constant 80 : i32
        %add3A_555 = arith.addi %add3A_554, %add3A_538 : i32
        %get3A_556 = arith.index_cast %add3A_555 : i32 to index
        %get3A_557 = arith.constant 16 : index
        %get3A_558 = tpu.vector_load %arg9[%get3A_556, %get3A_557] {strides = array<i32>} : memref<160x64xi32, #tpu.memory_space<vmem>>, vector<16xi32>,
        %bitcast3A_559 = vector.bitcast %get3A_558 : vector<16xi32> to vector<32xbf16>
        %mul3A_560 = arith.mulf %bitcast3A_553, %bitcast3A_559 : vector<32xbf16>
        %get3A_561 = arith.index_cast %add3A_538 : i32 to index
        %get3A_562 = arith.constant 32 : index
        %get3A_563 = tpu.vector_load %arg9[%get3A_561, %get3A_562] {strides = array<i32>} : memref<160x64xi32, #tpu.memory_space<vmem>>, vector<16xi32>,
        %bitcast3A_564 = vector.bitcast %get3A_563 : vector<16xi32> to vector<32xbf16>
        %add3A_565 = arith.constant 80 : i32
        %add3A_566 = arith.addi %add3A_565, %add3A_538 : i32
        %get3A_567 = arith.index_cast %add3A_566 : i32 to index
        %get3A_568 = arith.constant 32 : index
        %get3A_569 = tpu.vector_load %arg9[%get3A_567, %get3A_568] {strides = array<i32>} : memref<160x64xi32, #tpu.memory_space<vmem>>, vector<16xi32>,
        %bitcast3A_570 = vector.bitcast %get3A_569 : vector<16xi32> to vector<32xbf16>
        %mul3A_571 = arith.mulf %bitcast3A_564, %bitcast3A_570 : vector<32xbf16>
        %get3A_572 = arith.index_cast %add3A_538 : i32 to index
        %get3A_573 = arith.constant 48 : index
        %get3A_574 = tpu.vector_load %arg9[%get3A_572, %get3A_573] {strides = array<i32>} : memref<160x64xi32, #tpu.memory_space<vmem>>, vector<16xi32>,
        %bitcast3A_575 = vector.bitcast %get3A_574 : vector<16xi32> to vector<32xbf16>
        %add3A_576 = arith.constant 80 : i32
        %add3A_577 = arith.addi %add3A_576, %add3A_538 : i32
        %get3A_578 = arith.index_cast %add3A_577 : i32 to index
        %get3A_579 = arith.constant 48 : index
        %get3A_580 = tpu.vector_load %arg9[%get3A_578, %get3A_579] {strides = array<i32>} : memref<160x64xi32, #tpu.memory_space<vmem>>, vector<16xi32>,
        %bitcast3A_581 = vector.bitcast %get3A_580 : vector<16xi32> to vector<32xbf16>
        %mul3A_582 = arith.mulf %bitcast3A_575, %bitcast3A_581 : vector<32xbf16>
        %add3A_583 = arith.addf %mul3A_549, %mul3A_560 : vector<32xbf16>
        %add3A_584 = arith.addf %mul3A_571, %mul3A_582 : vector<32xbf16>
        %add3A_585 = arith.addf %add3A_583, %add3A_584 : vector<32xbf16>
        %unpack3A_586 = tpu.unpack_subelements %add3A_585, 0 {pack_format = #tpu.pack_format<interleaved>} : vector<32xbf16> -> vector<16xf32>
        %unpack3A_587 = tpu.unpack_subelements %add3A_585, 1 {pack_format = #tpu.pack_format<interleaved>} : vector<32xbf16> -> vector<16xf32>
        %add3A_588 = arith.addf %unpack3A_586, %unpack3A_587 : vector<16xf32>
        %mul3A_589 = arith.constant 16 : i32
        %mul3A_590 = arith.muli %scan3A_105, %mul3A_589 : i32
        %add3A_591 = arith.constant 9 : i32
        %add3A_592 = arith.addi %mul3A_590, %add3A_591 : i32
        %get3A_593 = arith.index_cast %add3A_592 : i32 to index
        %get3A_594 = arith.constant 0 : index
        %get3A_595 = tpu.vector_load %arg9[%get3A_593, %get3A_594] {strides = array<i32>} : memref<160x64xi32, #tpu.memory_space<vmem>>, vector<16xi32>,
        %bitcast3A_596 = vector.bitcast %get3A_595 : vector<16xi32> to vector<32xbf16>
        %add3A_597 = arith.constant 80 : i32
        %add3A_598 = arith.addi %add3A_597, %add3A_592 : i32
        %get3A_599 = arith.index_cast %add3A_598 : i32 to index
        %get3A_600 = arith.constant 0 : index
        %get3A_601 = tpu.vector_load %arg9[%get3A_599, %get3A_600] {strides = array<i32>} : memref<160x64xi32, #tpu.memory_space<vmem>>, vector<16xi32>,
        %bitcast3A_602 = vector.bitcast %get3A_601 : vector<16xi32> to vector<32xbf16>
        %mul3A_603 = arith.mulf %bitcast3A_596, %bitcast3A_602 : vector<32xbf16>
        %get3A_604 = arith.index_cast %add3A_592 : i32 to index
        %get3A_605 = arith.constant 16 : index
        %get3A_606 = tpu.vector_load %arg9[%get3A_604, %get3A_605] {strides = array<i32>} : memref<160x64xi32, #tpu.memory_space<vmem>>, vector<16xi32>,
        %bitcast3A_607 = vector.bitcast %get3A_606 : vector<16xi32> to vector<32xbf16>
        %add3A_608 = arith.constant 80 : i32
        %add3A_609 = arith.addi %add3A_608, %add3A_592 : i32
        %get3A_610 = arith.index_cast %add3A_609 : i32 to index
        %get3A_611 = arith.constant 16 : index
        %get3A_612 = tpu.vector_load %arg9[%get3A_610, %get3A_611] {strides = array<i32>} : memref<160x64xi32, #tpu.memory_space<vmem>>, vector<16xi32>,
        %bitcast3A_613 = vector.bitcast %get3A_612 : vector<16xi32> to vector<32xbf16>
        %mul3A_614 = arith.mulf %bitcast3A_607, %bitcast3A_613 : vector<32xbf16>
        %get3A_615 = arith.index_cast %add3A_592 : i32 to index
        %get3A_616 = arith.constant 32 : index
        %get3A_617 = tpu.vector_load %arg9[%get3A_615, %get3A_616] {strides = array<i32>} : memref<160x64xi32, #tpu.memory_space<vmem>>, vector<16xi32>,
        %bitcast3A_618 = vector.bitcast %get3A_617 : vector<16xi32> to vector<32xbf16>
        %add3A_619 = arith.constant 80 : i32
        %add3A_620 = arith.addi %add3A_619, %add3A_592 : i32
        %get3A_621 = arith.index_cast %add3A_620 : i32 to index
        %get3A_622 = arith.constant 32 : index
        %get3A_623 = tpu.vector_load %arg9[%get3A_621, %get3A_622] {strides = array<i32>} : memref<160x64xi32, #tpu.memory_space<vmem>>, vector<16xi32>,
        %bitcast3A_624 = vector.bitcast %get3A_623 : vector<16xi32> to vector<32xbf16>
        %mul3A_625 = arith.mulf %bitcast3A_618, %bitcast3A_624 : vector<32xbf16>
        %get3A_626 = arith.index_cast %add3A_592 : i32 to index
        %get3A_627 = arith.constant 48 : index
        %get3A_628 = tpu.vector_load %arg9[%get3A_626, %get3A_627] {strides = array<i32>} : memref<160x64xi32, #tpu.memory_space<vmem>>, vector<16xi32>,
        %bitcast3A_629 = vector.bitcast %get3A_628 : vector<16xi32> to vector<32xbf16>
        %add3A_630 = arith.constant 80 : i32
        %add3A_631 = arith.addi %add3A_630, %add3A_592 : i32
        %get3A_632 = arith.index_cast %add3A_631 : i32 to index
        %get3A_633 = arith.constant 48 : index
        %get3A_634 = tpu.vector_load %arg9[%get3A_632, %get3A_633] {strides = array<i32>} : memref<160x64xi32, #tpu.memory_space<vmem>>, vector<16xi32>,
        %bitcast3A_635 = vector.bitcast %get3A_634 : vector<16xi32> to vector<32xbf16>
        %mul3A_636 = arith.mulf %bitcast3A_629, %bitcast3A_635 : vector<32xbf16>
        %add3A_637 = arith.addf %mul3A_603, %mul3A_614 : vector<32xbf16>
        %add3A_638 = arith.addf %mul3A_625, %mul3A_636 : vector<32xbf16>
        %add3A_639 = arith.addf %add3A_637, %add3A_638 : vector<32xbf16>
        %unpack3A_640 = tpu.unpack_subelements %add3A_639, 0 {pack_format = #tpu.pack_format<interleaved>} : vector<32xbf16> -> vector<16xf32>
        %unpack3A_641 = tpu.unpack_subelements %add3A_639, 1 {pack_format = #tpu.pack_format<interleaved>} : vector<32xbf16> -> vector<16xf32>
        %add3A_642 = arith.addf %unpack3A_640, %unpack3A_641 : vector<16xf32>
        %mul3A_643 = arith.constant 16 : i32
        %mul3A_644 = arith.muli %scan3A_105, %mul3A_643 : i32
        %add3A_645 = arith.constant 5 : i32
        %add3A_646 = arith.addi %mul3A_644, %add3A_645 : i32
        %get3A_647 = arith.index_cast %add3A_646 : i32 to index
        %get3A_648 = arith.constant 0 : index
        %get3A_649 = tpu.vector_load %arg9[%get3A_647, %get3A_648] {strides = array<i32>} : memref<160x64xi32, #tpu.memory_space<vmem>>, vector<16xi32>,
        %bitcast3A_650 = vector.bitcast %get3A_649 : vector<16xi32> to vector<32xbf16>
        %add3A_651 = arith.constant 80 : i32
        %add3A_652 = arith.addi %add3A_651, %add3A_646 : i32
        %get3A_653 = arith.index_cast %add3A_652 : i32 to index
        %get3A_654 = arith.constant 0 : index
        %get3A_655 = tpu.vector_load %arg9[%get3A_653, %get3A_654] {strides = array<i32>} : memref<160x64xi32, #tpu.memory_space<vmem>>, vector<16xi32>,
        %bitcast3A_656 = vector.bitcast %get3A_655 : vector<16xi32> to vector<32xbf16>
        %mul3A_657 = arith.mulf %bitcast3A_650, %bitcast3A_656 : vector<32xbf16>
        %get3A_658 = arith.index_cast %add3A_646 : i32 to index
        %get3A_659 = arith.constant 16 : index
        %get3A_660 = tpu.vector_load %arg9[%get3A_658, %get3A_659] {strides = array<i32>} : memref<160x64xi32, #tpu.memory_space<vmem>>, vector<16xi32>,
        %bitcast3A_661 = vector.bitcast %get3A_660 : vector<16xi32> to vector<32xbf16>
        %add3A_662 = arith.constant 80 : i32
        %add3A_663 = arith.addi %add3A_662, %add3A_646 : i32
        %get3A_664 = arith.index_cast %add3A_663 : i32 to index
        %get3A_665 = arith.constant 16 : index
        %get3A_666 = tpu.vector_load %arg9[%get3A_664, %get3A_665] {strides = array<i32>} : memref<160x64xi32, #tpu.memory_space<vmem>>, vector<16xi32>,
        %bitcast3A_667 = vector.bitcast %get3A_666 : vector<16xi32> to vector<32xbf16>
        %mul3A_668 = arith.mulf %bitcast3A_661, %bitcast3A_667 : vector<32xbf16>
        %get3A_669 = arith.index_cast %add3A_646 : i32 to index
        %get3A_670 = arith.constant 32 : index
        %get3A_671 = tpu.vector_load %arg9[%get3A_669, %get3A_670] {strides = array<i32>} : memref<160x64xi32, #tpu.memory_space<vmem>>, vector<16xi32>,
        %bitcast3A_672 = vector.bitcast %get3A_671 : vector<16xi32> to vector<32xbf16>
        %add3A_673 = arith.constant 80 : i32
        %add3A_674 = arith.addi %add3A_673, %add3A_646 : i32
        %get3A_675 = arith.index_cast %add3A_674 : i32 to index
        %get3A_676 = arith.constant 32 : index
        %get3A_677 = tpu.vector_load %arg9[%get3A_675, %get3A_676] {strides = array<i32>} : memref<160x64xi32, #tpu.memory_space<vmem>>, vector<16xi32>,
        %bitcast3A_678 = vector.bitcast %get3A_677 : vector<16xi32> to vector<32xbf16>
        %mul3A_679 = arith.mulf %bitcast3A_672, %bitcast3A_678 : vector<32xbf16>
        %get3A_680 = arith.index_cast %add3A_646 : i32 to index
        %get3A_681 = arith.constant 48 : index
        %get3A_682 = tpu.vector_load %arg9[%get3A_680, %get3A_681] {strides = array<i32>} : memref<160x64xi32, #tpu.memory_space<vmem>>, vector<16xi32>,
        %bitcast3A_683 = vector.bitcast %get3A_682 : vector<16xi32> to vector<32xbf16>
        %add3A_684 = arith.constant 80 : i32
        %add3A_685 = arith.addi %add3A_684, %add3A_646 : i32
        %get3A_686 = arith.index_cast %add3A_685 : i32 to index
        %get3A_687 = arith.constant 48 : index
        %get3A_688 = tpu.vector_load %arg9[%get3A_686, %get3A_687] {strides = array<i32>} : memref<160x64xi32, #tpu.memory_space<vmem>>, vector<16xi32>,
        %bitcast3A_689 = vector.bitcast %get3A_688 : vector<16xi32> to vector<32xbf16>
        %mul3A_690 = arith.mulf %bitcast3A_683, %bitcast3A_689 : vector<32xbf16>
        %add3A_691 = arith.addf %mul3A_657, %mul3A_668 : vector<32xbf16>
        %add3A_692 = arith.addf %mul3A_679, %mul3A_690 : vector<32xbf16>
        %add3A_693 = arith.addf %add3A_691, %add3A_692 : vector<32xbf16>
        %unpack3A_694 = tpu.unpack_subelements %add3A_693, 0 {pack_format = #tpu.pack_format<interleaved>} : vector<32xbf16> -> vector<16xf32>
        %unpack3A_695 = tpu.unpack_subelements %add3A_693, 1 {pack_format = #tpu.pack_format<interleaved>} : vector<32xbf16> -> vector<16xf32>
        %add3A_696 = arith.addf %unpack3A_694, %unpack3A_695 : vector<16xf32>
        %mul3A_697 = arith.constant 16 : i32
        %mul3A_698 = arith.muli %scan3A_105, %mul3A_697 : i32
        %add3A_699 = arith.constant 13 : i32
        %add3A_700 = arith.addi %mul3A_698, %add3A_699 : i32
        %get3A_701 = arith.index_cast %add3A_700 : i32 to index
        %get3A_702 = arith.constant 0 : index
        %get3A_703 = tpu.vector_load %arg9[%get3A_701, %get3A_702] {strides = array<i32>} : memref<160x64xi32, #tpu.memory_space<vmem>>, vector<16xi32>,
        %bitcast3A_704 = vector.bitcast %get3A_703 : vector<16xi32> to vector<32xbf16>
        %add3A_705 = arith.constant 80 : i32
        %add3A_706 = arith.addi %add3A_705, %add3A_700 : i32
        %get3A_707 = arith.index_cast %add3A_706 : i32 to index
        %get3A_708 = arith.constant 0 : index
        %get3A_709 = tpu.vector_load %arg9[%get3A_707, %get3A_708] {strides = array<i32>} : memref<160x64xi32, #tpu.memory_space<vmem>>, vector<16xi32>,
        %bitcast3A_710 = vector.bitcast %get3A_709 : vector<16xi32> to vector<32xbf16>
        %mul3A_711 = arith.mulf %bitcast3A_704, %bitcast3A_710 : vector<32xbf16>
        %get3A_712 = arith.index_cast %add3A_700 : i32 to index
        %get3A_713 = arith.constant 16 : index
        %get3A_714 = tpu.vector_load %arg9[%get3A_712, %get3A_713] {strides = array<i32>} : memref<160x64xi32, #tpu.memory_space<vmem>>, vector<16xi32>,
        %bitcast3A_715 = vector.bitcast %get3A_714 : vector<16xi32> to vector<32xbf16>
        %add3A_716 = arith.constant 80 : i32
        %add3A_717 = arith.addi %add3A_716, %add3A_700 : i32
        %get3A_718 = arith.index_cast %add3A_717 : i32 to index
        %get3A_719 = arith.constant 16 : index
        %get3A_720 = tpu.vector_load %arg9[%get3A_718, %get3A_719] {strides = array<i32>} : memref<160x64xi32, #tpu.memory_space<vmem>>, vector<16xi32>,
        %bitcast3A_721 = vector.bitcast %get3A_720 : vector<16xi32> to vector<32xbf16>
        %mul3A_722 = arith.mulf %bitcast3A_715, %bitcast3A_721 : vector<32xbf16>
        %get3A_723 = arith.index_cast %add3A_700 : i32 to index
        %get3A_724 = arith.constant 32 : index
        %get3A_725 = tpu.vector_load %arg9[%get3A_723, %get3A_724] {strides = array<i32>} : memref<160x64xi32, #tpu.memory_space<vmem>>, vector<16xi32>,
        %bitcast3A_726 = vector.bitcast %get3A_725 : vector<16xi32> to vector<32xbf16>
        %add3A_727 = arith.constant 80 : i32
        %add3A_728 = arith.addi %add3A_727, %add3A_700 : i32
        %get3A_729 = arith.index_cast %add3A_728 : i32 to index
        %get3A_730 = arith.constant 32 : index
        %get3A_731 = tpu.vector_load %arg9[%get3A_729, %get3A_730] {strides = array<i32>} : memref<160x64xi32, #tpu.memory_space<vmem>>, vector<16xi32>,
        %bitcast3A_732 = vector.bitcast %get3A_731 : vector<16xi32> to vector<32xbf16>
        %mul3A_733 = arith.mulf %bitcast3A_726, %bitcast3A_732 : vector<32xbf16>
        %get3A_734 = arith.index_cast %add3A_700 : i32 to index
        %get3A_735 = arith.constant 48 : index
        %get3A_736 = tpu.vector_load %arg9[%get3A_734, %get3A_735] {strides = array<i32>} : memref<160x64xi32, #tpu.memory_space<vmem>>, vector<16xi32>,
        %bitcast3A_737 = vector.bitcast %get3A_736 : vector<16xi32> to vector<32xbf16>
        %add3A_738 = arith.constant 80 : i32
        %add3A_739 = arith.addi %add3A_738, %add3A_700 : i32
        %get3A_740 = arith.index_cast %add3A_739 : i32 to index
        %get3A_741 = arith.constant 48 : index
        %get3A_742 = tpu.vector_load %arg9[%get3A_740, %get3A_741] {strides = array<i32>} : memref<160x64xi32, #tpu.memory_space<vmem>>, vector<16xi32>,
        %bitcast3A_743 = vector.bitcast %get3A_742 : vector<16xi32> to vector<32xbf16>
        %mul3A_744 = arith.mulf %bitcast3A_737, %bitcast3A_743 : vector<32xbf16>
        %add3A_745 = arith.addf %mul3A_711, %mul3A_722 : vector<32xbf16>
        %add3A_746 = arith.addf %mul3A_733, %mul3A_744 : vector<32xbf16>
        %add3A_747 = arith.addf %add3A_745, %add3A_746 : vector<32xbf16>
        %unpack3A_748 = tpu.unpack_subelements %add3A_747, 0 {pack_format = #tpu.pack_format<interleaved>} : vector<32xbf16> -> vector<16xf32>
        %unpack3A_749 = tpu.unpack_subelements %add3A_747, 1 {pack_format = #tpu.pack_format<interleaved>} : vector<32xbf16> -> vector<16xf32>
        %add3A_750 = arith.addf %unpack3A_748, %unpack3A_749 : vector<16xf32>
        %mul3A_751 = arith.constant 16 : i32
        %mul3A_752 = arith.muli %scan3A_105, %mul3A_751 : i32
        %add3A_753 = arith.constant 3 : i32
        %add3A_754 = arith.addi %mul3A_752, %add3A_753 : i32
        %get3A_755 = arith.index_cast %add3A_754 : i32 to index
        %get3A_756 = arith.constant 0 : index
        %get3A_757 = tpu.vector_load %arg9[%get3A_755, %get3A_756] {strides = array<i32>} : memref<160x64xi32, #tpu.memory_space<vmem>>, vector<16xi32>,
        %bitcast3A_758 = vector.bitcast %get3A_757 : vector<16xi32> to vector<32xbf16>
        %add3A_759 = arith.constant 80 : i32
        %add3A_760 = arith.addi %add3A_759, %add3A_754 : i32
        %get3A_761 = arith.index_cast %add3A_760 : i32 to index
        %get3A_762 = arith.constant 0 : index
        %get3A_763 = tpu.vector_load %arg9[%get3A_761, %get3A_762] {strides = array<i32>} : memref<160x64xi32, #tpu.memory_space<vmem>>, vector<16xi32>,
        %bitcast3A_764 = vector.bitcast %get3A_763 : vector<16xi32> to vector<32xbf16>
        %mul3A_765 = arith.mulf %bitcast3A_758, %bitcast3A_764 : vector<32xbf16>
        %get3A_766 = arith.index_cast %add3A_754 : i32 to index
        %get3A_767 = arith.constant 16 : index
        %get3A_768 = tpu.vector_load %arg9[%get3A_766, %get3A_767] {strides = array<i32>} : memref<160x64xi32, #tpu.memory_space<vmem>>, vector<16xi32>,
        %bitcast3A_769 = vector.bitcast %get3A_768 : vector<16xi32> to vector<32xbf16>
        %add3A_770 = arith.constant 80 : i32
        %add3A_771 = arith.addi %add3A_770, %add3A_754 : i32
        %get3A_772 = arith.index_cast %add3A_771 : i32 to index
        %get3A_773 = arith.constant 16 : index
        %get3A_774 = tpu.vector_load %arg9[%get3A_772, %get3A_773] {strides = array<i32>} : memref<160x64xi32, #tpu.memory_space<vmem>>, vector<16xi32>,
        %bitcast3A_775 = vector.bitcast %get3A_774 : vector<16xi32> to vector<32xbf16>
        %mul3A_776 = arith.mulf %bitcast3A_769, %bitcast3A_775 : vector<32xbf16>
        %get3A_777 = arith.index_cast %add3A_754 : i32 to index
        %get3A_778 = arith.constant 32 : index
        %get3A_779 = tpu.vector_load %arg9[%get3A_777, %get3A_778] {strides = array<i32>} : memref<160x64xi32, #tpu.memory_space<vmem>>, vector<16xi32>,
        %bitcast3A_780 = vector.bitcast %get3A_779 : vector<16xi32> to vector<32xbf16>
        %add3A_781 = arith.constant 80 : i32
        %add3A_782 = arith.addi %add3A_781, %add3A_754 : i32
        %get3A_783 = arith.index_cast %add3A_782 : i32 to index
        %get3A_784 = arith.constant 32 : index
        %get3A_785 = tpu.vector_load %arg9[%get3A_783, %get3A_784] {strides = array<i32>} : memref<160x64xi32, #tpu.memory_space<vmem>>, vector<16xi32>,
        %bitcast3A_786 = vector.bitcast %get3A_785 : vector<16xi32> to vector<32xbf16>
        %mul3A_787 = arith.mulf %bitcast3A_780, %bitcast3A_786 : vector<32xbf16>
        %get3A_788 = arith.index_cast %add3A_754 : i32 to index
        %get3A_789 = arith.constant 48 : index
        %get3A_790 = tpu.vector_load %arg9[%get3A_788, %get3A_789] {strides = array<i32>} : memref<160x64xi32, #tpu.memory_space<vmem>>, vector<16xi32>,
        %bitcast3A_791 = vector.bitcast %get3A_790 : vector<16xi32> to vector<32xbf16>
        %add3A_792 = arith.constant 80 : i32
        %add3A_793 = arith.addi %add3A_792, %add3A_754 : i32
        %get3A_794 = arith.index_cast %add3A_793 : i32 to index
        %get3A_795 = arith.constant 48 : index
        %get3A_796 = tpu.vector_load %arg9[%get3A_794, %get3A_795] {strides = array<i32>} : memref<160x64xi32, #tpu.memory_space<vmem>>, vector<16xi32>,
        %bitcast3A_797 = vector.bitcast %get3A_796 : vector<16xi32> to vector<32xbf16>
        %mul3A_798 = arith.mulf %bitcast3A_791, %bitcast3A_797 : vector<32xbf16>
        %add3A_799 = arith.addf %mul3A_765, %mul3A_776 : vector<32xbf16>
        %add3A_800 = arith.addf %mul3A_787, %mul3A_798 : vector<32xbf16>
        %add3A_801 = arith.addf %add3A_799, %add3A_800 : vector<32xbf16>
        %unpack3A_802 = tpu.unpack_subelements %add3A_801, 0 {pack_format = #tpu.pack_format<interleaved>} : vector<32xbf16> -> vector<16xf32>
        %unpack3A_803 = tpu.unpack_subelements %add3A_801, 1 {pack_format = #tpu.pack_format<interleaved>} : vector<32xbf16> -> vector<16xf32>
        %add3A_804 = arith.addf %unpack3A_802, %unpack3A_803 : vector<16xf32>
        %mul3A_805 = arith.constant 16 : i32
        %mul3A_806 = arith.muli %scan3A_105, %mul3A_805 : i32
        %add3A_807 = arith.constant 11 : i32
        %add3A_808 = arith.addi %mul3A_806, %add3A_807 : i32
        %get3A_809 = arith.index_cast %add3A_808 : i32 to index
        %get3A_810 = arith.constant 0 : index
        %get3A_811 = tpu.vector_load %arg9[%get3A_809, %get3A_810] {strides = array<i32>} : memref<160x64xi32, #tpu.memory_space<vmem>>, vector<16xi32>,
        %bitcast3A_812 = vector.bitcast %get3A_811 : vector<16xi32> to vector<32xbf16>
        %add3A_813 = arith.constant 80 : i32
        %add3A_814 = arith.addi %add3A_813, %add3A_808 : i32
        %get3A_815 = arith.index_cast %add3A_814 : i32 to index
        %get3A_816 = arith.constant 0 : index
        %get3A_817 = tpu.vector_load %arg9[%get3A_815, %get3A_816] {strides = array<i32>} : memref<160x64xi32, #tpu.memory_space<vmem>>, vector<16xi32>,
        %bitcast3A_818 = vector.bitcast %get3A_817 : vector<16xi32> to vector<32xbf16>
        %mul3A_819 = arith.mulf %bitcast3A_812, %bitcast3A_818 : vector<32xbf16>
        %get3A_820 = arith.index_cast %add3A_808 : i32 to index
        %get3A_821 = arith.constant 16 : index
        %get3A_822 = tpu.vector_load %arg9[%get3A_820, %get3A_821] {strides = array<i32>} : memref<160x64xi32, #tpu.memory_space<vmem>>, vector<16xi32>,
        %bitcast3A_823 = vector.bitcast %get3A_822 : vector<16xi32> to vector<32xbf16>
        %add3A_824 = arith.constant 80 : i32
        %add3A_825 = arith.addi %add3A_824, %add3A_808 : i32
        %get3A_826 = arith.index_cast %add3A_825 : i32 to index
        %get3A_827 = arith.constant 16 : index
        %get3A_828 = tpu.vector_load %arg9[%get3A_826, %get3A_827] {strides = array<i32>} : memref<160x64xi32, #tpu.memory_space<vmem>>, vector<16xi32>,
        %bitcast3A_829 = vector.bitcast %get3A_828 : vector<16xi32> to vector<32xbf16>
        %mul3A_830 = arith.mulf %bitcast3A_823, %bitcast3A_829 : vector<32xbf16>
        %get3A_831 = arith.index_cast %add3A_808 : i32 to index
        %get3A_832 = arith.constant 32 : index
        %get3A_833 = tpu.vector_load %arg9[%get3A_831, %get3A_832] {strides = array<i32>} : memref<160x64xi32, #tpu.memory_space<vmem>>, vector<16xi32>,
        %bitcast3A_834 = vector.bitcast %get3A_833 : vector<16xi32> to vector<32xbf16>
        %add3A_835 = arith.constant 80 : i32
        %add3A_836 = arith.addi %add3A_835, %add3A_808 : i32
        %get3A_837 = arith.index_cast %add3A_836 : i32 to index
        %get3A_838 = arith.constant 32 : index
        %get3A_839 = tpu.vector_load %arg9[%get3A_837, %get3A_838] {strides = array<i32>} : memref<160x64xi32, #tpu.memory_space<vmem>>, vector<16xi32>,
        %bitcast3A_840 = vector.bitcast %get3A_839 : vector<16xi32> to vector<32xbf16>
        %mul3A_841 = arith.mulf %bitcast3A_834, %bitcast3A_840 : vector<32xbf16>
        %get3A_842 = arith.index_cast %add3A_808 : i32 to index
        %get3A_843 = arith.constant 48 : index
        %get3A_844 = tpu.vector_load %arg9[%get3A_842, %get3A_843] {strides = array<i32>} : memref<160x64xi32, #tpu.memory_space<vmem>>, vector<16xi32>,
        %bitcast3A_845 = vector.bitcast %get3A_844 : vector<16xi32> to vector<32xbf16>
        %add3A_846 = arith.constant 80 : i32
        %add3A_847 = arith.addi %add3A_846, %add3A_808 : i32
        %get3A_848 = arith.index_cast %add3A_847 : i32 to index
        %get3A_849 = arith.constant 48 : index
        %get3A_850 = tpu.vector_load %arg9[%get3A_848, %get3A_849] {strides = array<i32>} : memref<160x64xi32, #tpu.memory_space<vmem>>, vector<16xi32>,
        %bitcast3A_851 = vector.bitcast %get3A_850 : vector<16xi32> to vector<32xbf16>
        %mul3A_852 = arith.mulf %bitcast3A_845, %bitcast3A_851 : vector<32xbf16>
        %add3A_853 = arith.addf %mul3A_819, %mul3A_830 : vector<32xbf16>
        %add3A_854 = arith.addf %mul3A_841, %mul3A_852 : vector<32xbf16>
        %add3A_855 = arith.addf %add3A_853, %add3A_854 : vector<32xbf16>
        %unpack3A_856 = tpu.unpack_subelements %add3A_855, 0 {pack_format = #tpu.pack_format<interleaved>} : vector<32xbf16> -> vector<16xf32>
        %unpack3A_857 = tpu.unpack_subelements %add3A_855, 1 {pack_format = #tpu.pack_format<interleaved>} : vector<32xbf16> -> vector<16xf32>
        %add3A_858 = arith.addf %unpack3A_856, %unpack3A_857 : vector<16xf32>
        %mul3A_859 = arith.constant 16 : i32
        %mul3A_860 = arith.muli %scan3A_105, %mul3A_859 : i32
        %add3A_861 = arith.constant 7 : i32
        %add3A_862 = arith.addi %mul3A_860, %add3A_861 : i32
        %get3A_863 = arith.index_cast %add3A_862 : i32 to index
        %get3A_864 = arith.constant 0 : index
        %get3A_865 = tpu.vector_load %arg9[%get3A_863, %get3A_864] {strides = array<i32>} : memref<160x64xi32, #tpu.memory_space<vmem>>, vector<16xi32>,
        %bitcast3A_866 = vector.bitcast %get3A_865 : vector<16xi32> to vector<32xbf16>
        %add3A_867 = arith.constant 80 : i32
        %add3A_868 = arith.addi %add3A_867, %add3A_862 : i32
        %get3A_869 = arith.index_cast %add3A_868 : i32 to index
        %get3A_870 = arith.constant 0 : index
        %get3A_871 = tpu.vector_load %arg9[%get3A_869, %get3A_870] {strides = array<i32>} : memref<160x64xi32, #tpu.memory_space<vmem>>, vector<16xi32>,
        %bitcast3A_872 = vector.bitcast %get3A_871 : vector<16xi32> to vector<32xbf16>
        %mul3A_873 = arith.mulf %bitcast3A_866, %bitcast3A_872 : vector<32xbf16>
        %get3A_874 = arith.index_cast %add3A_862 : i32 to index
        %get3A_875 = arith.constant 16 : index
        %get3A_876 = tpu.vector_load %arg9[%get3A_874, %get3A_875] {strides = array<i32>} : memref<160x64xi32, #tpu.memory_space<vmem>>, vector<16xi32>,
        %bitcast3A_877 = vector.bitcast %get3A_876 : vector<16xi32> to vector<32xbf16>
        %add3A_878 = arith.constant 80 : i32
        %add3A_879 = arith.addi %add3A_878, %add3A_862 : i32
        %get3A_880 = arith.index_cast %add3A_879 : i32 to index
        %get3A_881 = arith.constant 16 : index
        %get3A_882 = tpu.vector_load %arg9[%get3A_880, %get3A_881] {strides = array<i32>} : memref<160x64xi32, #tpu.memory_space<vmem>>, vector<16xi32>,
        %bitcast3A_883 = vector.bitcast %get3A_882 : vector<16xi32> to vector<32xbf16>
        %mul3A_884 = arith.mulf %bitcast3A_877, %bitcast3A_883 : vector<32xbf16>
        %get3A_885 = arith.index_cast %add3A_862 : i32 to index
        %get3A_886 = arith.constant 32 : index
        %get3A_887 = tpu.vector_load %arg9[%get3A_885, %get3A_886] {strides = array<i32>} : memref<160x64xi32, #tpu.memory_space<vmem>>, vector<16xi32>,
        %bitcast3A_888 = vector.bitcast %get3A_887 : vector<16xi32> to vector<32xbf16>
        %add3A_889 = arith.constant 80 : i32
        %add3A_890 = arith.addi %add3A_889, %add3A_862 : i32
        %get3A_891 = arith.index_cast %add3A_890 : i32 to index
        %get3A_892 = arith.constant 32 : index
        %get3A_893 = tpu.vector_load %arg9[%get3A_891, %get3A_892] {strides = array<i32>} : memref<160x64xi32, #tpu.memory_space<vmem>>, vector<16xi32>,
        %bitcast3A_894 = vector.bitcast %get3A_893 : vector<16xi32> to vector<32xbf16>
        %mul3A_895 = arith.mulf %bitcast3A_888, %bitcast3A_894 : vector<32xbf16>
        %get3A_896 = arith.index_cast %add3A_862 : i32 to index
        %get3A_897 = arith.constant 48 : index
        %get3A_898 = tpu.vector_load %arg9[%get3A_896, %get3A_897] {strides = array<i32>} : memref<160x64xi32, #tpu.memory_space<vmem>>, vector<16xi32>,
        %bitcast3A_899 = vector.bitcast %get3A_898 : vector<16xi32> to vector<32xbf16>
        %add3A_900 = arith.constant 80 : i32
        %add3A_901 = arith.addi %add3A_900, %add3A_862 : i32
        %get3A_902 = arith.index_cast %add3A_901 : i32 to index
        %get3A_903 = arith.constant 48 : index
        %get3A_904 = tpu.vector_load %arg9[%get3A_902, %get3A_903] {strides = array<i32>} : memref<160x64xi32, #tpu.memory_space<vmem>>, vector<16xi32>,
        %bitcast3A_905 = vector.bitcast %get3A_904 : vector<16xi32> to vector<32xbf16>
        %mul3A_906 = arith.mulf %bitcast3A_899, %bitcast3A_905 : vector<32xbf16>
        %add3A_907 = arith.addf %mul3A_873, %mul3A_884 : vector<32xbf16>
        %add3A_908 = arith.addf %mul3A_895, %mul3A_906 : vector<32xbf16>
        %add3A_909 = arith.addf %add3A_907, %add3A_908 : vector<32xbf16>
        %unpack3A_910 = tpu.unpack_subelements %add3A_909, 0 {pack_format = #tpu.pack_format<interleaved>} : vector<32xbf16> -> vector<16xf32>
        %unpack3A_911 = tpu.unpack_subelements %add3A_909, 1 {pack_format = #tpu.pack_format<interleaved>} : vector<32xbf16> -> vector<16xf32>
        %add3A_912 = arith.addf %unpack3A_910, %unpack3A_911 : vector<16xf32>
        %mul3A_913 = arith.constant 16 : i32
        %mul3A_914 = arith.muli %scan3A_105, %mul3A_913 : i32
        %add3A_915 = arith.constant 15 : i32
        %add3A_916 = arith.addi %mul3A_914, %add3A_915 : i32
        %get3A_917 = arith.index_cast %add3A_916 : i32 to index
        %get3A_918 = arith.constant 0 : index
        %get3A_919 = tpu.vector_load %arg9[%get3A_917, %get3A_918] {strides = array<i32>} : memref<160x64xi32, #tpu.memory_space<vmem>>, vector<16xi32>,
        %bitcast3A_920 = vector.bitcast %get3A_919 : vector<16xi32> to vector<32xbf16>
        %add3A_921 = arith.constant 80 : i32
        %add3A_922 = arith.addi %add3A_921, %add3A_916 : i32
        %get3A_923 = arith.index_cast %add3A_922 : i32 to index
        %get3A_924 = arith.constant 0 : index
        %get3A_925 = tpu.vector_load %arg9[%get3A_923, %get3A_924] {strides = array<i32>} : memref<160x64xi32, #tpu.memory_space<vmem>>, vector<16xi32>,
        %bitcast3A_926 = vector.bitcast %get3A_925 : vector<16xi32> to vector<32xbf16>
        %mul3A_927 = arith.mulf %bitcast3A_920, %bitcast3A_926 : vector<32xbf16>
        %get3A_928 = arith.index_cast %add3A_916 : i32 to index
        %get3A_929 = arith.constant 16 : index
        %get3A_930 = tpu.vector_load %arg9[%get3A_928, %get3A_929] {strides = array<i32>} : memref<160x64xi32, #tpu.memory_space<vmem>>, vector<16xi32>,
        %bitcast3A_931 = vector.bitcast %get3A_930 : vector<16xi32> to vector<32xbf16>
        %add3A_932 = arith.constant 80 : i32
        %add3A_933 = arith.addi %add3A_932, %add3A_916 : i32
        %get3A_934 = arith.index_cast %add3A_933 : i32 to index
        %get3A_935 = arith.constant 16 : index
        %get3A_936 = tpu.vector_load %arg9[%get3A_934, %get3A_935] {strides = array<i32>} : memref<160x64xi32, #tpu.memory_space<vmem>>, vector<16xi32>,
        %bitcast3A_937 = vector.bitcast %get3A_936 : vector<16xi32> to vector<32xbf16>
        %mul3A_938 = arith.mulf %bitcast3A_931, %bitcast3A_937 : vector<32xbf16>
        %get3A_939 = arith.index_cast %add3A_916 : i32 to index
        %get3A_940 = arith.constant 32 : index
        %get3A_941 = tpu.vector_load %arg9[%get3A_939, %get3A_940] {strides = array<i32>} : memref<160x64xi32, #tpu.memory_space<vmem>>, vector<16xi32>,
        %bitcast3A_942 = vector.bitcast %get3A_941 : vector<16xi32> to vector<32xbf16>
        %add3A_943 = arith.constant 80 : i32
        %add3A_944 = arith.addi %add3A_943, %add3A_916 : i32
        %get3A_945 = arith.index_cast %add3A_944 : i32 to index
        %get3A_946 = arith.constant 32 : index
        %get3A_947 = tpu.vector_load %arg9[%get3A_945, %get3A_946] {strides = array<i32>} : memref<160x64xi32, #tpu.memory_space<vmem>>, vector<16xi32>,
        %bitcast3A_948 = vector.bitcast %get3A_947 : vector<16xi32> to vector<32xbf16>
        %mul3A_949 = arith.mulf %bitcast3A_942, %bitcast3A_948 : vector<32xbf16>
        %get3A_950 = arith.index_cast %add3A_916 : i32 to index
        %get3A_951 = arith.constant 48 : index
        %get3A_952 = tpu.vector_load %arg9[%get3A_950, %get3A_951] {strides = array<i32>} : memref<160x64xi32, #tpu.memory_space<vmem>>, vector<16xi32>,
        %bitcast3A_953 = vector.bitcast %get3A_952 : vector<16xi32> to vector<32xbf16>
        %add3A_954 = arith.constant 80 : i32
        %add3A_955 = arith.addi %add3A_954, %add3A_916 : i32
        %get3A_956 = arith.index_cast %add3A_955 : i32 to index
        %get3A_957 = arith.constant 48 : index
        %get3A_958 = tpu.vector_load %arg9[%get3A_956, %get3A_957] {strides = array<i32>} : memref<160x64xi32, #tpu.memory_space<vmem>>, vector<16xi32>,
        %bitcast3A_959 = vector.bitcast %get3A_958 : vector<16xi32> to vector<32xbf16>
        %mul3A_960 = arith.mulf %bitcast3A_953, %bitcast3A_959 : vector<32xbf16>
        %add3A_961 = arith.addf %mul3A_927, %mul3A_938 : vector<32xbf16>
        %add3A_962 = arith.addf %mul3A_949, %mul3A_960 : vector<32xbf16>
        %add3A_963 = arith.addf %add3A_961, %add3A_962 : vector<32xbf16>
        %unpack3A_964 = tpu.unpack_subelements %add3A_963, 0 {pack_format = #tpu.pack_format<interleaved>} : vector<32xbf16> -> vector<16xf32>
        %unpack3A_965 = tpu.unpack_subelements %add3A_963, 1 {pack_format = #tpu.pack_format<interleaved>} : vector<32xbf16> -> vector<16xf32>
        %add3A_966 = arith.addf %unpack3A_964, %unpack3A_965 : vector<16xf32>
        %and3A = arith.constant 8 : i32
        %and3A_967 = vector.broadcast %and3A : i32 to vector<16xi32>
        %and3A_968 = arith.andi %iota3A, %and3A_967 : vector<16xi32>
        %eq3A = arith.constant 0 : i32
        %eq3A_969 = vector.broadcast %eq3A : i32 to vector<16xi32>
        %eq3A_970 = arith.cmpi eq, %and3A_968, %eq3A_969 : vector<16xi32>
        %xor3A = arith.constant 8 : i32
        %xor3A_971 = vector.broadcast %xor3A : i32 to vector<16xi32>
        %xor3A_972 = arith.xori %iota3A, %xor3A_971 : vector<16xi32>
        %lt3A_973 = arith.constant 0 : i32
        %lt3A_974 = vector.broadcast %lt3A_973 : i32 to vector<16xi32>
        %lt3A_975 = arith.cmpi slt, %xor3A_972, %lt3A_974 : vector<16xi32>
        %add3A_976 = arith.constant 16 : i32
        %add3A_977 = vector.broadcast %add3A_976 : i32 to vector<16xi32>
        %add3A_978 = arith.addi %xor3A_972, %add3A_977 : vector<16xi32>
        %select_n3A = arith.select %lt3A_975, %add3A_978, %xor3A_972 : vector<16xi1>, vector<16xi32>
        %broadcast_in_dim3A = vector.shape_cast %select_n3A : vector<16xi32> to vector<16x1xi32>
        %gather3A = vector.shape_cast %broadcast_in_dim3A : vector<16x1xi32> to vector<16xi32>
        %gather3A_979 = tpu.dynamic_gather %add3A_156[%gather3A] in [0] : vector<16xf32>, vector<16xi32> -> vector<16xf32>
        %add3A_980 = arith.addf %add3A_156, %gather3A_979 : vector<16xf32>
        %lt3A_981 = arith.constant 0 : i32
        %lt3A_982 = vector.broadcast %lt3A_981 : i32 to vector<16xi32>
        %lt3A_983 = arith.cmpi slt, %xor3A_972, %lt3A_982 : vector<16xi32>
        %add3A_984 = arith.constant 16 : i32
        %add3A_985 = vector.broadcast %add3A_984 : i32 to vector<16xi32>
        %add3A_986 = arith.addi %xor3A_972, %add3A_985 : vector<16xi32>
        %select_n3A_987 = arith.select %lt3A_983, %add3A_986, %xor3A_972 : vector<16xi1>, vector<16xi32>
        %broadcast_in_dim3A_988 = vector.shape_cast %select_n3A_987 : vector<16xi32> to vector<16x1xi32>
        %gather3A_989 = vector.shape_cast %broadcast_in_dim3A_988 : vector<16x1xi32> to vector<16xi32>
        %gather3A_990 = tpu.dynamic_gather %add3A_210[%gather3A_989] in [0] : vector<16xf32>, vector<16xi32> -> vector<16xf32>
        %add3A_991 = arith.addf %add3A_210, %gather3A_990 : vector<16xf32>
        %select_n3A_992 = arith.select %eq3A_970, %add3A_980, %add3A_991 : vector<16xi1>, vector<16xf32>
        %lt3A_993 = arith.constant 0 : i32
        %lt3A_994 = vector.broadcast %lt3A_993 : i32 to vector<16xi32>
        %lt3A_995 = arith.cmpi slt, %xor3A_972, %lt3A_994 : vector<16xi32>
        %add3A_996 = arith.constant 16 : i32
        %add3A_997 = vector.broadcast %add3A_996 : i32 to vector<16xi32>
        %add3A_998 = arith.addi %xor3A_972, %add3A_997 : vector<16xi32>
        %select_n3A_999 = arith.select %lt3A_995, %add3A_998, %xor3A_972 : vector<16xi1>, vector<16xi32>
        %broadcast_in_dim3A_1000 = vector.shape_cast %select_n3A_999 : vector<16xi32> to vector<16x1xi32>
        %gather3A_1001 = vector.shape_cast %broadcast_in_dim3A_1000 : vector<16x1xi32> to vector<16xi32>
        %gather3A_1002 = tpu.dynamic_gather %add3A_264[%gather3A_1001] in [0] : vector<16xf32>, vector<16xi32> -> vector<16xf32>
        %add3A_1003 = arith.addf %add3A_264, %gather3A_1002 : vector<16xf32>
        %lt3A_1004 = arith.constant 0 : i32
        %lt3A_1005 = vector.broadcast %lt3A_1004 : i32 to vector<16xi32>
        %lt3A_1006 = arith.cmpi slt, %xor3A_972, %lt3A_1005 : vector<16xi32>
        %add3A_1007 = arith.constant 16 : i32
        %add3A_1008 = vector.broadcast %add3A_1007 : i32 to vector<16xi32>
        %add3A_1009 = arith.addi %xor3A_972, %add3A_1008 : vector<16xi32>
        %select_n3A_1010 = arith.select %lt3A_1006, %add3A_1009, %xor3A_972 : vector<16xi1>, vector<16xi32>
        %broadcast_in_dim3A_1011 = vector.shape_cast %select_n3A_1010 : vector<16xi32> to vector<16x1xi32>
        %gather3A_1012 = vector.shape_cast %broadcast_in_dim3A_1011 : vector<16x1xi32> to vector<16xi32>
        %gather3A_1013 = tpu.dynamic_gather %add3A_318[%gather3A_1012] in [0] : vector<16xf32>, vector<16xi32> -> vector<16xf32>
        %add3A_1014 = arith.addf %add3A_318, %gather3A_1013 : vector<16xf32>
        %select_n3A_1015 = arith.select %eq3A_970, %add3A_1003, %add3A_1014 : vector<16xi1>, vector<16xf32>
        %lt3A_1016 = arith.constant 0 : i32
        %lt3A_1017 = vector.broadcast %lt3A_1016 : i32 to vector<16xi32>
        %lt3A_1018 = arith.cmpi slt, %xor3A_972, %lt3A_1017 : vector<16xi32>
        %add3A_1019 = arith.constant 16 : i32
        %add3A_1020 = vector.broadcast %add3A_1019 : i32 to vector<16xi32>
        %add3A_1021 = arith.addi %xor3A_972, %add3A_1020 : vector<16xi32>
        %select_n3A_1022 = arith.select %lt3A_1018, %add3A_1021, %xor3A_972 : vector<16xi1>, vector<16xi32>
        %broadcast_in_dim3A_1023 = vector.shape_cast %select_n3A_1022 : vector<16xi32> to vector<16x1xi32>
        %gather3A_1024 = vector.shape_cast %broadcast_in_dim3A_1023 : vector<16x1xi32> to vector<16xi32>
        %gather3A_1025 = tpu.dynamic_gather %add3A_372[%gather3A_1024] in [0] : vector<16xf32>, vector<16xi32> -> vector<16xf32>
        %add3A_1026 = arith.addf %add3A_372, %gather3A_1025 : vector<16xf32>
        %lt3A_1027 = arith.constant 0 : i32
        %lt3A_1028 = vector.broadcast %lt3A_1027 : i32 to vector<16xi32>
        %lt3A_1029 = arith.cmpi slt, %xor3A_972, %lt3A_1028 : vector<16xi32>
        %add3A_1030 = arith.constant 16 : i32
        %add3A_1031 = vector.broadcast %add3A_1030 : i32 to vector<16xi32>
        %add3A_1032 = arith.addi %xor3A_972, %add3A_1031 : vector<16xi32>
        %select_n3A_1033 = arith.select %lt3A_1029, %add3A_1032, %xor3A_972 : vector<16xi1>, vector<16xi32>
        %broadcast_in_dim3A_1034 = vector.shape_cast %select_n3A_1033 : vector<16xi32> to vector<16x1xi32>
        %gather3A_1035 = vector.shape_cast %broadcast_in_dim3A_1034 : vector<16x1xi32> to vector<16xi32>
        %gather3A_1036 = tpu.dynamic_gather %add3A_426[%gather3A_1035] in [0] : vector<16xf32>, vector<16xi32> -> vector<16xf32>
        %add3A_1037 = arith.addf %add3A_426, %gather3A_1036 : vector<16xf32>
        %select_n3A_1038 = arith.select %eq3A_970, %add3A_1026, %add3A_1037 : vector<16xi1>, vector<16xf32>
        %lt3A_1039 = arith.constant 0 : i32
        %lt3A_1040 = vector.broadcast %lt3A_1039 : i32 to vector<16xi32>
        %lt3A_1041 = arith.cmpi slt, %xor3A_972, %lt3A_1040 : vector<16xi32>
        %add3A_1042 = arith.constant 16 : i32
        %add3A_1043 = vector.broadcast %add3A_1042 : i32 to vector<16xi32>
        %add3A_1044 = arith.addi %xor3A_972, %add3A_1043 : vector<16xi32>
        %select_n3A_1045 = arith.select %lt3A_1041, %add3A_1044, %xor3A_972 : vector<16xi1>, vector<16xi32>
        %broadcast_in_dim3A_1046 = vector.shape_cast %select_n3A_1045 : vector<16xi32> to vector<16x1xi32>
        %gather3A_1047 = vector.shape_cast %broadcast_in_dim3A_1046 : vector<16x1xi32> to vector<16xi32>
        %gather3A_1048 = tpu.dynamic_gather %add3A_480[%gather3A_1047] in [0] : vector<16xf32>, vector<16xi32> -> vector<16xf32>
        %add3A_1049 = arith.addf %add3A_480, %gather3A_1048 : vector<16xf32>
        %lt3A_1050 = arith.constant 0 : i32
        %lt3A_1051 = vector.broadcast %lt3A_1050 : i32 to vector<16xi32>
        %lt3A_1052 = arith.cmpi slt, %xor3A_972, %lt3A_1051 : vector<16xi32>
        %add3A_1053 = arith.constant 16 : i32
        %add3A_1054 = vector.broadcast %add3A_1053 : i32 to vector<16xi32>
        %add3A_1055 = arith.addi %xor3A_972, %add3A_1054 : vector<16xi32>
        %select_n3A_1056 = arith.select %lt3A_1052, %add3A_1055, %xor3A_972 : vector<16xi1>, vector<16xi32>
        %broadcast_in_dim3A_1057 = vector.shape_cast %select_n3A_1056 : vector<16xi32> to vector<16x1xi32>
        %gather3A_1058 = vector.shape_cast %broadcast_in_dim3A_1057 : vector<16x1xi32> to vector<16xi32>
        %gather3A_1059 = tpu.dynamic_gather %add3A_534[%gather3A_1058] in [0] : vector<16xf32>, vector<16xi32> -> vector<16xf32>
        %add3A_1060 = arith.addf %add3A_534, %gather3A_1059 : vector<16xf32>
        %select_n3A_1061 = arith.select %eq3A_970, %add3A_1049, %add3A_1060 : vector<16xi1>, vector<16xf32>
        %lt3A_1062 = arith.constant 0 : i32
        %lt3A_1063 = vector.broadcast %lt3A_1062 : i32 to vector<16xi32>
        %lt3A_1064 = arith.cmpi slt, %xor3A_972, %lt3A_1063 : vector<16xi32>
        %add3A_1065 = arith.constant 16 : i32
        %add3A_1066 = vector.broadcast %add3A_1065 : i32 to vector<16xi32>
        %add3A_1067 = arith.addi %xor3A_972, %add3A_1066 : vector<16xi32>
        %select_n3A_1068 = arith.select %lt3A_1064, %add3A_1067, %xor3A_972 : vector<16xi1>, vector<16xi32>
        %broadcast_in_dim3A_1069 = vector.shape_cast %select_n3A_1068 : vector<16xi32> to vector<16x1xi32>
        %gather3A_1070 = vector.shape_cast %broadcast_in_dim3A_1069 : vector<16x1xi32> to vector<16xi32>
        %gather3A_1071 = tpu.dynamic_gather %add3A_588[%gather3A_1070] in [0] : vector<16xf32>, vector<16xi32> -> vector<16xf32>
        %add3A_1072 = arith.addf %add3A_588, %gather3A_1071 : vector<16xf32>
        %lt3A_1073 = arith.constant 0 : i32
        %lt3A_1074 = vector.broadcast %lt3A_1073 : i32 to vector<16xi32>
        %lt3A_1075 = arith.cmpi slt, %xor3A_972, %lt3A_1074 : vector<16xi32>
        %add3A_1076 = arith.constant 16 : i32
        %add3A_1077 = vector.broadcast %add3A_1076 : i32 to vector<16xi32>
        %add3A_1078 = arith.addi %xor3A_972, %add3A_1077 : vector<16xi32>
        %select_n3A_1079 = arith.select %lt3A_1075, %add3A_1078, %xor3A_972 : vector<16xi1>, vector<16xi32>
        %broadcast_in_dim3A_1080 = vector.shape_cast %select_n3A_1079 : vector<16xi32> to vector<16x1xi32>
        %gather3A_1081 = vector.shape_cast %broadcast_in_dim3A_1080 : vector<16x1xi32> to vector<16xi32>
        %gather3A_1082 = tpu.dynamic_gather %add3A_642[%gather3A_1081] in [0] : vector<16xf32>, vector<16xi32> -> vector<16xf32>
        %add3A_1083 = arith.addf %add3A_642, %gather3A_1082 : vector<16xf32>
        %select_n3A_1084 = arith.select %eq3A_970, %add3A_1072, %add3A_1083 : vector<16xi1>, vector<16xf32>
        %lt3A_1085 = arith.constant 0 : i32
        %lt3A_1086 = vector.broadcast %lt3A_1085 : i32 to vector<16xi32>
        %lt3A_1087 = arith.cmpi slt, %xor3A_972, %lt3A_1086 : vector<16xi32>
        %add3A_1088 = arith.constant 16 : i32
        %add3A_1089 = vector.broadcast %add3A_1088 : i32 to vector<16xi32>
        %add3A_1090 = arith.addi %xor3A_972, %add3A_1089 : vector<16xi32>
        %select_n3A_1091 = arith.select %lt3A_1087, %add3A_1090, %xor3A_972 : vector<16xi1>, vector<16xi32>
        %broadcast_in_dim3A_1092 = vector.shape_cast %select_n3A_1091 : vector<16xi32> to vector<16x1xi32>
        %gather3A_1093 = vector.shape_cast %broadcast_in_dim3A_1092 : vector<16x1xi32> to vector<16xi32>
        %gather3A_1094 = tpu.dynamic_gather %add3A_696[%gather3A_1093] in [0] : vector<16xf32>, vector<16xi32> -> vector<16xf32>
        %add3A_1095 = arith.addf %add3A_696, %gather3A_1094 : vector<16xf32>
        %lt3A_1096 = arith.constant 0 : i32
        %lt3A_1097 = vector.broadcast %lt3A_1096 : i32 to vector<16xi32>
        %lt3A_1098 = arith.cmpi slt, %xor3A_972, %lt3A_1097 : vector<16xi32>
        %add3A_1099 = arith.constant 16 : i32
        %add3A_1100 = vector.broadcast %add3A_1099 : i32 to vector<16xi32>
        %add3A_1101 = arith.addi %xor3A_972, %add3A_1100 : vector<16xi32>
        %select_n3A_1102 = arith.select %lt3A_1098, %add3A_1101, %xor3A_972 : vector<16xi1>, vector<16xi32>
        %broadcast_in_dim3A_1103 = vector.shape_cast %select_n3A_1102 : vector<16xi32> to vector<16x1xi32>
        %gather3A_1104 = vector.shape_cast %broadcast_in_dim3A_1103 : vector<16x1xi32> to vector<16xi32>
        %gather3A_1105 = tpu.dynamic_gather %add3A_750[%gather3A_1104] in [0] : vector<16xf32>, vector<16xi32> -> vector<16xf32>
        %add3A_1106 = arith.addf %add3A_750, %gather3A_1105 : vector<16xf32>
        %select_n3A_1107 = arith.select %eq3A_970, %add3A_1095, %add3A_1106 : vector<16xi1>, vector<16xf32>
        %lt3A_1108 = arith.constant 0 : i32
        %lt3A_1109 = vector.broadcast %lt3A_1108 : i32 to vector<16xi32>
        %lt3A_1110 = arith.cmpi slt, %xor3A_972, %lt3A_1109 : vector<16xi32>
        %add3A_1111 = arith.constant 16 : i32
        %add3A_1112 = vector.broadcast %add3A_1111 : i32 to vector<16xi32>
        %add3A_1113 = arith.addi %xor3A_972, %add3A_1112 : vector<16xi32>
        %select_n3A_1114 = arith.select %lt3A_1110, %add3A_1113, %xor3A_972 : vector<16xi1>, vector<16xi32>
        %broadcast_in_dim3A_1115 = vector.shape_cast %select_n3A_1114 : vector<16xi32> to vector<16x1xi32>
        %gather3A_1116 = vector.shape_cast %broadcast_in_dim3A_1115 : vector<16x1xi32> to vector<16xi32>
        %gather3A_1117 = tpu.dynamic_gather %add3A_804[%gather3A_1116] in [0] : vector<16xf32>, vector<16xi32> -> vector<16xf32>
        %add3A_1118 = arith.addf %add3A_804, %gather3A_1117 : vector<16xf32>
        %lt3A_1119 = arith.constant 0 : i32
        %lt3A_1120 = vector.broadcast %lt3A_1119 : i32 to vector<16xi32>
        %lt3A_1121 = arith.cmpi slt, %xor3A_972, %lt3A_1120 : vector<16xi32>
        %add3A_1122 = arith.constant 16 : i32
        %add3A_1123 = vector.broadcast %add3A_1122 : i32 to vector<16xi32>
        %add3A_1124 = arith.addi %xor3A_972, %add3A_1123 : vector<16xi32>
        %select_n3A_1125 = arith.select %lt3A_1121, %add3A_1124, %xor3A_972 : vector<16xi1>, vector<16xi32>
        %broadcast_in_dim3A_1126 = vector.shape_cast %select_n3A_1125 : vector<16xi32> to vector<16x1xi32>
        %gather3A_1127 = vector.shape_cast %broadcast_in_dim3A_1126 : vector<16x1xi32> to vector<16xi32>
        %gather3A_1128 = tpu.dynamic_gather %add3A_858[%gather3A_1127] in [0] : vector<16xf32>, vector<16xi32> -> vector<16xf32>
        %add3A_1129 = arith.addf %add3A_858, %gather3A_1128 : vector<16xf32>
        %select_n3A_1130 = arith.select %eq3A_970, %add3A_1118, %add3A_1129 : vector<16xi1>, vector<16xf32>
        %lt3A_1131 = arith.constant 0 : i32
        %lt3A_1132 = vector.broadcast %lt3A_1131 : i32 to vector<16xi32>
        %lt3A_1133 = arith.cmpi slt, %xor3A_972, %lt3A_1132 : vector<16xi32>
        %add3A_1134 = arith.constant 16 : i32
        %add3A_1135 = vector.broadcast %add3A_1134 : i32 to vector<16xi32>
        %add3A_1136 = arith.addi %xor3A_972, %add3A_1135 : vector<16xi32>
        %select_n3A_1137 = arith.select %lt3A_1133, %add3A_1136, %xor3A_972 : vector<16xi1>, vector<16xi32>
        %broadcast_in_dim3A_1138 = vector.shape_cast %select_n3A_1137 : vector<16xi32> to vector<16x1xi32>
        %gather3A_1139 = vector.shape_cast %broadcast_in_dim3A_1138 : vector<16x1xi32> to vector<16xi32>
        %gather3A_1140 = tpu.dynamic_gather %add3A_912[%gather3A_1139] in [0] : vector<16xf32>, vector<16xi32> -> vector<16xf32>
        %add3A_1141 = arith.addf %add3A_912, %gather3A_1140 : vector<16xf32>
        %lt3A_1142 = arith.constant 0 : i32
        %lt3A_1143 = vector.broadcast %lt3A_1142 : i32 to vector<16xi32>
        %lt3A_1144 = arith.cmpi slt, %xor3A_972, %lt3A_1143 : vector<16xi32>
        %add3A_1145 = arith.constant 16 : i32
        %add3A_1146 = vector.broadcast %add3A_1145 : i32 to vector<16xi32>
        %add3A_1147 = arith.addi %xor3A_972, %add3A_1146 : vector<16xi32>
        %select_n3A_1148 = arith.select %lt3A_1144, %add3A_1147, %xor3A_972 : vector<16xi1>, vector<16xi32>
        %broadcast_in_dim3A_1149 = vector.shape_cast %select_n3A_1148 : vector<16xi32> to vector<16x1xi32>
        %gather3A_1150 = vector.shape_cast %broadcast_in_dim3A_1149 : vector<16x1xi32> to vector<16xi32>
        %gather3A_1151 = tpu.dynamic_gather %add3A_966[%gather3A_1150] in [0] : vector<16xf32>, vector<16xi32> -> vector<16xf32>
        %add3A_1152 = arith.addf %add3A_966, %gather3A_1151 : vector<16xf32>
        %select_n3A_1153 = arith.select %eq3A_970, %add3A_1141, %add3A_1152 : vector<16xi1>, vector<16xf32>
        %and3A_1154 = arith.constant 4 : i32
        %and3A_1155 = vector.broadcast %and3A_1154 : i32 to vector<16xi32>
        %and3A_1156 = arith.andi %iota3A, %and3A_1155 : vector<16xi32>
        %eq3A_1157 = arith.constant 0 : i32
        %eq3A_1158 = vector.broadcast %eq3A_1157 : i32 to vector<16xi32>
        %eq3A_1159 = arith.cmpi eq, %and3A_1156, %eq3A_1158 : vector<16xi32>
        %xor3A_1160 = arith.constant 4 : i32
        %xor3A_1161 = vector.broadcast %xor3A_1160 : i32 to vector<16xi32>
        %xor3A_1162 = arith.xori %iota3A, %xor3A_1161 : vector<16xi32>
        %lt3A_1163 = arith.constant 0 : i32
        %lt3A_1164 = vector.broadcast %lt3A_1163 : i32 to vector<16xi32>
        %lt3A_1165 = arith.cmpi slt, %xor3A_1162, %lt3A_1164 : vector<16xi32>
        %add3A_1166 = arith.constant 16 : i32
        %add3A_1167 = vector.broadcast %add3A_1166 : i32 to vector<16xi32>
        %add3A_1168 = arith.addi %xor3A_1162, %add3A_1167 : vector<16xi32>
        %select_n3A_1169 = arith.select %lt3A_1165, %add3A_1168, %xor3A_1162 : vector<16xi1>, vector<16xi32>
        %broadcast_in_dim3A_1170 = vector.shape_cast %select_n3A_1169 : vector<16xi32> to vector<16x1xi32>
        %gather3A_1171 = vector.shape_cast %broadcast_in_dim3A_1170 : vector<16x1xi32> to vector<16xi32>
        %gather3A_1172 = tpu.dynamic_gather %select_n3A_992[%gather3A_1171] in [0] : vector<16xf32>, vector<16xi32> -> vector<16xf32>
        %add3A_1173 = arith.addf %select_n3A_992, %gather3A_1172 : vector<16xf32>
        %lt3A_1174 = arith.constant 0 : i32
        %lt3A_1175 = vector.broadcast %lt3A_1174 : i32 to vector<16xi32>
        %lt3A_1176 = arith.cmpi slt, %xor3A_1162, %lt3A_1175 : vector<16xi32>
        %add3A_1177 = arith.constant 16 : i32
        %add3A_1178 = vector.broadcast %add3A_1177 : i32 to vector<16xi32>
        %add3A_1179 = arith.addi %xor3A_1162, %add3A_1178 : vector<16xi32>
        %select_n3A_1180 = arith.select %lt3A_1176, %add3A_1179, %xor3A_1162 : vector<16xi1>, vector<16xi32>
        %broadcast_in_dim3A_1181 = vector.shape_cast %select_n3A_1180 : vector<16xi32> to vector<16x1xi32>
        %gather3A_1182 = vector.shape_cast %broadcast_in_dim3A_1181 : vector<16x1xi32> to vector<16xi32>
        %gather3A_1183 = tpu.dynamic_gather %select_n3A_1015[%gather3A_1182] in [0] : vector<16xf32>, vector<16xi32> -> vector<16xf32>
        %add3A_1184 = arith.addf %select_n3A_1015, %gather3A_1183 : vector<16xf32>
        %select_n3A_1185 = arith.select %eq3A_1159, %add3A_1173, %add3A_1184 : vector<16xi1>, vector<16xf32>
        %lt3A_1186 = arith.constant 0 : i32
        %lt3A_1187 = vector.broadcast %lt3A_1186 : i32 to vector<16xi32>
        %lt3A_1188 = arith.cmpi slt, %xor3A_1162, %lt3A_1187 : vector<16xi32>
        %add3A_1189 = arith.constant 16 : i32
        %add3A_1190 = vector.broadcast %add3A_1189 : i32 to vector<16xi32>
        %add3A_1191 = arith.addi %xor3A_1162, %add3A_1190 : vector<16xi32>
        %select_n3A_1192 = arith.select %lt3A_1188, %add3A_1191, %xor3A_1162 : vector<16xi1>, vector<16xi32>
        %broadcast_in_dim3A_1193 = vector.shape_cast %select_n3A_1192 : vector<16xi32> to vector<16x1xi32>
        %gather3A_1194 = vector.shape_cast %broadcast_in_dim3A_1193 : vector<16x1xi32> to vector<16xi32>
        %gather3A_1195 = tpu.dynamic_gather %select_n3A_1038[%gather3A_1194] in [0] : vector<16xf32>, vector<16xi32> -> vector<16xf32>
        %add3A_1196 = arith.addf %select_n3A_1038, %gather3A_1195 : vector<16xf32>
        %lt3A_1197 = arith.constant 0 : i32
        %lt3A_1198 = vector.broadcast %lt3A_1197 : i32 to vector<16xi32>
        %lt3A_1199 = arith.cmpi slt, %xor3A_1162, %lt3A_1198 : vector<16xi32>
        %add3A_1200 = arith.constant 16 : i32
        %add3A_1201 = vector.broadcast %add3A_1200 : i32 to vector<16xi32>
        %add3A_1202 = arith.addi %xor3A_1162, %add3A_1201 : vector<16xi32>
        %select_n3A_1203 = arith.select %lt3A_1199, %add3A_1202, %xor3A_1162 : vector<16xi1>, vector<16xi32>
        %broadcast_in_dim3A_1204 = vector.shape_cast %select_n3A_1203 : vector<16xi32> to vector<16x1xi32>
        %gather3A_1205 = vector.shape_cast %broadcast_in_dim3A_1204 : vector<16x1xi32> to vector<16xi32>
        %gather3A_1206 = tpu.dynamic_gather %select_n3A_1061[%gather3A_1205] in [0] : vector<16xf32>, vector<16xi32> -> vector<16xf32>
        %add3A_1207 = arith.addf %select_n3A_1061, %gather3A_1206 : vector<16xf32>
        %select_n3A_1208 = arith.select %eq3A_1159, %add3A_1196, %add3A_1207 : vector<16xi1>, vector<16xf32>
        %lt3A_1209 = arith.constant 0 : i32
        %lt3A_1210 = vector.broadcast %lt3A_1209 : i32 to vector<16xi32>
        %lt3A_1211 = arith.cmpi slt, %xor3A_1162, %lt3A_1210 : vector<16xi32>
        %add3A_1212 = arith.constant 16 : i32
        %add3A_1213 = vector.broadcast %add3A_1212 : i32 to vector<16xi32>
        %add3A_1214 = arith.addi %xor3A_1162, %add3A_1213 : vector<16xi32>
        %select_n3A_1215 = arith.select %lt3A_1211, %add3A_1214, %xor3A_1162 : vector<16xi1>, vector<16xi32>
        %broadcast_in_dim3A_1216 = vector.shape_cast %select_n3A_1215 : vector<16xi32> to vector<16x1xi32>
        %gather3A_1217 = vector.shape_cast %broadcast_in_dim3A_1216 : vector<16x1xi32> to vector<16xi32>
        %gather3A_1218 = tpu.dynamic_gather %select_n3A_1084[%gather3A_1217] in [0] : vector<16xf32>, vector<16xi32> -> vector<16xf32>
        %add3A_1219 = arith.addf %select_n3A_1084, %gather3A_1218 : vector<16xf32>
        %lt3A_1220 = arith.constant 0 : i32
        %lt3A_1221 = vector.broadcast %lt3A_1220 : i32 to vector<16xi32>
        %lt3A_1222 = arith.cmpi slt, %xor3A_1162, %lt3A_1221 : vector<16xi32>
        %add3A_1223 = arith.constant 16 : i32
        %add3A_1224 = vector.broadcast %add3A_1223 : i32 to vector<16xi32>
        %add3A_1225 = arith.addi %xor3A_1162, %add3A_1224 : vector<16xi32>
        %select_n3A_1226 = arith.select %lt3A_1222, %add3A_1225, %xor3A_1162 : vector<16xi1>, vector<16xi32>
        %broadcast_in_dim3A_1227 = vector.shape_cast %select_n3A_1226 : vector<16xi32> to vector<16x1xi32>
        %gather3A_1228 = vector.shape_cast %broadcast_in_dim3A_1227 : vector<16x1xi32> to vector<16xi32>
        %gather3A_1229 = tpu.dynamic_gather %select_n3A_1107[%gather3A_1228] in [0] : vector<16xf32>, vector<16xi32> -> vector<16xf32>
        %add3A_1230 = arith.addf %select_n3A_1107, %gather3A_1229 : vector<16xf32>
        %select_n3A_1231 = arith.select %eq3A_1159, %add3A_1219, %add3A_1230 : vector<16xi1>, vector<16xf32>
        %lt3A_1232 = arith.constant 0 : i32
        %lt3A_1233 = vector.broadcast %lt3A_1232 : i32 to vector<16xi32>
        %lt3A_1234 = arith.cmpi slt, %xor3A_1162, %lt3A_1233 : vector<16xi32>
        %add3A_1235 = arith.constant 16 : i32
        %add3A_1236 = vector.broadcast %add3A_1235 : i32 to vector<16xi32>
        %add3A_1237 = arith.addi %xor3A_1162, %add3A_1236 : vector<16xi32>
        %select_n3A_1238 = arith.select %lt3A_1234, %add3A_1237, %xor3A_1162 : vector<16xi1>, vector<16xi32>
        %broadcast_in_dim3A_1239 = vector.shape_cast %select_n3A_1238 : vector<16xi32> to vector<16x1xi32>
        %gather3A_1240 = vector.shape_cast %broadcast_in_dim3A_1239 : vector<16x1xi32> to vector<16xi32>
        %gather3A_1241 = tpu.dynamic_gather %select_n3A_1130[%gather3A_1240] in [0] : vector<16xf32>, vector<16xi32> -> vector<16xf32>
        %add3A_1242 = arith.addf %select_n3A_1130, %gather3A_1241 : vector<16xf32>
        %lt3A_1243 = arith.constant 0 : i32
        %lt3A_1244 = vector.broadcast %lt3A_1243 : i32 to vector<16xi32>
        %lt3A_1245 = arith.cmpi slt, %xor3A_1162, %lt3A_1244 : vector<16xi32>
        %add3A_1246 = arith.constant 16 : i32
        %add3A_1247 = vector.broadcast %add3A_1246 : i32 to vector<16xi32>
        %add3A_1248 = arith.addi %xor3A_1162, %add3A_1247 : vector<16xi32>
        %select_n3A_1249 = arith.select %lt3A_1245, %add3A_1248, %xor3A_1162 : vector<16xi1>, vector<16xi32>
        %broadcast_in_dim3A_1250 = vector.shape_cast %select_n3A_1249 : vector<16xi32> to vector<16x1xi32>
        %gather3A_1251 = vector.shape_cast %broadcast_in_dim3A_1250 : vector<16x1xi32> to vector<16xi32>
        %gather3A_1252 = tpu.dynamic_gather %select_n3A_1153[%gather3A_1251] in [0] : vector<16xf32>, vector<16xi32> -> vector<16xf32>
        %add3A_1253 = arith.addf %select_n3A_1153, %gather3A_1252 : vector<16xf32>
        %select_n3A_1254 = arith.select %eq3A_1159, %add3A_1242, %add3A_1253 : vector<16xi1>, vector<16xf32>
        %and3A_1255 = arith.constant 2 : i32
        %and3A_1256 = vector.broadcast %and3A_1255 : i32 to vector<16xi32>
        %and3A_1257 = arith.andi %iota3A, %and3A_1256 : vector<16xi32>
        %eq3A_1258 = arith.constant 0 : i32
        %eq3A_1259 = vector.broadcast %eq3A_1258 : i32 to vector<16xi32>
        %eq3A_1260 = arith.cmpi eq, %and3A_1257, %eq3A_1259 : vector<16xi32>
        %xor3A_1261 = arith.constant 2 : i32
        %xor3A_1262 = vector.broadcast %xor3A_1261 : i32 to vector<16xi32>
        %xor3A_1263 = arith.xori %iota3A, %xor3A_1262 : vector<16xi32>
        %lt3A_1264 = arith.constant 0 : i32
        %lt3A_1265 = vector.broadcast %lt3A_1264 : i32 to vector<16xi32>
        %lt3A_1266 = arith.cmpi slt, %xor3A_1263, %lt3A_1265 : vector<16xi32>
        %add3A_1267 = arith.constant 16 : i32
        %add3A_1268 = vector.broadcast %add3A_1267 : i32 to vector<16xi32>
        %add3A_1269 = arith.addi %xor3A_1263, %add3A_1268 : vector<16xi32>
        %select_n3A_1270 = arith.select %lt3A_1266, %add3A_1269, %xor3A_1263 : vector<16xi1>, vector<16xi32>
        %broadcast_in_dim3A_1271 = vector.shape_cast %select_n3A_1270 : vector<16xi32> to vector<16x1xi32>
        %gather3A_1272 = vector.shape_cast %broadcast_in_dim3A_1271 : vector<16x1xi32> to vector<16xi32>
        %gather3A_1273 = tpu.dynamic_gather %select_n3A_1185[%gather3A_1272] in [0] : vector<16xf32>, vector<16xi32> -> vector<16xf32>
        %add3A_1274 = arith.addf %select_n3A_1185, %gather3A_1273 : vector<16xf32>
        %lt3A_1275 = arith.constant 0 : i32
        %lt3A_1276 = vector.broadcast %lt3A_1275 : i32 to vector<16xi32>
        %lt3A_1277 = arith.cmpi slt, %xor3A_1263, %lt3A_1276 : vector<16xi32>
        %add3A_1278 = arith.constant 16 : i32
        %add3A_1279 = vector.broadcast %add3A_1278 : i32 to vector<16xi32>
        %add3A_1280 = arith.addi %xor3A_1263, %add3A_1279 : vector<16xi32>
        %select_n3A_1281 = arith.select %lt3A_1277, %add3A_1280, %xor3A_1263 : vector<16xi1>, vector<16xi32>
        %broadcast_in_dim3A_1282 = vector.shape_cast %select_n3A_1281 : vector<16xi32> to vector<16x1xi32>
        %gather3A_1283 = vector.shape_cast %broadcast_in_dim3A_1282 : vector<16x1xi32> to vector<16xi32>
        %gather3A_1284 = tpu.dynamic_gather %select_n3A_1208[%gather3A_1283] in [0] : vector<16xf32>, vector<16xi32> -> vector<16xf32>
        %add3A_1285 = arith.addf %select_n3A_1208, %gather3A_1284 : vector<16xf32>
        %select_n3A_1286 = arith.select %eq3A_1260, %add3A_1274, %add3A_1285 : vector<16xi1>, vector<16xf32>
        %lt3A_1287 = arith.constant 0 : i32
        %lt3A_1288 = vector.broadcast %lt3A_1287 : i32 to vector<16xi32>
        %lt3A_1289 = arith.cmpi slt, %xor3A_1263, %lt3A_1288 : vector<16xi32>
        %add3A_1290 = arith.constant 16 : i32
        %add3A_1291 = vector.broadcast %add3A_1290 : i32 to vector<16xi32>
        %add3A_1292 = arith.addi %xor3A_1263, %add3A_1291 : vector<16xi32>
        %select_n3A_1293 = arith.select %lt3A_1289, %add3A_1292, %xor3A_1263 : vector<16xi1>, vector<16xi32>
        %broadcast_in_dim3A_1294 = vector.shape_cast %select_n3A_1293 : vector<16xi32> to vector<16x1xi32>
        %gather3A_1295 = vector.shape_cast %broadcast_in_dim3A_1294 : vector<16x1xi32> to vector<16xi32>
        %gather3A_1296 = tpu.dynamic_gather %select_n3A_1231[%gather3A_1295] in [0] : vector<16xf32>, vector<16xi32> -> vector<16xf32>
        %add3A_1297 = arith.addf %select_n3A_1231, %gather3A_1296 : vector<16xf32>
        %lt3A_1298 = arith.constant 0 : i32
        %lt3A_1299 = vector.broadcast %lt3A_1298 : i32 to vector<16xi32>
        %lt3A_1300 = arith.cmpi slt, %xor3A_1263, %lt3A_1299 : vector<16xi32>
        %add3A_1301 = arith.constant 16 : i32
        %add3A_1302 = vector.broadcast %add3A_1301 : i32 to vector<16xi32>
        %add3A_1303 = arith.addi %xor3A_1263, %add3A_1302 : vector<16xi32>
        %select_n3A_1304 = arith.select %lt3A_1300, %add3A_1303, %xor3A_1263 : vector<16xi1>, vector<16xi32>
        %broadcast_in_dim3A_1305 = vector.shape_cast %select_n3A_1304 : vector<16xi32> to vector<16x1xi32>
        %gather3A_1306 = vector.shape_cast %broadcast_in_dim3A_1305 : vector<16x1xi32> to vector<16xi32>
        %gather3A_1307 = tpu.dynamic_gather %select_n3A_1254[%gather3A_1306] in [0] : vector<16xf32>, vector<16xi32> -> vector<16xf32>
        %add3A_1308 = arith.addf %select_n3A_1254, %gather3A_1307 : vector<16xf32>
        %select_n3A_1309 = arith.select %eq3A_1260, %add3A_1297, %add3A_1308 : vector<16xi1>, vector<16xf32>
        %and3A_1310 = arith.constant 1 : i32
        %and3A_1311 = vector.broadcast %and3A_1310 : i32 to vector<16xi32>
        %and3A_1312 = arith.andi %iota3A, %and3A_1311 : vector<16xi32>
        %eq3A_1313 = arith.constant 0 : i32
        %eq3A_1314 = vector.broadcast %eq3A_1313 : i32 to vector<16xi32>
        %eq3A_1315 = arith.cmpi eq, %and3A_1312, %eq3A_1314 : vector<16xi32>
        %xor3A_1316 = arith.constant 1 : i32
        %xor3A_1317 = vector.broadcast %xor3A_1316 : i32 to vector<16xi32>
        %xor3A_1318 = arith.xori %iota3A, %xor3A_1317 : vector<16xi32>
        %lt3A_1319 = arith.constant 0 : i32
        %lt3A_1320 = vector.broadcast %lt3A_1319 : i32 to vector<16xi32>
        %lt3A_1321 = arith.cmpi slt, %xor3A_1318, %lt3A_1320 : vector<16xi32>
        %add3A_1322 = arith.constant 16 : i32
        %add3A_1323 = vector.broadcast %add3A_1322 : i32 to vector<16xi32>
        %add3A_1324 = arith.addi %xor3A_1318, %add3A_1323 : vector<16xi32>
        %select_n3A_1325 = arith.select %lt3A_1321, %add3A_1324, %xor3A_1318 : vector<16xi1>, vector<16xi32>
        %broadcast_in_dim3A_1326 = vector.shape_cast %select_n3A_1325 : vector<16xi32> to vector<16x1xi32>
        %gather3A_1327 = vector.shape_cast %broadcast_in_dim3A_1326 : vector<16x1xi32> to vector<16xi32>
        %gather3A_1328 = tpu.dynamic_gather %select_n3A_1286[%gather3A_1327] in [0] : vector<16xf32>, vector<16xi32> -> vector<16xf32>
        %add3A_1329 = arith.addf %select_n3A_1286, %gather3A_1328 : vector<16xf32>
        %lt3A_1330 = arith.constant 0 : i32
        %lt3A_1331 = vector.broadcast %lt3A_1330 : i32 to vector<16xi32>
        %lt3A_1332 = arith.cmpi slt, %xor3A_1318, %lt3A_1331 : vector<16xi32>
        %add3A_1333 = arith.constant 16 : i32
        %add3A_1334 = vector.broadcast %add3A_1333 : i32 to vector<16xi32>
        %add3A_1335 = arith.addi %xor3A_1318, %add3A_1334 : vector<16xi32>
        %select_n3A_1336 = arith.select %lt3A_1332, %add3A_1335, %xor3A_1318 : vector<16xi1>, vector<16xi32>
        %broadcast_in_dim3A_1337 = vector.shape_cast %select_n3A_1336 : vector<16xi32> to vector<16x1xi32>
        %gather3A_1338 = vector.shape_cast %broadcast_in_dim3A_1337 : vector<16x1xi32> to vector<16xi32>
        %gather3A_1339 = tpu.dynamic_gather %select_n3A_1309[%gather3A_1338] in [0] : vector<16xf32>, vector<16xi32> -> vector<16xf32>
        %add3A_1340 = arith.addf %select_n3A_1309, %gather3A_1339 : vector<16xf32>
        %select_n3A_1341 = arith.select %eq3A_1315, %add3A_1329, %add3A_1340 : vector<16xi1>, vector<16xf32>
        %mul3A_1342 = arith.constant 80 : i32
        %mul3A_1343 = arith.muli %add3A_88, %mul3A_1342 : i32
        %mul3A_1344 = arith.constant 16 : i32
        %mul3A_1345 = arith.muli %scan3A_105, %mul3A_1344 : i32
        %add3A_1346 = arith.addi %mul3A_1343, %mul3A_1345 : i32
        %swap3A = arith.index_cast %add3A_1346 : i32 to index
        %swap3A_1347 = tpu.vector_load %arg10[%swap3A] {strides = array<i32>} : memref<10000xf32, #tpu.memory_space<vmem>>, vector<16xf32>,
        tpu.vector_store %arg10[%swap3A], %select_n3A_1341 {strides = array<i32>} : memref<10000xf32, #tpu.memory_space<vmem>>, vector<16xf32>,
      }
      %scan3A_100 = arith.constant 5 : i32
      %add3A_101 = arith.constant 2 : i32
      %add3A_102 = arith.addi %add3A_88, %add3A_101 : i32
      %lt3A = arith.constant 125 : i32
      %lt3A_103 = arith.cmpi slt, %add3A_102, %lt3A : i32
      %convert_element_type3A = arith.extui %lt3A_103 : i1 to i32
      %cond3A = arith.constant 0 : i32
      %cond3A_104 = arith.cmpi ne, %convert_element_type3A, %cond3A : i32
      scf.if %cond3A_104 {
        %add3A_105 = arith.constant 2 : i32
        %add3A_106 = arith.addi %add3A_88, %add3A_105 : i32
        %mul3A_107 = arith.constant 80 : i32
        %mul3A_108 = arith.muli %add3A_106, %mul3A_107 : i32
        %dma_start3A_109 = arith.constant 0 : i32
        %dma_start3A_110 = arith.constant 0 : i32
        %dma_start3A_111 = tpu.memref_slice %arg9[%dma_start3A_109, %dma_start3A_110] : memref<160x64xi32, #tpu.memory_space<vmem>> -> memref<80x64xi32, #tpu.memory_space<vmem>>
        %dma_start3A_112 = tpu.memref_slice %arg6[%mul3A_108] : memref<10000xi32, #tpu.memory_space<vmem>> -> memref<80xi32, #tpu.memory_space<vmem>>
        %dma_start3A_113 = arith.constant 0 : i32
        %dma_start3A_114 = arith.constant 0 : i32
        %dma_start3A_115 = tpu.memref_slice %arg11[%dma_start3A_113, %dma_start3A_114] : memref<10000x64xi32, #tpu.memory_space<vmem_shared>> -> memref<10000x64xi32, #tpu.memory_space<vmem_shared>>
        tpu.enqueue_indirect_dma source(%dma_start3A_115 : memref<10000x64xi32, #tpu.memory_space<vmem_shared>>) target(%dma_start3A_111 : memref<80x64xi32, #tpu.memory_space<vmem>>) offsets(%dma_start3A_112 : memref<80xi32, #tpu.memory_space<vmem>>) semaphore(%arg13 : memref<!tpu.dma_semaphore, #tpu.memory_space<semaphore_mem>>)
        %dma_start3A_116 = arith.constant 80 : i32
        %dma_start3A_117 = arith.constant 0 : i32
        %dma_start3A_118 = tpu.memref_slice %arg9[%dma_start3A_116, %dma_start3A_117] : memref<160x64xi32, #tpu.memory_space<vmem>> -> memref<80x64xi32, #tpu.memory_space<vmem>>
        %dma_start3A_119 = tpu.memref_slice %arg7[%mul3A_108] : memref<10000xi32, #tpu.memory_space<vmem>> -> memref<80xi32, #tpu.memory_space<vmem>>
        %dma_start3A_120 = arith.constant 0 : i32
        %dma_start3A_121 = arith.constant 0 : i32
        %dma_start3A_122 = tpu.memref_slice %arg11[%dma_start3A_120, %dma_start3A_121] : memref<10000x64xi32, #tpu.memory_space<vmem_shared>> -> memref<10000x64xi32, #tpu.memory_space<vmem_shared>>
        tpu.enqueue_indirect_dma source(%dma_start3A_122 : memref<10000x64xi32, #tpu.memory_space<vmem_shared>>) target(%dma_start3A_118 : memref<80x64xi32, #tpu.memory_space<vmem>>) offsets(%dma_start3A_119 : memref<80xi32, #tpu.memory_space<vmem>>) semaphore(%arg13 : memref<!tpu.dma_semaphore, #tpu.memory_space<semaphore_mem>>)
      } else {
      }
    }
    %scan3A_42 = arith.constant 62 : i32
    %dma_wait3A = arith.constant 0 : i32
    %dma_wait3A_43 = arith.constant 0 : i32
    %dma_wait3A_44 = tpu.memref_slice %arg4[%dma_wait3A, %dma_wait3A_43] : memref<10000x64xi32, #tpu.memory_space<hbm>> -> memref<160x64xi32, #tpu.memory_space<hbm>>
    %dma_wait3A_45 = arith.constant 0 : i32
    %dma_wait3A_46 = arith.constant 0 : i32
    %dma_wait3A_47 = tpu.memref_slice %arg4[%dma_wait3A_45, %dma_wait3A_46] : memref<10000x64xi32, #tpu.memory_space<hbm>> -> memref<160x64xi32, #tpu.memory_space<hbm>>
    tpu.wait_dma2 semaphore(%arg12 : memref<!tpu.dma_semaphore, #tpu.memory_space<semaphore_mem>>) src(%dma_wait3A_47 : memref<160x64xi32, #tpu.memory_space<hbm>>) dst(%arg8 : memref<160x64xi32, #tpu.memory_space<vmem>>)
    %scan3A_48 = arith.constant 0 : i32
    %scan3A_49 = arith.constant 0 : i32
    %scan3A_50 = arith.constant 5 : i32
    %scan3A_51 = arith.addi %scan3A_49, %scan3A_50 : i32
    %scan3A_52 = arith.constant 1 : i32
    scf.for %scan3A_54 = %scan3A_49 to %scan3A_51 step %scan3A_52  : i32 {
      %mul3A_55 = arith.constant 16 : i32
      %mul3A_56 = arith.muli %scan3A_54, %mul3A_55 : i32
      %add3A_57 = arith.constant 0 : i32
      %add3A_58 = arith.addi %mul3A_56, %add3A_57 : i32
      %get3A = arith.index_cast %add3A_58 : i32 to index
      %get3A_59 = arith.constant 0 : index
      %get3A_60 = tpu.vector_load %arg8[%get3A, %get3A_59] {strides = array<i32>} : memref<160x64xi32, #tpu.memory_space<vmem>>, vector<16xi32>,
      %bitcast3A = vector.bitcast %get3A_60 : vector<16xi32> to vector<32xbf16>
      %add3A_61 = arith.constant 80 : i32
      %add3A_62 = arith.addi %add3A_61, %add3A_58 : i32
      %get3A_63 = arith.index_cast %add3A_62 : i32 to index
      %get3A_64 = arith.constant 0 : index
      %get3A_65 = tpu.vector_load %arg8[%get3A_63, %get3A_64] {strides = array<i32>} : memref<160x64xi32, #tpu.memory_space<vmem>>, vector<16xi32>,
      %bitcast3A_66 = vector.bitcast %get3A_65 : vector<16xi32> to vector<32xbf16>
      %mul3A_67 = arith.mulf %bitcast3A, %bitcast3A_66 : vector<32xbf16>
      %get3A_68 = arith.index_cast %add3A_58 : i32 to index
      %get3A_69 = arith.constant 16 : index
      %get3A_70 = tpu.vector_load %arg8[%get3A_68, %get3A_69] {strides = array<i32>} : memref<160x64xi32, #tpu.memory_space<vmem>>, vector<16xi32>,
      %bitcast3A_71 = vector.bitcast %get3A_70 : vector<16xi32> to vector<32xbf16>
      %add3A_72 = arith.constant 80 : i32
      %add3A_73 = arith.addi %add3A_72, %add3A_58 : i32
      %get3A_74 = arith.index_cast %add3A_73 : i32 to index
      %get3A_75 = arith.constant 16 : index
      %get3A_76 = tpu.vector_load %arg8[%get3A_74, %get3A_75] {strides = array<i32>} : memref<160x64xi32, #tpu.memory_space<vmem>>, vector<16xi32>,
      %bitcast3A_77 = vector.bitcast %get3A_76 : vector<16xi32> to vector<32xbf16>
      %mul3A_78 = arith.mulf %bitcast3A_71, %bitcast3A_77 : vector<32xbf16>
      %get3A_79 = arith.index_cast %add3A_58 : i32 to index
      %get3A_80 = arith.constant 32 : index
      %get3A_81 = tpu.vector_load %arg8[%get3A_79, %get3A_80] {strides = array<i32>} : memref<160x64xi32, #tpu.memory_space<vmem>>, vector<16xi32>,
      %bitcast3A_82 = vector.bitcast %get3A_81 : vector<16xi32> to vector<32xbf16>
      %add3A_83 = arith.constant 80 : i32
      %add3A_84 = arith.addi %add3A_83, %add3A_58 : i32
      %get3A_85 = arith.index_cast %add3A_84 : i32 to index
      %get3A_86 = arith.constant 32 : index
      %get3A_87 = tpu.vector_load %arg8[%get3A_85, %get3A_86] {strides = array<i32>} : memref<160x64xi32, #tpu.memory_space<vmem>>, vector<16xi32>,
      %bitcast3A_88 = vector.bitcast %get3A_87 : vector<16xi32> to vector<32xbf16>
      %mul3A_89 = arith.mulf %bitcast3A_82, %bitcast3A_88 : vector<32xbf16>
      %get3A_90 = arith.index_cast %add3A_58 : i32 to index
      %get3A_91 = arith.constant 48 : index
      %get3A_92 = tpu.vector_load %arg8[%get3A_90, %get3A_91] {strides = array<i32>} : memref<160x64xi32, #tpu.memory_space<vmem>>, vector<16xi32>,
      %bitcast3A_93 = vector.bitcast %get3A_92 : vector<16xi32> to vector<32xbf16>
      %add3A_94 = arith.constant 80 : i32
      %add3A_95 = arith.addi %add3A_94, %add3A_58 : i32
      %get3A_96 = arith.index_cast %add3A_95 : i32 to index
      %get3A_97 = arith.constant 48 : index
      %get3A_98 = tpu.vector_load %arg8[%get3A_96, %get3A_97] {strides = array<i32>} : memref<160x64xi32, #tpu.memory_space<vmem>>, vector<16xi32>,
      %bitcast3A_99 = vector.bitcast %get3A_98 : vector<16xi32> to vector<32xbf16>
      %mul3A_100 = arith.mulf %bitcast3A_93, %bitcast3A_99 : vector<32xbf16>
      %add3A_101 = arith.addf %mul3A_67, %mul3A_78 : vector<32xbf16>
      %add3A_102 = arith.addf %mul3A_89, %mul3A_100 : vector<32xbf16>
      %add3A_103 = arith.addf %add3A_101, %add3A_102 : vector<32xbf16>
      %unpack3A = tpu.unpack_subelements %add3A_103, 0 {pack_format = #tpu.pack_format<interleaved>} : vector<32xbf16> -> vector<16xf32>
      %unpack3A_104 = tpu.unpack_subelements %add3A_103, 1 {pack_format = #tpu.pack_format<interleaved>} : vector<32xbf16> -> vector<16xf32>
      %add3A_105 = arith.addf %unpack3A, %unpack3A_104 : vector<16xf32>
      %mul3A_106 = arith.constant 16 : i32
      %mul3A_107 = arith.muli %scan3A_54, %mul3A_106 : i32
      %add3A_108 = arith.constant 8 : i32
      %add3A_109 = arith.addi %mul3A_107, %add3A_108 : i32
      %get3A_110 = arith.index_cast %add3A_109 : i32 to index
      %get3A_111 = arith.constant 0 : index
      %get3A_112 = tpu.vector_load %arg8[%get3A_110, %get3A_111] {strides = array<i32>} : memref<160x64xi32, #tpu.memory_space<vmem>>, vector<16xi32>,
      %bitcast3A_113 = vector.bitcast %get3A_112 : vector<16xi32> to vector<32xbf16>
      %add3A_114 = arith.constant 80 : i32
      %add3A_115 = arith.addi %add3A_114, %add3A_109 : i32
      %get3A_116 = arith.index_cast %add3A_115 : i32 to index
      %get3A_117 = arith.constant 0 : index
      %get3A_118 = tpu.vector_load %arg8[%get3A_116, %get3A_117] {strides = array<i32>} : memref<160x64xi32, #tpu.memory_space<vmem>>, vector<16xi32>,
      %bitcast3A_119 = vector.bitcast %get3A_118 : vector<16xi32> to vector<32xbf16>
      %mul3A_120 = arith.mulf %bitcast3A_113, %bitcast3A_119 : vector<32xbf16>
      %get3A_121 = arith.index_cast %add3A_109 : i32 to index
      %get3A_122 = arith.constant 16 : index
      %get3A_123 = tpu.vector_load %arg8[%get3A_121, %get3A_122] {strides = array<i32>} : memref<160x64xi32, #tpu.memory_space<vmem>>, vector<16xi32>,
      %bitcast3A_124 = vector.bitcast %get3A_123 : vector<16xi32> to vector<32xbf16>
      %add3A_125 = arith.constant 80 : i32
      %add3A_126 = arith.addi %add3A_125, %add3A_109 : i32
      %get3A_127 = arith.index_cast %add3A_126 : i32 to index
      %get3A_128 = arith.constant 16 : index
      %get3A_129 = tpu.vector_load %arg8[%get3A_127, %get3A_128] {strides = array<i32>} : memref<160x64xi32, #tpu.memory_space<vmem>>, vector<16xi32>,
      %bitcast3A_130 = vector.bitcast %get3A_129 : vector<16xi32> to vector<32xbf16>
      %mul3A_131 = arith.mulf %bitcast3A_124, %bitcast3A_130 : vector<32xbf16>
      %get3A_132 = arith.index_cast %add3A_109 : i32 to index
      %get3A_133 = arith.constant 32 : index
      %get3A_134 = tpu.vector_load %arg8[%get3A_132, %get3A_133] {strides = array<i32>} : memref<160x64xi32, #tpu.memory_space<vmem>>, vector<16xi32>,
      %bitcast3A_135 = vector.bitcast %get3A_134 : vector<16xi32> to vector<32xbf16>
      %add3A_136 = arith.constant 80 : i32
      %add3A_137 = arith.addi %add3A_136, %add3A_109 : i32
      %get3A_138 = arith.index_cast %add3A_137 : i32 to index
      %get3A_139 = arith.constant 32 : index
      %get3A_140 = tpu.vector_load %arg8[%get3A_138, %get3A_139] {strides = array<i32>} : memref<160x64xi32, #tpu.memory_space<vmem>>, vector<16xi32>,
      %bitcast3A_141 = vector.bitcast %get3A_140 : vector<16xi32> to vector<32xbf16>
      %mul3A_142 = arith.mulf %bitcast3A_135, %bitcast3A_141 : vector<32xbf16>
      %get3A_143 = arith.index_cast %add3A_109 : i32 to index
      %get3A_144 = arith.constant 48 : index
      %get3A_145 = tpu.vector_load %arg8[%get3A_143, %get3A_144] {strides = array<i32>} : memref<160x64xi32, #tpu.memory_space<vmem>>, vector<16xi32>,
      %bitcast3A_146 = vector.bitcast %get3A_145 : vector<16xi32> to vector<32xbf16>
      %add3A_147 = arith.constant 80 : i32
      %add3A_148 = arith.addi %add3A_147, %add3A_109 : i32
      %get3A_149 = arith.index_cast %add3A_148 : i32 to index
      %get3A_150 = arith.constant 48 : index
      %get3A_151 = tpu.vector_load %arg8[%get3A_149, %get3A_150] {strides = array<i32>} : memref<160x64xi32, #tpu.memory_space<vmem>>, vector<16xi32>,
      %bitcast3A_152 = vector.bitcast %get3A_151 : vector<16xi32> to vector<32xbf16>
      %mul3A_153 = arith.mulf %bitcast3A_146, %bitcast3A_152 : vector<32xbf16>
      %add3A_154 = arith.addf %mul3A_120, %mul3A_131 : vector<32xbf16>
      %add3A_155 = arith.addf %mul3A_142, %mul3A_153 : vector<32xbf16>
      %add3A_156 = arith.addf %add3A_154, %add3A_155 : vector<32xbf16>
      %unpack3A_157 = tpu.unpack_subelements %add3A_156, 0 {pack_format = #tpu.pack_format<interleaved>} : vector<32xbf16> -> vector<16xf32>
      %unpack3A_158 = tpu.unpack_subelements %add3A_156, 1 {pack_format = #tpu.pack_format<interleaved>} : vector<32xbf16> -> vector<16xf32>
      %add3A_159 = arith.addf %unpack3A_157, %unpack3A_158 : vector<16xf32>
      %mul3A_160 = arith.constant 16 : i32
      %mul3A_161 = arith.muli %scan3A_54, %mul3A_160 : i32
      %add3A_162 = arith.constant 4 : i32
      %add3A_163 = arith.addi %mul3A_161, %add3A_162 : i32
      %get3A_164 = arith.index_cast %add3A_163 : i32 to index
      %get3A_165 = arith.constant 0 : index
      %get3A_166 = tpu.vector_load %arg8[%get3A_164, %get3A_165] {strides = array<i32>} : memref<160x64xi32, #tpu.memory_space<vmem>>, vector<16xi32>,
      %bitcast3A_167 = vector.bitcast %get3A_166 : vector<16xi32> to vector<32xbf16>
      %add3A_168 = arith.constant 80 : i32
      %add3A_169 = arith.addi %add3A_168, %add3A_163 : i32
      %get3A_170 = arith.index_cast %add3A_169 : i32 to index
      %get3A_171 = arith.constant 0 : index
      %get3A_172 = tpu.vector_load %arg8[%get3A_170, %get3A_171] {strides = array<i32>} : memref<160x64xi32, #tpu.memory_space<vmem>>, vector<16xi32>,
      %bitcast3A_173 = vector.bitcast %get3A_172 : vector<16xi32> to vector<32xbf16>
      %mul3A_174 = arith.mulf %bitcast3A_167, %bitcast3A_173 : vector<32xbf16>
      %get3A_175 = arith.index_cast %add3A_163 : i32 to index
      %get3A_176 = arith.constant 16 : index
      %get3A_177 = tpu.vector_load %arg8[%get3A_175, %get3A_176] {strides = array<i32>} : memref<160x64xi32, #tpu.memory_space<vmem>>, vector<16xi32>,
      %bitcast3A_178 = vector.bitcast %get3A_177 : vector<16xi32> to vector<32xbf16>
      %add3A_179 = arith.constant 80 : i32
      %add3A_180 = arith.addi %add3A_179, %add3A_163 : i32
      %get3A_181 = arith.index_cast %add3A_180 : i32 to index
      %get3A_182 = arith.constant 16 : index
      %get3A_183 = tpu.vector_load %arg8[%get3A_181, %get3A_182] {strides = array<i32>} : memref<160x64xi32, #tpu.memory_space<vmem>>, vector<16xi32>,
      %bitcast3A_184 = vector.bitcast %get3A_183 : vector<16xi32> to vector<32xbf16>
      %mul3A_185 = arith.mulf %bitcast3A_178, %bitcast3A_184 : vector<32xbf16>
      %get3A_186 = arith.index_cast %add3A_163 : i32 to index
      %get3A_187 = arith.constant 32 : index
      %get3A_188 = tpu.vector_load %arg8[%get3A_186, %get3A_187] {strides = array<i32>} : memref<160x64xi32, #tpu.memory_space<vmem>>, vector<16xi32>,
      %bitcast3A_189 = vector.bitcast %get3A_188 : vector<16xi32> to vector<32xbf16>
      %add3A_190 = arith.constant 80 : i32
      %add3A_191 = arith.addi %add3A_190, %add3A_163 : i32
      %get3A_192 = arith.index_cast %add3A_191 : i32 to index
      %get3A_193 = arith.constant 32 : index
      %get3A_194 = tpu.vector_load %arg8[%get3A_192, %get3A_193] {strides = array<i32>} : memref<160x64xi32, #tpu.memory_space<vmem>>, vector<16xi32>,
      %bitcast3A_195 = vector.bitcast %get3A_194 : vector<16xi32> to vector<32xbf16>
      %mul3A_196 = arith.mulf %bitcast3A_189, %bitcast3A_195 : vector<32xbf16>
      %get3A_197 = arith.index_cast %add3A_163 : i32 to index
      %get3A_198 = arith.constant 48 : index
      %get3A_199 = tpu.vector_load %arg8[%get3A_197, %get3A_198] {strides = array<i32>} : memref<160x64xi32, #tpu.memory_space<vmem>>, vector<16xi32>,
      %bitcast3A_200 = vector.bitcast %get3A_199 : vector<16xi32> to vector<32xbf16>
      %add3A_201 = arith.constant 80 : i32
      %add3A_202 = arith.addi %add3A_201, %add3A_163 : i32
      %get3A_203 = arith.index_cast %add3A_202 : i32 to index
      %get3A_204 = arith.constant 48 : index
      %get3A_205 = tpu.vector_load %arg8[%get3A_203, %get3A_204] {strides = array<i32>} : memref<160x64xi32, #tpu.memory_space<vmem>>, vector<16xi32>,
      %bitcast3A_206 = vector.bitcast %get3A_205 : vector<16xi32> to vector<32xbf16>
      %mul3A_207 = arith.mulf %bitcast3A_200, %bitcast3A_206 : vector<32xbf16>
      %add3A_208 = arith.addf %mul3A_174, %mul3A_185 : vector<32xbf16>
      %add3A_209 = arith.addf %mul3A_196, %mul3A_207 : vector<32xbf16>
      %add3A_210 = arith.addf %add3A_208, %add3A_209 : vector<32xbf16>
      %unpack3A_211 = tpu.unpack_subelements %add3A_210, 0 {pack_format = #tpu.pack_format<interleaved>} : vector<32xbf16> -> vector<16xf32>
      %unpack3A_212 = tpu.unpack_subelements %add3A_210, 1 {pack_format = #tpu.pack_format<interleaved>} : vector<32xbf16> -> vector<16xf32>
      %add3A_213 = arith.addf %unpack3A_211, %unpack3A_212 : vector<16xf32>
      %mul3A_214 = arith.constant 16 : i32
      %mul3A_215 = arith.muli %scan3A_54, %mul3A_214 : i32
      %add3A_216 = arith.constant 12 : i32
      %add3A_217 = arith.addi %mul3A_215, %add3A_216 : i32
      %get3A_218 = arith.index_cast %add3A_217 : i32 to index
      %get3A_219 = arith.constant 0 : index
      %get3A_220 = tpu.vector_load %arg8[%get3A_218, %get3A_219] {strides = array<i32>} : memref<160x64xi32, #tpu.memory_space<vmem>>, vector<16xi32>,
      %bitcast3A_221 = vector.bitcast %get3A_220 : vector<16xi32> to vector<32xbf16>
      %add3A_222 = arith.constant 80 : i32
      %add3A_223 = arith.addi %add3A_222, %add3A_217 : i32
      %get3A_224 = arith.index_cast %add3A_223 : i32 to index
      %get3A_225 = arith.constant 0 : index
      %get3A_226 = tpu.vector_load %arg8[%get3A_224, %get3A_225] {strides = array<i32>} : memref<160x64xi32, #tpu.memory_space<vmem>>, vector<16xi32>,
      %bitcast3A_227 = vector.bitcast %get3A_226 : vector<16xi32> to vector<32xbf16>
      %mul3A_228 = arith.mulf %bitcast3A_221, %bitcast3A_227 : vector<32xbf16>
      %get3A_229 = arith.index_cast %add3A_217 : i32 to index
      %get3A_230 = arith.constant 16 : index
      %get3A_231 = tpu.vector_load %arg8[%get3A_229, %get3A_230] {strides = array<i32>} : memref<160x64xi32, #tpu.memory_space<vmem>>, vector<16xi32>,
      %bitcast3A_232 = vector.bitcast %get3A_231 : vector<16xi32> to vector<32xbf16>
      %add3A_233 = arith.constant 80 : i32
      %add3A_234 = arith.addi %add3A_233, %add3A_217 : i32
      %get3A_235 = arith.index_cast %add3A_234 : i32 to index
      %get3A_236 = arith.constant 16 : index
      %get3A_237 = tpu.vector_load %arg8[%get3A_235, %get3A_236] {strides = array<i32>} : memref<160x64xi32, #tpu.memory_space<vmem>>, vector<16xi32>,
      %bitcast3A_238 = vector.bitcast %get3A_237 : vector<16xi32> to vector<32xbf16>
      %mul3A_239 = arith.mulf %bitcast3A_232, %bitcast3A_238 : vector<32xbf16>
      %get3A_240 = arith.index_cast %add3A_217 : i32 to index
      %get3A_241 = arith.constant 32 : index
      %get3A_242 = tpu.vector_load %arg8[%get3A_240, %get3A_241] {strides = array<i32>} : memref<160x64xi32, #tpu.memory_space<vmem>>, vector<16xi32>,
      %bitcast3A_243 = vector.bitcast %get3A_242 : vector<16xi32> to vector<32xbf16>
      %add3A_244 = arith.constant 80 : i32
      %add3A_245 = arith.addi %add3A_244, %add3A_217 : i32
      %get3A_246 = arith.index_cast %add3A_245 : i32 to index
      %get3A_247 = arith.constant 32 : index
      %get3A_248 = tpu.vector_load %arg8[%get3A_246, %get3A_247] {strides = array<i32>} : memref<160x64xi32, #tpu.memory_space<vmem>>, vector<16xi32>,
      %bitcast3A_249 = vector.bitcast %get3A_248 : vector<16xi32> to vector<32xbf16>
      %mul3A_250 = arith.mulf %bitcast3A_243, %bitcast3A_249 : vector<32xbf16>
      %get3A_251 = arith.index_cast %add3A_217 : i32 to index
      %get3A_252 = arith.constant 48 : index
      %get3A_253 = tpu.vector_load %arg8[%get3A_251, %get3A_252] {strides = array<i32>} : memref<160x64xi32, #tpu.memory_space<vmem>>, vector<16xi32>,
      %bitcast3A_254 = vector.bitcast %get3A_253 : vector<16xi32> to vector<32xbf16>
      %add3A_255 = arith.constant 80 : i32
      %add3A_256 = arith.addi %add3A_255, %add3A_217 : i32
      %get3A_257 = arith.index_cast %add3A_256 : i32 to index
      %get3A_258 = arith.constant 48 : index
      %get3A_259 = tpu.vector_load %arg8[%get3A_257, %get3A_258] {strides = array<i32>} : memref<160x64xi32, #tpu.memory_space<vmem>>, vector<16xi32>,
      %bitcast3A_260 = vector.bitcast %get3A_259 : vector<16xi32> to vector<32xbf16>
      %mul3A_261 = arith.mulf %bitcast3A_254, %bitcast3A_260 : vector<32xbf16>
      %add3A_262 = arith.addf %mul3A_228, %mul3A_239 : vector<32xbf16>
      %add3A_263 = arith.addf %mul3A_250, %mul3A_261 : vector<32xbf16>
      %add3A_264 = arith.addf %add3A_262, %add3A_263 : vector<32xbf16>
      %unpack3A_265 = tpu.unpack_subelements %add3A_264, 0 {pack_format = #tpu.pack_format<interleaved>} : vector<32xbf16> -> vector<16xf32>
      %unpack3A_266 = tpu.unpack_subelements %add3A_264, 1 {pack_format = #tpu.pack_format<interleaved>} : vector<32xbf16> -> vector<16xf32>
      %add3A_267 = arith.addf %unpack3A_265, %unpack3A_266 : vector<16xf32>
      %mul3A_268 = arith.constant 16 : i32
      %mul3A_269 = arith.muli %scan3A_54, %mul3A_268 : i32
      %add3A_270 = arith.constant 2 : i32
      %add3A_271 = arith.addi %mul3A_269, %add3A_270 : i32
      %get3A_272 = arith.index_cast %add3A_271 : i32 to index
      %get3A_273 = arith.constant 0 : index
      %get3A_274 = tpu.vector_load %arg8[%get3A_272, %get3A_273] {strides = array<i32>} : memref<160x64xi32, #tpu.memory_space<vmem>>, vector<16xi32>,
      %bitcast3A_275 = vector.bitcast %get3A_274 : vector<16xi32> to vector<32xbf16>
      %add3A_276 = arith.constant 80 : i32
      %add3A_277 = arith.addi %add3A_276, %add3A_271 : i32
      %get3A_278 = arith.index_cast %add3A_277 : i32 to index
      %get3A_279 = arith.constant 0 : index
      %get3A_280 = tpu.vector_load %arg8[%get3A_278, %get3A_279] {strides = array<i32>} : memref<160x64xi32, #tpu.memory_space<vmem>>, vector<16xi32>,
      %bitcast3A_281 = vector.bitcast %get3A_280 : vector<16xi32> to vector<32xbf16>
      %mul3A_282 = arith.mulf %bitcast3A_275, %bitcast3A_281 : vector<32xbf16>
      %get3A_283 = arith.index_cast %add3A_271 : i32 to index
      %get3A_284 = arith.constant 16 : index
      %get3A_285 = tpu.vector_load %arg8[%get3A_283, %get3A_284] {strides = array<i32>} : memref<160x64xi32, #tpu.memory_space<vmem>>, vector<16xi32>,
      %bitcast3A_286 = vector.bitcast %get3A_285 : vector<16xi32> to vector<32xbf16>
      %add3A_287 = arith.constant 80 : i32
      %add3A_288 = arith.addi %add3A_287, %add3A_271 : i32
      %get3A_289 = arith.index_cast %add3A_288 : i32 to index
      %get3A_290 = arith.constant 16 : index
      %get3A_291 = tpu.vector_load %arg8[%get3A_289, %get3A_290] {strides = array<i32>} : memref<160x64xi32, #tpu.memory_space<vmem>>, vector<16xi32>,
      %bitcast3A_292 = vector.bitcast %get3A_291 : vector<16xi32> to vector<32xbf16>
      %mul3A_293 = arith.mulf %bitcast3A_286, %bitcast3A_292 : vector<32xbf16>
      %get3A_294 = arith.index_cast %add3A_271 : i32 to index
      %get3A_295 = arith.constant 32 : index
      %get3A_296 = tpu.vector_load %arg8[%get3A_294, %get3A_295] {strides = array<i32>} : memref<160x64xi32, #tpu.memory_space<vmem>>, vector<16xi32>,
      %bitcast3A_297 = vector.bitcast %get3A_296 : vector<16xi32> to vector<32xbf16>
      %add3A_298 = arith.constant 80 : i32
      %add3A_299 = arith.addi %add3A_298, %add3A_271 : i32
      %get3A_300 = arith.index_cast %add3A_299 : i32 to index
      %get3A_301 = arith.constant 32 : index
      %get3A_302 = tpu.vector_load %arg8[%get3A_300, %get3A_301] {strides = array<i32>} : memref<160x64xi32, #tpu.memory_space<vmem>>, vector<16xi32>,
      %bitcast3A_303 = vector.bitcast %get3A_302 : vector<16xi32> to vector<32xbf16>
      %mul3A_304 = arith.mulf %bitcast3A_297, %bitcast3A_303 : vector<32xbf16>
      %get3A_305 = arith.index_cast %add3A_271 : i32 to index
      %get3A_306 = arith.constant 48 : index
      %get3A_307 = tpu.vector_load %arg8[%get3A_305, %get3A_306] {strides = array<i32>} : memref<160x64xi32, #tpu.memory_space<vmem>>, vector<16xi32>,
      %bitcast3A_308 = vector.bitcast %get3A_307 : vector<16xi32> to vector<32xbf16>
      %add3A_309 = arith.constant 80 : i32
      %add3A_310 = arith.addi %add3A_309, %add3A_271 : i32
      %get3A_311 = arith.index_cast %add3A_310 : i32 to index
      %get3A_312 = arith.constant 48 : index
      %get3A_313 = tpu.vector_load %arg8[%get3A_311, %get3A_312] {strides = array<i32>} : memref<160x64xi32, #tpu.memory_space<vmem>>, vector<16xi32>,
      %bitcast3A_314 = vector.bitcast %get3A_313 : vector<16xi32> to vector<32xbf16>
      %mul3A_315 = arith.mulf %bitcast3A_308, %bitcast3A_314 : vector<32xbf16>
      %add3A_316 = arith.addf %mul3A_282, %mul3A_293 : vector<32xbf16>
      %add3A_317 = arith.addf %mul3A_304, %mul3A_315 : vector<32xbf16>
      %add3A_318 = arith.addf %add3A_316, %add3A_317 : vector<32xbf16>
      %unpack3A_319 = tpu.unpack_subelements %add3A_318, 0 {pack_format = #tpu.pack_format<interleaved>} : vector<32xbf16> -> vector<16xf32>
      %unpack3A_320 = tpu.unpack_subelements %add3A_318, 1 {pack_format = #tpu.pack_format<interleaved>} : vector<32xbf16> -> vector<16xf32>
      %add3A_321 = arith.addf %unpack3A_319, %unpack3A_320 : vector<16xf32>
      %mul3A_322 = arith.constant 16 : i32
      %mul3A_323 = arith.muli %scan3A_54, %mul3A_322 : i32
      %add3A_324 = arith.constant 10 : i32
      %add3A_325 = arith.addi %mul3A_323, %add3A_324 : i32
      %get3A_326 = arith.index_cast %add3A_325 : i32 to index
      %get3A_327 = arith.constant 0 : index
      %get3A_328 = tpu.vector_load %arg8[%get3A_326, %get3A_327] {strides = array<i32>} : memref<160x64xi32, #tpu.memory_space<vmem>>, vector<16xi32>,
      %bitcast3A_329 = vector.bitcast %get3A_328 : vector<16xi32> to vector<32xbf16>
      %add3A_330 = arith.constant 80 : i32
      %add3A_331 = arith.addi %add3A_330, %add3A_325 : i32
      %get3A_332 = arith.index_cast %add3A_331 : i32 to index
      %get3A_333 = arith.constant 0 : index
      %get3A_334 = tpu.vector_load %arg8[%get3A_332, %get3A_333] {strides = array<i32>} : memref<160x64xi32, #tpu.memory_space<vmem>>, vector<16xi32>,
      %bitcast3A_335 = vector.bitcast %get3A_334 : vector<16xi32> to vector<32xbf16>
      %mul3A_336 = arith.mulf %bitcast3A_329, %bitcast3A_335 : vector<32xbf16>
      %get3A_337 = arith.index_cast %add3A_325 : i32 to index
      %get3A_338 = arith.constant 16 : index
      %get3A_339 = tpu.vector_load %arg8[%get3A_337, %get3A_338] {strides = array<i32>} : memref<160x64xi32, #tpu.memory_space<vmem>>, vector<16xi32>,
      %bitcast3A_340 = vector.bitcast %get3A_339 : vector<16xi32> to vector<32xbf16>
      %add3A_341 = arith.constant 80 : i32
      %add3A_342 = arith.addi %add3A_341, %add3A_325 : i32
      %get3A_343 = arith.index_cast %add3A_342 : i32 to index
      %get3A_344 = arith.constant 16 : index
      %get3A_345 = tpu.vector_load %arg8[%get3A_343, %get3A_344] {strides = array<i32>} : memref<160x64xi32, #tpu.memory_space<vmem>>, vector<16xi32>,
      %bitcast3A_346 = vector.bitcast %get3A_345 : vector<16xi32> to vector<32xbf16>
      %mul3A_347 = arith.mulf %bitcast3A_340, %bitcast3A_346 : vector<32xbf16>
      %get3A_348 = arith.index_cast %add3A_325 : i32 to index
      %get3A_349 = arith.constant 32 : index
      %get3A_350 = tpu.vector_load %arg8[%get3A_348, %get3A_349] {strides = array<i32>} : memref<160x64xi32, #tpu.memory_space<vmem>>, vector<16xi32>,
      %bitcast3A_351 = vector.bitcast %get3A_350 : vector<16xi32> to vector<32xbf16>
      %add3A_352 = arith.constant 80 : i32
      %add3A_353 = arith.addi %add3A_352, %add3A_325 : i32
      %get3A_354 = arith.index_cast %add3A_353 : i32 to index
      %get3A_355 = arith.constant 32 : index
      %get3A_356 = tpu.vector_load %arg8[%get3A_354, %get3A_355] {strides = array<i32>} : memref<160x64xi32, #tpu.memory_space<vmem>>, vector<16xi32>,
      %bitcast3A_357 = vector.bitcast %get3A_356 : vector<16xi32> to vector<32xbf16>
      %mul3A_358 = arith.mulf %bitcast3A_351, %bitcast3A_357 : vector<32xbf16>
      %get3A_359 = arith.index_cast %add3A_325 : i32 to index
      %get3A_360 = arith.constant 48 : index
      %get3A_361 = tpu.vector_load %arg8[%get3A_359, %get3A_360] {strides = array<i32>} : memref<160x64xi32, #tpu.memory_space<vmem>>, vector<16xi32>,
      %bitcast3A_362 = vector.bitcast %get3A_361 : vector<16xi32> to vector<32xbf16>
      %add3A_363 = arith.constant 80 : i32
      %add3A_364 = arith.addi %add3A_363, %add3A_325 : i32
      %get3A_365 = arith.index_cast %add3A_364 : i32 to index
      %get3A_366 = arith.constant 48 : index
      %get3A_367 = tpu.vector_load %arg8[%get3A_365, %get3A_366] {strides = array<i32>} : memref<160x64xi32, #tpu.memory_space<vmem>>, vector<16xi32>,
      %bitcast3A_368 = vector.bitcast %get3A_367 : vector<16xi32> to vector<32xbf16>
      %mul3A_369 = arith.mulf %bitcast3A_362, %bitcast3A_368 : vector<32xbf16>
      %add3A_370 = arith.addf %mul3A_336, %mul3A_347 : vector<32xbf16>
      %add3A_371 = arith.addf %mul3A_358, %mul3A_369 : vector<32xbf16>
      %add3A_372 = arith.addf %add3A_370, %add3A_371 : vector<32xbf16>
      %unpack3A_373 = tpu.unpack_subelements %add3A_372, 0 {pack_format = #tpu.pack_format<interleaved>} : vector<32xbf16> -> vector<16xf32>
      %unpack3A_374 = tpu.unpack_subelements %add3A_372, 1 {pack_format = #tpu.pack_format<interleaved>} : vector<32xbf16> -> vector<16xf32>
      %add3A_375 = arith.addf %unpack3A_373, %unpack3A_374 : vector<16xf32>
      %mul3A_376 = arith.constant 16 : i32
      %mul3A_377 = arith.muli %scan3A_54, %mul3A_376 : i32
      %add3A_378 = arith.constant 6 : i32
      %add3A_379 = arith.addi %mul3A_377, %add3A_378 : i32
      %get3A_380 = arith.index_cast %add3A_379 : i32 to index
      %get3A_381 = arith.constant 0 : index
      %get3A_382 = tpu.vector_load %arg8[%get3A_380, %get3A_381] {strides = array<i32>} : memref<160x64xi32, #tpu.memory_space<vmem>>, vector<16xi32>,
      %bitcast3A_383 = vector.bitcast %get3A_382 : vector<16xi32> to vector<32xbf16>
      %add3A_384 = arith.constant 80 : i32
      %add3A_385 = arith.addi %add3A_384, %add3A_379 : i32
      %get3A_386 = arith.index_cast %add3A_385 : i32 to index
      %get3A_387 = arith.constant 0 : index
      %get3A_388 = tpu.vector_load %arg8[%get3A_386, %get3A_387] {strides = array<i32>} : memref<160x64xi32, #tpu.memory_space<vmem>>, vector<16xi32>,
      %bitcast3A_389 = vector.bitcast %get3A_388 : vector<16xi32> to vector<32xbf16>
      %mul3A_390 = arith.mulf %bitcast3A_383, %bitcast3A_389 : vector<32xbf16>
      %get3A_391 = arith.index_cast %add3A_379 : i32 to index
      %get3A_392 = arith.constant 16 : index
      %get3A_393 = tpu.vector_load %arg8[%get3A_391, %get3A_392] {strides = array<i32>} : memref<160x64xi32, #tpu.memory_space<vmem>>, vector<16xi32>,
      %bitcast3A_394 = vector.bitcast %get3A_393 : vector<16xi32> to vector<32xbf16>
      %add3A_395 = arith.constant 80 : i32
      %add3A_396 = arith.addi %add3A_395, %add3A_379 : i32
      %get3A_397 = arith.index_cast %add3A_396 : i32 to index
      %get3A_398 = arith.constant 16 : index
      %get3A_399 = tpu.vector_load %arg8[%get3A_397, %get3A_398] {strides = array<i32>} : memref<160x64xi32, #tpu.memory_space<vmem>>, vector<16xi32>,
      %bitcast3A_400 = vector.bitcast %get3A_399 : vector<16xi32> to vector<32xbf16>
      %mul3A_401 = arith.mulf %bitcast3A_394, %bitcast3A_400 : vector<32xbf16>
      %get3A_402 = arith.index_cast %add3A_379 : i32 to index
      %get3A_403 = arith.constant 32 : index
      %get3A_404 = tpu.vector_load %arg8[%get3A_402, %get3A_403] {strides = array<i32>} : memref<160x64xi32, #tpu.memory_space<vmem>>, vector<16xi32>,
      %bitcast3A_405 = vector.bitcast %get3A_404 : vector<16xi32> to vector<32xbf16>
      %add3A_406 = arith.constant 80 : i32
      %add3A_407 = arith.addi %add3A_406, %add3A_379 : i32
      %get3A_408 = arith.index_cast %add3A_407 : i32 to index
      %get3A_409 = arith.constant 32 : index
      %get3A_410 = tpu.vector_load %arg8[%get3A_408, %get3A_409] {strides = array<i32>} : memref<160x64xi32, #tpu.memory_space<vmem>>, vector<16xi32>,
      %bitcast3A_411 = vector.bitcast %get3A_410 : vector<16xi32> to vector<32xbf16>
      %mul3A_412 = arith.mulf %bitcast3A_405, %bitcast3A_411 : vector<32xbf16>
      %get3A_413 = arith.index_cast %add3A_379 : i32 to index
      %get3A_414 = arith.constant 48 : index
      %get3A_415 = tpu.vector_load %arg8[%get3A_413, %get3A_414] {strides = array<i32>} : memref<160x64xi32, #tpu.memory_space<vmem>>, vector<16xi32>,
      %bitcast3A_416 = vector.bitcast %get3A_415 : vector<16xi32> to vector<32xbf16>
      %add3A_417 = arith.constant 80 : i32
      %add3A_418 = arith.addi %add3A_417, %add3A_379 : i32
      %get3A_419 = arith.index_cast %add3A_418 : i32 to index
      %get3A_420 = arith.constant 48 : index
      %get3A_421 = tpu.vector_load %arg8[%get3A_419, %get3A_420] {strides = array<i32>} : memref<160x64xi32, #tpu.memory_space<vmem>>, vector<16xi32>,
      %bitcast3A_422 = vector.bitcast %get3A_421 : vector<16xi32> to vector<32xbf16>
      %mul3A_423 = arith.mulf %bitcast3A_416, %bitcast3A_422 : vector<32xbf16>
      %add3A_424 = arith.addf %mul3A_390, %mul3A_401 : vector<32xbf16>
      %add3A_425 = arith.addf %mul3A_412, %mul3A_423 : vector<32xbf16>
      %add3A_426 = arith.addf %add3A_424, %add3A_425 : vector<32xbf16>
      %unpack3A_427 = tpu.unpack_subelements %add3A_426, 0 {pack_format = #tpu.pack_format<interleaved>} : vector<32xbf16> -> vector<16xf32>
      %unpack3A_428 = tpu.unpack_subelements %add3A_426, 1 {pack_format = #tpu.pack_format<interleaved>} : vector<32xbf16> -> vector<16xf32>
      %add3A_429 = arith.addf %unpack3A_427, %unpack3A_428 : vector<16xf32>
      %mul3A_430 = arith.constant 16 : i32
      %mul3A_431 = arith.muli %scan3A_54, %mul3A_430 : i32
      %add3A_432 = arith.constant 14 : i32
      %add3A_433 = arith.addi %mul3A_431, %add3A_432 : i32
      %get3A_434 = arith.index_cast %add3A_433 : i32 to index
      %get3A_435 = arith.constant 0 : index
      %get3A_436 = tpu.vector_load %arg8[%get3A_434, %get3A_435] {strides = array<i32>} : memref<160x64xi32, #tpu.memory_space<vmem>>, vector<16xi32>,
      %bitcast3A_437 = vector.bitcast %get3A_436 : vector<16xi32> to vector<32xbf16>
      %add3A_438 = arith.constant 80 : i32
      %add3A_439 = arith.addi %add3A_438, %add3A_433 : i32
      %get3A_440 = arith.index_cast %add3A_439 : i32 to index
      %get3A_441 = arith.constant 0 : index
      %get3A_442 = tpu.vector_load %arg8[%get3A_440, %get3A_441] {strides = array<i32>} : memref<160x64xi32, #tpu.memory_space<vmem>>, vector<16xi32>,
      %bitcast3A_443 = vector.bitcast %get3A_442 : vector<16xi32> to vector<32xbf16>
      %mul3A_444 = arith.mulf %bitcast3A_437, %bitcast3A_443 : vector<32xbf16>
      %get3A_445 = arith.index_cast %add3A_433 : i32 to index
      %get3A_446 = arith.constant 16 : index
      %get3A_447 = tpu.vector_load %arg8[%get3A_445, %get3A_446] {strides = array<i32>} : memref<160x64xi32, #tpu.memory_space<vmem>>, vector<16xi32>,
      %bitcast3A_448 = vector.bitcast %get3A_447 : vector<16xi32> to vector<32xbf16>
      %add3A_449 = arith.constant 80 : i32
      %add3A_450 = arith.addi %add3A_449, %add3A_433 : i32
      %get3A_451 = arith.index_cast %add3A_450 : i32 to index
      %get3A_452 = arith.constant 16 : index
      %get3A_453 = tpu.vector_load %arg8[%get3A_451, %get3A_452] {strides = array<i32>} : memref<160x64xi32, #tpu.memory_space<vmem>>, vector<16xi32>,
      %bitcast3A_454 = vector.bitcast %get3A_453 : vector<16xi32> to vector<32xbf16>
      %mul3A_455 = arith.mulf %bitcast3A_448, %bitcast3A_454 : vector<32xbf16>
      %get3A_456 = arith.index_cast %add3A_433 : i32 to index
      %get3A_457 = arith.constant 32 : index
      %get3A_458 = tpu.vector_load %arg8[%get3A_456, %get3A_457] {strides = array<i32>} : memref<160x64xi32, #tpu.memory_space<vmem>>, vector<16xi32>,
      %bitcast3A_459 = vector.bitcast %get3A_458 : vector<16xi32> to vector<32xbf16>
      %add3A_460 = arith.constant 80 : i32
      %add3A_461 = arith.addi %add3A_460, %add3A_433 : i32
      %get3A_462 = arith.index_cast %add3A_461 : i32 to index
      %get3A_463 = arith.constant 32 : index
      %get3A_464 = tpu.vector_load %arg8[%get3A_462, %get3A_463] {strides = array<i32>} : memref<160x64xi32, #tpu.memory_space<vmem>>, vector<16xi32>,
      %bitcast3A_465 = vector.bitcast %get3A_464 : vector<16xi32> to vector<32xbf16>
      %mul3A_466 = arith.mulf %bitcast3A_459, %bitcast3A_465 : vector<32xbf16>
      %get3A_467 = arith.index_cast %add3A_433 : i32 to index
      %get3A_468 = arith.constant 48 : index
      %get3A_469 = tpu.vector_load %arg8[%get3A_467, %get3A_468] {strides = array<i32>} : memref<160x64xi32, #tpu.memory_space<vmem>>, vector<16xi32>,
      %bitcast3A_470 = vector.bitcast %get3A_469 : vector<16xi32> to vector<32xbf16>
      %add3A_471 = arith.constant 80 : i32
      %add3A_472 = arith.addi %add3A_471, %add3A_433 : i32
      %get3A_473 = arith.index_cast %add3A_472 : i32 to index
      %get3A_474 = arith.constant 48 : index
      %get3A_475 = tpu.vector_load %arg8[%get3A_473, %get3A_474] {strides = array<i32>} : memref<160x64xi32, #tpu.memory_space<vmem>>, vector<16xi32>,
      %bitcast3A_476 = vector.bitcast %get3A_475 : vector<16xi32> to vector<32xbf16>
      %mul3A_477 = arith.mulf %bitcast3A_470, %bitcast3A_476 : vector<32xbf16>
      %add3A_478 = arith.addf %mul3A_444, %mul3A_455 : vector<32xbf16>
      %add3A_479 = arith.addf %mul3A_466, %mul3A_477 : vector<32xbf16>
      %add3A_480 = arith.addf %add3A_478, %add3A_479 : vector<32xbf16>
      %unpack3A_481 = tpu.unpack_subelements %add3A_480, 0 {pack_format = #tpu.pack_format<interleaved>} : vector<32xbf16> -> vector<16xf32>
      %unpack3A_482 = tpu.unpack_subelements %add3A_480, 1 {pack_format = #tpu.pack_format<interleaved>} : vector<32xbf16> -> vector<16xf32>
      %add3A_483 = arith.addf %unpack3A_481, %unpack3A_482 : vector<16xf32>
      %mul3A_484 = arith.constant 16 : i32
      %mul3A_485 = arith.muli %scan3A_54, %mul3A_484 : i32
      %add3A_486 = arith.constant 1 : i32
      %add3A_487 = arith.addi %mul3A_485, %add3A_486 : i32
      %get3A_488 = arith.index_cast %add3A_487 : i32 to index
      %get3A_489 = arith.constant 0 : index
      %get3A_490 = tpu.vector_load %arg8[%get3A_488, %get3A_489] {strides = array<i32>} : memref<160x64xi32, #tpu.memory_space<vmem>>, vector<16xi32>,
      %bitcast3A_491 = vector.bitcast %get3A_490 : vector<16xi32> to vector<32xbf16>
      %add3A_492 = arith.constant 80 : i32
      %add3A_493 = arith.addi %add3A_492, %add3A_487 : i32
      %get3A_494 = arith.index_cast %add3A_493 : i32 to index
      %get3A_495 = arith.constant 0 : index
      %get3A_496 = tpu.vector_load %arg8[%get3A_494, %get3A_495] {strides = array<i32>} : memref<160x64xi32, #tpu.memory_space<vmem>>, vector<16xi32>,
      %bitcast3A_497 = vector.bitcast %get3A_496 : vector<16xi32> to vector<32xbf16>
      %mul3A_498 = arith.mulf %bitcast3A_491, %bitcast3A_497 : vector<32xbf16>
      %get3A_499 = arith.index_cast %add3A_487 : i32 to index
      %get3A_500 = arith.constant 16 : index
      %get3A_501 = tpu.vector_load %arg8[%get3A_499, %get3A_500] {strides = array<i32>} : memref<160x64xi32, #tpu.memory_space<vmem>>, vector<16xi32>,
      %bitcast3A_502 = vector.bitcast %get3A_501 : vector<16xi32> to vector<32xbf16>
      %add3A_503 = arith.constant 80 : i32
      %add3A_504 = arith.addi %add3A_503, %add3A_487 : i32
      %get3A_505 = arith.index_cast %add3A_504 : i32 to index
      %get3A_506 = arith.constant 16 : index
      %get3A_507 = tpu.vector_load %arg8[%get3A_505, %get3A_506] {strides = array<i32>} : memref<160x64xi32, #tpu.memory_space<vmem>>, vector<16xi32>,
      %bitcast3A_508 = vector.bitcast %get3A_507 : vector<16xi32> to vector<32xbf16>
      %mul3A_509 = arith.mulf %bitcast3A_502, %bitcast3A_508 : vector<32xbf16>
      %get3A_510 = arith.index_cast %add3A_487 : i32 to index
      %get3A_511 = arith.constant 32 : index
      %get3A_512 = tpu.vector_load %arg8[%get3A_510, %get3A_511] {strides = array<i32>} : memref<160x64xi32, #tpu.memory_space<vmem>>, vector<16xi32>,
      %bitcast3A_513 = vector.bitcast %get3A_512 : vector<16xi32> to vector<32xbf16>
      %add3A_514 = arith.constant 80 : i32
      %add3A_515 = arith.addi %add3A_514, %add3A_487 : i32
      %get3A_516 = arith.index_cast %add3A_515 : i32 to index
      %get3A_517 = arith.constant 32 : index
      %get3A_518 = tpu.vector_load %arg8[%get3A_516, %get3A_517] {strides = array<i32>} : memref<160x64xi32, #tpu.memory_space<vmem>>, vector<16xi32>,
      %bitcast3A_519 = vector.bitcast %get3A_518 : vector<16xi32> to vector<32xbf16>
      %mul3A_520 = arith.mulf %bitcast3A_513, %bitcast3A_519 : vector<32xbf16>
      %get3A_521 = arith.index_cast %add3A_487 : i32 to index
      %get3A_522 = arith.constant 48 : index
      %get3A_523 = tpu.vector_load %arg8[%get3A_521, %get3A_522] {strides = array<i32>} : memref<160x64xi32, #tpu.memory_space<vmem>>, vector<16xi32>,
      %bitcast3A_524 = vector.bitcast %get3A_523 : vector<16xi32> to vector<32xbf16>
      %add3A_525 = arith.constant 80 : i32
      %add3A_526 = arith.addi %add3A_525, %add3A_487 : i32
      %get3A_527 = arith.index_cast %add3A_526 : i32 to index
      %get3A_528 = arith.constant 48 : index
      %get3A_529 = tpu.vector_load %arg8[%get3A_527, %get3A_528] {strides = array<i32>} : memref<160x64xi32, #tpu.memory_space<vmem>>, vector<16xi32>,
      %bitcast3A_530 = vector.bitcast %get3A_529 : vector<16xi32> to vector<32xbf16>
      %mul3A_531 = arith.mulf %bitcast3A_524, %bitcast3A_530 : vector<32xbf16>
      %add3A_532 = arith.addf %mul3A_498, %mul3A_509 : vector<32xbf16>
      %add3A_533 = arith.addf %mul3A_520, %mul3A_531 : vector<32xbf16>
      %add3A_534 = arith.addf %add3A_532, %add3A_533 : vector<32xbf16>
      %unpack3A_535 = tpu.unpack_subelements %add3A_534, 0 {pack_format = #tpu.pack_format<interleaved>} : vector<32xbf16> -> vector<16xf32>
      %unpack3A_536 = tpu.unpack_subelements %add3A_534, 1 {pack_format = #tpu.pack_format<interleaved>} : vector<32xbf16> -> vector<16xf32>
      %add3A_537 = arith.addf %unpack3A_535, %unpack3A_536 : vector<16xf32>
      %mul3A_538 = arith.constant 16 : i32
      %mul3A_539 = arith.muli %scan3A_54, %mul3A_538 : i32
      %add3A_540 = arith.constant 9 : i32
      %add3A_541 = arith.addi %mul3A_539, %add3A_540 : i32
      %get3A_542 = arith.index_cast %add3A_541 : i32 to index
      %get3A_543 = arith.constant 0 : index
      %get3A_544 = tpu.vector_load %arg8[%get3A_542, %get3A_543] {strides = array<i32>} : memref<160x64xi32, #tpu.memory_space<vmem>>, vector<16xi32>,
      %bitcast3A_545 = vector.bitcast %get3A_544 : vector<16xi32> to vector<32xbf16>
      %add3A_546 = arith.constant 80 : i32
      %add3A_547 = arith.addi %add3A_546, %add3A_541 : i32
      %get3A_548 = arith.index_cast %add3A_547 : i32 to index
      %get3A_549 = arith.constant 0 : index
      %get3A_550 = tpu.vector_load %arg8[%get3A_548, %get3A_549] {strides = array<i32>} : memref<160x64xi32, #tpu.memory_space<vmem>>, vector<16xi32>,
      %bitcast3A_551 = vector.bitcast %get3A_550 : vector<16xi32> to vector<32xbf16>
      %mul3A_552 = arith.mulf %bitcast3A_545, %bitcast3A_551 : vector<32xbf16>
      %get3A_553 = arith.index_cast %add3A_541 : i32 to index
      %get3A_554 = arith.constant 16 : index
      %get3A_555 = tpu.vector_load %arg8[%get3A_553, %get3A_554] {strides = array<i32>} : memref<160x64xi32, #tpu.memory_space<vmem>>, vector<16xi32>,
      %bitcast3A_556 = vector.bitcast %get3A_555 : vector<16xi32> to vector<32xbf16>
      %add3A_557 = arith.constant 80 : i32
      %add3A_558 = arith.addi %add3A_557, %add3A_541 : i32
      %get3A_559 = arith.index_cast %add3A_558 : i32 to index
      %get3A_560 = arith.constant 16 : index
      %get3A_561 = tpu.vector_load %arg8[%get3A_559, %get3A_560] {strides = array<i32>} : memref<160x64xi32, #tpu.memory_space<vmem>>, vector<16xi32>,
      %bitcast3A_562 = vector.bitcast %get3A_561 : vector<16xi32> to vector<32xbf16>
      %mul3A_563 = arith.mulf %bitcast3A_556, %bitcast3A_562 : vector<32xbf16>
      %get3A_564 = arith.index_cast %add3A_541 : i32 to index
      %get3A_565 = arith.constant 32 : index
      %get3A_566 = tpu.vector_load %arg8[%get3A_564, %get3A_565] {strides = array<i32>} : memref<160x64xi32, #tpu.memory_space<vmem>>, vector<16xi32>,
      %bitcast3A_567 = vector.bitcast %get3A_566 : vector<16xi32> to vector<32xbf16>
      %add3A_568 = arith.constant 80 : i32
      %add3A_569 = arith.addi %add3A_568, %add3A_541 : i32
      %get3A_570 = arith.index_cast %add3A_569 : i32 to index
      %get3A_571 = arith.constant 32 : index
      %get3A_572 = tpu.vector_load %arg8[%get3A_570, %get3A_571] {strides = array<i32>} : memref<160x64xi32, #tpu.memory_space<vmem>>, vector<16xi32>,
      %bitcast3A_573 = vector.bitcast %get3A_572 : vector<16xi32> to vector<32xbf16>
      %mul3A_574 = arith.mulf %bitcast3A_567, %bitcast3A_573 : vector<32xbf16>
      %get3A_575 = arith.index_cast %add3A_541 : i32 to index
      %get3A_576 = arith.constant 48 : index
      %get3A_577 = tpu.vector_load %arg8[%get3A_575, %get3A_576] {strides = array<i32>} : memref<160x64xi32, #tpu.memory_space<vmem>>, vector<16xi32>,
      %bitcast3A_578 = vector.bitcast %get3A_577 : vector<16xi32> to vector<32xbf16>
      %add3A_579 = arith.constant 80 : i32
      %add3A_580 = arith.addi %add3A_579, %add3A_541 : i32
      %get3A_581 = arith.index_cast %add3A_580 : i32 to index
      %get3A_582 = arith.constant 48 : index
      %get3A_583 = tpu.vector_load %arg8[%get3A_581, %get3A_582] {strides = array<i32>} : memref<160x64xi32, #tpu.memory_space<vmem>>, vector<16xi32>,
      %bitcast3A_584 = vector.bitcast %get3A_583 : vector<16xi32> to vector<32xbf16>
      %mul3A_585 = arith.mulf %bitcast3A_578, %bitcast3A_584 : vector<32xbf16>
      %add3A_586 = arith.addf %mul3A_552, %mul3A_563 : vector<32xbf16>
      %add3A_587 = arith.addf %mul3A_574, %mul3A_585 : vector<32xbf16>
      %add3A_588 = arith.addf %add3A_586, %add3A_587 : vector<32xbf16>
      %unpack3A_589 = tpu.unpack_subelements %add3A_588, 0 {pack_format = #tpu.pack_format<interleaved>} : vector<32xbf16> -> vector<16xf32>
      %unpack3A_590 = tpu.unpack_subelements %add3A_588, 1 {pack_format = #tpu.pack_format<interleaved>} : vector<32xbf16> -> vector<16xf32>
      %add3A_591 = arith.addf %unpack3A_589, %unpack3A_590 : vector<16xf32>
      %mul3A_592 = arith.constant 16 : i32
      %mul3A_593 = arith.muli %scan3A_54, %mul3A_592 : i32
      %add3A_594 = arith.constant 5 : i32
      %add3A_595 = arith.addi %mul3A_593, %add3A_594 : i32
      %get3A_596 = arith.index_cast %add3A_595 : i32 to index
      %get3A_597 = arith.constant 0 : index
      %get3A_598 = tpu.vector_load %arg8[%get3A_596, %get3A_597] {strides = array<i32>} : memref<160x64xi32, #tpu.memory_space<vmem>>, vector<16xi32>,
      %bitcast3A_599 = vector.bitcast %get3A_598 : vector<16xi32> to vector<32xbf16>
      %add3A_600 = arith.constant 80 : i32
      %add3A_601 = arith.addi %add3A_600, %add3A_595 : i32
      %get3A_602 = arith.index_cast %add3A_601 : i32 to index
      %get3A_603 = arith.constant 0 : index
      %get3A_604 = tpu.vector_load %arg8[%get3A_602, %get3A_603] {strides = array<i32>} : memref<160x64xi32, #tpu.memory_space<vmem>>, vector<16xi32>,
      %bitcast3A_605 = vector.bitcast %get3A_604 : vector<16xi32> to vector<32xbf16>
      %mul3A_606 = arith.mulf %bitcast3A_599, %bitcast3A_605 : vector<32xbf16>
      %get3A_607 = arith.index_cast %add3A_595 : i32 to index
      %get3A_608 = arith.constant 16 : index
      %get3A_609 = tpu.vector_load %arg8[%get3A_607, %get3A_608] {strides = array<i32>} : memref<160x64xi32, #tpu.memory_space<vmem>>, vector<16xi32>,
      %bitcast3A_610 = vector.bitcast %get3A_609 : vector<16xi32> to vector<32xbf16>
      %add3A_611 = arith.constant 80 : i32
      %add3A_612 = arith.addi %add3A_611, %add3A_595 : i32
      %get3A_613 = arith.index_cast %add3A_612 : i32 to index
      %get3A_614 = arith.constant 16 : index
      %get3A_615 = tpu.vector_load %arg8[%get3A_613, %get3A_614] {strides = array<i32>} : memref<160x64xi32, #tpu.memory_space<vmem>>, vector<16xi32>,
      %bitcast3A_616 = vector.bitcast %get3A_615 : vector<16xi32> to vector<32xbf16>
      %mul3A_617 = arith.mulf %bitcast3A_610, %bitcast3A_616 : vector<32xbf16>
      %get3A_618 = arith.index_cast %add3A_595 : i32 to index
      %get3A_619 = arith.constant 32 : index
      %get3A_620 = tpu.vector_load %arg8[%get3A_618, %get3A_619] {strides = array<i32>} : memref<160x64xi32, #tpu.memory_space<vmem>>, vector<16xi32>,
      %bitcast3A_621 = vector.bitcast %get3A_620 : vector<16xi32> to vector<32xbf16>
      %add3A_622 = arith.constant 80 : i32
      %add3A_623 = arith.addi %add3A_622, %add3A_595 : i32
      %get3A_624 = arith.index_cast %add3A_623 : i32 to index
      %get3A_625 = arith.constant 32 : index
      %get3A_626 = tpu.vector_load %arg8[%get3A_624, %get3A_625] {strides = array<i32>} : memref<160x64xi32, #tpu.memory_space<vmem>>, vector<16xi32>,
      %bitcast3A_627 = vector.bitcast %get3A_626 : vector<16xi32> to vector<32xbf16>
      %mul3A_628 = arith.mulf %bitcast3A_621, %bitcast3A_627 : vector<32xbf16>
      %get3A_629 = arith.index_cast %add3A_595 : i32 to index
      %get3A_630 = arith.constant 48 : index
      %get3A_631 = tpu.vector_load %arg8[%get3A_629, %get3A_630] {strides = array<i32>} : memref<160x64xi32, #tpu.memory_space<vmem>>, vector<16xi32>,
      %bitcast3A_632 = vector.bitcast %get3A_631 : vector<16xi32> to vector<32xbf16>
      %add3A_633 = arith.constant 80 : i32
      %add3A_634 = arith.addi %add3A_633, %add3A_595 : i32
      %get3A_635 = arith.index_cast %add3A_634 : i32 to index
      %get3A_636 = arith.constant 48 : index
      %get3A_637 = tpu.vector_load %arg8[%get3A_635, %get3A_636] {strides = array<i32>} : memref<160x64xi32, #tpu.memory_space<vmem>>, vector<16xi32>,
      %bitcast3A_638 = vector.bitcast %get3A_637 : vector<16xi32> to vector<32xbf16>
      %mul3A_639 = arith.mulf %bitcast3A_632, %bitcast3A_638 : vector<32xbf16>
      %add3A_640 = arith.addf %mul3A_606, %mul3A_617 : vector<32xbf16>
      %add3A_641 = arith.addf %mul3A_628, %mul3A_639 : vector<32xbf16>
      %add3A_642 = arith.addf %add3A_640, %add3A_641 : vector<32xbf16>
      %unpack3A_643 = tpu.unpack_subelements %add3A_642, 0 {pack_format = #tpu.pack_format<interleaved>} : vector<32xbf16> -> vector<16xf32>
      %unpack3A_644 = tpu.unpack_subelements %add3A_642, 1 {pack_format = #tpu.pack_format<interleaved>} : vector<32xbf16> -> vector<16xf32>
      %add3A_645 = arith.addf %unpack3A_643, %unpack3A_644 : vector<16xf32>
      %mul3A_646 = arith.constant 16 : i32
      %mul3A_647 = arith.muli %scan3A_54, %mul3A_646 : i32
      %add3A_648 = arith.constant 13 : i32
      %add3A_649 = arith.addi %mul3A_647, %add3A_648 : i32
      %get3A_650 = arith.index_cast %add3A_649 : i32 to index
      %get3A_651 = arith.constant 0 : index
      %get3A_652 = tpu.vector_load %arg8[%get3A_650, %get3A_651] {strides = array<i32>} : memref<160x64xi32, #tpu.memory_space<vmem>>, vector<16xi32>,
      %bitcast3A_653 = vector.bitcast %get3A_652 : vector<16xi32> to vector<32xbf16>
      %add3A_654 = arith.constant 80 : i32
      %add3A_655 = arith.addi %add3A_654, %add3A_649 : i32
      %get3A_656 = arith.index_cast %add3A_655 : i32 to index
      %get3A_657 = arith.constant 0 : index
      %get3A_658 = tpu.vector_load %arg8[%get3A_656, %get3A_657] {strides = array<i32>} : memref<160x64xi32, #tpu.memory_space<vmem>>, vector<16xi32>,
      %bitcast3A_659 = vector.bitcast %get3A_658 : vector<16xi32> to vector<32xbf16>
      %mul3A_660 = arith.mulf %bitcast3A_653, %bitcast3A_659 : vector<32xbf16>
      %get3A_661 = arith.index_cast %add3A_649 : i32 to index
      %get3A_662 = arith.constant 16 : index
      %get3A_663 = tpu.vector_load %arg8[%get3A_661, %get3A_662] {strides = array<i32>} : memref<160x64xi32, #tpu.memory_space<vmem>>, vector<16xi32>,
      %bitcast3A_664 = vector.bitcast %get3A_663 : vector<16xi32> to vector<32xbf16>
      %add3A_665 = arith.constant 80 : i32
      %add3A_666 = arith.addi %add3A_665, %add3A_649 : i32
      %get3A_667 = arith.index_cast %add3A_666 : i32 to index
      %get3A_668 = arith.constant 16 : index
      %get3A_669 = tpu.vector_load %arg8[%get3A_667, %get3A_668] {strides = array<i32>} : memref<160x64xi32, #tpu.memory_space<vmem>>, vector<16xi32>,
      %bitcast3A_670 = vector.bitcast %get3A_669 : vector<16xi32> to vector<32xbf16>
      %mul3A_671 = arith.mulf %bitcast3A_664, %bitcast3A_670 : vector<32xbf16>
      %get3A_672 = arith.index_cast %add3A_649 : i32 to index
      %get3A_673 = arith.constant 32 : index
      %get3A_674 = tpu.vector_load %arg8[%get3A_672, %get3A_673] {strides = array<i32>} : memref<160x64xi32, #tpu.memory_space<vmem>>, vector<16xi32>,
      %bitcast3A_675 = vector.bitcast %get3A_674 : vector<16xi32> to vector<32xbf16>
      %add3A_676 = arith.constant 80 : i32
      %add3A_677 = arith.addi %add3A_676, %add3A_649 : i32
      %get3A_678 = arith.index_cast %add3A_677 : i32 to index
      %get3A_679 = arith.constant 32 : index
      %get3A_680 = tpu.vector_load %arg8[%get3A_678, %get3A_679] {strides = array<i32>} : memref<160x64xi32, #tpu.memory_space<vmem>>, vector<16xi32>,
      %bitcast3A_681 = vector.bitcast %get3A_680 : vector<16xi32> to vector<32xbf16>
      %mul3A_682 = arith.mulf %bitcast3A_675, %bitcast3A_681 : vector<32xbf16>
      %get3A_683 = arith.index_cast %add3A_649 : i32 to index
      %get3A_684 = arith.constant 48 : index
      %get3A_685 = tpu.vector_load %arg8[%get3A_683, %get3A_684] {strides = array<i32>} : memref<160x64xi32, #tpu.memory_space<vmem>>, vector<16xi32>,
      %bitcast3A_686 = vector.bitcast %get3A_685 : vector<16xi32> to vector<32xbf16>
      %add3A_687 = arith.constant 80 : i32
      %add3A_688 = arith.addi %add3A_687, %add3A_649 : i32
      %get3A_689 = arith.index_cast %add3A_688 : i32 to index
      %get3A_690 = arith.constant 48 : index
      %get3A_691 = tpu.vector_load %arg8[%get3A_689, %get3A_690] {strides = array<i32>} : memref<160x64xi32, #tpu.memory_space<vmem>>, vector<16xi32>,
      %bitcast3A_692 = vector.bitcast %get3A_691 : vector<16xi32> to vector<32xbf16>
      %mul3A_693 = arith.mulf %bitcast3A_686, %bitcast3A_692 : vector<32xbf16>
      %add3A_694 = arith.addf %mul3A_660, %mul3A_671 : vector<32xbf16>
      %add3A_695 = arith.addf %mul3A_682, %mul3A_693 : vector<32xbf16>
      %add3A_696 = arith.addf %add3A_694, %add3A_695 : vector<32xbf16>
      %unpack3A_697 = tpu.unpack_subelements %add3A_696, 0 {pack_format = #tpu.pack_format<interleaved>} : vector<32xbf16> -> vector<16xf32>
      %unpack3A_698 = tpu.unpack_subelements %add3A_696, 1 {pack_format = #tpu.pack_format<interleaved>} : vector<32xbf16> -> vector<16xf32>
      %add3A_699 = arith.addf %unpack3A_697, %unpack3A_698 : vector<16xf32>
      %mul3A_700 = arith.constant 16 : i32
      %mul3A_701 = arith.muli %scan3A_54, %mul3A_700 : i32
      %add3A_702 = arith.constant 3 : i32
      %add3A_703 = arith.addi %mul3A_701, %add3A_702 : i32
      %get3A_704 = arith.index_cast %add3A_703 : i32 to index
      %get3A_705 = arith.constant 0 : index
      %get3A_706 = tpu.vector_load %arg8[%get3A_704, %get3A_705] {strides = array<i32>} : memref<160x64xi32, #tpu.memory_space<vmem>>, vector<16xi32>,
      %bitcast3A_707 = vector.bitcast %get3A_706 : vector<16xi32> to vector<32xbf16>
      %add3A_708 = arith.constant 80 : i32
      %add3A_709 = arith.addi %add3A_708, %add3A_703 : i32
      %get3A_710 = arith.index_cast %add3A_709 : i32 to index
      %get3A_711 = arith.constant 0 : index
      %get3A_712 = tpu.vector_load %arg8[%get3A_710, %get3A_711] {strides = array<i32>} : memref<160x64xi32, #tpu.memory_space<vmem>>, vector<16xi32>,
      %bitcast3A_713 = vector.bitcast %get3A_712 : vector<16xi32> to vector<32xbf16>
      %mul3A_714 = arith.mulf %bitcast3A_707, %bitcast3A_713 : vector<32xbf16>
      %get3A_715 = arith.index_cast %add3A_703 : i32 to index
      %get3A_716 = arith.constant 16 : index
      %get3A_717 = tpu.vector_load %arg8[%get3A_715, %get3A_716] {strides = array<i32>} : memref<160x64xi32, #tpu.memory_space<vmem>>, vector<16xi32>,
      %bitcast3A_718 = vector.bitcast %get3A_717 : vector<16xi32> to vector<32xbf16>
      %add3A_719 = arith.constant 80 : i32
      %add3A_720 = arith.addi %add3A_719, %add3A_703 : i32
      %get3A_721 = arith.index_cast %add3A_720 : i32 to index
      %get3A_722 = arith.constant 16 : index
      %get3A_723 = tpu.vector_load %arg8[%get3A_721, %get3A_722] {strides = array<i32>} : memref<160x64xi32, #tpu.memory_space<vmem>>, vector<16xi32>,
      %bitcast3A_724 = vector.bitcast %get3A_723 : vector<16xi32> to vector<32xbf16>
      %mul3A_725 = arith.mulf %bitcast3A_718, %bitcast3A_724 : vector<32xbf16>
      %get3A_726 = arith.index_cast %add3A_703 : i32 to index
      %get3A_727 = arith.constant 32 : index
      %get3A_728 = tpu.vector_load %arg8[%get3A_726, %get3A_727] {strides = array<i32>} : memref<160x64xi32, #tpu.memory_space<vmem>>, vector<16xi32>,
      %bitcast3A_729 = vector.bitcast %get3A_728 : vector<16xi32> to vector<32xbf16>
      %add3A_730 = arith.constant 80 : i32
      %add3A_731 = arith.addi %add3A_730, %add3A_703 : i32
      %get3A_732 = arith.index_cast %add3A_731 : i32 to index
      %get3A_733 = arith.constant 32 : index
      %get3A_734 = tpu.vector_load %arg8[%get3A_732, %get3A_733] {strides = array<i32>} : memref<160x64xi32, #tpu.memory_space<vmem>>, vector<16xi32>,
      %bitcast3A_735 = vector.bitcast %get3A_734 : vector<16xi32> to vector<32xbf16>
      %mul3A_736 = arith.mulf %bitcast3A_729, %bitcast3A_735 : vector<32xbf16>
      %get3A_737 = arith.index_cast %add3A_703 : i32 to index
      %get3A_738 = arith.constant 48 : index
      %get3A_739 = tpu.vector_load %arg8[%get3A_737, %get3A_738] {strides = array<i32>} : memref<160x64xi32, #tpu.memory_space<vmem>>, vector<16xi32>,
      %bitcast3A_740 = vector.bitcast %get3A_739 : vector<16xi32> to vector<32xbf16>
      %add3A_741 = arith.constant 80 : i32
      %add3A_742 = arith.addi %add3A_741, %add3A_703 : i32
      %get3A_743 = arith.index_cast %add3A_742 : i32 to index
      %get3A_744 = arith.constant 48 : index
      %get3A_745 = tpu.vector_load %arg8[%get3A_743, %get3A_744] {strides = array<i32>} : memref<160x64xi32, #tpu.memory_space<vmem>>, vector<16xi32>,
      %bitcast3A_746 = vector.bitcast %get3A_745 : vector<16xi32> to vector<32xbf16>
      %mul3A_747 = arith.mulf %bitcast3A_740, %bitcast3A_746 : vector<32xbf16>
      %add3A_748 = arith.addf %mul3A_714, %mul3A_725 : vector<32xbf16>
      %add3A_749 = arith.addf %mul3A_736, %mul3A_747 : vector<32xbf16>
      %add3A_750 = arith.addf %add3A_748, %add3A_749 : vector<32xbf16>
      %unpack3A_751 = tpu.unpack_subelements %add3A_750, 0 {pack_format = #tpu.pack_format<interleaved>} : vector<32xbf16> -> vector<16xf32>
      %unpack3A_752 = tpu.unpack_subelements %add3A_750, 1 {pack_format = #tpu.pack_format<interleaved>} : vector<32xbf16> -> vector<16xf32>
      %add3A_753 = arith.addf %unpack3A_751, %unpack3A_752 : vector<16xf32>
      %mul3A_754 = arith.constant 16 : i32
      %mul3A_755 = arith.muli %scan3A_54, %mul3A_754 : i32
      %add3A_756 = arith.constant 11 : i32
      %add3A_757 = arith.addi %mul3A_755, %add3A_756 : i32
      %get3A_758 = arith.index_cast %add3A_757 : i32 to index
      %get3A_759 = arith.constant 0 : index
      %get3A_760 = tpu.vector_load %arg8[%get3A_758, %get3A_759] {strides = array<i32>} : memref<160x64xi32, #tpu.memory_space<vmem>>, vector<16xi32>,
      %bitcast3A_761 = vector.bitcast %get3A_760 : vector<16xi32> to vector<32xbf16>
      %add3A_762 = arith.constant 80 : i32
      %add3A_763 = arith.addi %add3A_762, %add3A_757 : i32
      %get3A_764 = arith.index_cast %add3A_763 : i32 to index
      %get3A_765 = arith.constant 0 : index
      %get3A_766 = tpu.vector_load %arg8[%get3A_764, %get3A_765] {strides = array<i32>} : memref<160x64xi32, #tpu.memory_space<vmem>>, vector<16xi32>,
      %bitcast3A_767 = vector.bitcast %get3A_766 : vector<16xi32> to vector<32xbf16>
      %mul3A_768 = arith.mulf %bitcast3A_761, %bitcast3A_767 : vector<32xbf16>
      %get3A_769 = arith.index_cast %add3A_757 : i32 to index
      %get3A_770 = arith.constant 16 : index
      %get3A_771 = tpu.vector_load %arg8[%get3A_769, %get3A_770] {strides = array<i32>} : memref<160x64xi32, #tpu.memory_space<vmem>>, vector<16xi32>,
      %bitcast3A_772 = vector.bitcast %get3A_771 : vector<16xi32> to vector<32xbf16>
      %add3A_773 = arith.constant 80 : i32
      %add3A_774 = arith.addi %add3A_773, %add3A_757 : i32
      %get3A_775 = arith.index_cast %add3A_774 : i32 to index
      %get3A_776 = arith.constant 16 : index
      %get3A_777 = tpu.vector_load %arg8[%get3A_775, %get3A_776] {strides = array<i32>} : memref<160x64xi32, #tpu.memory_space<vmem>>, vector<16xi32>,
      %bitcast3A_778 = vector.bitcast %get3A_777 : vector<16xi32> to vector<32xbf16>
      %mul3A_779 = arith.mulf %bitcast3A_772, %bitcast3A_778 : vector<32xbf16>
      %get3A_780 = arith.index_cast %add3A_757 : i32 to index
      %get3A_781 = arith.constant 32 : index
      %get3A_782 = tpu.vector_load %arg8[%get3A_780, %get3A_781] {strides = array<i32>} : memref<160x64xi32, #tpu.memory_space<vmem>>, vector<16xi32>,
      %bitcast3A_783 = vector.bitcast %get3A_782 : vector<16xi32> to vector<32xbf16>
      %add3A_784 = arith.constant 80 : i32
      %add3A_785 = arith.addi %add3A_784, %add3A_757 : i32
      %get3A_786 = arith.index_cast %add3A_785 : i32 to index
      %get3A_787 = arith.constant 32 : index
      %get3A_788 = tpu.vector_load %arg8[%get3A_786, %get3A_787] {strides = array<i32>} : memref<160x64xi32, #tpu.memory_space<vmem>>, vector<16xi32>,
      %bitcast3A_789 = vector.bitcast %get3A_788 : vector<16xi32> to vector<32xbf16>
      %mul3A_790 = arith.mulf %bitcast3A_783, %bitcast3A_789 : vector<32xbf16>
      %get3A_791 = arith.index_cast %add3A_757 : i32 to index
      %get3A_792 = arith.constant 48 : index
      %get3A_793 = tpu.vector_load %arg8[%get3A_791, %get3A_792] {strides = array<i32>} : memref<160x64xi32, #tpu.memory_space<vmem>>, vector<16xi32>,
      %bitcast3A_794 = vector.bitcast %get3A_793 : vector<16xi32> to vector<32xbf16>
      %add3A_795 = arith.constant 80 : i32
      %add3A_796 = arith.addi %add3A_795, %add3A_757 : i32
      %get3A_797 = arith.index_cast %add3A_796 : i32 to index
      %get3A_798 = arith.constant 48 : index
      %get3A_799 = tpu.vector_load %arg8[%get3A_797, %get3A_798] {strides = array<i32>} : memref<160x64xi32, #tpu.memory_space<vmem>>, vector<16xi32>,
      %bitcast3A_800 = vector.bitcast %get3A_799 : vector<16xi32> to vector<32xbf16>
      %mul3A_801 = arith.mulf %bitcast3A_794, %bitcast3A_800 : vector<32xbf16>
      %add3A_802 = arith.addf %mul3A_768, %mul3A_779 : vector<32xbf16>
      %add3A_803 = arith.addf %mul3A_790, %mul3A_801 : vector<32xbf16>
      %add3A_804 = arith.addf %add3A_802, %add3A_803 : vector<32xbf16>
      %unpack3A_805 = tpu.unpack_subelements %add3A_804, 0 {pack_format = #tpu.pack_format<interleaved>} : vector<32xbf16> -> vector<16xf32>
      %unpack3A_806 = tpu.unpack_subelements %add3A_804, 1 {pack_format = #tpu.pack_format<interleaved>} : vector<32xbf16> -> vector<16xf32>
      %add3A_807 = arith.addf %unpack3A_805, %unpack3A_806 : vector<16xf32>
      %mul3A_808 = arith.constant 16 : i32
      %mul3A_809 = arith.muli %scan3A_54, %mul3A_808 : i32
      %add3A_810 = arith.constant 7 : i32
      %add3A_811 = arith.addi %mul3A_809, %add3A_810 : i32
      %get3A_812 = arith.index_cast %add3A_811 : i32 to index
      %get3A_813 = arith.constant 0 : index
      %get3A_814 = tpu.vector_load %arg8[%get3A_812, %get3A_813] {strides = array<i32>} : memref<160x64xi32, #tpu.memory_space<vmem>>, vector<16xi32>,
      %bitcast3A_815 = vector.bitcast %get3A_814 : vector<16xi32> to vector<32xbf16>
      %add3A_816 = arith.constant 80 : i32
      %add3A_817 = arith.addi %add3A_816, %add3A_811 : i32
      %get3A_818 = arith.index_cast %add3A_817 : i32 to index
      %get3A_819 = arith.constant 0 : index
      %get3A_820 = tpu.vector_load %arg8[%get3A_818, %get3A_819] {strides = array<i32>} : memref<160x64xi32, #tpu.memory_space<vmem>>, vector<16xi32>,
      %bitcast3A_821 = vector.bitcast %get3A_820 : vector<16xi32> to vector<32xbf16>
      %mul3A_822 = arith.mulf %bitcast3A_815, %bitcast3A_821 : vector<32xbf16>
      %get3A_823 = arith.index_cast %add3A_811 : i32 to index
      %get3A_824 = arith.constant 16 : index
      %get3A_825 = tpu.vector_load %arg8[%get3A_823, %get3A_824] {strides = array<i32>} : memref<160x64xi32, #tpu.memory_space<vmem>>, vector<16xi32>,
      %bitcast3A_826 = vector.bitcast %get3A_825 : vector<16xi32> to vector<32xbf16>
      %add3A_827 = arith.constant 80 : i32
      %add3A_828 = arith.addi %add3A_827, %add3A_811 : i32
      %get3A_829 = arith.index_cast %add3A_828 : i32 to index
      %get3A_830 = arith.constant 16 : index
      %get3A_831 = tpu.vector_load %arg8[%get3A_829, %get3A_830] {strides = array<i32>} : memref<160x64xi32, #tpu.memory_space<vmem>>, vector<16xi32>,
      %bitcast3A_832 = vector.bitcast %get3A_831 : vector<16xi32> to vector<32xbf16>
      %mul3A_833 = arith.mulf %bitcast3A_826, %bitcast3A_832 : vector<32xbf16>
      %get3A_834 = arith.index_cast %add3A_811 : i32 to index
      %get3A_835 = arith.constant 32 : index
      %get3A_836 = tpu.vector_load %arg8[%get3A_834, %get3A_835] {strides = array<i32>} : memref<160x64xi32, #tpu.memory_space<vmem>>, vector<16xi32>,
      %bitcast3A_837 = vector.bitcast %get3A_836 : vector<16xi32> to vector<32xbf16>
      %add3A_838 = arith.constant 80 : i32
      %add3A_839 = arith.addi %add3A_838, %add3A_811 : i32
      %get3A_840 = arith.index_cast %add3A_839 : i32 to index
      %get3A_841 = arith.constant 32 : index
      %get3A_842 = tpu.vector_load %arg8[%get3A_840, %get3A_841] {strides = array<i32>} : memref<160x64xi32, #tpu.memory_space<vmem>>, vector<16xi32>,
      %bitcast3A_843 = vector.bitcast %get3A_842 : vector<16xi32> to vector<32xbf16>
      %mul3A_844 = arith.mulf %bitcast3A_837, %bitcast3A_843 : vector<32xbf16>
      %get3A_845 = arith.index_cast %add3A_811 : i32 to index
      %get3A_846 = arith.constant 48 : index
      %get3A_847 = tpu.vector_load %arg8[%get3A_845, %get3A_846] {strides = array<i32>} : memref<160x64xi32, #tpu.memory_space<vmem>>, vector<16xi32>,
      %bitcast3A_848 = vector.bitcast %get3A_847 : vector<16xi32> to vector<32xbf16>
      %add3A_849 = arith.constant 80 : i32
      %add3A_850 = arith.addi %add3A_849, %add3A_811 : i32
      %get3A_851 = arith.index_cast %add3A_850 : i32 to index
      %get3A_852 = arith.constant 48 : index
      %get3A_853 = tpu.vector_load %arg8[%get3A_851, %get3A_852] {strides = array<i32>} : memref<160x64xi32, #tpu.memory_space<vmem>>, vector<16xi32>,
      %bitcast3A_854 = vector.bitcast %get3A_853 : vector<16xi32> to vector<32xbf16>
      %mul3A_855 = arith.mulf %bitcast3A_848, %bitcast3A_854 : vector<32xbf16>
      %add3A_856 = arith.addf %mul3A_822, %mul3A_833 : vector<32xbf16>
      %add3A_857 = arith.addf %mul3A_844, %mul3A_855 : vector<32xbf16>
      %add3A_858 = arith.addf %add3A_856, %add3A_857 : vector<32xbf16>
      %unpack3A_859 = tpu.unpack_subelements %add3A_858, 0 {pack_format = #tpu.pack_format<interleaved>} : vector<32xbf16> -> vector<16xf32>
      %unpack3A_860 = tpu.unpack_subelements %add3A_858, 1 {pack_format = #tpu.pack_format<interleaved>} : vector<32xbf16> -> vector<16xf32>
      %add3A_861 = arith.addf %unpack3A_859, %unpack3A_860 : vector<16xf32>
      %mul3A_862 = arith.constant 16 : i32
      %mul3A_863 = arith.muli %scan3A_54, %mul3A_862 : i32
      %add3A_864 = arith.constant 15 : i32
      %add3A_865 = arith.addi %mul3A_863, %add3A_864 : i32
      %get3A_866 = arith.index_cast %add3A_865 : i32 to index
      %get3A_867 = arith.constant 0 : index
      %get3A_868 = tpu.vector_load %arg8[%get3A_866, %get3A_867] {strides = array<i32>} : memref<160x64xi32, #tpu.memory_space<vmem>>, vector<16xi32>,
      %bitcast3A_869 = vector.bitcast %get3A_868 : vector<16xi32> to vector<32xbf16>
      %add3A_870 = arith.constant 80 : i32
      %add3A_871 = arith.addi %add3A_870, %add3A_865 : i32
      %get3A_872 = arith.index_cast %add3A_871 : i32 to index
      %get3A_873 = arith.constant 0 : index
      %get3A_874 = tpu.vector_load %arg8[%get3A_872, %get3A_873] {strides = array<i32>} : memref<160x64xi32, #tpu.memory_space<vmem>>, vector<16xi32>,
      %bitcast3A_875 = vector.bitcast %get3A_874 : vector<16xi32> to vector<32xbf16>
      %mul3A_876 = arith.mulf %bitcast3A_869, %bitcast3A_875 : vector<32xbf16>
      %get3A_877 = arith.index_cast %add3A_865 : i32 to index
      %get3A_878 = arith.constant 16 : index
      %get3A_879 = tpu.vector_load %arg8[%get3A_877, %get3A_878] {strides = array<i32>} : memref<160x64xi32, #tpu.memory_space<vmem>>, vector<16xi32>,
      %bitcast3A_880 = vector.bitcast %get3A_879 : vector<16xi32> to vector<32xbf16>
      %add3A_881 = arith.constant 80 : i32
      %add3A_882 = arith.addi %add3A_881, %add3A_865 : i32
      %get3A_883 = arith.index_cast %add3A_882 : i32 to index
      %get3A_884 = arith.constant 16 : index
      %get3A_885 = tpu.vector_load %arg8[%get3A_883, %get3A_884] {strides = array<i32>} : memref<160x64xi32, #tpu.memory_space<vmem>>, vector<16xi32>,
      %bitcast3A_886 = vector.bitcast %get3A_885 : vector<16xi32> to vector<32xbf16>
      %mul3A_887 = arith.mulf %bitcast3A_880, %bitcast3A_886 : vector<32xbf16>
      %get3A_888 = arith.index_cast %add3A_865 : i32 to index
      %get3A_889 = arith.constant 32 : index
      %get3A_890 = tpu.vector_load %arg8[%get3A_888, %get3A_889] {strides = array<i32>} : memref<160x64xi32, #tpu.memory_space<vmem>>, vector<16xi32>,
      %bitcast3A_891 = vector.bitcast %get3A_890 : vector<16xi32> to vector<32xbf16>
      %add3A_892 = arith.constant 80 : i32
      %add3A_893 = arith.addi %add3A_892, %add3A_865 : i32
      %get3A_894 = arith.index_cast %add3A_893 : i32 to index
      %get3A_895 = arith.constant 32 : index
      %get3A_896 = tpu.vector_load %arg8[%get3A_894, %get3A_895] {strides = array<i32>} : memref<160x64xi32, #tpu.memory_space<vmem>>, vector<16xi32>,
      %bitcast3A_897 = vector.bitcast %get3A_896 : vector<16xi32> to vector<32xbf16>
      %mul3A_898 = arith.mulf %bitcast3A_891, %bitcast3A_897 : vector<32xbf16>
      %get3A_899 = arith.index_cast %add3A_865 : i32 to index
      %get3A_900 = arith.constant 48 : index
      %get3A_901 = tpu.vector_load %arg8[%get3A_899, %get3A_900] {strides = array<i32>} : memref<160x64xi32, #tpu.memory_space<vmem>>, vector<16xi32>,
      %bitcast3A_902 = vector.bitcast %get3A_901 : vector<16xi32> to vector<32xbf16>
      %add3A_903 = arith.constant 80 : i32
      %add3A_904 = arith.addi %add3A_903, %add3A_865 : i32
      %get3A_905 = arith.index_cast %add3A_904 : i32 to index
      %get3A_906 = arith.constant 48 : index
      %get3A_907 = tpu.vector_load %arg8[%get3A_905, %get3A_906] {strides = array<i32>} : memref<160x64xi32, #tpu.memory_space<vmem>>, vector<16xi32>,
      %bitcast3A_908 = vector.bitcast %get3A_907 : vector<16xi32> to vector<32xbf16>
      %mul3A_909 = arith.mulf %bitcast3A_902, %bitcast3A_908 : vector<32xbf16>
      %add3A_910 = arith.addf %mul3A_876, %mul3A_887 : vector<32xbf16>
      %add3A_911 = arith.addf %mul3A_898, %mul3A_909 : vector<32xbf16>
      %add3A_912 = arith.addf %add3A_910, %add3A_911 : vector<32xbf16>
      %unpack3A_913 = tpu.unpack_subelements %add3A_912, 0 {pack_format = #tpu.pack_format<interleaved>} : vector<32xbf16> -> vector<16xf32>
      %unpack3A_914 = tpu.unpack_subelements %add3A_912, 1 {pack_format = #tpu.pack_format<interleaved>} : vector<32xbf16> -> vector<16xf32>
      %add3A_915 = arith.addf %unpack3A_913, %unpack3A_914 : vector<16xf32>
      %and3A = arith.constant 8 : i32
      %and3A_916 = vector.broadcast %and3A : i32 to vector<16xi32>
      %and3A_917 = arith.andi %iota3A, %and3A_916 : vector<16xi32>
      %eq3A = arith.constant 0 : i32
      %eq3A_918 = vector.broadcast %eq3A : i32 to vector<16xi32>
      %eq3A_919 = arith.cmpi eq, %and3A_917, %eq3A_918 : vector<16xi32>
      %xor3A = arith.constant 8 : i32
      %xor3A_920 = vector.broadcast %xor3A : i32 to vector<16xi32>
      %xor3A_921 = arith.xori %iota3A, %xor3A_920 : vector<16xi32>
      %lt3A = arith.constant 0 : i32
      %lt3A_922 = vector.broadcast %lt3A : i32 to vector<16xi32>
      %lt3A_923 = arith.cmpi slt, %xor3A_921, %lt3A_922 : vector<16xi32>
      %add3A_924 = arith.constant 16 : i32
      %add3A_925 = vector.broadcast %add3A_924 : i32 to vector<16xi32>
      %add3A_926 = arith.addi %xor3A_921, %add3A_925 : vector<16xi32>
      %select_n3A = arith.select %lt3A_923, %add3A_926, %xor3A_921 : vector<16xi1>, vector<16xi32>
      %broadcast_in_dim3A = vector.shape_cast %select_n3A : vector<16xi32> to vector<16x1xi32>
      %gather3A = vector.shape_cast %broadcast_in_dim3A : vector<16x1xi32> to vector<16xi32>
      %gather3A_927 = tpu.dynamic_gather %add3A_105[%gather3A] in [0] : vector<16xf32>, vector<16xi32> -> vector<16xf32>
      %add3A_928 = arith.addf %add3A_105, %gather3A_927 : vector<16xf32>
      %lt3A_929 = arith.constant 0 : i32
      %lt3A_930 = vector.broadcast %lt3A_929 : i32 to vector<16xi32>
      %lt3A_931 = arith.cmpi slt, %xor3A_921, %lt3A_930 : vector<16xi32>
      %add3A_932 = arith.constant 16 : i32
      %add3A_933 = vector.broadcast %add3A_932 : i32 to vector<16xi32>
      %add3A_934 = arith.addi %xor3A_921, %add3A_933 : vector<16xi32>
      %select_n3A_935 = arith.select %lt3A_931, %add3A_934, %xor3A_921 : vector<16xi1>, vector<16xi32>
      %broadcast_in_dim3A_936 = vector.shape_cast %select_n3A_935 : vector<16xi32> to vector<16x1xi32>
      %gather3A_937 = vector.shape_cast %broadcast_in_dim3A_936 : vector<16x1xi32> to vector<16xi32>
      %gather3A_938 = tpu.dynamic_gather %add3A_159[%gather3A_937] in [0] : vector<16xf32>, vector<16xi32> -> vector<16xf32>
      %add3A_939 = arith.addf %add3A_159, %gather3A_938 : vector<16xf32>
      %select_n3A_940 = arith.select %eq3A_919, %add3A_928, %add3A_939 : vector<16xi1>, vector<16xf32>
      %lt3A_941 = arith.constant 0 : i32
      %lt3A_942 = vector.broadcast %lt3A_941 : i32 to vector<16xi32>
      %lt3A_943 = arith.cmpi slt, %xor3A_921, %lt3A_942 : vector<16xi32>
      %add3A_944 = arith.constant 16 : i32
      %add3A_945 = vector.broadcast %add3A_944 : i32 to vector<16xi32>
      %add3A_946 = arith.addi %xor3A_921, %add3A_945 : vector<16xi32>
      %select_n3A_947 = arith.select %lt3A_943, %add3A_946, %xor3A_921 : vector<16xi1>, vector<16xi32>
      %broadcast_in_dim3A_948 = vector.shape_cast %select_n3A_947 : vector<16xi32> to vector<16x1xi32>
      %gather3A_949 = vector.shape_cast %broadcast_in_dim3A_948 : vector<16x1xi32> to vector<16xi32>
      %gather3A_950 = tpu.dynamic_gather %add3A_213[%gather3A_949] in [0] : vector<16xf32>, vector<16xi32> -> vector<16xf32>
      %add3A_951 = arith.addf %add3A_213, %gather3A_950 : vector<16xf32>
      %lt3A_952 = arith.constant 0 : i32
      %lt3A_953 = vector.broadcast %lt3A_952 : i32 to vector<16xi32>
      %lt3A_954 = arith.cmpi slt, %xor3A_921, %lt3A_953 : vector<16xi32>
      %add3A_955 = arith.constant 16 : i32
      %add3A_956 = vector.broadcast %add3A_955 : i32 to vector<16xi32>
      %add3A_957 = arith.addi %xor3A_921, %add3A_956 : vector<16xi32>
      %select_n3A_958 = arith.select %lt3A_954, %add3A_957, %xor3A_921 : vector<16xi1>, vector<16xi32>
      %broadcast_in_dim3A_959 = vector.shape_cast %select_n3A_958 : vector<16xi32> to vector<16x1xi32>
      %gather3A_960 = vector.shape_cast %broadcast_in_dim3A_959 : vector<16x1xi32> to vector<16xi32>
      %gather3A_961 = tpu.dynamic_gather %add3A_267[%gather3A_960] in [0] : vector<16xf32>, vector<16xi32> -> vector<16xf32>
      %add3A_962 = arith.addf %add3A_267, %gather3A_961 : vector<16xf32>
      %select_n3A_963 = arith.select %eq3A_919, %add3A_951, %add3A_962 : vector<16xi1>, vector<16xf32>
      %lt3A_964 = arith.constant 0 : i32
      %lt3A_965 = vector.broadcast %lt3A_964 : i32 to vector<16xi32>
      %lt3A_966 = arith.cmpi slt, %xor3A_921, %lt3A_965 : vector<16xi32>
      %add3A_967 = arith.constant 16 : i32
      %add3A_968 = vector.broadcast %add3A_967 : i32 to vector<16xi32>
      %add3A_969 = arith.addi %xor3A_921, %add3A_968 : vector<16xi32>
      %select_n3A_970 = arith.select %lt3A_966, %add3A_969, %xor3A_921 : vector<16xi1>, vector<16xi32>
      %broadcast_in_dim3A_971 = vector.shape_cast %select_n3A_970 : vector<16xi32> to vector<16x1xi32>
      %gather3A_972 = vector.shape_cast %broadcast_in_dim3A_971 : vector<16x1xi32> to vector<16xi32>
      %gather3A_973 = tpu.dynamic_gather %add3A_321[%gather3A_972] in [0] : vector<16xf32>, vector<16xi32> -> vector<16xf32>
      %add3A_974 = arith.addf %add3A_321, %gather3A_973 : vector<16xf32>
      %lt3A_975 = arith.constant 0 : i32
      %lt3A_976 = vector.broadcast %lt3A_975 : i32 to vector<16xi32>
      %lt3A_977 = arith.cmpi slt, %xor3A_921, %lt3A_976 : vector<16xi32>
      %add3A_978 = arith.constant 16 : i32
      %add3A_979 = vector.broadcast %add3A_978 : i32 to vector<16xi32>
      %add3A_980 = arith.addi %xor3A_921, %add3A_979 : vector<16xi32>
      %select_n3A_981 = arith.select %lt3A_977, %add3A_980, %xor3A_921 : vector<16xi1>, vector<16xi32>
      %broadcast_in_dim3A_982 = vector.shape_cast %select_n3A_981 : vector<16xi32> to vector<16x1xi32>
      %gather3A_983 = vector.shape_cast %broadcast_in_dim3A_982 : vector<16x1xi32> to vector<16xi32>
      %gather3A_984 = tpu.dynamic_gather %add3A_375[%gather3A_983] in [0] : vector<16xf32>, vector<16xi32> -> vector<16xf32>
      %add3A_985 = arith.addf %add3A_375, %gather3A_984 : vector<16xf32>
      %select_n3A_986 = arith.select %eq3A_919, %add3A_974, %add3A_985 : vector<16xi1>, vector<16xf32>
      %lt3A_987 = arith.constant 0 : i32
      %lt3A_988 = vector.broadcast %lt3A_987 : i32 to vector<16xi32>
      %lt3A_989 = arith.cmpi slt, %xor3A_921, %lt3A_988 : vector<16xi32>
      %add3A_990 = arith.constant 16 : i32
      %add3A_991 = vector.broadcast %add3A_990 : i32 to vector<16xi32>
      %add3A_992 = arith.addi %xor3A_921, %add3A_991 : vector<16xi32>
      %select_n3A_993 = arith.select %lt3A_989, %add3A_992, %xor3A_921 : vector<16xi1>, vector<16xi32>
      %broadcast_in_dim3A_994 = vector.shape_cast %select_n3A_993 : vector<16xi32> to vector<16x1xi32>
      %gather3A_995 = vector.shape_cast %broadcast_in_dim3A_994 : vector<16x1xi32> to vector<16xi32>
      %gather3A_996 = tpu.dynamic_gather %add3A_429[%gather3A_995] in [0] : vector<16xf32>, vector<16xi32> -> vector<16xf32>
      %add3A_997 = arith.addf %add3A_429, %gather3A_996 : vector<16xf32>
      %lt3A_998 = arith.constant 0 : i32
      %lt3A_999 = vector.broadcast %lt3A_998 : i32 to vector<16xi32>
      %lt3A_1000 = arith.cmpi slt, %xor3A_921, %lt3A_999 : vector<16xi32>
      %add3A_1001 = arith.constant 16 : i32
      %add3A_1002 = vector.broadcast %add3A_1001 : i32 to vector<16xi32>
      %add3A_1003 = arith.addi %xor3A_921, %add3A_1002 : vector<16xi32>
      %select_n3A_1004 = arith.select %lt3A_1000, %add3A_1003, %xor3A_921 : vector<16xi1>, vector<16xi32>
      %broadcast_in_dim3A_1005 = vector.shape_cast %select_n3A_1004 : vector<16xi32> to vector<16x1xi32>
      %gather3A_1006 = vector.shape_cast %broadcast_in_dim3A_1005 : vector<16x1xi32> to vector<16xi32>
      %gather3A_1007 = tpu.dynamic_gather %add3A_483[%gather3A_1006] in [0] : vector<16xf32>, vector<16xi32> -> vector<16xf32>
      %add3A_1008 = arith.addf %add3A_483, %gather3A_1007 : vector<16xf32>
      %select_n3A_1009 = arith.select %eq3A_919, %add3A_997, %add3A_1008 : vector<16xi1>, vector<16xf32>
      %lt3A_1010 = arith.constant 0 : i32
      %lt3A_1011 = vector.broadcast %lt3A_1010 : i32 to vector<16xi32>
      %lt3A_1012 = arith.cmpi slt, %xor3A_921, %lt3A_1011 : vector<16xi32>
      %add3A_1013 = arith.constant 16 : i32
      %add3A_1014 = vector.broadcast %add3A_1013 : i32 to vector<16xi32>
      %add3A_1015 = arith.addi %xor3A_921, %add3A_1014 : vector<16xi32>
      %select_n3A_1016 = arith.select %lt3A_1012, %add3A_1015, %xor3A_921 : vector<16xi1>, vector<16xi32>
      %broadcast_in_dim3A_1017 = vector.shape_cast %select_n3A_1016 : vector<16xi32> to vector<16x1xi32>
      %gather3A_1018 = vector.shape_cast %broadcast_in_dim3A_1017 : vector<16x1xi32> to vector<16xi32>
      %gather3A_1019 = tpu.dynamic_gather %add3A_537[%gather3A_1018] in [0] : vector<16xf32>, vector<16xi32> -> vector<16xf32>
      %add3A_1020 = arith.addf %add3A_537, %gather3A_1019 : vector<16xf32>
      %lt3A_1021 = arith.constant 0 : i32
      %lt3A_1022 = vector.broadcast %lt3A_1021 : i32 to vector<16xi32>
      %lt3A_1023 = arith.cmpi slt, %xor3A_921, %lt3A_1022 : vector<16xi32>
      %add3A_1024 = arith.constant 16 : i32
      %add3A_1025 = vector.broadcast %add3A_1024 : i32 to vector<16xi32>
      %add3A_1026 = arith.addi %xor3A_921, %add3A_1025 : vector<16xi32>
      %select_n3A_1027 = arith.select %lt3A_1023, %add3A_1026, %xor3A_921 : vector<16xi1>, vector<16xi32>
      %broadcast_in_dim3A_1028 = vector.shape_cast %select_n3A_1027 : vector<16xi32> to vector<16x1xi32>
      %gather3A_1029 = vector.shape_cast %broadcast_in_dim3A_1028 : vector<16x1xi32> to vector<16xi32>
      %gather3A_1030 = tpu.dynamic_gather %add3A_591[%gather3A_1029] in [0] : vector<16xf32>, vector<16xi32> -> vector<16xf32>
      %add3A_1031 = arith.addf %add3A_591, %gather3A_1030 : vector<16xf32>
      %select_n3A_1032 = arith.select %eq3A_919, %add3A_1020, %add3A_1031 : vector<16xi1>, vector<16xf32>
      %lt3A_1033 = arith.constant 0 : i32
      %lt3A_1034 = vector.broadcast %lt3A_1033 : i32 to vector<16xi32>
      %lt3A_1035 = arith.cmpi slt, %xor3A_921, %lt3A_1034 : vector<16xi32>
      %add3A_1036 = arith.constant 16 : i32
      %add3A_1037 = vector.broadcast %add3A_1036 : i32 to vector<16xi32>
      %add3A_1038 = arith.addi %xor3A_921, %add3A_1037 : vector<16xi32>
      %select_n3A_1039 = arith.select %lt3A_1035, %add3A_1038, %xor3A_921 : vector<16xi1>, vector<16xi32>
      %broadcast_in_dim3A_1040 = vector.shape_cast %select_n3A_1039 : vector<16xi32> to vector<16x1xi32>
      %gather3A_1041 = vector.shape_cast %broadcast_in_dim3A_1040 : vector<16x1xi32> to vector<16xi32>
      %gather3A_1042 = tpu.dynamic_gather %add3A_645[%gather3A_1041] in [0] : vector<16xf32>, vector<16xi32> -> vector<16xf32>
      %add3A_1043 = arith.addf %add3A_645, %gather3A_1042 : vector<16xf32>
      %lt3A_1044 = arith.constant 0 : i32
      %lt3A_1045 = vector.broadcast %lt3A_1044 : i32 to vector<16xi32>
      %lt3A_1046 = arith.cmpi slt, %xor3A_921, %lt3A_1045 : vector<16xi32>
      %add3A_1047 = arith.constant 16 : i32
      %add3A_1048 = vector.broadcast %add3A_1047 : i32 to vector<16xi32>
      %add3A_1049 = arith.addi %xor3A_921, %add3A_1048 : vector<16xi32>
      %select_n3A_1050 = arith.select %lt3A_1046, %add3A_1049, %xor3A_921 : vector<16xi1>, vector<16xi32>
      %broadcast_in_dim3A_1051 = vector.shape_cast %select_n3A_1050 : vector<16xi32> to vector<16x1xi32>
      %gather3A_1052 = vector.shape_cast %broadcast_in_dim3A_1051 : vector<16x1xi32> to vector<16xi32>
      %gather3A_1053 = tpu.dynamic_gather %add3A_699[%gather3A_1052] in [0] : vector<16xf32>, vector<16xi32> -> vector<16xf32>
      %add3A_1054 = arith.addf %add3A_699, %gather3A_1053 : vector<16xf32>
      %select_n3A_1055 = arith.select %eq3A_919, %add3A_1043, %add3A_1054 : vector<16xi1>, vector<16xf32>
      %lt3A_1056 = arith.constant 0 : i32
      %lt3A_1057 = vector.broadcast %lt3A_1056 : i32 to vector<16xi32>
      %lt3A_1058 = arith.cmpi slt, %xor3A_921, %lt3A_1057 : vector<16xi32>
      %add3A_1059 = arith.constant 16 : i32
      %add3A_1060 = vector.broadcast %add3A_1059 : i32 to vector<16xi32>
      %add3A_1061 = arith.addi %xor3A_921, %add3A_1060 : vector<16xi32>
      %select_n3A_1062 = arith.select %lt3A_1058, %add3A_1061, %xor3A_921 : vector<16xi1>, vector<16xi32>
      %broadcast_in_dim3A_1063 = vector.shape_cast %select_n3A_1062 : vector<16xi32> to vector<16x1xi32>
      %gather3A_1064 = vector.shape_cast %broadcast_in_dim3A_1063 : vector<16x1xi32> to vector<16xi32>
      %gather3A_1065 = tpu.dynamic_gather %add3A_753[%gather3A_1064] in [0] : vector<16xf32>, vector<16xi32> -> vector<16xf32>
      %add3A_1066 = arith.addf %add3A_753, %gather3A_1065 : vector<16xf32>
      %lt3A_1067 = arith.constant 0 : i32
      %lt3A_1068 = vector.broadcast %lt3A_1067 : i32 to vector<16xi32>
      %lt3A_1069 = arith.cmpi slt, %xor3A_921, %lt3A_1068 : vector<16xi32>
      %add3A_1070 = arith.constant 16 : i32
      %add3A_1071 = vector.broadcast %add3A_1070 : i32 to vector<16xi32>
      %add3A_1072 = arith.addi %xor3A_921, %add3A_1071 : vector<16xi32>
      %select_n3A_1073 = arith.select %lt3A_1069, %add3A_1072, %xor3A_921 : vector<16xi1>, vector<16xi32>
      %broadcast_in_dim3A_1074 = vector.shape_cast %select_n3A_1073 : vector<16xi32> to vector<16x1xi32>
      %gather3A_1075 = vector.shape_cast %broadcast_in_dim3A_1074 : vector<16x1xi32> to vector<16xi32>
      %gather3A_1076 = tpu.dynamic_gather %add3A_807[%gather3A_1075] in [0] : vector<16xf32>, vector<16xi32> -> vector<16xf32>
      %add3A_1077 = arith.addf %add3A_807, %gather3A_1076 : vector<16xf32>
      %select_n3A_1078 = arith.select %eq3A_919, %add3A_1066, %add3A_1077 : vector<16xi1>, vector<16xf32>
      %lt3A_1079 = arith.constant 0 : i32
      %lt3A_1080 = vector.broadcast %lt3A_1079 : i32 to vector<16xi32>
      %lt3A_1081 = arith.cmpi slt, %xor3A_921, %lt3A_1080 : vector<16xi32>
      %add3A_1082 = arith.constant 16 : i32
      %add3A_1083 = vector.broadcast %add3A_1082 : i32 to vector<16xi32>
      %add3A_1084 = arith.addi %xor3A_921, %add3A_1083 : vector<16xi32>
      %select_n3A_1085 = arith.select %lt3A_1081, %add3A_1084, %xor3A_921 : vector<16xi1>, vector<16xi32>
      %broadcast_in_dim3A_1086 = vector.shape_cast %select_n3A_1085 : vector<16xi32> to vector<16x1xi32>
      %gather3A_1087 = vector.shape_cast %broadcast_in_dim3A_1086 : vector<16x1xi32> to vector<16xi32>
      %gather3A_1088 = tpu.dynamic_gather %add3A_861[%gather3A_1087] in [0] : vector<16xf32>, vector<16xi32> -> vector<16xf32>
      %add3A_1089 = arith.addf %add3A_861, %gather3A_1088 : vector<16xf32>
      %lt3A_1090 = arith.constant 0 : i32
      %lt3A_1091 = vector.broadcast %lt3A_1090 : i32 to vector<16xi32>
      %lt3A_1092 = arith.cmpi slt, %xor3A_921, %lt3A_1091 : vector<16xi32>
      %add3A_1093 = arith.constant 16 : i32
      %add3A_1094 = vector.broadcast %add3A_1093 : i32 to vector<16xi32>
      %add3A_1095 = arith.addi %xor3A_921, %add3A_1094 : vector<16xi32>
      %select_n3A_1096 = arith.select %lt3A_1092, %add3A_1095, %xor3A_921 : vector<16xi1>, vector<16xi32>
      %broadcast_in_dim3A_1097 = vector.shape_cast %select_n3A_1096 : vector<16xi32> to vector<16x1xi32>
      %gather3A_1098 = vector.shape_cast %broadcast_in_dim3A_1097 : vector<16x1xi32> to vector<16xi32>
      %gather3A_1099 = tpu.dynamic_gather %add3A_915[%gather3A_1098] in [0] : vector<16xf32>, vector<16xi32> -> vector<16xf32>
      %add3A_1100 = arith.addf %add3A_915, %gather3A_1099 : vector<16xf32>
      %select_n3A_1101 = arith.select %eq3A_919, %add3A_1089, %add3A_1100 : vector<16xi1>, vector<16xf32>
      %and3A_1102 = arith.constant 4 : i32
      %and3A_1103 = vector.broadcast %and3A_1102 : i32 to vector<16xi32>
      %and3A_1104 = arith.andi %iota3A, %and3A_1103 : vector<16xi32>
      %eq3A_1105 = arith.constant 0 : i32
      %eq3A_1106 = vector.broadcast %eq3A_1105 : i32 to vector<16xi32>
      %eq3A_1107 = arith.cmpi eq, %and3A_1104, %eq3A_1106 : vector<16xi32>
      %xor3A_1108 = arith.constant 4 : i32
      %xor3A_1109 = vector.broadcast %xor3A_1108 : i32 to vector<16xi32>
      %xor3A_1110 = arith.xori %iota3A, %xor3A_1109 : vector<16xi32>
      %lt3A_1111 = arith.constant 0 : i32
      %lt3A_1112 = vector.broadcast %lt3A_1111 : i32 to vector<16xi32>
      %lt3A_1113 = arith.cmpi slt, %xor3A_1110, %lt3A_1112 : vector<16xi32>
      %add3A_1114 = arith.constant 16 : i32
      %add3A_1115 = vector.broadcast %add3A_1114 : i32 to vector<16xi32>
      %add3A_1116 = arith.addi %xor3A_1110, %add3A_1115 : vector<16xi32>
      %select_n3A_1117 = arith.select %lt3A_1113, %add3A_1116, %xor3A_1110 : vector<16xi1>, vector<16xi32>
      %broadcast_in_dim3A_1118 = vector.shape_cast %select_n3A_1117 : vector<16xi32> to vector<16x1xi32>
      %gather3A_1119 = vector.shape_cast %broadcast_in_dim3A_1118 : vector<16x1xi32> to vector<16xi32>
      %gather3A_1120 = tpu.dynamic_gather %select_n3A_940[%gather3A_1119] in [0] : vector<16xf32>, vector<16xi32> -> vector<16xf32>
      %add3A_1121 = arith.addf %select_n3A_940, %gather3A_1120 : vector<16xf32>
      %lt3A_1122 = arith.constant 0 : i32
      %lt3A_1123 = vector.broadcast %lt3A_1122 : i32 to vector<16xi32>
      %lt3A_1124 = arith.cmpi slt, %xor3A_1110, %lt3A_1123 : vector<16xi32>
      %add3A_1125 = arith.constant 16 : i32
      %add3A_1126 = vector.broadcast %add3A_1125 : i32 to vector<16xi32>
      %add3A_1127 = arith.addi %xor3A_1110, %add3A_1126 : vector<16xi32>
      %select_n3A_1128 = arith.select %lt3A_1124, %add3A_1127, %xor3A_1110 : vector<16xi1>, vector<16xi32>
      %broadcast_in_dim3A_1129 = vector.shape_cast %select_n3A_1128 : vector<16xi32> to vector<16x1xi32>
      %gather3A_1130 = vector.shape_cast %broadcast_in_dim3A_1129 : vector<16x1xi32> to vector<16xi32>
      %gather3A_1131 = tpu.dynamic_gather %select_n3A_963[%gather3A_1130] in [0] : vector<16xf32>, vector<16xi32> -> vector<16xf32>
      %add3A_1132 = arith.addf %select_n3A_963, %gather3A_1131 : vector<16xf32>
      %select_n3A_1133 = arith.select %eq3A_1107, %add3A_1121, %add3A_1132 : vector<16xi1>, vector<16xf32>
      %lt3A_1134 = arith.constant 0 : i32
      %lt3A_1135 = vector.broadcast %lt3A_1134 : i32 to vector<16xi32>
      %lt3A_1136 = arith.cmpi slt, %xor3A_1110, %lt3A_1135 : vector<16xi32>
      %add3A_1137 = arith.constant 16 : i32
      %add3A_1138 = vector.broadcast %add3A_1137 : i32 to vector<16xi32>
      %add3A_1139 = arith.addi %xor3A_1110, %add3A_1138 : vector<16xi32>
      %select_n3A_1140 = arith.select %lt3A_1136, %add3A_1139, %xor3A_1110 : vector<16xi1>, vector<16xi32>
      %broadcast_in_dim3A_1141 = vector.shape_cast %select_n3A_1140 : vector<16xi32> to vector<16x1xi32>
      %gather3A_1142 = vector.shape_cast %broadcast_in_dim3A_1141 : vector<16x1xi32> to vector<16xi32>
      %gather3A_1143 = tpu.dynamic_gather %select_n3A_986[%gather3A_1142] in [0] : vector<16xf32>, vector<16xi32> -> vector<16xf32>
      %add3A_1144 = arith.addf %select_n3A_986, %gather3A_1143 : vector<16xf32>
      %lt3A_1145 = arith.constant 0 : i32
      %lt3A_1146 = vector.broadcast %lt3A_1145 : i32 to vector<16xi32>
      %lt3A_1147 = arith.cmpi slt, %xor3A_1110, %lt3A_1146 : vector<16xi32>
      %add3A_1148 = arith.constant 16 : i32
      %add3A_1149 = vector.broadcast %add3A_1148 : i32 to vector<16xi32>
      %add3A_1150 = arith.addi %xor3A_1110, %add3A_1149 : vector<16xi32>
      %select_n3A_1151 = arith.select %lt3A_1147, %add3A_1150, %xor3A_1110 : vector<16xi1>, vector<16xi32>
      %broadcast_in_dim3A_1152 = vector.shape_cast %select_n3A_1151 : vector<16xi32> to vector<16x1xi32>
      %gather3A_1153 = vector.shape_cast %broadcast_in_dim3A_1152 : vector<16x1xi32> to vector<16xi32>
      %gather3A_1154 = tpu.dynamic_gather %select_n3A_1009[%gather3A_1153] in [0] : vector<16xf32>, vector<16xi32> -> vector<16xf32>
      %add3A_1155 = arith.addf %select_n3A_1009, %gather3A_1154 : vector<16xf32>
      %select_n3A_1156 = arith.select %eq3A_1107, %add3A_1144, %add3A_1155 : vector<16xi1>, vector<16xf32>
      %lt3A_1157 = arith.constant 0 : i32
      %lt3A_1158 = vector.broadcast %lt3A_1157 : i32 to vector<16xi32>
      %lt3A_1159 = arith.cmpi slt, %xor3A_1110, %lt3A_1158 : vector<16xi32>
      %add3A_1160 = arith.constant 16 : i32
      %add3A_1161 = vector.broadcast %add3A_1160 : i32 to vector<16xi32>
      %add3A_1162 = arith.addi %xor3A_1110, %add3A_1161 : vector<16xi32>
      %select_n3A_1163 = arith.select %lt3A_1159, %add3A_1162, %xor3A_1110 : vector<16xi1>, vector<16xi32>
      %broadcast_in_dim3A_1164 = vector.shape_cast %select_n3A_1163 : vector<16xi32> to vector<16x1xi32>
      %gather3A_1165 = vector.shape_cast %broadcast_in_dim3A_1164 : vector<16x1xi32> to vector<16xi32>
      %gather3A_1166 = tpu.dynamic_gather %select_n3A_1032[%gather3A_1165] in [0] : vector<16xf32>, vector<16xi32> -> vector<16xf32>
      %add3A_1167 = arith.addf %select_n3A_1032, %gather3A_1166 : vector<16xf32>
      %lt3A_1168 = arith.constant 0 : i32
      %lt3A_1169 = vector.broadcast %lt3A_1168 : i32 to vector<16xi32>
      %lt3A_1170 = arith.cmpi slt, %xor3A_1110, %lt3A_1169 : vector<16xi32>
      %add3A_1171 = arith.constant 16 : i32
      %add3A_1172 = vector.broadcast %add3A_1171 : i32 to vector<16xi32>
      %add3A_1173 = arith.addi %xor3A_1110, %add3A_1172 : vector<16xi32>
      %select_n3A_1174 = arith.select %lt3A_1170, %add3A_1173, %xor3A_1110 : vector<16xi1>, vector<16xi32>
      %broadcast_in_dim3A_1175 = vector.shape_cast %select_n3A_1174 : vector<16xi32> to vector<16x1xi32>
      %gather3A_1176 = vector.shape_cast %broadcast_in_dim3A_1175 : vector<16x1xi32> to vector<16xi32>
      %gather3A_1177 = tpu.dynamic_gather %select_n3A_1055[%gather3A_1176] in [0] : vector<16xf32>, vector<16xi32> -> vector<16xf32>
      %add3A_1178 = arith.addf %select_n3A_1055, %gather3A_1177 : vector<16xf32>
      %select_n3A_1179 = arith.select %eq3A_1107, %add3A_1167, %add3A_1178 : vector<16xi1>, vector<16xf32>
      %lt3A_1180 = arith.constant 0 : i32
      %lt3A_1181 = vector.broadcast %lt3A_1180 : i32 to vector<16xi32>
      %lt3A_1182 = arith.cmpi slt, %xor3A_1110, %lt3A_1181 : vector<16xi32>
      %add3A_1183 = arith.constant 16 : i32
      %add3A_1184 = vector.broadcast %add3A_1183 : i32 to vector<16xi32>
      %add3A_1185 = arith.addi %xor3A_1110, %add3A_1184 : vector<16xi32>
      %select_n3A_1186 = arith.select %lt3A_1182, %add3A_1185, %xor3A_1110 : vector<16xi1>, vector<16xi32>
      %broadcast_in_dim3A_1187 = vector.shape_cast %select_n3A_1186 : vector<16xi32> to vector<16x1xi32>
      %gather3A_1188 = vector.shape_cast %broadcast_in_dim3A_1187 : vector<16x1xi32> to vector<16xi32>
      %gather3A_1189 = tpu.dynamic_gather %select_n3A_1078[%gather3A_1188] in [0] : vector<16xf32>, vector<16xi32> -> vector<16xf32>
      %add3A_1190 = arith.addf %select_n3A_1078, %gather3A_1189 : vector<16xf32>
      %lt3A_1191 = arith.constant 0 : i32
      %lt3A_1192 = vector.broadcast %lt3A_1191 : i32 to vector<16xi32>
      %lt3A_1193 = arith.cmpi slt, %xor3A_1110, %lt3A_1192 : vector<16xi32>
      %add3A_1194 = arith.constant 16 : i32
      %add3A_1195 = vector.broadcast %add3A_1194 : i32 to vector<16xi32>
      %add3A_1196 = arith.addi %xor3A_1110, %add3A_1195 : vector<16xi32>
      %select_n3A_1197 = arith.select %lt3A_1193, %add3A_1196, %xor3A_1110 : vector<16xi1>, vector<16xi32>
      %broadcast_in_dim3A_1198 = vector.shape_cast %select_n3A_1197 : vector<16xi32> to vector<16x1xi32>
      %gather3A_1199 = vector.shape_cast %broadcast_in_dim3A_1198 : vector<16x1xi32> to vector<16xi32>
      %gather3A_1200 = tpu.dynamic_gather %select_n3A_1101[%gather3A_1199] in [0] : vector<16xf32>, vector<16xi32> -> vector<16xf32>
      %add3A_1201 = arith.addf %select_n3A_1101, %gather3A_1200 : vector<16xf32>
      %select_n3A_1202 = arith.select %eq3A_1107, %add3A_1190, %add3A_1201 : vector<16xi1>, vector<16xf32>
      %and3A_1203 = arith.constant 2 : i32
      %and3A_1204 = vector.broadcast %and3A_1203 : i32 to vector<16xi32>
      %and3A_1205 = arith.andi %iota3A, %and3A_1204 : vector<16xi32>
      %eq3A_1206 = arith.constant 0 : i32
      %eq3A_1207 = vector.broadcast %eq3A_1206 : i32 to vector<16xi32>
      %eq3A_1208 = arith.cmpi eq, %and3A_1205, %eq3A_1207 : vector<16xi32>
      %xor3A_1209 = arith.constant 2 : i32
      %xor3A_1210 = vector.broadcast %xor3A_1209 : i32 to vector<16xi32>
      %xor3A_1211 = arith.xori %iota3A, %xor3A_1210 : vector<16xi32>
      %lt3A_1212 = arith.constant 0 : i32
      %lt3A_1213 = vector.broadcast %lt3A_1212 : i32 to vector<16xi32>
      %lt3A_1214 = arith.cmpi slt, %xor3A_1211, %lt3A_1213 : vector<16xi32>
      %add3A_1215 = arith.constant 16 : i32
      %add3A_1216 = vector.broadcast %add3A_1215 : i32 to vector<16xi32>
      %add3A_1217 = arith.addi %xor3A_1211, %add3A_1216 : vector<16xi32>
      %select_n3A_1218 = arith.select %lt3A_1214, %add3A_1217, %xor3A_1211 : vector<16xi1>, vector<16xi32>
      %broadcast_in_dim3A_1219 = vector.shape_cast %select_n3A_1218 : vector<16xi32> to vector<16x1xi32>
      %gather3A_1220 = vector.shape_cast %broadcast_in_dim3A_1219 : vector<16x1xi32> to vector<16xi32>
      %gather3A_1221 = tpu.dynamic_gather %select_n3A_1133[%gather3A_1220] in [0] : vector<16xf32>, vector<16xi32> -> vector<16xf32>
      %add3A_1222 = arith.addf %select_n3A_1133, %gather3A_1221 : vector<16xf32>
      %lt3A_1223 = arith.constant 0 : i32
      %lt3A_1224 = vector.broadcast %lt3A_1223 : i32 to vector<16xi32>
      %lt3A_1225 = arith.cmpi slt, %xor3A_1211, %lt3A_1224 : vector<16xi32>
      %add3A_1226 = arith.constant 16 : i32
      %add3A_1227 = vector.broadcast %add3A_1226 : i32 to vector<16xi32>
      %add3A_1228 = arith.addi %xor3A_1211, %add3A_1227 : vector<16xi32>
      %select_n3A_1229 = arith.select %lt3A_1225, %add3A_1228, %xor3A_1211 : vector<16xi1>, vector<16xi32>
      %broadcast_in_dim3A_1230 = vector.shape_cast %select_n3A_1229 : vector<16xi32> to vector<16x1xi32>
      %gather3A_1231 = vector.shape_cast %broadcast_in_dim3A_1230 : vector<16x1xi32> to vector<16xi32>
      %gather3A_1232 = tpu.dynamic_gather %select_n3A_1156[%gather3A_1231] in [0] : vector<16xf32>, vector<16xi32> -> vector<16xf32>
      %add3A_1233 = arith.addf %select_n3A_1156, %gather3A_1232 : vector<16xf32>
      %select_n3A_1234 = arith.select %eq3A_1208, %add3A_1222, %add3A_1233 : vector<16xi1>, vector<16xf32>
      %lt3A_1235 = arith.constant 0 : i32
      %lt3A_1236 = vector.broadcast %lt3A_1235 : i32 to vector<16xi32>
      %lt3A_1237 = arith.cmpi slt, %xor3A_1211, %lt3A_1236 : vector<16xi32>
      %add3A_1238 = arith.constant 16 : i32
      %add3A_1239 = vector.broadcast %add3A_1238 : i32 to vector<16xi32>
      %add3A_1240 = arith.addi %xor3A_1211, %add3A_1239 : vector<16xi32>
      %select_n3A_1241 = arith.select %lt3A_1237, %add3A_1240, %xor3A_1211 : vector<16xi1>, vector<16xi32>
      %broadcast_in_dim3A_1242 = vector.shape_cast %select_n3A_1241 : vector<16xi32> to vector<16x1xi32>
      %gather3A_1243 = vector.shape_cast %broadcast_in_dim3A_1242 : vector<16x1xi32> to vector<16xi32>
      %gather3A_1244 = tpu.dynamic_gather %select_n3A_1179[%gather3A_1243] in [0] : vector<16xf32>, vector<16xi32> -> vector<16xf32>
      %add3A_1245 = arith.addf %select_n3A_1179, %gather3A_1244 : vector<16xf32>
      %lt3A_1246 = arith.constant 0 : i32
      %lt3A_1247 = vector.broadcast %lt3A_1246 : i32 to vector<16xi32>
      %lt3A_1248 = arith.cmpi slt, %xor3A_1211, %lt3A_1247 : vector<16xi32>
      %add3A_1249 = arith.constant 16 : i32
      %add3A_1250 = vector.broadcast %add3A_1249 : i32 to vector<16xi32>
      %add3A_1251 = arith.addi %xor3A_1211, %add3A_1250 : vector<16xi32>
      %select_n3A_1252 = arith.select %lt3A_1248, %add3A_1251, %xor3A_1211 : vector<16xi1>, vector<16xi32>
      %broadcast_in_dim3A_1253 = vector.shape_cast %select_n3A_1252 : vector<16xi32> to vector<16x1xi32>
      %gather3A_1254 = vector.shape_cast %broadcast_in_dim3A_1253 : vector<16x1xi32> to vector<16xi32>
      %gather3A_1255 = tpu.dynamic_gather %select_n3A_1202[%gather3A_1254] in [0] : vector<16xf32>, vector<16xi32> -> vector<16xf32>
      %add3A_1256 = arith.addf %select_n3A_1202, %gather3A_1255 : vector<16xf32>
      %select_n3A_1257 = arith.select %eq3A_1208, %add3A_1245, %add3A_1256 : vector<16xi1>, vector<16xf32>
      %and3A_1258 = arith.constant 1 : i32
      %and3A_1259 = vector.broadcast %and3A_1258 : i32 to vector<16xi32>
      %and3A_1260 = arith.andi %iota3A, %and3A_1259 : vector<16xi32>
      %eq3A_1261 = arith.constant 0 : i32
      %eq3A_1262 = vector.broadcast %eq3A_1261 : i32 to vector<16xi32>
      %eq3A_1263 = arith.cmpi eq, %and3A_1260, %eq3A_1262 : vector<16xi32>
      %xor3A_1264 = arith.constant 1 : i32
      %xor3A_1265 = vector.broadcast %xor3A_1264 : i32 to vector<16xi32>
      %xor3A_1266 = arith.xori %iota3A, %xor3A_1265 : vector<16xi32>
      %lt3A_1267 = arith.constant 0 : i32
      %lt3A_1268 = vector.broadcast %lt3A_1267 : i32 to vector<16xi32>
      %lt3A_1269 = arith.cmpi slt, %xor3A_1266, %lt3A_1268 : vector<16xi32>
      %add3A_1270 = arith.constant 16 : i32
      %add3A_1271 = vector.broadcast %add3A_1270 : i32 to vector<16xi32>
      %add3A_1272 = arith.addi %xor3A_1266, %add3A_1271 : vector<16xi32>
      %select_n3A_1273 = arith.select %lt3A_1269, %add3A_1272, %xor3A_1266 : vector<16xi1>, vector<16xi32>
      %broadcast_in_dim3A_1274 = vector.shape_cast %select_n3A_1273 : vector<16xi32> to vector<16x1xi32>
      %gather3A_1275 = vector.shape_cast %broadcast_in_dim3A_1274 : vector<16x1xi32> to vector<16xi32>
      %gather3A_1276 = tpu.dynamic_gather %select_n3A_1234[%gather3A_1275] in [0] : vector<16xf32>, vector<16xi32> -> vector<16xf32>
      %add3A_1277 = arith.addf %select_n3A_1234, %gather3A_1276 : vector<16xf32>
      %lt3A_1278 = arith.constant 0 : i32
      %lt3A_1279 = vector.broadcast %lt3A_1278 : i32 to vector<16xi32>
      %lt3A_1280 = arith.cmpi slt, %xor3A_1266, %lt3A_1279 : vector<16xi32>
      %add3A_1281 = arith.constant 16 : i32
      %add3A_1282 = vector.broadcast %add3A_1281 : i32 to vector<16xi32>
      %add3A_1283 = arith.addi %xor3A_1266, %add3A_1282 : vector<16xi32>
      %select_n3A_1284 = arith.select %lt3A_1280, %add3A_1283, %xor3A_1266 : vector<16xi1>, vector<16xi32>
      %broadcast_in_dim3A_1285 = vector.shape_cast %select_n3A_1284 : vector<16xi32> to vector<16x1xi32>
      %gather3A_1286 = vector.shape_cast %broadcast_in_dim3A_1285 : vector<16x1xi32> to vector<16xi32>
      %gather3A_1287 = tpu.dynamic_gather %select_n3A_1257[%gather3A_1286] in [0] : vector<16xf32>, vector<16xi32> -> vector<16xf32>
      %add3A_1288 = arith.addf %select_n3A_1257, %gather3A_1287 : vector<16xf32>
      %select_n3A_1289 = arith.select %eq3A_1263, %add3A_1277, %add3A_1288 : vector<16xi1>, vector<16xf32>
      %mul3A_1290 = arith.constant 16 : i32
      %mul3A_1291 = arith.muli %scan3A_54, %mul3A_1290 : i32
      %add3A_1292 = arith.constant 9920 : i32
      %add3A_1293 = arith.addi %add3A_1292, %mul3A_1291 : i32
      %swap3A = arith.index_cast %add3A_1293 : i32 to index
      %swap3A_1294 = tpu.vector_load %arg10[%swap3A] {strides = array<i32>} : memref<10000xf32, #tpu.memory_space<vmem>>, vector<16xf32>,
      tpu.vector_store %arg10[%swap3A], %select_n3A_1289 {strides = array<i32>} : memref<10000xf32, #tpu.memory_space<vmem>>, vector<16xf32>,
    }
    %scan3A_53 = arith.constant 5 : i32
    "tpu.region"() ({
      %run_scoped3A = tpu.sem_alloc : memref<!tpu.dma_semaphore, #tpu.memory_space<semaphore_mem>>
      %dma_start3A_54 = tpu.memref_slice %arg5[%mul3A_2] : memref<320000xf32, #tpu.memory_space<hbm>> -> memref<10000xf32, #tpu.memory_space<hbm>>
      %dma_start3A_55 = tpu.memref_slice %arg5[%mul3A_2] : memref<320000xf32, #tpu.memory_space<hbm>> -> memref<10000xf32, #tpu.memory_space<hbm>>
      tpu.enqueue_dma source(%arg10 : memref<10000xf32, #tpu.memory_space<vmem>>) target(%dma_start3A_55 : memref<10000xf32, #tpu.memory_space<hbm>>) target_semaphore(%run_scoped3A : memref<!tpu.dma_semaphore, #tpu.memory_space<semaphore_mem>>)
      %dma_wait3A_56 = tpu.memref_slice %arg5[%mul3A_2] : memref<320000xf32, #tpu.memory_space<hbm>> -> memref<10000xf32, #tpu.memory_space<hbm>>
      %dma_wait3A_57 = tpu.memref_slice %arg5[%mul3A_2] : memref<320000xf32, #tpu.memory_space<hbm>> -> memref<10000xf32, #tpu.memory_space<hbm>>
      tpu.wait_dma2 semaphore(%run_scoped3A : memref<!tpu.dma_semaphore, #tpu.memory_space<semaphore_mem>>) src(%arg10 : memref<10000xf32, #tpu.memory_space<vmem>>) dst(%dma_wait3A_57 : memref<10000xf32, #tpu.memory_space<hbm>>)
      tpu.yield
    }) : () -> ()
    return
  }
}

</mosaic_0001>

<sc_bundles>
// kernel: kernel.3.cloned.1.call-start
scs
__scs_entry_jumppad:
0x0: {  	(pc) =	sbr.rel $0x88, $3  }
0x1: {  	(tag) =	ssettag $0x0;
	lr =	simm.s32 $0x1  }
0x2: {  	[smem:$0x3F9F] =	sst lr;
	_ =	strace $0xD0000000  }
0x3: {  	_ = 	snop  }
0x4: {  	_ = 	snop  }
0x5: {  	_ = 	snop  }
0x6: {  	_ = 	snop  }
0x7: {  	_ = 	snop  }
__scs_overlays_trampoline_lowered:
0x8: {  	[smem:$0x3FAE] =	sst s0  }
0x9: {  	[smem:$0x3FAF] =	sst s1  }
0xa: {  	[smem:$0x3FB0] =	sst s2  }
0xb: {  	[smem:$0x3FB1] =	sst s3  }
0xc: {  	[smem:$0x3FB2] =	sst s4  }
0xd: {  	[smem:$0x3FB3] =	sst s5  }
0xe: {  	[smem:$0x3FB4] =	sst s6  }
0xf: {  	[smem:$0x3FB5] =	sst s7  }
0x10: {  	[smem:$0x3FB6] =	sst s8  }
0x11: {  	[smem:$0x3FB7] =	sst s9;
	s0 =	simm.s32 @!p0 $0x0  }
0x12: {  	s1 =	sld [smem:$0x3F9D];
	s0 =	simm.s32 @p0 $0x1  }
0x13: {  	[smem:$0x3FB8] =	sst s0;
	s0 =	simm.s32 @!p1 $0x0  }
0x14: {  	s2 =	sld [smem:$0x3F9C];
	s0 =	simm.s32 @p1 $0x1  }
0x15: {  	[smem:$0x3FB9] =	sst s0;
	s0 =	simm.s32 @!p2 $0x0  }
0x16: {  	s3 =	sld [smem:$0x3FDB];
	s0 =	simm.s32 @p2 $0x1  }
0x17: {  	s4 =	simm.s32 $0x1BF5;
	[smem:$0x3FBB] =	sst s0  }
0x18: {  	s0 =	sld [smem:$0x3F9E];
	_ =	swait.ge [sflag:s4], $0x0  }
0x19: {  	s7 =	sld [smem:$0x3F9F]  }
0x1a: {  	s8 =	sadd.s32 $0xFFFFE003, lr  }
0x1b: {  	s9 =	sadd.s32 $0xFFFFFEF7, lr;
	s5 =	simm.s32 $0xFFFFFFFF;
	p2 =	slt.u32 s8, $0xFFFFF086  }
0x1c: {  	p1 =	slt.u32 s9, $0xF7A;
	s5 =	simm.s32 @!p2 $0x0  }
0x1d: {  	s5 =	simm.s32 @p1 $0x1;
	p0 =	seq.s32 s7, s2  }
0x1e: {  	s7 =	smul.u32 @!p0 $0xF7A, s2;
	p2 =	seq.s32 @!p0 s5, $0x0  }
0x1f: {  	s9 =	smul.u32 $0xF7A, s1;
	s8 =	simm.s32 @!p0 $0x1BF5;
	p2 =	por !p2, p0  }
0x20: {  	[sflag:s8] =	ssyncset.s32 @!p0 $0xFFFFF086;
	s6 =	sadd.s32 @!p0 s3, s7;
	s7 =	simm.s32 @!p0 $0x108  }
0x21: {  	s3 =	sadd.s32 s3, s9;
	s6 =	sadd.s32 @!p0 $0x88, s6;
	s7 =	simm.s32 @p2 $0x1082  }
0x22: {  	[simem:s7], [sflag:s8] =	dma.local @!p0 [hbm:s6], $0xF7A  }
0x23: {  	s9 =	sor.u32 $0xD0000000, s2;
	s6 =	simm.s32 $0x108;
	_ =	swait.ge @!p0 [sflag:s8], $0x0  }
0x24: {  	s3 =	sadd.s32 $0x88, s3;
	s6 =	simm.s32 @!p1 $0x1082;
	[sflag:s4] =	ssyncset.s32 $0xFFFFF086  }
0x25: {  	[simem:s6], [sflag:s4] =	dma.local [hbm:s3], $0xF7A  }
0x26: {  	[smem:$0x3F9F] =	sst s1;
	(tag) =	ssettag s2;
	_ =	strace s9  }
0x27: {  	s1 =	sld [smem:$0x3FAF]  }
0x28: {  	s2 =	sld [smem:$0x3FB0]  }
0x29: {  	s4 =	sld [smem:$0x3FB2]  }
0x2a: {  	p0 =	seq.s32 s5, $0x0;
	s5 =	sld [smem:$0x3FB3]  }
0x2b: {  	s6 =	sld [smem:$0x3FB4]  }
0x2c: {  	s7 =	sld [smem:$0x3FB5]  }
0x2d: {  	s3 =	simm.s32 $0x108;
	s8 =	sld [smem:$0x3FB6]  }
0x2e: {  	s3 =	simm.s32 @!p0 $0x1082;
	s9 =	sld [smem:$0x3FB7]  }
0x2f: {  	lr =	sadd.s32 s0, s3;
	s0 =	sld [smem:$0x3FAE]  }
0x30: {  	s3 =	sld [smem:$0x3FB1]  }
0x31: {  	[smem:$0x3FBA] =	sst s10  }
0x32: {  	s10 =	sld [smem:$0x3FB8];
	_ =	sdelay $0x3  }
0x33: {  	p0 =	seq.s32 s10, $0x1;
	s10 =	sld [smem:$0x3FBA];
	_ =	sdelay $0x3  }
0x34: {  	[smem:$0x3FBA] =	sst s10  }
0x35: {  	s10 =	sld [smem:$0x3FB9];
	_ =	sdelay $0x3  }
0x36: {  	p1 =	seq.s32 s10, $0x1;
	s10 =	sld [smem:$0x3FBA];
	_ =	sdelay $0x3  }
0x37: {  	[smem:$0x3FBA] =	sst s10  }
0x38: {  	s10 =	sld [smem:$0x3FBB]  }
0x39: {  	_ = 	snop;
	(pc) =	sbr.ind lr, $3  }
0x3a: {  	_ = 	snop  }
0x3b: {  	_ = 	snop  }
0x3c: {  	p2 =	seq.s32 s10, $0x1;
	s10 =	sld [smem:$0x3FBA]  }
0x3d: {  	_ =	shalt  }
0x3e: {  	_ =	shalt  }
0x3f: {  	_ =	shalt  }
0x40: {  	_ =	shalt  }
0x41: {  	_ =	shalt  }
0x42: {  	_ =	shalt  }
0x43: {  	_ =	shalt  }
0x44: {  	_ =	shalt  }
0x45: {  	_ =	shalt  }
0x46: {  	_ =	shalt  }
0x47: {  	_ =	shalt  }
0x48: {  	_ =	shalt  }
0x49: {  	_ =	shalt  }
0x4a: {  	_ =	shalt  }
0x4b: {  	_ =	shalt  }
0x4c: {  	_ =	shalt  }
0x4d: {  	_ =	shalt  }
0x4e: {  	_ =	shalt  }
0x4f: {  	_ =	shalt  }
0x50: {  	_ =	shalt  }
0x51: {  	_ =	shalt  }
0x52: {  	_ =	shalt  }
0x53: {  	_ =	shalt  }
0x54: {  	_ =	shalt  }
0x55: {  	_ =	shalt  }
0x56: {  	_ =	shalt  }
0x57: {  	_ =	shalt  }
0x58: {  	_ =	shalt  }
0x59: {  	_ =	shalt  }
0x5a: {  	_ =	shalt  }
0x5b: {  	_ =	shalt  }
0x5c: {  	_ =	shalt  }
0x5d: {  	_ =	shalt  }
0x5e: {  	_ =	shalt  }
0x5f: {  	_ =	shalt  }
0x60: {  	_ =	shalt  }
0x61: {  	_ =	shalt  }
0x62: {  	_ =	shalt  }
0x63: {  	_ =	shalt  }
0x64: {  	_ =	shalt  }
0x65: {  	_ =	shalt  }
0x66: {  	_ =	shalt  }
0x67: {  	_ =	shalt  }
0x68: {  	_ =	shalt  }
0x69: {  	_ =	shalt  }
0x6a: {  	_ =	shalt  }
0x6b: {  	_ =	shalt  }
0x6c: {  	_ =	shalt  }
0x6d: {  	_ =	shalt  }
0x6e: {  	_ =	shalt  }
0x6f: {  	_ =	shalt  }
0x70: {  	_ =	shalt  }
0x71: {  	_ =	shalt  }
0x72: {  	_ =	shalt  }
0x73: {  	_ =	shalt  }
0x74: {  	_ =	shalt  }
0x75: {  	_ =	shalt  }
0x76: {  	_ =	shalt  }
0x77: {  	_ =	shalt  }
0x78: {  	_ =	shalt  }
0x79: {  	_ =	shalt  }
0x7a: {  	_ =	shalt  }
0x7b: {  	_ =	shalt  }
0x7c: {  	_ =	shalt  }
0x7d: {  	_ =	shalt  }
0x7e: {  	_ =	shalt  }
0x7f: {  	_ =	shalt  }
0x80: {  	_ =	shalt  }
0x81: {  	_ =	shalt  }
0x82: {  	_ =	shalt  }
0x83: {  	_ =	shalt  }
0x84: {  	_ =	shalt  }
0x85: {  	_ =	shalt  }
0x86: {  	_ =	shalt  }
0x87: {  	_ =	shalt  }
.Lfunc_end0:
.L_simem_size_0:
called_computation_lowered:
.L_overlay_start_0:
0x88: {  	s2 =	sld [smem:$0x3FD9]  }
0x89: {  	s3 =	sld [smem:$0x3FFE];
	_ =	sdelay $0x1  }
0x8a: {  	s1 =	srdreg.scid  }
0x8b: {  	s0 =	sand.u32 $0x1, s1  }
0x8c: {  	s16 =	sshll.u32 s0, $0xA;
	s2 =	sadd.s32 s3, s2  }
0x8d: {  	s2 =	sadd.s32 s2, s16  }
0x8e: {  	[smem:$0x3FC6] =	sst s2  }
0x8f: {  	_ = 	snop  }
0x90: {  	(tm) =	ssettm $0x1  }
0x91: {  	s17 =	sld [smem:$0x3FFB];
	_ =	sdelay $0x3  }
0x92: {  	_ =	strace s17  }
0x93: {  	s2 =	sld [smem:$0x3FFC];
	_ =	sdelay $0x3  }
0x94: {  	_ =	strace s2  }
0x95: {  	s2 =	sld [smem:$0x3FFD];
	_ =	sdelay $0x3  }
0x96: {  	_ =	strace s2  }
0x97: {  	_ =	strace $0x8FFFFFFF  }
0x98: {  	s18 =	sld [smem:$0x3FDB];
	_ =	sdelay $0x1  }
0x99: {  	s19 =	simm.s32 $_scs_section_size  }
0x9a: {  	s4 =	simm.s32 $_size__tile_overlayer_lowered;
	s5 =	simm.s32 $_tile_overlayer_lowered  }
0x9b: {  	s22 =	simm.s32 $0x1BFF;
	s21 =	sshll.u32 s5, $0x1;
	s2 =	sadd.s32 s19, s18  }
0x9c: {  	s6 =	simm.s32 $0x0;
	s20 =	sshll.u32 s4, $0x1;
	s4 =	sadd.s32 s21, s2  }
0x9d: {  	[timem:s6], [sflag:s22] =	dma.local [hbm:s4], s20  }
0x9e: {  	_ =	swait.ge [sflag:s22], s20  }
0x9f: {  	s3 =	ssub.s32 $0x0, s20;
	[sflag:s22] =	ssyncset.done $0x0  }
0xa0: {  	[sflag:s22] =	ssyncadd.s32 s3;
	_ =	sdelay $0x1  }
0xa1: {  	s23 =	simm.s32 $0x1B8B  }
0xa2: {  	_ =	swait.ge [sflag:s23], $0x1  }
0xa3: {  	[sflag:s23] =	ssyncset.done $0x0  }
0xa4: {  	s25 =	simm.s32 $0x1B8E;
	s24 =	sld [smem:$0x3FFE];
	[sflag:s23] =	ssyncadd.s32 $0xFFFFFFFF  }
0xa5: {  	s26 =	simm.s32 $execute0_lowered;
	[smem:$0x3FD2] =	sst s25  }
0xa6: {  	s4 =	sshll.u32 s26, $0x1;
	_ =	strace $0x80000046;
	[dreg:$0x1] =	wrdreg $0xFFFFFFFF  }
0xa7: {  	s28 =	simm.s32 $_size_execute0_lowered;
	s2 =	sadd.s32 s2, s4;
	[dreg:$0x0] =	wrdreg $0x0  }
0xa8: {  	s4 =	sshll.u32 s28, $0x1;
	[dreg:$0x2] =	wrdreg s2  }
0xa9: {  	[dreg:$0x3] =	wrdreg s4  }
0xaa: {  	[dreg:$0x4] =	wrdreg $0xC0  }
0xab: {  	_ =	task [dreg:s6], $0x5FFFF  }
0xac: {  	[dreg:$0x1] =	wrdreg $0xFFFFFFFF  }
0xad: {  	[dreg:$0x0] =	wrdreg $0x60  }
0xae: {  	[dreg:$0x2] =	wrdreg s24  }
0xaf: {  	[dreg:$0x3] =	wrdreg $0xC5300  }
0xb0: {  	[dreg:$0x4] =	wrdreg $0x9  }
0xb1: {  	_ =	task.clear_ibuf [dreg:s6], $0x5FFFF;
	_ =	strace $0x90000046  }
0xb2: {  	s29 =	simm.s32 $0x9;
	_ =	strace $0x80000048  }
0xb3: {  	_ =	swait.ge [sflag:s29], $0x1  }
0xb4: {  	[sflag:s29] =	ssyncadd.s32 $0xFFFFFFFF  }
0xb5: {  	_ =	strace $0x90000048  }
0xb6: {  	_ =	sfence  }
0xb7: {  	s30 =	sld [smem:$0x0];
	_ =	sdelay $0x2  }
0xb8: {  	s31 =	sshll.u32 s1, $0xD;
	s1 =	sshrl.u32 s1, $0x2  }
0xb9: {  	s3 =	sand.u32 $0x4000, s31;
	s1 =	sadd.s32 s1, s30  }
0xba: {  	s0 =	sor.u32 s3, s0;
	s1 =	sshll.u32 s1, $0x11  }
0xbb: {  	s0 =	sor.u32 s1, s0  }
0xbc: {  	s0 =	sadd.s32 $0x8F2B, s0  }
0xbd: {  	[sflag:s0] =	ssyncadd.remote.s32 $0x1  }
0xbe: {  	_ =	sfence.sel $0xFFFF  }
0xbf: {  	[dreg:$0x0] =	wrdreg $0xFFFFFFFF;
	(pc) =	sbr.abs _section_cstart, $3  }
0xc0: {  	[dreg:$0x1] =	wrdreg $0xFFFFFFFF  }
0xc1: {  	_ =	task.clear_ibuf [dreg:s6], $0x2FFFF;
	_ =	strace $0x9FFFFFFF  }
0xc2: {  	(tm) =	ssettm $0x7FFFFFFF  }
0xc3: {  	_ =	shalt  }
tec
execute0_lowered:
.L_overlay_start_1:
0x0: {  	(tag) =	ssettag $0x1  }
0x1: {  	v0 =	vimm.s32 $0x76543210;
	v1 =	vimm.s32 $0xFEDCBA98  }
0x2: {  	v2 =	vimm.s32 $0xBA98FEDC;
	v3 =	vimm.s32 $0x32107654;
	v4 =	vimm.s32 $0xDCFE98BA  }
0x3: {  	v5 =	vimm.s32 $0x54761032;
	vm0 =	vcmask $0x2F20;
	vm1 =	vcmask $0xF00  }
0x4: {  	vm2 =	vcmask $0x1710;
	vm3 =	vcmask $0x700;
	v58 =	vimm.s32 $0xEFCDAB89  }
0x5: {  	v59 =	vimm.s32 $0x67452301;
	vm4 =	vcmask $0x300;
	v0 =	vunpack.c.l.s4.s8 v0  }
0x6: {  	s4 =	rddreg [dreg:$0x0];
	v1 =	vunpack.c.l.s4.s8 v1;
	v2 =	vunpack.c.l.s4.s8 v2;
	v3 =	vunpack.c.l.s4.s8 v3  }
0x7: {  	s1 =	rddreg [dreg:$0x1];
	v4 =	vunpack.c.l.s4.s8 v4;
	v56 =	vunpack.c.l.s4.s8 v5;
	vm0 =	vmor vm1, vm0  }
0x8: {  	s0 =	rddreg [dreg:$0x2];
	vm1 =	vmor vm3, vm2;
	vm2 =	vcmask $0x2720;
	vm3 =	vcmask $0xB08  }
0x9: {  	s3 =	simm.s32 $0x0;
	s2 =	stileid.u32;
	s5 =	srdreg.scid;
	vm1 =	vmor vm1, vm2;
	vm2 =	vcmask $0x3730;
	vm3 =	vmor vm4, vm3  }
0xa: {  	s11 =	simm.s32 $0x3;
	s12 =	simm.s32 $0x2710;
	s13 =	simm.s32 $0x50;
	vm4 =	vcmask $0x1310;
	v0 =	vunpack.c.0.s8.s32 v0;
	v1 =	vunpack.c.0.s8.s32 v1  }
0xb: {  	s14 =	simm.s32 $0x4E20;
	s15 =	simm.s32 $0x6220;
	s16 =	simm.s32 $0x7620;
	v2 =	vunpack.c.0.s8.s32 v2;
	v3 =	vunpack.c.0.s8.s32 v3;
	v57 =	vunpack.c.0.s8.s32 v4  }
0xc: {  	s17 =	simm.s32 $0x2760;
	s18 =	simm.s32 $0x8A20;
	s19 =	simm.s32 $0x1;
	v4 =	vunpack.c.l.s4.s8 v59;
	vm3 =	vmor vm3, vm4;
	vm4 =	vcmask $0x1B18  }
0xd: {  	s20 =	simm.s32 $0x2;
	s21 =	simm.s32 $0x9E20;
	s22 =	simm.s32 $0x0;
	vm1 =	vmor vm1, vm2;
	v55 =	vcombine.low v3, v2;
	v3 =	vunpack.c.l.s4.s8 v58  }
0xe: {  	s6 =	smul.u32 $0x9C40, s2;
	s5 =	sand.u32 $0x1, s5;
	s7 =	sshll.u32 s2, $0x1;
	vm2 =	vmor vm3, vm4;
	v1 =	vand.u32 $0xF, v1;
	v2 =	vunpack.c.0.s8.s32 v56  }
0xf: {  	[smem:$0x7FF] =	sst s3;
	s31 =	sshll.u32 s2, $0x6;
	s8 =	ssub.s32 $0x2, s5;
	v4 =	vunpack.c.0.s8.s32 v4;
	v63 =	vcombine.low v1, v0;
	v3 =	vunpack.c.0.s8.s32 v3  }
0x10: {  	s5 =	sor.u32 s5, s7;
	_ =	strace $0x80000047;
	s30 =	sshrl.u32 s6, $0x3;
	vm3 =	vcmask $0x2320;
	vm4 =	vcmask $0x2B28;
	v2 =	vcombine.low v2, v57  }
0x11: {  	s9 =	sshrl.u32 s8, $0x1;
	s5 =	smul.u32 $0x4E2, s5;
	s10 =	sadd.s32 s6, s1;
	vm3 =	vmor vm2, vm3;
	v60 =	vand.u32 $0xF, v55;
	[tilespmem:$0x1FFC0] =	vst v63;
	v3 =	vcombine.low v4, v3  }
0x12: {  	s6 =	sor.u32 $0x1C03, s31;
	s7 =	sadd.s32 s30, s4;
	s9 =	ssub.s32 s8, s9;
	vm3 =	vmor vm3, vm4;
	vm4 =	vcmask $0x3330;
	[tilespmem:$0x1FFD0] =	vst v60;
	v61 =	vand.u32 $0xF, v2  }
0x13: {  	s10 =	sshrl.u32 s10, $0x3;
	s4 =	sadd.s32 s4, s5;
	s5 =	sadd.s32 $0x13C00, s7;
	vm3 =	vmor vm3, vm4;
	vm4 =	vcmask $0x3B38;
	[tilespmem:$0x1FFE0] =	vst v61;
	v62 =	vand.u32 $0xF, v3  }
0x14: {  	s9 =	smax.u32 s9, $0x1;
	vm2 =	vmmov $0xff;
	s7 =	sadd.s32 $0x9E00, s4;
	s8 =	sadd.s32 $0x27600, s4;
	vm3 =	vmor vm3, vm4;
	[tilespmem:$0x1FFF0] =	vst v62  }
.LBB2_1:
0x15: {  	[spmem:s10], [sflag:s6] =	dma.local [hbm:s5], $0x1388  }
0x16: {  	_ =	swait.ge [sflag:s11], $0x1388  }
0x17: {  	[sflag:s11] =	ssyncset.done $0x0  }
0x18: {  	[sflag:s11] =	ssyncadd.s32 $0xFFFFEC78  }
0x19: {  	[tilespmem:s3], [sflag:$0x3] =	stream.linear.gather [hbm4b:s7+s3], $0x2710, $0x38;
	[tilespmem:$0x16170] =	vst v63  }
0x1a: {  	_ =	swait.ge [sflag:s11], $0x2710  }
0x1b: {  	[sflag:s11] =	ssyncset.done $0x0  }
0x1c: {  	[sflag:s11] =	ssyncadd.s32 $0xFFFFD8F0  }
0x1d: {  	[tilespmem:s12], [sflag:$0x3] =	stream.linear.gather [hbm4b:s4+s3], $0x2710, $0x38;
	[tilespmem:$0x16170] =	vst v63  }
0x1e: {  	_ =	swait.ge [sflag:s11], $0x2710  }
0x1f: {  	[sflag:s11] =	ssyncset.done $0x0  }
0x20: {  	[sflag:s11] =	ssyncadd.s32 $0xFFFFD8F0  }
0x21: {  	[bflag:$0x0] =	sbarrier.arrive $0xFFFF  }
0x22: {  	[tilespmem:s14], [sflag:$0x1] =	stream.indirect.gather [spmem:s1], $0x40, s3, s13, $0xb8;
	[tilespmem:$0x16170] =	vst v63  }
0x23: {  	_ = 	snop  }
0x24: {  	[tilespmem:s15], [sflag:$0x1] =	stream.indirect.gather [spmem:s1], $0x40, s12, s13, $0xb8;
	[tilespmem:$0x16170] =	vst v63  }
0x25: {  	_ = 	snop  }
0x26: {  	[tilespmem:s16], [sflag:$0x2] =	stream.indirect.gather [spmem:s1], $0x40, s13, s13, $0xb8;
	[tilespmem:$0x16170] =	vst v63  }
0x27: {  	s23 =	simm.s32 $0x9E70;
	s24 =	simm.s32 $0x9E20;
	s25 =	simm.s32 $0x0  }
0x28: {  	[tilespmem:s18], [sflag:$0x2] =	stream.indirect.gather [spmem:s1], $0x40, s17, s13, $0xb8;
	[tilespmem:$0x16170] =	vst v63  }
.LBB2_2:
0x29: {  	_ =	swait.ge [sflag:s19], $0x2800  }
0x2a: {  	[sflag:s19] =	ssyncset.done $0x0  }
0x2b: {  	s26 =	simm.s32 $0x6610;
	[sflag:s19] =	ssyncadd.s32 $0xFFFFD800  }
0x2c: {  	v10 =	vld [tilespmem:s26+$0xFFFFFC40]  }
0x2d: {  	v18 =	vld [tilespmem:s26+$0xFFFFE840]  }
0x2e: {  	v11 =	vld [tilespmem:s26+$0xFFFFFC30]  }
0x2f: {  	v21 =	vld [tilespmem:s26+$0xFFFFE830]  }
0x30: {  	v22 =	vld [tilespmem:s26+$0xFFFFFC20]  }
0x31: {  	v23 =	vld [tilespmem:s26+$0xFFFFE820]  }
0x32: {  	v24 =	vld [tilespmem:s26+$0xFFFFFC10]  }
0x33: {  	v25 =	vld [tilespmem:s26+$0xFFFFE810]  }
0x34: {  	v26 =	vld [tilespmem:s26+$0xFFFFFE40]  }
0x35: {  	v27 =	vld [tilespmem:s26+$0xFFFFEA40]  }
0x36: {  	v28 =	vld [tilespmem:s26+$0xFFFFFE30]  }
0x37: {  	v29 =	vld [tilespmem:s26+$0xFFFFEA30]  }
0x38: {  	v30 =	vld [tilespmem:s26+$0xFFFFFE20]  }
0x39: {  	v31 =	vld [tilespmem:s26+$0xFFFFEA20]  }
0x3a: {  	v32 =	vld [tilespmem:s26+$0xFFFFFE10]  }
0x3b: {  	v33 =	vld [tilespmem:s26+$0xFFFFEA10]  }
0x3c: {  	v34 =	vld [tilespmem:s26+$0xFFFFFD40]  }
0x3d: {  	v35 =	vld [tilespmem:s26+$0xFFFFE940]  }
0x3e: {  	v36 =	vld [tilespmem:s26+$0xFFFFFD30]  }
0x3f: {  	v37 =	vld [tilespmem:s26+$0xFFFFE930]  }
0x40: {  	v38 =	vld [tilespmem:s26+$0xFFFFFD20]  }
0x41: {  	v39 =	vld [tilespmem:s26+$0xFFFFE920]  }
0x42: {  	v40 =	vld [tilespmem:s26+$0xFFFFFD10]  }
0x43: {  	v41 =	vld [tilespmem:s26+$0xFFFFE910]  }
0x44: {  	v42 =	vld [tilespmem:s26+$0xFFFFFF40]  }
0x45: {  	v43 =	vld [tilespmem:s26+$0xFFFFEB40]  }
0x46: {  	v44 =	vld [tilespmem:s26+$0xFFFFFF30]  }
0x47: {  	v45 =	vld [tilespmem:s26+$0xFFFFEB30]  }
0x48: {  	v46 =	vld [tilespmem:s26+$0xFFFFFF20]  }
0x49: {  	v47 =	vld [tilespmem:s26+$0xFFFFEB20]  }
0x4a: {  	v48 =	vld [tilespmem:s26+$0xFFFFFF10]  }
0x4b: {  	v49 =	vld [tilespmem:s26+$0xFFFFEB10]  }
0x4c: {  	v50 =	vld [tilespmem:s26+$0xFFFFFCC0]  }
0x4d: {  	v51 =	vld [tilespmem:s26+$0xFFFFE8C0]  }
0x4e: {  	v52 =	vld [tilespmem:s26+$0xFFFFFCB0]  }
0x4f: {  	v53 =	vld [tilespmem:s26+$0xFFFFE8B0]  }
0x50: {  	v54 =	vld [tilespmem:s26+$0xFFFFFCA0]  }
0x51: {  	v55 =	vld [tilespmem:s26+$0xFFFFE8A0]  }
0x52: {  	v56 =	vld [tilespmem:s26+$0xFFFFFC90]  }
0x53: {  	v57 =	vld [tilespmem:s26+$0xFFFFE890]  }
0x54: {  	v58 =	vld [tilespmem:s26+$0xFFFFFEC0]  }
0x55: {  	v59 =	vld [tilespmem:s26+$0xFFFFEAC0]  }
0x56: {  	v60 =	vld [tilespmem:s26+$0xFFFFFEB0]  }
0x57: {  	v61 =	vld [tilespmem:s26+$0xFFFFEAB0]  }
0x58: {  	v62 =	vld [tilespmem:s26+$0xFFFFFEA0]  }
0x59: {  	v63 =	vld [tilespmem:s26+$0xFFFFEAA0]  }
0x5a: {  	v5 =	vld [tilespmem:s26+$0xFFFFFE90]  }
0x5b: {  	v4 =	vld [tilespmem:s26+$0xFFFFEA90]  }
0x5c: {  	v15 =	vld [tilespmem:s26+$0xFFFFFDC0]  }
0x5d: {  	v19 =	vld [tilespmem:s26+$0xFFFFE9C0]  }
0x5e: {  	v7 =	vld [tilespmem:s26+$0xFFFFFDB0]  }
0x5f: {  	v6 =	vld [tilespmem:s26+$0xFFFFE9B0]  }
0x60: {  	v0 =	vld [tilespmem:s26+$0xFFFFFDA0]  }
0x61: {  	v16 =	vld [tilespmem:s26+$0xFFFFE9A0]  }
0x62: {  	v13 =	vld [tilespmem:s26+$0xFFFFFD90]  }
0x63: {  	v8 =	vld [tilespmem:s26+$0xFFFFE990]  }
0x64: {  	v17 =	vld [tilespmem:s26+$0xFFFFEBC0]  }
0x65: {  	v12 =	vld [tilespmem:s26+$0xFFFFFFB0]  }
0x66: {  	v9 =	vld [tilespmem:s26+$0xFFFFEBB0]  }
0x67: {  	v20 =	vld [tilespmem:s26+$0xFFFFFF90]  }
0x68: {  	v14 =	vld [tilespmem:s26+$0xFFFFEB90]  }
0x69: {  	v1 =	vld [tilespmem:s26+$0xFFFFFC80]  }
0x6a: {  	v3 =	vld [tilespmem:s26+$0xFFFFE880]  }
0x6b: {  	v2 =	vld [tilespmem:s26+$0xFFFFFC60]  }
0x6c: {  	[tilespmem:$0x1FF50] =	vst v0;
	v0 =	vld [tilespmem:s26+$0xFFFFFFC0]  }
0x6d: {  	v21 =	vmul.bf16 v11, v21;
	v11 =	vld [tilespmem:s26+$0xFFFFE860]  }
0x6e: {  	v25 =	vmul.bf16 v24, v25;
	v24 =	vld [tilespmem:s26+$0xFFFFFC50]  }
0x6f: {  	v22 =	vmul.bf16 v22, v23;
	v23 =	vmul.bf16 v28, v29;
	v28 =	vld [tilespmem:s26+$0xFFFFE850]  }
0x70: {  	v18 =	vmul.bf16 v10, v18;
	v10 =	vld [tilespmem:s26+$0xFFFFFE80]  }
0x71: {  	v26 =	vmul.bf16 v26, v27;
	v27 =	vld [tilespmem:s26+$0xFFFFFE70]  }
0x72: {  	v29 =	vmul.bf16 v32, v33;
	v33 =	vld [tilespmem:s26+$0xFFFFEA50]  }
0x73: {  	v30 =	vmul.bf16 v30, v31;
	v31 =	vmul.bf16 v34, v35;
	v35 =	vld [tilespmem:s26+$0xFFFFFD80]  }
0x74: {  	v40 =	vmul.bf16 v40, v41;
	v41 =	vmul.bf16 v38, v39;
	v39 =	vld [tilespmem:s26+$0xFFFFFD70]  }
0x75: {  	v4 =	vmul.bf16 v5, v4;
	v5 =	vmul.bf16 v62, v63;
	v63 =	vld [tilespmem:$0x1FFC0]  }
0x76: {  	v51 =	vmul.bf16 v50, v51;
	v50 =	vld [tilespmem:s26+$0xFFFFE8D0]  }
0x77: {  	v21 =	vadd.bf16 v18, v21;
	v18 =	vld [tilespmem:s26+$0xFFFFEA80]  }
0x78: {  	v23 =	vadd.bf16 v26, v23;
	v26 =	vld [tilespmem:s26+$0xFFFFFE60]  }
0x79: {  	v22 =	vadd.bf16 v22, v25;
	v25 =	vadd.bf16 v30, v29;
	v29 =	vld [tilespmem:s26+$0xFFFFEA60]  }
0x7a: {  	v30 =	vld [tilespmem:s26+$0xFFFFFE50]  }
0x7b: {  	v32 =	vadd.bf16 v41, v40;
	v41 =	vld [tilespmem:s26+$0xFFFFE970];
	v21 =	vadd.bf16 v21, v22  }
0x7c: {  	v40 =	vld [tilespmem:s26+$0xFFFFE950]  }
0x7d: {  	v22 =	vld [tilespmem:s26+$0xFFFFEA70];
	v23 =	vadd.bf16 v23, v25;
	v25 =	vunpack.i.u.bf16.f32 v21;
	v21 =	vunpack.i.l.bf16.f32 v21  }
0x7e: {  	[tilespmem:$0x1FF60] =	vst v0;
	v0 =	vld [tilespmem:s26+$0xFFFFFFA0];
	v11 =	vmul.bf16 v2, v11;
	v21 =	vadd.f32 v21, v25  }
0x7f: {  	v2 =	vld [tilespmem:s26+$0xFFFFEAF0];
	v25 =	vmul.bf16 v36, v37;
	v37 =	vunpack.i.u.bf16.f32 v23;
	v23 =	vunpack.i.l.bf16.f32 v23  }
0x80: {  	v23 =	vadd.f32 v23, v37;
	v37 =	vld [tilespmem:s26+$0xFFFFE980]  }
0x81: {  	v25 =	vadd.bf16 v31, v25;
	v31 =	vmul.bf16 v44, v45;
	v44 =	vmul.bf16 v42, v43;
	v43 =	vld [tilespmem:s26+$0xFFFFFD60]  }
0x82: {  	v45 =	vmul.bf16 v48, v49;
	v48 =	vmul.bf16 v46, v47;
	v47 =	vld [tilespmem:s26+$0xFFFFFF70]  }
0x83: {  	v42 =	vld [tilespmem:s26+$0xFFFFFD00]  }
0x84: {  	v46 =	vld [tilespmem:s26+$0xFFFFE900]  }
0x85: {  	[tilespmem:$0x1FF70] =	vst v0;
	v0 =	vld [tilespmem:s26+$0xFFFFEBA0]  }
0x86: {  	v34 =	vadd.bf16 v48, v45;
	v45 =	vld [tilespmem:s26+$0xFFFFE960]  }
0x87: {  	v25 =	vadd.bf16 v25, v32;
	v32 =	vld [tilespmem:s26+$0xFFFFFF80]  }
0x88: {  	v49 =	vmul.bf16 v52, v53;
	v31 =	vadd.bf16 v44, v31;
	v44 =	vld [tilespmem:s26+$0xFFFFEB70]  }
0x89: {  	v48 =	vld [tilespmem:s26+$0xFFFFFF60]  }
0x8a: {  	v52 =	vmul.bf16 v56, v57;
	v53 =	vmul.bf16 v54, v55;
	v36 =	vadd.bf16 v51, v49;
	v49 =	vld [tilespmem:s26+$0xFFFFFF50]  }
0x8b: {  	v51 =	vld [tilespmem:s26+$0xFFFFEB50]  }
0x8c: {  	v54 =	vmul.bf16 v60, v61;
	v55 =	vmul.bf16 v58, v59;
	v38 =	vadd.bf16 v53, v52;
	v52 =	vld [tilespmem:s26+$0xFFFFFCE0]  }
0x8d: {  	v56 =	vperm.xlane v21, v63;
	v53 =	vld [tilespmem:s26+$0xFFFFE8E0]  }
0x8e: {  	v4 =	vadd.bf16 v5, v4;
	v60 =	vperm.xlane v23, v63;
	v5 =	vadd.bf16 v55, v54;
	v54 =	vld [tilespmem:s26+$0xFFFFFF00]  }
0x8f: {  	v15 =	vmul.bf16 v15, v19;
	v8 =	vmul.bf16 v13, v8;
	v21 =	vadd.f32 v56, v21;
	v55 =	vld [tilespmem:s26+$0xFFFFEB00]  }
0x90: {  	v9 =	vmul.bf16 v12, v9;
	v23 =	vadd.f32 v60, v23;
	v60 =	vld [tilespmem:$0x1FF60];
	v31 =	vadd.bf16 v31, v34  }
0x91: {  	v34 =	vld [tilespmem:s26+$0xFFFFFD50];
	v57 =	vunpack.i.u.bf16.f32 v25;
	v25 =	vunpack.i.l.bf16.f32 v25;
	v4 =	vadd.bf16 v5, v4  }
0x92: {  	v36 =	vadd.bf16 v36, v38;
	v38 =	vld [tilespmem:s26+$0xFFFFEB80];
	v5 =	vadd.f32 v25, v57;
	v58 =	vunpack.i.u.bf16.f32 v31  }
0x93: {  	[tilespmem:$0x1FF80] =	vst v0;
	v0 =	vld [tilespmem:s26+$0xFFFFFC70];
	v31 =	vunpack.i.l.bf16.f32 v31;
	v59 =	vunpack.i.u.bf16.f32 v4;
	v4 =	vunpack.i.l.bf16.f32 v4  }
0x94: {  	v14 =	vmul.bf16 v20, v14;
	v25 =	vadd.f32 v31, v58;
	v4 =	vadd.f32 v4, v59;
	v59 =	vld [tilespmem:$0x1FF50]  }
0x95: {  	v10 =	vmul.bf16 v10, v18;
	v21 =	vsel vm2, v21, v23;
	v57 =	vld [tilespmem:$0x1FFD0];
	v31 =	vunpack.i.u.bf16.f32 v36  }
0x96: {  	v23 =	vld [tilespmem:s26+$0xFFFFFCF0];
	v36 =	vunpack.i.l.bf16.f32 v36;
	v61 =	vperm.xlane v5, v63;
	v62 =	vperm.xlane v25, v63  }
0x97: {  	v58 =	vmul.bf16 v7, v6;
	v31 =	vadd.f32 v36, v31;
	v36 =	vld [tilespmem:s26+$0xFFFFEB60];
	v12 =	vmul.bf16 v60, v17  }
0x98: {  	v17 =	vmul.bf16 v27, v22;
	v5 =	vadd.f32 v61, v5;
	[tilespmem:$0x1FF90] =	vst v0;
	v0 =	vld [tilespmem:s26+$0xFFFFE870];
	v25 =	vadd.f32 v62, v25  }
0x99: {  	v27 =	vmul.bf16 v43, v45;
	v61 =	vld [tilespmem:$0x1FF70];
	v13 =	vmul.bf16 v59, v16  }
0x9a: {  	v15 =	vadd.bf16 v15, v58;
	v16 =	vld [tilespmem:$0x1FF80];
	v25 =	vsel vm2, v5, v25;
	v5 =	vperm.xlane v21, v57  }
0x9b: {  	v56 =	vperm.xlane v4, v63;
	v9 =	vadd.bf16 v12, v9;
	v62 =	vld [tilespmem:$0x1FF90];
	v8 =	vadd.bf16 v13, v8  }
0x9c: {  	v10 =	vadd.bf16 v10, v17;
	v6 =	vperm.xlane v25, v57;
	v5 =	vadd.f32 v5, v21;
	v21 =	vld [tilespmem:s26+$0xFFFFFDE0]  }
0x9d: {  	v17 =	vmul.bf16 v39, v41;
	[tilespmem:$0x1FFA0] =	vst v0;
	v15 =	vadd.bf16 v15, v8;
	v8 =	vmul.bf16 v24, v28;
	v24 =	vld [tilespmem:s26+$0xFFFFFDD0]  }
0x9e: {  	v0 =	vperm.xlane v31, v63;
	v6 =	vadd.f32 v6, v25;
	v25 =	vmul.bf16 v35, v37;
	v13 =	vld [tilespmem:$0x1FFA0]  }
0x9f: {  	v4 =	vadd.f32 v56, v4;
	v16 =	vmul.bf16 v61, v16;
	v11 =	vadd.bf16 v11, v8;
	v8 =	vld [tilespmem:s26+$0xFFFFFEE0]  }
0xa0: {  	v31 =	vadd.f32 v0, v31;
	v18 =	vunpack.i.u.bf16.f32 v15;
	v17 =	vadd.bf16 v25, v17;
	v25 =	vld [tilespmem:s26+$0xFFFFE9D0]  }
0xa1: {  	v15 =	vunpack.i.l.bf16.f32 v15;
	v12 =	vadd.bf16 v16, v14;
	v14 =	vmul.bf16 v1, v3;
	v1 =	vld [tilespmem:s26+$0xFFFFFEF0]  }
0xa2: {  	v28 =	vmul.bf16 v47, v44;
	v16 =	vmul.bf16 v26, v29;
	v15 =	vadd.f32 v15, v18;
	v18 =	vld [tilespmem:s26+$0xFFFFFDF0]  }
0xa3: {  	v29 =	vmul.bf16 v32, v38;
	v32 =	vld [tilespmem:s26+$0xFFFFFFD0];
	v4 =	vsel vm2, v31, v4;
	v13 =	vmul.bf16 v62, v13  }
0xa4: {  	v26 =	vmul.bf16 v34, v40;
	v34 =	vld [tilespmem:s26+$0xFFFFEBD0];
	v7 =	vperm.xlane v4, v57  }
0xa5: {  	v31 =	vld [tilespmem:s26+$0xFFFFE8F0];
	v12 =	vadd.bf16 v9, v12;
	v13 =	vadd.bf16 v14, v13;
	v14 =	vmul.bf16 v30, v33  }
0xa6: {  	v61 =	vmul.bf16 v42, v46;
	v9 =	vld [tilespmem:s26+$0xFFFFEAE0];
	v27 =	vadd.bf16 v27, v26;
	v28 =	vadd.bf16 v29, v28  }
0xa7: {  	v38 =	vmul.bf16 v54, v55;
	v26 =	vld [tilespmem:s26+$0x0];
	v7 =	vadd.f32 v7, v4;
	v16 =	vadd.bf16 v16, v14  }
0xa8: {  	v62 =	vmov s24;
	v4 =	vld [tilespmem:s26+$0xFFFFFCD0];
	v17 =	vadd.bf16 v17, v27;
	v19 =	vadd.bf16 v13, v11  }
0xa9: {  	v27 =	vld [tilespmem:s26+$0xFFFFEC00];
	v14 =	vunpack.i.u.bf16.f32 v12;
	v12 =	vunpack.i.l.bf16.f32 v12;
	v10 =	vadd.bf16 v10, v16  }
0xaa: {  	v30 =	vmul.bf16 v48, v36;
	v36 =	vmul.bf16 v52, v53;
	v11 =	vld [tilespmem:s26+$0xFFFFFED0];
	v12 =	vadd.f32 v12, v14  }
0xab: {  	v13 =	vld [tilespmem:s26+$0xFFFFEAD0];
	v20 =	vunpack.i.u.bf16.f32 v19;
	v22 =	vunpack.i.u.bf16.f32 v10;
	v10 =	vunpack.i.l.bf16.f32 v10  }
0xac: {  	v14 =	vld [tilespmem:s26+$0xFFFFFE00];
	v19 =	vunpack.i.l.bf16.f32 v19;
	v47 =	vadd.f32 v10, v22;
	v10 =	vmul.bf16 v49, v51  }
0xad: {  	v16 =	vld [tilespmem:s26+$0xFFFFEA00];
	v19 =	vadd.f32 v19, v20;
	v29 =	vperm.xlane v12, v63;
	v51 =	vperm.xlane v15, v63  }
0xae: {  	v37 =	vmul.bf16 v1, v2;
	v60 =	vmul.bf16 v23, v31;
	v20 =	vld [tilespmem:s26+$0xFFFFE9F0];
	v30 =	vadd.bf16 v30, v10  }
0xaf: {  	v22 =	vld [tilespmem:s26+$0xFFFFE9E0];
	v12 =	vadd.f32 v29, v12;
	v10 =	vadd.f32 v51, v15;
	v15 =	vperm.xlane v19, v63  }
0xb0: {  	v29 =	vunpack.i.u.bf16.f32 v17;
	v17 =	vunpack.i.l.bf16.f32 v17;
	v58 =	vadd.bf16 v28, v30;
	v28 =	vld [tilespmem:s26+$0xFFFFFFF0]  }
0xb1: {  	v59 =	vperm.xlane v47, v63;
	v15 =	vadd.f32 v15, v19;
	v19 =	vadd.f32 v17, v29;
	v29 =	vld [tilespmem:s26+$0xFFFFEBF0]  }
0xb2: {  	v33 =	vadd.bf16 v61, v60;
	v30 =	vld [tilespmem:s26+$0xFFFFFFE0];
	v23 =	vunpack.i.u.bf16.f32 v58;
	v31 =	vunpack.i.l.bf16.f32 v58  }
0xb3: {  	s28 =	simm.s32 $0x0;
	s29 =	simm.s32 $0x40;
	[tilespmem:$0x1FFB0] =	vst v62;
	v35 =	vmul.bf16 v4, v50;
	v17 =	vadd.f32 v59, v47;
	v23 =	vadd.f32 v31, v23;
	v31 =	vld [tilespmem:s26+$0xFFFFEBE0]  }
.LBB2_3:
0xb4: {  	_ = 	snop  }
0xb5: {  	v11 =	vmul.bf16 v11, v13;
	v8 =	vmul.bf16 v8, v9  }
0xb6: {  	v9 =	vadd.bf16 v38, v37;
	v13 =	vmul.bf16 v18, v20  }
0xb7: {  	v14 =	vmul.bf16 v14, v16;
	v16 =	vmul.bf16 v21, v22;
	v8 =	vadd.bf16 v8, v11  }
0xb8: {  	v35 =	vadd.bf16 v36, v35;
	v20 =	vmul.bf16 v28, v29;
	v21 =	vmul.bf16 v26, v27  }
0xb9: {  	v22 =	vmul.bf16 v30, v31;
	v8 =	vadd.bf16 v9, v8;
	v9 =	vmul.bf16 v32, v34  }
0xba: {  	v18 =	vadd.bf16 v33, v35;
	v11 =	vmul.bf16 v24, v25;
	v13 =	vadd.bf16 v14, v13  }
0xbb: {  	v14 =	vadd.bf16 v21, v20;
	v9 =	vadd.bf16 v22, v9  }
0xbc: {  	v10 =	vsel vm2, v10, v12;
	v11 =	vadd.bf16 v16, v11  }
0xbd: {  	v20 =	vunpack.i.u.bf16.f32 v18;
	v18 =	vunpack.i.l.bf16.f32 v18;
	v9 =	vadd.bf16 v14, v9  }
0xbe: {  	v16 =	vperm.xlane v19, v63;
	v11 =	vadd.bf16 v13, v11;
	v14 =	vadd.f32 v18, v20  }
0xbf: {  	v13 =	vunpack.i.u.bf16.f32 v8;
	v18 =	vunpack.i.u.bf16.f32 v9;
	v9 =	vunpack.i.l.bf16.f32 v9  }
0xc0: {  	v8 =	vunpack.i.l.bf16.f32 v8;
	v9 =	vadd.f32 v9, v18;
	v18 =	vperm.xlane v14, v63  }
0xc1: {  	v8 =	vadd.f32 v8, v13;
	v13 =	vunpack.i.u.bf16.f32 v11;
	v11 =	vunpack.i.l.bf16.f32 v11  }
0xc2: {  	v11 =	vadd.f32 v11, v13;
	v12 =	vadd.f32 v18, v14;
	v14 =	vsel vm2, v15, v17;
	v17 =	vld [tilespmem:$0x1FFD0]  }
0xc3: {  	v16 =	vadd.f32 v16, v19;
	v13 =	vperm.xlane v23, v63;
	v19 =	vperm.xlane v8, v63  }
0xc4: {  	v20 =	vperm.xlane v11, v63;
	v21 =	vperm.xlane v9, v63  }
0xc5: {  	v13 =	vadd.f32 v13, v23;
	v8 =	vadd.f32 v19, v8  }
0xc6: {  	v11 =	vadd.f32 v20, v11;
	v9 =	vadd.f32 v21, v9  }
0xc7: {  	v0 =	vld [tilespmem:$0x1FFE0];
	v13 =	vsel vm2, v16, v13;
	v8 =	vsel vm2, v12, v8;
	v15 =	vperm.xlane v10, v17  }
0xc8: {  	v9 =	vsel vm2, v11, v9;
	v16 =	vperm.xlane v14, v17;
	v11 =	vperm.xlane v13, v17  }
0xc9: {  	v12 =	vperm.xlane v8, v17;
	v10 =	vadd.f32 v15, v10;
	v15 =	vperm.xlane v9, v17  }
0xca: {  	v14 =	vadd.f32 v16, v14;
	v11 =	vadd.f32 v11, v13  }
0xcb: {  	v5 =	vsel vm0, v5, v6;
	v6 =	vadd.f32 v12, v8;
	v8 =	vadd.f32 v15, v9  }
0xcc: {  	v7 =	vsel vm0, v7, v10;
	v9 =	vperm.xlane v5, v0  }
0xcd: {  	v10 =	vsel vm0, v14, v11;
	v6 =	vsel vm0, v6, v8;
	v8 =	vperm.xlane v7, v0  }
0xce: {  	v60 =	vld [tilespmem:$0x1FFF0];
	v11 =	vperm.xlane v10, v0;
	v12 =	vperm.xlane v6, v0  }
0xcf: {  	v5 =	vadd.f32 v9, v5;
	v7 =	vadd.f32 v8, v7  }
0xd0: {  	v61 =	vld [tilespmem:$0x1FFB0];
	v8 =	vadd.f32 v11, v10;
	v6 =	vadd.f32 v12, v6;
	_ =	sdelay $0x1  }
0xd1: {  	v5 =	vsel vm1, v5, v7;
	v6 =	vsel vm1, v8, v6  }
0xd2: {  	v7 =	vperm.xlane v5, v60;
	v8 =	vperm.xlane v6, v60;
	_ =	sdelay $0x1  }
0xd3: {  	v5 =	vadd.f32 v7, v5;
	v6 =	vadd.f32 v8, v6;
	_ =	sdelay $0x1  }
0xd4: {  	s30 =	sshra.s32 s28, $0x2;
	v5 =	vsel vm3, v5, v6  }
0xd5: {  	s26 =	sadd.s32 $0x400, s26;
	[tilespmem:v61+s30+$0x0 ss:$0x1] =	vst.idx.msk $0xffff, v5  }
0xd6: {  	v24 =	vld [tilespmem:s26+$0xFFFFFC40]  }
0xd7: {  	v27 =	vld [tilespmem:s26+$0xFFFFE840]  }
0xd8: {  	v30 =	vld [tilespmem:s26+$0xFFFFFC30]  }
0xd9: {  	v33 =	vld [tilespmem:s26+$0xFFFFE830]  }
0xda: {  	v28 =	vld [tilespmem:s26+$0xFFFFFC20]  }
0xdb: {  	v31 =	vld [tilespmem:s26+$0xFFFFE820]  }
0xdc: {  	v35 =	vld [tilespmem:s26+$0xFFFFFC10]  }
0xdd: {  	v38 =	vld [tilespmem:s26+$0xFFFFE810]  }
0xde: {  	v34 =	vld [tilespmem:s26+$0xFFFFFE40]  }
0xdf: {  	v36 =	vld [tilespmem:s26+$0xFFFFEA40]  }
0xe0: {  	v57 =	vld [tilespmem:s26+$0xFFFFFE30]  }
0xe1: {  	v58 =	vld [tilespmem:s26+$0xFFFFEA30]  }
0xe2: {  	v59 =	vld [tilespmem:s26+$0xFFFFFE20]  }
0xe3: {  	v60 =	vld [tilespmem:s26+$0xFFFFEA20]  }
0xe4: {  	v61 =	vld [tilespmem:s26+$0xFFFFFE10]  }
0xe5: {  	v62 =	vld [tilespmem:s26+$0xFFFFEA10]  }
0xe6: {  	v29 =	vld [tilespmem:s26+$0xFFFFFD40]  }
0xe7: {  	v32 =	vld [tilespmem:s26+$0xFFFFE940]  }
0xe8: {  	v40 =	vld [tilespmem:s26+$0xFFFFFD30]  }
0xe9: {  	v41 =	vld [tilespmem:s26+$0xFFFFE930]  }
0xea: {  	v37 =	vld [tilespmem:s26+$0xFFFFFD20]  }
0xeb: {  	v39 =	vld [tilespmem:s26+$0xFFFFE920]  }
0xec: {  	v43 =	vld [tilespmem:s26+$0xFFFFFD10]  }
0xed: {  	v46 =	vld [tilespmem:s26+$0xFFFFE910]  }
0xee: {  	v42 =	vld [tilespmem:s26+$0xFFFFFF40]  }
0xef: {  	v44 =	vld [tilespmem:s26+$0xFFFFEB40]  }
0xf0: {  	v48 =	vld [tilespmem:s26+$0xFFFFFF30]  }
0xf1: {  	v50 =	vld [tilespmem:s26+$0xFFFFEB30]  }
0xf2: {  	v45 =	vld [tilespmem:s26+$0xFFFFFF20]  }
0xf3: {  	v47 =	vld [tilespmem:s26+$0xFFFFEB20]  }
0xf4: {  	v51 =	vld [tilespmem:s26+$0xFFFFFF10]  }
0xf5: {  	v54 =	vld [tilespmem:s26+$0xFFFFEB10]  }
0xf6: {  	v49 =	vld [tilespmem:s26+$0xFFFFFCC0]  }
0xf7: {  	v52 =	vld [tilespmem:s26+$0xFFFFE8C0]  }
0xf8: {  	v56 =	vld [tilespmem:s26+$0xFFFFFCB0]  }
0xf9: {  	v63 =	vld [tilespmem:s26+$0xFFFFE8B0]  }
0xfa: {  	v53 =	vld [tilespmem:s26+$0xFFFFFCA0]  }
0xfb: {  	v55 =	vld [tilespmem:s26+$0xFFFFE8A0]  }
0xfc: {  	v8 =	vld [tilespmem:s26+$0xFFFFFC90]  }
0xfd: {  	v5 =	vld [tilespmem:s26+$0xFFFFE890]  }
0xfe: {  	v9 =	vld [tilespmem:s26+$0xFFFFFEC0]  }
0xff: {  	v7 =	vld [tilespmem:s26+$0xFFFFEAC0]  }
0x100: {  	v3 =	vld [tilespmem:s26+$0xFFFFFEB0]  }
0x101: {  	v2 =	vld [tilespmem:s26+$0xFFFFEAB0]  }
0x102: {  	v6 =	vld [tilespmem:s26+$0xFFFFFEA0]  }
0x103: {  	v4 =	vld [tilespmem:s26+$0xFFFFEAA0]  }
0x104: {  	v1 =	vld [tilespmem:s26+$0xFFFFFE90]  }
0x105: {  	v0 =	vld [tilespmem:s26+$0xFFFFEA90]  }
0x106: {  	v10 =	vld [tilespmem:s26+$0xFFFFFDC0]  }
0x107: {  	v11 =	vld [tilespmem:s26+$0xFFFFE9B0]  }
0x108: {  	v13 =	vld [tilespmem:s26+$0xFFFFFD90]  }
0x109: {  	v12 =	vld [tilespmem:s26+$0xFFFFFFC0]  }
0x10a: {  	v15 =	vld [tilespmem:s26+$0xFFFFEBC0]  }
0x10b: {  	v20 =	vld [tilespmem:s26+$0xFFFFFFB0]  }
0x10c: {  	v23 =	vld [tilespmem:s26+$0xFFFFEBB0]  }
0x10d: {  	v14 =	vld [tilespmem:s26+$0xFFFFFFA0]  }
0x10e: {  	v18 =	vld [tilespmem:s26+$0xFFFFEBA0]  }
0x10f: {  	v22 =	vld [tilespmem:s26+$0xFFFFFF90]  }
0x110: {  	v26 =	vld [tilespmem:s26+$0xFFFFEB90]  }
0x111: {  	v16 =	vld [tilespmem:s26+$0xFFFFE880]  }
0x112: {  	v21 =	vld [tilespmem:s26+$0xFFFFFC70]  }
0x113: {  	v25 =	vld [tilespmem:s26+$0xFFFFE870]  }
0x114: {  	v19 =	vld [tilespmem:s26+$0xFFFFFC60]  }
0x115: {  	[tilespmem:$0x1FF00] =	vst v10;
	v10 =	vld [tilespmem:s26+$0xFFFFE9C0]  }
0x116: {  	[tilespmem:$0x1FF40] =	vst v12;
	v12 =	vld [tilespmem:s26+$0xFFFFFC80]  }
0x117: {  	v30 =	vmul.bf16 v30, v33;
	v33 =	vmul.bf16 v24, v27;
	v24 =	vld [tilespmem:s26+$0xFFFFE860]  }
0x118: {  	v35 =	vmul.bf16 v35, v38;
	v38 =	vmul.bf16 v28, v31;
	v28 =	vld [tilespmem:s26+$0xFFFFFC50]  }
0x119: {  	v31 =	vld [tilespmem:s26+$0xFFFFE850]  }
0x11a: {  	v27 =	vld [tilespmem:s26+$0xFFFFFE80]  }
0x11b: {  	v40 =	vmul.bf16 v40, v41;
	v32 =	vmul.bf16 v29, v32;
	v41 =	vld [tilespmem:s26+$0xFFFFEA50]  }
0x11c: {  	v29 =	vld [tilespmem:s26+$0xFFFFFD80];
	v48 =	vmul.bf16 v48, v50;
	v50 =	vmul.bf16 v42, v44  }
0x11d: {  	v44 =	vmul.bf16 v45, v47;
	v47 =	vmul.bf16 v56, v63;
	v63 =	vld [tilespmem:$0x1FFC0]  }
0x11e: {  	v37 =	vmul.bf16 v37, v39;
	v39 =	vld [tilespmem:s26+$0xFFFFFD60]  }
0x11f: {  	v57 =	vmul.bf16 v57, v58;
	v45 =	vld [tilespmem:s26+$0xFFFFFF80]  }
0x120: {  	v34 =	vmul.bf16 v34, v36;
	v0 =	vmul.bf16 v1, v0;
	v1 =	vld [tilespmem:s26+$0xFFFFFF70]  }
0x121: {  	v5 =	vmul.bf16 v8, v5;
	v8 =	vmul.bf16 v53, v55;
	v53 =	vld [tilespmem:s26+$0xFFFFFF50]  }
0x122: {  	v62 =	vmul.bf16 v61, v62;
	v61 =	vmul.bf16 v59, v60;
	v55 =	vld [tilespmem:s26+$0xFFFFE8F0]  }
0x123: {  	v33 =	vadd.bf16 v33, v30;
	v30 =	vld [tilespmem:s26+$0xFFFFEA80]  }
0x124: {  	v43 =	vmul.bf16 v43, v46;
	v36 =	vadd.bf16 v61, v62;
	v62 =	vadd.bf16 v34, v57;
	v34 =	vld [tilespmem:s26+$0xFFFFFE70]  }
0x125: {  	v35 =	vadd.bf16 v38, v35;
	v38 =	vld [tilespmem:s26+$0xFFFFFE50]  }
0x126: {  	v46 =	vadd.bf16 v32, v40;
	v32 =	vld [tilespmem:s26+$0xFFFFE980];
	v42 =	vadd.bf16 v37, v43;
	v43 =	vmul.bf16 v51, v54  }
0x127: {  	v37 =	vld [tilespmem:s26+$0xFFFFFD70]  }
0x128: {  	v2 =	vmul.bf16 v3, v2;
	v59 =	vadd.bf16 v50, v48;
	v40 =	vld [tilespmem:s26+$0xFFFFE970];
	v43 =	vadd.bf16 v44, v43  }
0x129: {  	v3 =	vmul.bf16 v9, v7;
	v54 =	vmul.bf16 v49, v52;
	v48 =	vld [tilespmem:s26+$0xFFFFEB80];
	v60 =	vadd.bf16 v33, v35  }
0x12a: {  	v50 =	vld [tilespmem:s26+$0xFFFFEB70];
	v56 =	vadd.bf16 v46, v42;
	v7 =	vadd.bf16 v59, v43;
	v59 =	vmul.bf16 v6, v4  }
0x12b: {  	v51 =	vld [tilespmem:s26+$0xFFFFFF60];
	v61 =	vunpack.i.u.bf16.f32 v60;
	v4 =	vadd.bf16 v8, v5;
	v5 =	vadd.bf16 v54, v47  }
0x12c: {  	[tilespmem:$0x1FF10] =	vst v10;
	v10 =	vld [tilespmem:s26+$0xFFFFFDB0];
	v57 =	vunpack.i.l.bf16.f32 v60;
	v60 =	vadd.bf16 v3, v2;
	v0 =	vadd.bf16 v59, v0  }
0x12d: {  	v52 =	vld [tilespmem:s26+$0xFFFFEB60];
	v3 =	vunpack.i.u.bf16.f32 v56;
	v6 =	vunpack.i.l.bf16.f32 v56;
	v4 =	vadd.bf16 v5, v4  }
0x12e: {  	v49 =	vld [tilespmem:s26+$0xFFFFFCF0];
	v5 =	vunpack.i.u.bf16.f32 v7;
	v7 =	vunpack.i.l.bf16.f32 v7;
	v0 =	vadd.bf16 v60, v0  }
0x12f: {  	v35 =	vld [tilespmem:s26+$0xFFFFEA70];
	v3 =	vadd.f32 v6, v3;
	v5 =	vadd.f32 v7, v5  }
0x130: {  	v33 =	vld [tilespmem:s26+$0xFFFFFE60];
	v7 =	vunpack.i.u.bf16.f32 v0;
	v0 =	vunpack.i.l.bf16.f32 v0  }
0x131: {  	[tilespmem:$0x1FEF0] =	vst v10;
	v10 =	vld [tilespmem:s26+$0xFFFFFDA0];
	v8 =	vperm.xlane v5, v63;
	v0 =	vadd.f32 v0, v7;
	v7 =	vperm.xlane v3, v63  }
0x132: {  	v58 =	vadd.bf16 v62, v36;
	v36 =	vld [tilespmem:s26+$0xFFFFEA60]  }
0x133: {  	v42 =	vld [tilespmem:s26+$0xFFFFE960];
	v5 =	vadd.f32 v8, v5;
	v3 =	vadd.f32 v7, v3  }
0x134: {  	v46 =	vld [tilespmem:s26+$0xFFFFE950];
	v62 =	vunpack.i.u.bf16.f32 v58;
	v6 =	vunpack.i.u.bf16.f32 v4;
	v4 =	vunpack.i.l.bf16.f32 v4  }
0x135: {  	v58 =	vunpack.i.l.bf16.f32 v58;
	v4 =	vadd.f32 v4, v6;
	v3 =	vsel vm2, v3, v5;
	v5 =	vld [tilespmem:$0x1FEF0]  }
0x136: {  	v57 =	vadd.f32 v57, v61;
	v58 =	vadd.f32 v58, v62;
	[tilespmem:$0x1FF20] =	vst v10;
	v10 =	vld [tilespmem:s26+$0xFFFFE9A0]  }
0x137: {  	v44 =	vld [tilespmem:s26+$0xFFFFFD00];
	v9 =	vperm.xlane v4, v63  }
0x138: {  	v43 =	vld [tilespmem:s26+$0xFFFFFD50];
	v61 =	vperm.xlane v57, v63;
	v6 =	vperm.xlane v58, v63  }
0x139: {  	v62 =	vperm.xlane v0, v63;
	v4 =	vadd.f32 v9, v4;
	v9 =	vld [tilespmem:$0x1FF10]  }
0x13a: {  	v2 =	vadd.f32 v61, v57;
	v6 =	vadd.f32 v6, v58;
	v8 =	vmul.bf16 v5, v11;
	v5 =	vld [tilespmem:$0x1FF00]  }
0x13b: {  	v0 =	vadd.f32 v62, v0;
	[tilespmem:$0x1FF30] =	vst v10;
	v10 =	vld [tilespmem:s26+$0xFFFFE990]  }
0x13c: {  	v54 =	vld [tilespmem:s26+$0xFFFFEB50];
	v2 =	vsel vm2, v2, v6  }
0x13d: {  	v47 =	vld [tilespmem:s26+$0xFFFFE900];
	v0 =	vsel vm2, v4, v0;
	v4 =	vperm.xlane v2, v17  }
0x13e: {  	v56 =	vld [tilespmem:s26+$0xFFFFFCE0]  }
0x13f: {  	v9 =	vmul.bf16 v5, v9;
	v5 =	vadd.f32 v4, v2;
	v4 =	vld [tilespmem:$0x1FF20]  }
0x140: {  	v2 =	vmul.bf16 v13, v10;
	v10 =	vld [tilespmem:$0x1FF30]  }
0x141: {  	v57 =	vld [tilespmem:s26+$0xFFFFE8E0]  }
0x142: {  	v59 =	vld [tilespmem:s26+$0xFFFFE8D0];
	v6 =	vperm.xlane v3, v17  }
0x143: {  	v1 =	vmul.bf16 v1, v50;
	v55 =	vmul.bf16 v49, v55;
	v60 =	vld [tilespmem:s26+$0xFFFFFF00]  }
0x144: {  	v61 =	vld [tilespmem:s26+$0xFFFFFEF0];
	v7 =	vperm.xlane v0, v17;
	v6 =	vadd.f32 v6, v3;
	v3 =	vmul.bf16 v20, v23  }
0x145: {  	v17 =	vmul.bf16 v33, v36;
	v4 =	vmul.bf16 v4, v10;
	v10 =	vld [tilespmem:$0x1FF40]  }
0x146: {  	v58 =	vld [tilespmem:s26+$0xFFFFFCD0];
	v23 =	vmul.bf16 v39, v42;
	v36 =	vmul.bf16 v56, v57;
	v7 =	vadd.f32 v7, v0  }
0x147: {  	v62 =	vld [tilespmem:s26+$0xFFFFEAF0];
	v11 =	vmul.bf16 v19, v24;
	v19 =	vmul.bf16 v43, v46;
	v0 =	vadd.bf16 v9, v8  }
0x148: {  	v20 =	vld [tilespmem:s26+$0xFFFFE9F0];
	v8 =	vmul.bf16 v22, v26;
	v9 =	vmul.bf16 v14, v18;
	v2 =	vadd.bf16 v4, v2  }
0x149: {  	v24 =	vld [tilespmem:s26+$0xFFFFFDD0];
	v19 =	vadd.bf16 v23, v19;
	v14 =	vmul.bf16 v27, v30;
	v26 =	vmul.bf16 v45, v48  }
0x14a: {  	v13 =	vld [tilespmem:s26+$0xFFFFEAD0];
	v0 =	vadd.bf16 v0, v2;
	v2 =	vmul.bf16 v28, v31;
	v10 =	vmul.bf16 v10, v15  }
0x14b: {  	v22 =	vld [tilespmem:s26+$0xFFFFE9E0];
	v8 =	vadd.bf16 v9, v8;
	v9 =	vmul.bf16 v21, v25;
	v1 =	vadd.bf16 v26, v1  }
0x14c: {  	v4 =	vld [tilespmem:s26+$0xFFFFEB00];
	v2 =	vadd.bf16 v11, v2;
	v3 =	vadd.bf16 v10, v3;
	v10 =	vmul.bf16 v12, v16  }
0x14d: {  	v30 =	vld [tilespmem:s26+$0xFFFFFFE0];
	v15 =	vunpack.i.u.bf16.f32 v0;
	v0 =	vunpack.i.l.bf16.f32 v0;
	v12 =	vmul.bf16 v34, v35  }
0x14e: {  	v21 =	vld [tilespmem:s26+$0xFFFFFDE0];
	v16 =	vmul.bf16 v38, v41;
	v0 =	vadd.f32 v0, v15;
	v10 =	vadd.bf16 v10, v9  }
0x14f: {  	v27 =	vmul.bf16 v51, v52;
	v25 =	vld [tilespmem:s26+$0xFFFFE9D0];
	v3 =	vadd.bf16 v3, v8;
	v12 =	vadd.bf16 v14, v12  }
0x150: {  	v26 =	vld [tilespmem:s26+$0x0];
	v35 =	vmul.bf16 v58, v59;
	v2 =	vadd.bf16 v10, v2;
	v10 =	vadd.bf16 v17, v16  }
0x151: {  	v28 =	vld [tilespmem:s26+$0xFFFFFFF0];
	v38 =	vmul.bf16 v60, v4;
	v18 =	vunpack.i.u.bf16.f32 v3;
	v3 =	vunpack.i.l.bf16.f32 v3  }
0x152: {  	v31 =	vld [tilespmem:s26+$0xFFFFEBE0];
	v15 =	vunpack.i.u.bf16.f32 v2;
	v2 =	vunpack.i.l.bf16.f32 v2;
	v10 =	vadd.bf16 v12, v10  }
0x153: {  	v11 =	vld [tilespmem:s26+$0xFFFFFED0];
	v12 =	vmul.bf16 v37, v40;
	v2 =	vadd.f32 v2, v15;
	v15 =	vmul.bf16 v29, v32  }
0x154: {  	v34 =	vld [tilespmem:s26+$0xFFFFEBD0];
	v3 =	vadd.f32 v3, v18;
	v17 =	vunpack.i.u.bf16.f32 v10;
	v10 =	vunpack.i.l.bf16.f32 v10  }
0x155: {  	v8 =	vld [tilespmem:s26+$0xFFFFFEE0];
	v17 =	vadd.f32 v10, v17;
	v10 =	vmul.bf16 v53, v54;
	v12 =	vadd.bf16 v15, v12  }
0x156: {  	v9 =	vld [tilespmem:s26+$0xFFFFEAE0];
	v29 =	vperm.xlane v3, v63;
	v15 =	vperm.xlane v0, v63  }
0x157: {  	p0 =	sne.s32 s29, $0x100;
	v14 =	vld [tilespmem:s26+$0xFFFFFE00];
	v53 =	vperm.xlane v2, v63;
	v23 =	vadd.bf16 v27, v10;
	v19 =	vadd.bf16 v12, v19  }
.Ltmp0:
0x158: {  	v16 =	vld [tilespmem:s26+$0xFFFFEA00];
	v10 =	vadd.f32 v15, v0;
	v12 =	vadd.f32 v29, v3;
	v3 =	vperm.xlane v17, v63;
	(pc) =	sbr.rel @p0 .LBB2_3-.Ltmp0, $4  }
0x159: {  	v18 =	vld [tilespmem:s26+$0xFFFFFDF0];
	v15 =	vadd.f32 v53, v2;
	v1 =	vadd.bf16 v1, v23;
	v23 =	vunpack.i.u.bf16.f32 v19  }
0x15a: {  	v32 =	vld [tilespmem:s26+$0xFFFFFFD0];
	v19 =	vunpack.i.l.bf16.f32 v19;
	v17 =	vadd.f32 v3, v17;
	v3 =	vmul.bf16 v44, v47  }
0x15b: {  	v27 =	vld [tilespmem:s26+$0xFFFFEC00];
	v19 =	vadd.f32 v19, v23;
	v54 =	vunpack.i.u.bf16.f32 v1;
	v1 =	vunpack.i.l.bf16.f32 v1  }
0x15c: {  	s28 =	smov.u32 s29;
	s29 =	sadd.s32 $0x40, s29;
	v37 =	vmul.bf16 v61, v62;
	v29 =	vld [tilespmem:s26+$0xFFFFEBF0];
	v33 =	vadd.bf16 v3, v55;
	v23 =	vadd.f32 v1, v54  }
0x15d: {  	v1 =	vmul.bf16 v11, v13  }
0x15e: {  	v2 =	vmul.bf16 v8, v9;
	v8 =	vmul.bf16 v14, v16  }
0x15f: {  	v0 =	vadd.bf16 v36, v35;
	v36 =	vmul.bf16 v24, v25;
	v9 =	vmul.bf16 v21, v22  }
0x160: {  	v14 =	vmul.bf16 v30, v31;
	v3 =	vadd.bf16 v38, v37;
	v1 =	vadd.bf16 v2, v1  }
0x161: {  	v4 =	vmul.bf16 v18, v20;
	v13 =	vmul.bf16 v26, v27  }
0x162: {  	v11 =	vmul.bf16 v28, v29;
	v1 =	vadd.bf16 v3, v1;
	v3 =	vmul.bf16 v32, v34  }
0x163: {  	v2 =	vadd.bf16 v9, v36;
	v4 =	vadd.bf16 v8, v4  }
0x164: {  	v3 =	vadd.bf16 v14, v3;
	v8 =	vadd.bf16 v13, v11  }
0x165: {  	v10 =	vsel vm2, v10, v12;
	v0 =	vadd.bf16 v33, v0;
	v2 =	vadd.bf16 v4, v2  }
0x166: {  	v4 =	vunpack.i.u.bf16.f32 v1;
	v1 =	vunpack.i.l.bf16.f32 v1;
	v3 =	vadd.bf16 v8, v3  }
0x167: {  	v1 =	vadd.f32 v1, v4;
	v4 =	vunpack.i.u.bf16.f32 v2;
	v2 =	vunpack.i.l.bf16.f32 v2  }
0x168: {  	v12 =	vld [tilespmem:$0x1FFD0];
	v2 =	vadd.f32 v2, v4;
	v8 =	vunpack.i.u.bf16.f32 v3;
	v3 =	vunpack.i.l.bf16.f32 v3  }
0x169: {  	v9 =	vperm.xlane v19, v63;
	v4 =	vperm.xlane v23, v63;
	v3 =	vadd.f32 v3, v8  }
0x16a: {  	v11 =	vunpack.i.u.bf16.f32 v0;
	v0 =	vunpack.i.l.bf16.f32 v0;
	v13 =	vperm.xlane v2, v63  }
0x16b: {  	v4 =	vadd.f32 v4, v23;
	v8 =	vadd.f32 v9, v19;
	v14 =	vperm.xlane v3, v63  }
0x16c: {  	v0 =	vadd.f32 v0, v11;
	v2 =	vadd.f32 v13, v2  }
0x16d: {  	v4 =	vsel vm2, v8, v4;
	v8 =	vperm.xlane v10, v12;
	v3 =	vadd.f32 v14, v3  }
0x16e: {  	v11 =	vperm.xlane v1, v63;
	v9 =	vperm.xlane v0, v63  }
0x16f: {  	v37 =	vsel vm2, v2, v3;
	v3 =	vadd.f32 v8, v10  }
0x170: {  	v1 =	vadd.f32 v11, v1;
	v0 =	vadd.f32 v9, v0  }
0x171: {  	v9 =	vsel vm2, v15, v17;
	v3 =	vsel vm0, v7, v3;
	v7 =	vld [tilespmem:$0x1FFE0]  }
0x172: {  	v11 =	vperm.xlane v9, v12;
	v38 =	vperm.xlane v4, v12;
	v0 =	vsel vm2, v0, v1  }
0x173: {  	v8 =	vperm.xlane v0, v12;
	v10 =	vperm.xlane v37, v12  }
0x174: {  	v9 =	vadd.f32 v11, v9;
	v2 =	vadd.f32 v38, v4  }
0x175: {  	v0 =	vadd.f32 v8, v0;
	v1 =	vadd.f32 v10, v37  }
0x176: {  	v4 =	vsel vm0, v5, v6;
	v39 =	vperm.xlane v3, v7  }
0x177: {  	v2 =	vsel vm0, v9, v2;
	v0 =	vsel vm0, v0, v1;
	v5 =	vperm.xlane v4, v7  }
0x178: {  	v6 =	vperm.xlane v2, v7;
	v7 =	vperm.xlane v0, v7;
	v1 =	vadd.f32 v39, v3;
	v3 =	vld [tilespmem:$0x1FFF0]  }
0x179: {  	v4 =	vadd.f32 v5, v4  }
0x17a: {  	v41 =	vld [tilespmem:$0x1FFB0];
	v2 =	vadd.f32 v6, v2;
	v0 =	vadd.f32 v7, v0;
	_ =	sdelay $0x1  }
0x17b: {  	v1 =	vsel vm1, v4, v1;
	v0 =	vsel vm1, v2, v0  }
0x17c: {  	v40 =	vperm.xlane v1, v3;
	v3 =	vperm.xlane v0, v3;
	_ =	sdelay $0x1  }
0x17d: {  	v1 =	vadd.f32 v40, v1;
	v0 =	vadd.f32 v3, v0  }
0x17e: {  	s26 =	smul.u32 $0xA0, s25  }
0x17f: {  	s28 =	sshra.s32 s28, $0x2;
	v0 =	vsel vm3, v1, v0  }
0x180: {  	[tilespmem:v41+s28+$0x0 ss:$0x1] =	vst.idx.msk $0xffff, v0;
	s28 =	sadd.s32 $0xA0, s26  }
0x181: {  	[tilespmem:s14], [sflag:$0x1] =	stream.indirect.gather [spmem:s1], $0x40, s28, s13, $0xb8;
	[tilespmem:$0x16170] =	vst v63  }
0x182: {  	s28 =	sadd.s32 $0x27B0, s26  }
0x183: {  	[tilespmem:s15], [sflag:$0x1] =	stream.indirect.gather [spmem:s1], $0x40, s28, s13, $0xb8;
	[tilespmem:$0x16170] =	vst v63  }
0x184: {  	_ =	swait.ge [sflag:s20], $0x2800  }
0x185: {  	[sflag:s20] =	ssyncset.done $0x0  }
0x186: {  	s28 =	simm.s32 $0x8E10;
	[sflag:s20] =	ssyncadd.s32 $0xFFFFD800  }
0x187: {  	v0 =	vld [tilespmem:s28+$0xFFFFFC40]  }
0x188: {  	v1 =	vld [tilespmem:s28+$0xFFFFE840]  }
0x189: {  	v2 =	vld [tilespmem:s28+$0xFFFFFC30]  }
0x18a: {  	v3 =	vld [tilespmem:s28+$0xFFFFE830]  }
0x18b: {  	v10 =	vld [tilespmem:s28+$0xFFFFFC20]  }
0x18c: {  	v18 =	vld [tilespmem:s28+$0xFFFFE820]  }
0x18d: {  	v21 =	vld [tilespmem:s28+$0xFFFFFC10]  }
0x18e: {  	v22 =	vld [tilespmem:s28+$0xFFFFE810]  }
0x18f: {  	v23 =	vld [tilespmem:s28+$0xFFFFFE40]  }
0x190: {  	v24 =	vld [tilespmem:s28+$0xFFFFEA40]  }
0x191: {  	v25 =	vld [tilespmem:s28+$0xFFFFFE30]  }
0x192: {  	v26 =	vld [tilespmem:s28+$0xFFFFEA30]  }
0x193: {  	v27 =	vld [tilespmem:s28+$0xFFFFFE20]  }
0x194: {  	v28 =	vld [tilespmem:s28+$0xFFFFEA20]  }
0x195: {  	v29 =	vld [tilespmem:s28+$0xFFFFFE10]  }
0x196: {  	v30 =	vld [tilespmem:s28+$0xFFFFEA10]  }
0x197: {  	v31 =	vld [tilespmem:s28+$0xFFFFFD40]  }
0x198: {  	v32 =	vld [tilespmem:s28+$0xFFFFE940]  }
0x199: {  	v33 =	vld [tilespmem:s28+$0xFFFFFD30]  }
0x19a: {  	v34 =	vld [tilespmem:s28+$0xFFFFE930]  }
0x19b: {  	v35 =	vld [tilespmem:s28+$0xFFFFFD20]  }
0x19c: {  	v36 =	vld [tilespmem:s28+$0xFFFFE920]  }
0x19d: {  	v37 =	vld [tilespmem:s28+$0xFFFFFD10]  }
0x19e: {  	v38 =	vld [tilespmem:s28+$0xFFFFE910]  }
0x19f: {  	v39 =	vld [tilespmem:s28+$0xFFFFFF40]  }
0x1a0: {  	v40 =	vld [tilespmem:s28+$0xFFFFEB40]  }
0x1a1: {  	v41 =	vld [tilespmem:s28+$0xFFFFFF30]  }
0x1a2: {  	v42 =	vld [tilespmem:s28+$0xFFFFEB30]  }
0x1a3: {  	v43 =	vld [tilespmem:s28+$0xFFFFFF20]  }
0x1a4: {  	v44 =	vld [tilespmem:s28+$0xFFFFEB20]  }
0x1a5: {  	v45 =	vld [tilespmem:s28+$0xFFFFFF10]  }
0x1a6: {  	v46 =	vld [tilespmem:s28+$0xFFFFEB10]  }
0x1a7: {  	v47 =	vld [tilespmem:s28+$0xFFFFFCC0]  }
0x1a8: {  	v48 =	vld [tilespmem:s28+$0xFFFFE8C0]  }
0x1a9: {  	v49 =	vld [tilespmem:s28+$0xFFFFFCB0]  }
0x1aa: {  	v50 =	vld [tilespmem:s28+$0xFFFFE8B0]  }
0x1ab: {  	v51 =	vld [tilespmem:s28+$0xFFFFFCA0]  }
0x1ac: {  	v52 =	vld [tilespmem:s28+$0xFFFFE8A0]  }
0x1ad: {  	v53 =	vld [tilespmem:s28+$0xFFFFFC90]  }
0x1ae: {  	v54 =	vld [tilespmem:s28+$0xFFFFE890]  }
0x1af: {  	v55 =	vld [tilespmem:s28+$0xFFFFFEC0]  }
0x1b0: {  	v56 =	vld [tilespmem:s28+$0xFFFFEAC0]  }
0x1b1: {  	v57 =	vld [tilespmem:s28+$0xFFFFFEB0]  }
0x1b2: {  	v58 =	vld [tilespmem:s28+$0xFFFFEAB0]  }
0x1b3: {  	v59 =	vld [tilespmem:s28+$0xFFFFFEA0]  }
0x1b4: {  	v60 =	vld [tilespmem:s28+$0xFFFFEAA0]  }
0x1b5: {  	v61 =	vld [tilespmem:s28+$0xFFFFFE90]  }
0x1b6: {  	v62 =	vld [tilespmem:s28+$0xFFFFEA90]  }
0x1b7: {  	v5 =	vld [tilespmem:s28+$0xFFFFFDC0]  }
0x1b8: {  	v19 =	vld [tilespmem:s28+$0xFFFFE9C0]  }
0x1b9: {  	v63 =	vld [tilespmem:s28+$0xFFFFFDB0]  }
0x1ba: {  	v4 =	vld [tilespmem:s28+$0xFFFFE9B0]  }
0x1bb: {  	v6 =	vld [tilespmem:s28+$0xFFFFFDA0]  }
0x1bc: {  	v16 =	vld [tilespmem:s28+$0xFFFFE9A0]  }
0x1bd: {  	v11 =	vld [tilespmem:s28+$0xFFFFFD90]  }
0x1be: {  	v7 =	vld [tilespmem:s28+$0xFFFFFFC0]  }
0x1bf: {  	v17 =	vld [tilespmem:s28+$0xFFFFEBC0]  }
0x1c0: {  	v8 =	vld [tilespmem:s28+$0xFFFFFFB0]  }
0x1c1: {  	v9 =	vld [tilespmem:s28+$0xFFFFFFA0]  }
0x1c2: {  	v14 =	vld [tilespmem:s28+$0xFFFFEBA0]  }
0x1c3: {  	v20 =	vld [tilespmem:s28+$0xFFFFFF90]  }
0x1c4: {  	v13 =	vld [tilespmem:s28+$0xFFFFE880]  }
0x1c5: {  	v15 =	vld [tilespmem:s28+$0xFFFFFC80]  }
0x1c6: {  	[tilespmem:$0x1FE70] =	vst v6;
	v6 =	vld [tilespmem:s28+$0xFFFFE990]  }
0x1c7: {  	[tilespmem:$0x1FE80] =	vst v7;
	v7 =	vld [tilespmem:s28+$0xFFFFEBB0]  }
0x1c8: {  	[tilespmem:$0x1FE90] =	vst v9;
	v9 =	vld [tilespmem:s28+$0xFFFFEB90]  }
0x1c9: {  	[tilespmem:$0x1FEC0] =	vst v13;
	v13 =	vld [tilespmem:s28+$0xFFFFFC70]  }
0x1ca: {  	[tilespmem:$0x1FEB0] =	vst v15;
	v15 =	vld [tilespmem:s28+$0xFFFFE870]  }
0x1cb: {  	v3 =	vmul.bf16 v2, v3;
	v2 =	vld [tilespmem:s28+$0xFFFFE860]  }
0x1cc: {  	v0 =	vmul.bf16 v0, v1;
	v1 =	vmul.bf16 v21, v22;
	v21 =	vld [tilespmem:s28+$0xFFFFFC50]  }
0x1cd: {  	v22 =	vmul.bf16 v25, v26;
	v25 =	vld [tilespmem:s28+$0xFFFFE850]  }
0x1ce: {  	v18 =	vmul.bf16 v10, v18;
	v10 =	vld [tilespmem:s28+$0xFFFFFE80]  }
0x1cf: {  	v23 =	vmul.bf16 v23, v24;
	v24 =	vld [tilespmem:s28+$0xFFFFFE70]  }
0x1d0: {  	v26 =	vmul.bf16 v29, v30;
	v30 =	vld [tilespmem:s28+$0xFFFFEA50]  }
0x1d1: {  	v27 =	vmul.bf16 v27, v28;
	v28 =	vmul.bf16 v31, v32;
	v32 =	vld [tilespmem:s28+$0xFFFFFD80]  }
0x1d2: {  	v31 =	vmul.bf16 v35, v36;
	v36 =	vld [tilespmem:s28+$0xFFFFFD70]  }
0x1d3: {  	v4 =	vmul.bf16 v63, v4;
	v63 =	vld [tilespmem:$0x1FFC0]  }
0x1d4: {  	v1 =	vadd.bf16 v18, v1;
	v18 =	vld [tilespmem:s28+$0xFFFFEA80]  }
0x1d5: {  	v22 =	vadd.bf16 v23, v22;
	v23 =	vld [tilespmem:s28+$0xFFFFFE60]  }
0x1d6: {  	v0 =	vadd.bf16 v0, v3;
	v3 =	vadd.bf16 v27, v26;
	v26 =	vld [tilespmem:s28+$0xFFFFEA60]  }
0x1d7: {  	v27 =	vld [tilespmem:s28+$0xFFFFFE50]  }
0x1d8: {  	v0 =	vadd.bf16 v0, v1;
	v1 =	vld [tilespmem:s28+$0xFFFFEA70]  }
0x1d9: {  	[tilespmem:$0x1FEA0] =	vst v13;
	v13 =	vld [tilespmem:s28+$0xFFFFFC60]  }
0x1da: {  	v3 =	vadd.bf16 v22, v3;
	v11 =	vmul.bf16 v11, v6;
	v6 =	vld [tilespmem:$0x1FE70]  }
0x1db: {  	v8 =	vmul.bf16 v8, v7;
	v7 =	vld [tilespmem:$0x1FE80];
	v9 =	vmul.bf16 v20, v9  }
0x1dc: {  	v20 =	vld [tilespmem:s28+$0xFFFFE9F0];
	v22 =	vunpack.i.u.bf16.f32 v0;
	v0 =	vunpack.i.l.bf16.f32 v0;
	v29 =	vunpack.i.u.bf16.f32 v3  }
0x1dd: {  	v3 =	vunpack.i.l.bf16.f32 v3;
	v0 =	vadd.f32 v0, v22;
	v22 =	vmul.bf16 v33, v34;
	v34 =	vld [tilespmem:s28+$0xFFFFE980]  }
0x1de: {  	v53 =	vmul.bf16 v53, v54;
	v3 =	vadd.f32 v3, v29;
	v29 =	vmul.bf16 v37, v38;
	v38 =	vld [tilespmem:s28+$0xFFFFE970]  }
0x1df: {  	v54 =	vmul.bf16 v51, v52;
	v33 =	vmul.bf16 v49, v50;
	v37 =	vld [tilespmem:s28+$0xFFFFE950]  }
0x1e0: {  	v50 =	vmul.bf16 v47, v48;
	v48 =	vmul.bf16 v55, v56;
	v47 =	vld [tilespmem:s28+$0xFFFFFF60]  }
0x1e1: {  	v55 =	vld [tilespmem:$0x1FFC0];
	v22 =	vadd.bf16 v28, v22;
	v28 =	vmul.bf16 v41, v42;
	v42 =	vmul.bf16 v39, v40  }
0x1e2: {  	v56 =	vld [tilespmem:$0x1FFC0];
	v29 =	vadd.bf16 v31, v29;
	v31 =	vmul.bf16 v45, v46;
	v46 =	vmul.bf16 v43, v44  }
0x1e3: {  	v35 =	vadd.bf16 v54, v53;
	v49 =	vmul.bf16 v59, v60;
	v59 =	vld [tilespmem:$0x1FFC0]  }
0x1e4: {  	v10 =	vmul.bf16 v10, v18;
	v18 =	vld [tilespmem:s28+$0xFFFFFDF0];
	v28 =	vadd.bf16 v42, v28;
	v31 =	vadd.bf16 v46, v31  }
0x1e5: {  	v33 =	vadd.bf16 v50, v33;
	v50 =	vld [tilespmem:$0x1FFC0];
	[tilespmem:$0x1FED0] =	vst v13;
	v13 =	vmul.bf16 v7, v17;
	v22 =	vadd.bf16 v22, v29  }
0x1e6: {  	v40 =	vld [tilespmem:s28+$0xFFFFFD60];
	v29 =	vmul.bf16 v57, v58;
	v28 =	vadd.bf16 v28, v31;
	v31 =	vmul.bf16 v61, v62  }
0x1e7: {  	v44 =	vld [tilespmem:s28+$0xFFFFFD50];
	v33 =	vadd.bf16 v33, v35;
	v8 =	vadd.bf16 v13, v8  }
0x1e8: {  	v39 =	vld [tilespmem:s28+$0xFFFFFF80];
	v1 =	vmul.bf16 v24, v1;
	v29 =	vadd.bf16 v48, v29;
	v31 =	vadd.bf16 v49, v31  }
0x1e9: {  	v57 =	vld [tilespmem:$0x1FFC0];
	v51 =	vunpack.i.u.bf16.f32 v22;
	v22 =	vunpack.i.l.bf16.f32 v22;
	v53 =	vunpack.i.u.bf16.f32 v33  }
0x1ea: {  	v58 =	vld [tilespmem:$0x1FFC0];
	v33 =	vunpack.i.l.bf16.f32 v33;
	v41 =	vperm.xlane v0, v50;
	v29 =	vadd.bf16 v29, v31  }
0x1eb: {  	v45 =	vld [tilespmem:s28+$0xFFFFEB70];
	v22 =	vadd.f32 v22, v51;
	v52 =	vunpack.i.u.bf16.f32 v28;
	v28 =	vunpack.i.l.bf16.f32 v28  }
0x1ec: {  	v43 =	vld [tilespmem:s28+$0xFFFFEB60];
	v28 =	vadd.f32 v28, v52;
	v54 =	vunpack.i.u.bf16.f32 v29;
	v29 =	vunpack.i.l.bf16.f32 v29  }
0x1ed: {  	v24 =	vld [tilespmem:s28+$0xFFFFFDD0];
	v46 =	vperm.xlane v3, v55;
	v33 =	vadd.f32 v33, v53;
	v29 =	vadd.f32 v29, v54  }
0x1ee: {  	v42 =	vld [tilespmem:s28+$0xFFFFE960];
	v0 =	vadd.f32 v41, v0;
	v41 =	vperm.xlane v22, v56;
	v49 =	vperm.xlane v28, v57  }
0x1ef: {  	v35 =	vld [tilespmem:s28+$0xFFFFEB80];
	v3 =	vadd.f32 v46, v3;
	v46 =	vperm.xlane v33, v58;
	v51 =	vperm.xlane v29, v59  }
0x1f0: {  	v13 =	vld [tilespmem:$0x1FEB0];
	v22 =	vadd.f32 v41, v22;
	v28 =	vadd.f32 v49, v28  }
0x1f1: {  	v55 =	vld [tilespmem:s28+$0xFFFFFEF0];
	v33 =	vadd.f32 v46, v33;
	v29 =	vadd.f32 v51, v29  }
0x1f2: {  	v48 =	vld [tilespmem:s28+$0xFFFFFF50];
	v0 =	vsel vm2, v0, v3;
	v22 =	vsel vm2, v22, v28  }
0x1f3: {  	v62 =	vld [tilespmem:s28+$0xFFFFEAF0];
	v28 =	vperm.xlane v0, v12;
	v60 =	vperm.xlane v22, v12;
	v29 =	vsel vm2, v33, v29  }
0x1f4: {  	v61 =	vperm.xlane v29, v12;
	v12 =	vmul.bf16 v6, v16;
	v16 =	vld [tilespmem:$0x1FE90]  }
0x1f5: {  	v50 =	vld [tilespmem:s28+$0xFFFFEB50]  }
0x1f6: {  	v53 =	vld [tilespmem:s28+$0xFFFFFF00]  }
0x1f7: {  	v52 =	vld [tilespmem:s28+$0xFFFFE8D0]  }
0x1f8: {  	v31 =	vld [tilespmem:s28+$0xFFFFFF70]  }
0x1f9: {  	v41 =	vld [tilespmem:s28+$0xFFFFFD00];
	v14 =	vmul.bf16 v16, v14  }
0x1fa: {  	v46 =	vld [tilespmem:s28+$0xFFFFE900]  }
0x1fb: {  	v9 =	vadd.bf16 v14, v9;
	v14 =	vld [tilespmem:$0x1FEC0]  }
0x1fc: {  	v19 =	vmul.bf16 v5, v19;
	v3 =	vld [tilespmem:s28+$0xFFFFFCF0]  }
0x1fd: {  	v33 =	vld [tilespmem:s28+$0xFFFFE8F0]  }
0x1fe: {  	v4 =	vadd.bf16 v19, v4;
	v49 =	vld [tilespmem:s28+$0xFFFFE8E0]  }
0x1ff: {  	v1 =	vadd.bf16 v10, v1;
	v19 =	vmul.bf16 v44, v37;
	v11 =	vadd.bf16 v12, v11;
	v12 =	vld [tilespmem:$0x1FEA0]  }
0x200: {  	v37 =	vmul.bf16 v55, v62;
	v62 =	vmov s23;
	v13 =	vmul.bf16 v13, v14;
	v14 =	vld [tilespmem:$0x1FED0]  }
0x201: {  	v54 =	vld [tilespmem:s28+$0xFFFFEB00];
	v5 =	vadd.f32 v28, v0;
	v28 =	vmul.bf16 v47, v43;
	v4 =	vadd.bf16 v4, v11  }
0x202: {  	v51 =	vld [tilespmem:s28+$0xFFFFFCE0];
	v7 =	vadd.f32 v61, v29;
	v61 =	vmul.bf16 v41, v46;
	v3 =	vmul.bf16 v3, v33  }
0x203: {  	v0 =	vld [tilespmem:s28+$0xFFFFFCD0];
	v6 =	vadd.f32 v60, v22;
	v11 =	vmul.bf16 v21, v25;
	v16 =	vunpack.i.u.bf16.f32 v4  }
0x204: {  	v29 =	vld [tilespmem:s28+$0xFFFFEBF0];
	v4 =	vunpack.i.l.bf16.f32 v4;
	v33 =	vadd.bf16 v61, v3;
	v12 =	vmul.bf16 v12, v15  }
0x205: {  	v21 =	vld [tilespmem:s28+$0xFFFFFDE0];
	v15 =	vmul.bf16 v23, v26;
	v4 =	vadd.f32 v4, v16;
	v2 =	vmul.bf16 v14, v2  }
0x206: {  	v25 =	vld [tilespmem:s28+$0xFFFFE9D0];
	v23 =	vmul.bf16 v31, v45;
	v26 =	vmul.bf16 v39, v35;
	v14 =	vadd.bf16 v8, v9  }
0x207: {  	v16 =	vld [tilespmem:s28+$0xFFFFEA00];
	v12 =	vadd.bf16 v13, v12;
	v13 =	vmul.bf16 v27, v30;
	v2 =	vadd.bf16 v2, v11  }
0x208: {  	v31 =	vld [tilespmem:s28+$0xFFFFEBE0];
	v35 =	vmul.bf16 v0, v52;
	v23 =	vadd.bf16 v26, v23;
	v10 =	vunpack.i.l.bf16.f32 v14  }
0x209: {  	v26 =	vld [tilespmem:s28+$0x0];
	v2 =	vadd.bf16 v12, v2;
	v12 =	vadd.bf16 v15, v13;
	v15 =	vunpack.i.u.bf16.f32 v14  }
0x20a: {  	v27 =	vmul.bf16 v48, v50;
	v30 =	vld [tilespmem:s28+$0xFFFFFFE0];
	v15 =	vadd.f32 v10, v15;
	v10 =	vmul.bf16 v36, v38  }
0x20b: {  	v8 =	vld [tilespmem:s28+$0xFFFFFEE0];
	v1 =	vadd.bf16 v1, v12;
	v17 =	vunpack.i.u.bf16.f32 v2;
	v2 =	vunpack.i.l.bf16.f32 v2  }
0x20c: {  	v9 =	vld [tilespmem:s28+$0xFFFFEAE0];
	v12 =	vmul.bf16 v32, v34;
	v2 =	vadd.f32 v2, v17;
	v17 =	vmul.bf16 v40, v42  }
0x20d: {  	v11 =	vld [tilespmem:s28+$0xFFFFFED0];
	v36 =	vmul.bf16 v51, v49;
	v22 =	vunpack.i.u.bf16.f32 v1;
	v1 =	vunpack.i.l.bf16.f32 v1  }
0x20e: {  	v13 =	vld [tilespmem:s28+$0xFFFFEAD0];
	v10 =	vadd.bf16 v12, v10;
	v12 =	vperm.xlane v4, v63;
	v17 =	vadd.bf16 v17, v19  }
0x20f: {  	v14 =	vld [tilespmem:s28+$0xFFFFFE00];
	v1 =	vadd.f32 v1, v22;
	v19 =	vadd.bf16 v28, v27;
	v28 =	vperm.xlane v15, v63  }
0x210: {  	v32 =	vld [tilespmem:s28+$0xFFFFFFD0];
	v17 =	vadd.bf16 v10, v17;
	v10 =	vadd.f32 v12, v4;
	v4 =	vperm.xlane v2, v63  }
0x211: {  	v34 =	vld [tilespmem:s28+$0xFFFFEBD0];
	v23 =	vadd.bf16 v23, v19;
	v12 =	vadd.f32 v28, v15;
	v60 =	vperm.xlane v1, v63  }
0x212: {  	v22 =	vld [tilespmem:s28+$0xFFFFE9E0];
	v19 =	vunpack.i.u.bf16.f32 v17;
	v17 =	vunpack.i.l.bf16.f32 v17;
	v15 =	vadd.f32 v4, v2  }
0x213: {  	v27 =	vld [tilespmem:s28+$0xFFFFEC00];
	v4 =	vunpack.i.u.bf16.f32 v23;
	v23 =	vunpack.i.l.bf16.f32 v23;
	v19 =	vadd.f32 v17, v19  }
0x214: {  	s29 =	simm.s32 $0x0;
	s30 =	simm.s32 $0x40;
	[tilespmem:$0x1FEE0] =	vst v62;
	v38 =	vmul.bf16 v53, v54;
	v28 =	vld [tilespmem:s28+$0xFFFFFFF0];
	v17 =	vadd.f32 v60, v1;
	v23 =	vadd.f32 v23, v4  }
.LBB2_5:
0x215: {  	_ = 	snop  }
0x216: {  	v1 =	vmul.bf16 v11, v13;
	v2 =	vmul.bf16 v8, v9  }
0x217: {  	v0 =	vadd.bf16 v36, v35;
	v8 =	vmul.bf16 v18, v20;
	v9 =	vmul.bf16 v14, v16  }
0x218: {  	v3 =	vadd.bf16 v38, v37;
	v62 =	vmul.bf16 v24, v25;
	v11 =	vmul.bf16 v21, v22  }
0x219: {  	v0 =	vadd.bf16 v33, v0;
	v13 =	vmul.bf16 v28, v29;
	v1 =	vadd.bf16 v2, v1  }
0x21a: {  	v14 =	vmul.bf16 v26, v27;
	v2 =	vadd.bf16 v11, v62;
	v8 =	vadd.bf16 v9, v8  }
0x21b: {  	v16 =	vmul.bf16 v30, v31;
	v1 =	vadd.bf16 v3, v1;
	v3 =	vmul.bf16 v32, v34  }
0x21c: {  	v9 =	vadd.bf16 v14, v13;
	v2 =	vadd.bf16 v8, v2  }
0x21d: {  	v3 =	vadd.bf16 v16, v3;
	v8 =	vunpack.i.u.bf16.f32 v1;
	v1 =	vunpack.i.l.bf16.f32 v1  }
0x21e: {  	v13 =	vunpack.i.u.bf16.f32 v0;
	v0 =	vunpack.i.l.bf16.f32 v0;
	v1 =	vadd.f32 v1, v8  }
0x21f: {  	v11 =	vperm.xlane v19, v63;
	v0 =	vadd.f32 v0, v13;
	v3 =	vadd.bf16 v9, v3  }
0x220: {  	v8 =	vunpack.i.u.bf16.f32 v2;
	v2 =	vunpack.i.l.bf16.f32 v2;
	v13 =	vperm.xlane v1, v63  }
0x221: {  	v2 =	vadd.f32 v2, v8;
	v9 =	vunpack.i.u.bf16.f32 v3;
	v3 =	vunpack.i.l.bf16.f32 v3  }
0x222: {  	v3 =	vadd.f32 v3, v9;
	v1 =	vadd.f32 v13, v1;
	v13 =	vld [tilespmem:$0x1FFD0]  }
0x223: {  	v8 =	vperm.xlane v23, v63;
	v9 =	vadd.f32 v11, v19;
	v11 =	vperm.xlane v0, v63  }
0x224: {  	v14 =	vperm.xlane v2, v63;
	v16 =	vperm.xlane v3, v63  }
0x225: {  	v10 =	vsel vm2, v10, v12;
	v8 =	vadd.f32 v8, v23;
	v0 =	vadd.f32 v11, v0  }
0x226: {  	v2 =	vadd.f32 v14, v2;
	v11 =	vsel vm2, v15, v17;
	v3 =	vadd.f32 v16, v3  }
0x227: {  	v4 =	vld [tilespmem:$0x1FFE0];
	v8 =	vsel vm2, v9, v8;
	v0 =	vsel vm2, v0, v1;
	v9 =	vperm.xlane v10, v13  }
0x228: {  	v12 =	vperm.xlane v11, v13;
	v32 =	vperm.xlane v8, v13;
	v63 =	vsel vm2, v2, v3  }
0x229: {  	v3 =	vadd.f32 v9, v10;
	v9 =	vperm.xlane v0, v13;
	v10 =	vperm.xlane v63, v13  }
0x22a: {  	v11 =	vadd.f32 v12, v11;
	v2 =	vadd.f32 v32, v8  }
0x22b: {  	v0 =	vadd.f32 v9, v0;
	v1 =	vadd.f32 v10, v63;
	v3 =	vsel vm0, v7, v3  }
0x22c: {  	v5 =	vsel vm0, v5, v6;
	v33 =	vperm.xlane v3, v4  }
0x22d: {  	v6 =	vperm.xlane v5, v4;
	v2 =	vsel vm0, v11, v2;
	v0 =	vsel vm0, v0, v1  }
0x22e: {  	v7 =	vperm.xlane v2, v4;
	v8 =	vperm.xlane v0, v4;
	v1 =	vadd.f32 v33, v3;
	v3 =	vld [tilespmem:$0x1FFF0]  }
0x22f: {  	v5 =	vadd.f32 v6, v5  }
0x230: {  	v35 =	vld [tilespmem:$0x1FEE0];
	v2 =	vadd.f32 v7, v2;
	v0 =	vadd.f32 v8, v0;
	_ =	sdelay $0x1  }
0x231: {  	v1 =	vsel vm1, v5, v1;
	v0 =	vsel vm1, v2, v0  }
0x232: {  	v34 =	vperm.xlane v1, v3;
	v3 =	vperm.xlane v0, v3;
	_ =	sdelay $0x1  }
0x233: {  	v1 =	vadd.f32 v34, v1;
	v0 =	vadd.f32 v3, v0;
	_ =	sdelay $0x1  }
0x234: {  	s31 =	sshra.s32 s29, $0x2;
	v0 =	vsel vm3, v1, v0  }
0x235: {  	s28 =	sadd.s32 $0x400, s28;
	[tilespmem:v35+s31+$0x0 ss:$0x1] =	vst.idx.msk $0xffff, v0  }
0x236: {  	v24 =	vld [tilespmem:s28+$0xFFFFFC40]  }
0x237: {  	v27 =	vld [tilespmem:s28+$0xFFFFE840]  }
0x238: {  	v30 =	vld [tilespmem:s28+$0xFFFFFC30]  }
0x239: {  	v33 =	vld [tilespmem:s28+$0xFFFFE830]  }
0x23a: {  	v28 =	vld [tilespmem:s28+$0xFFFFFC20]  }
0x23b: {  	v31 =	vld [tilespmem:s28+$0xFFFFE820]  }
0x23c: {  	v35 =	vld [tilespmem:s28+$0xFFFFFC10]  }
0x23d: {  	v9 =	vld [tilespmem:s28+$0xFFFFE810]  }
0x23e: {  	v34 =	vld [tilespmem:s28+$0xFFFFFE40]  }
0x23f: {  	v36 =	vld [tilespmem:s28+$0xFFFFEA40]  }
0x240: {  	v7 =	vld [tilespmem:s28+$0xFFFFFE30]  }
0x241: {  	v5 =	vld [tilespmem:s28+$0xFFFFEA30]  }
0x242: {  	v8 =	vld [tilespmem:s28+$0xFFFFFE20]  }
0x243: {  	v38 =	vld [tilespmem:s28+$0xFFFFEA20]  }
0x244: {  	v57 =	vld [tilespmem:s28+$0xFFFFFE10]  }
0x245: {  	v58 =	vld [tilespmem:s28+$0xFFFFEA10]  }
0x246: {  	v29 =	vld [tilespmem:s28+$0xFFFFFD40]  }
0x247: {  	v32 =	vld [tilespmem:s28+$0xFFFFE940]  }
0x248: {  	v40 =	vld [tilespmem:s28+$0xFFFFFD30]  }
0x249: {  	v41 =	vld [tilespmem:s28+$0xFFFFE930]  }
0x24a: {  	v37 =	vld [tilespmem:s28+$0xFFFFFD20]  }
0x24b: {  	v39 =	vld [tilespmem:s28+$0xFFFFE920]  }
0x24c: {  	v43 =	vld [tilespmem:s28+$0xFFFFFD10]  }
0x24d: {  	v46 =	vld [tilespmem:s28+$0xFFFFE910]  }
0x24e: {  	v42 =	vld [tilespmem:s28+$0xFFFFFF40]  }
0x24f: {  	v44 =	vld [tilespmem:s28+$0xFFFFEB40]  }
0x250: {  	v48 =	vld [tilespmem:s28+$0xFFFFFF30]  }
0x251: {  	v50 =	vld [tilespmem:s28+$0xFFFFEB30]  }
0x252: {  	v45 =	vld [tilespmem:s28+$0xFFFFFF20]  }
0x253: {  	v47 =	vld [tilespmem:s28+$0xFFFFEB20]  }
0x254: {  	v51 =	vld [tilespmem:s28+$0xFFFFFF10]  }
0x255: {  	v54 =	vld [tilespmem:s28+$0xFFFFEB10]  }
0x256: {  	v49 =	vld [tilespmem:s28+$0xFFFFFCC0]  }
0x257: {  	v52 =	vld [tilespmem:s28+$0xFFFFE8C0]  }
0x258: {  	v56 =	vld [tilespmem:s28+$0xFFFFFCB0]  }
0x259: {  	v59 =	vld [tilespmem:s28+$0xFFFFE8B0]  }
0x25a: {  	v53 =	vld [tilespmem:s28+$0xFFFFFCA0]  }
0x25b: {  	v55 =	vld [tilespmem:s28+$0xFFFFE8A0]  }
0x25c: {  	v60 =	vld [tilespmem:s28+$0xFFFFFC90]  }
0x25d: {  	v61 =	vld [tilespmem:s28+$0xFFFFE890]  }
0x25e: {  	v62 =	vld [tilespmem:s28+$0xFFFFFEC0]  }
0x25f: {  	v63 =	vld [tilespmem:s28+$0xFFFFEAC0]  }
0x260: {  	v4 =	vld [tilespmem:s28+$0xFFFFFEB0]  }
0x261: {  	v2 =	vld [tilespmem:s28+$0xFFFFEAB0]  }
0x262: {  	v6 =	vld [tilespmem:s28+$0xFFFFFEA0]  }
0x263: {  	v3 =	vld [tilespmem:s28+$0xFFFFEAA0]  }
0x264: {  	v1 =	vld [tilespmem:s28+$0xFFFFFE90]  }
0x265: {  	v0 =	vld [tilespmem:s28+$0xFFFFEA90]  }
0x266: {  	v10 =	vld [tilespmem:s28+$0xFFFFFDC0]  }
0x267: {  	v11 =	vld [tilespmem:s28+$0xFFFFE9B0]  }
0x268: {  	v17 =	vld [tilespmem:s28+$0xFFFFE990]  }
0x269: {  	v12 =	vld [tilespmem:s28+$0xFFFFFFC0]  }
0x26a: {  	v15 =	vld [tilespmem:s28+$0xFFFFEBC0]  }
0x26b: {  	v20 =	vld [tilespmem:s28+$0xFFFFFFB0]  }
0x26c: {  	v23 =	vld [tilespmem:s28+$0xFFFFEBB0]  }
0x26d: {  	v14 =	vld [tilespmem:s28+$0xFFFFFFA0]  }
0x26e: {  	v18 =	vld [tilespmem:s28+$0xFFFFEBA0]  }
0x26f: {  	v22 =	vld [tilespmem:s28+$0xFFFFFF90]  }
0x270: {  	v26 =	vld [tilespmem:s28+$0xFFFFEB90]  }
0x271: {  	v16 =	vld [tilespmem:s28+$0xFFFFE880]  }
0x272: {  	v21 =	vld [tilespmem:s28+$0xFFFFFC70]  }
0x273: {  	v25 =	vld [tilespmem:s28+$0xFFFFE870]  }
0x274: {  	v19 =	vld [tilespmem:s28+$0xFFFFFC60]  }
0x275: {  	[tilespmem:$0x1FE20] =	vst v10;
	v10 =	vld [tilespmem:s28+$0xFFFFE9C0]  }
0x276: {  	[tilespmem:$0x1FE60] =	vst v12;
	v12 =	vld [tilespmem:s28+$0xFFFFFC80]  }
0x277: {  	v30 =	vmul.bf16 v30, v33;
	v33 =	vmul.bf16 v24, v27;
	v24 =	vld [tilespmem:s28+$0xFFFFE860]  }
0x278: {  	v9 =	vmul.bf16 v35, v9;
	v35 =	vmul.bf16 v28, v31;
	v28 =	vld [tilespmem:s28+$0xFFFFFC50]  }
0x279: {  	v31 =	vld [tilespmem:s28+$0xFFFFE850]  }
0x27a: {  	v27 =	vld [tilespmem:s28+$0xFFFFFE80]  }
0x27b: {  	v5 =	vmul.bf16 v7, v5;
	v7 =	vmul.bf16 v34, v36;
	v34 =	vld [tilespmem:s28+$0xFFFFFE70]  }
0x27c: {  	v8 =	vmul.bf16 v8, v38;
	v38 =	vld [tilespmem:s28+$0xFFFFFE50]  }
0x27d: {  	v32 =	vmul.bf16 v29, v32;
	v29 =	vld [tilespmem:s28+$0xFFFFFD80]  }
0x27e: {  	v37 =	vmul.bf16 v37, v39;
	v39 =	vld [tilespmem:s28+$0xFFFFFD60]  }
0x27f: {  	v2 =	vmul.bf16 v4, v2;
	v4 =	vmul.bf16 v62, v63;
	v63 =	vld [tilespmem:$0x1FFC0]  }
0x280: {  	v36 =	vmul.bf16 v57, v58;
	v0 =	vmul.bf16 v1, v0;
	v1 =	vld [tilespmem:s28+$0xFFFFFF70]  }
0x281: {  	v58 =	vmul.bf16 v53, v55;
	v53 =	vld [tilespmem:s28+$0xFFFFFF50];
	v9 =	vadd.bf16 v35, v9;
	v33 =	vadd.bf16 v33, v30  }
0x282: {  	v55 =	vld [tilespmem:s28+$0xFFFFE8F0];
	v8 =	vadd.bf16 v8, v36;
	v5 =	vadd.bf16 v7, v5  }
0x283: {  	v30 =	vld [tilespmem:s28+$0xFFFFEA80];
	v7 =	vadd.bf16 v33, v9  }
0x284: {  	v35 =	vld [tilespmem:s28+$0xFFFFEA70];
	v5 =	vadd.bf16 v5, v8  }
0x285: {  	v57 =	vmul.bf16 v60, v61;
	v36 =	vld [tilespmem:s28+$0xFFFFEA60];
	v8 =	vunpack.i.u.bf16.f32 v7;
	v7 =	vunpack.i.l.bf16.f32 v7  }
0x286: {  	v33 =	vld [tilespmem:s28+$0xFFFFFE60];
	v7 =	vadd.f32 v7, v8;
	v8 =	vunpack.i.u.bf16.f32 v5;
	v5 =	vunpack.i.l.bf16.f32 v5  }
0x287: {  	v9 =	vmul.bf16 v40, v41;
	v41 =	vld [tilespmem:s28+$0xFFFFEA50];
	v5 =	vadd.f32 v5, v8;
	v8 =	vmul.bf16 v43, v46  }
0x288: {  	v40 =	vld [tilespmem:s28+$0xFFFFE970];
	v46 =	vmul.bf16 v48, v50;
	v50 =	vmul.bf16 v51, v54  }
0x289: {  	[tilespmem:$0x1FE30] =	vst v10;
	v10 =	vld [tilespmem:s28+$0xFFFFFDB0];
	v54 =	vmul.bf16 v56, v59;
	v56 =	vmul.bf16 v49, v52  }
0x28a: {  	v9 =	vadd.bf16 v32, v9;
	v32 =	vld [tilespmem:s28+$0xFFFFE980];
	v48 =	vmul.bf16 v42, v44;
	v8 =	vadd.bf16 v37, v8  }
0x28b: {  	v42 =	vld [tilespmem:s28+$0xFFFFE960];
	v59 =	vmul.bf16 v6, v3;
	v3 =	vadd.bf16 v58, v57;
	v6 =	vadd.bf16 v56, v54  }
0x28c: {  	v60 =	vadd.bf16 v4, v2;
	v51 =	vmul.bf16 v45, v47;
	v45 =	vld [tilespmem:s28+$0xFFFFFF80];
	v8 =	vadd.bf16 v9, v8  }
0x28d: {  	v52 =	vld [tilespmem:s28+$0xFFFFEB60];
	v44 =	vadd.bf16 v48, v46;
	v3 =	vadd.bf16 v6, v3  }
0x28e: {  	v47 =	vld [tilespmem:s28+$0xFFFFE900];
	v43 =	vadd.bf16 v51, v50;
	v4 =	vunpack.i.u.bf16.f32 v8;
	v8 =	vunpack.i.l.bf16.f32 v8  }
0x28f: {  	v49 =	vld [tilespmem:s28+$0xFFFFFCF0];
	v4 =	vadd.f32 v8, v4;
	v8 =	vunpack.i.u.bf16.f32 v3;
	v3 =	vunpack.i.l.bf16.f32 v3  }
0x290: {  	v61 =	vperm.xlane v7, v63;
	[tilespmem:$0x1FE10] =	vst v10;
	v10 =	vld [tilespmem:s28+$0xFFFFFDA0];
	v3 =	vadd.f32 v3, v8;
	v8 =	vperm.xlane v5, v63  }
0x291: {  	v57 =	vld [tilespmem:s28+$0xFFFFE8E0];
	v0 =	vadd.bf16 v59, v0;
	v9 =	vadd.bf16 v44, v43  }
0x292: {  	v58 =	vld [tilespmem:s28+$0xFFFFFCD0];
	v2 =	vadd.f32 v61, v7;
	v5 =	vadd.f32 v8, v5  }
0x293: {  	v37 =	vld [tilespmem:s28+$0xFFFFFD70];
	v0 =	vadd.bf16 v60, v0;
	v6 =	vunpack.i.u.bf16.f32 v9;
	v9 =	vunpack.i.l.bf16.f32 v9  }
0x294: {  	v6 =	vadd.f32 v9, v6;
	v2 =	vsel vm2, v2, v5;
	v5 =	vld [tilespmem:$0x1FE10]  }
0x295: {  	[tilespmem:$0x1FE40] =	vst v10;
	v10 =	vld [tilespmem:s28+$0xFFFFE9A0];
	v9 =	vunpack.i.u.bf16.f32 v0;
	v0 =	vunpack.i.l.bf16.f32 v0  }
0x296: {  	v46 =	vld [tilespmem:s28+$0xFFFFE950];
	v0 =	vadd.f32 v0, v9;
	v9 =	vperm.xlane v6, v63  }
0x297: {  	v48 =	vld [tilespmem:s28+$0xFFFFEB80];
	v8 =	vperm.xlane v3, v63  }
0x298: {  	v62 =	vperm.xlane v0, v63;
	v6 =	vadd.f32 v9, v6;
	v9 =	vld [tilespmem:$0x1FE30]  }
0x299: {  	v3 =	vadd.f32 v8, v3;
	v8 =	vmul.bf16 v5, v11;
	v5 =	vld [tilespmem:$0x1FE20]  }
0x29a: {  	[tilespmem:$0x1FE50] =	vst v10;
	v10 =	vld [tilespmem:s28+$0xFFFFFD90];
	v0 =	vadd.f32 v62, v0  }
0x29b: {  	v50 =	vld [tilespmem:s28+$0xFFFFEB70]  }
0x29c: {  	v51 =	vld [tilespmem:s28+$0xFFFFFF60];
	v7 =	vperm.xlane v4, v63;
	v0 =	vsel vm2, v3, v0;
	v3 =	vperm.xlane v2, v13  }
0x29d: {  	v54 =	vld [tilespmem:s28+$0xFFFFEB50]  }
0x29e: {  	v4 =	vadd.f32 v7, v4;
	v9 =	vmul.bf16 v5, v9;
	v5 =	vadd.f32 v3, v2;
	v3 =	vld [tilespmem:$0x1FE40]  }
0x29f: {  	v2 =	vmul.bf16 v10, v17;
	v10 =	vld [tilespmem:$0x1FE50]  }
0x2a0: {  	v43 =	vld [tilespmem:s28+$0xFFFFFD50];
	v4 =	vsel vm2, v4, v6  }
0x2a1: {  	v56 =	vld [tilespmem:s28+$0xFFFFFCE0];
	v6 =	vperm.xlane v4, v13  }
0x2a2: {  	v59 =	vld [tilespmem:s28+$0xFFFFE8D0]  }
0x2a3: {  	v61 =	vld [tilespmem:s28+$0xFFFFFEF0];
	v7 =	vperm.xlane v0, v13;
	v6 =	vadd.f32 v6, v4;
	v4 =	vmul.bf16 v20, v23  }
0x2a4: {  	v23 =	vmul.bf16 v39, v42;
	v3 =	vmul.bf16 v3, v10;
	v10 =	vld [tilespmem:$0x1FE60]  }
0x2a5: {  	v44 =	vld [tilespmem:s28+$0xFFFFFD00];
	v11 =	vmul.bf16 v19, v24;
	v19 =	vmul.bf16 v43, v46  }
0x2a6: {  	v60 =	vld [tilespmem:s28+$0xFFFFFF00];
	v55 =	vmul.bf16 v49, v55;
	v1 =	vmul.bf16 v1, v50;
	v7 =	vadd.f32 v7, v0  }
0x2a7: {  	v62 =	vld [tilespmem:s28+$0xFFFFEAF0];
	v19 =	vadd.bf16 v23, v19;
	v17 =	vmul.bf16 v33, v36;
	v36 =	vmul.bf16 v56, v57  }
0x2a8: {  	v13 =	vld [tilespmem:s28+$0xFFFFEAD0];
	v0 =	vadd.bf16 v9, v8;
	v8 =	vmul.bf16 v22, v26;
	v9 =	vmul.bf16 v14, v18  }
0x2a9: {  	v20 =	vld [tilespmem:s28+$0xFFFFE9F0];
	v14 =	vmul.bf16 v27, v30;
	v2 =	vadd.bf16 v3, v2;
	v10 =	vmul.bf16 v10, v15  }
0x2aa: {  	v24 =	vld [tilespmem:s28+$0xFFFFFDD0];
	v26 =	vmul.bf16 v45, v48;
	v27 =	vmul.bf16 v51, v52;
	v8 =	vadd.bf16 v9, v8  }
0x2ab: {  	v22 =	vld [tilespmem:s28+$0xFFFFE9E0];
	v0 =	vadd.bf16 v0, v2;
	v2 =	vmul.bf16 v28, v31;
	v3 =	vadd.bf16 v10, v4  }
0x2ac: {  	v30 =	vld [tilespmem:s28+$0xFFFFFFE0];
	v9 =	vmul.bf16 v21, v25;
	v1 =	vadd.bf16 v26, v1;
	v10 =	vmul.bf16 v12, v16  }
0x2ad: {  	v21 =	vld [tilespmem:s28+$0xFFFFFDE0];
	v2 =	vadd.bf16 v11, v2;
	v12 =	vmul.bf16 v34, v35;
	v3 =	vadd.bf16 v3, v8  }
0x2ae: {  	v25 =	vld [tilespmem:s28+$0xFFFFE9D0];
	v15 =	vunpack.i.u.bf16.f32 v0;
	v16 =	vmul.bf16 v38, v41;
	v10 =	vadd.bf16 v10, v9  }
0x2af: {  	v0 =	vunpack.i.l.bf16.f32 v0;
	v4 =	vld [tilespmem:s28+$0xFFFFEB00];
	v12 =	vadd.bf16 v14, v12;
	v18 =	vunpack.i.u.bf16.f32 v3  }
0x2b0: {  	v26 =	vld [tilespmem:s28+$0x0];
	v2 =	vadd.bf16 v10, v2;
	v3 =	vunpack.i.l.bf16.f32 v3;
	v10 =	vadd.bf16 v17, v16  }
0x2b1: {  	v28 =	vld [tilespmem:s28+$0xFFFFFFF0];
	v0 =	vadd.f32 v0, v15;
	v35 =	vmul.bf16 v58, v59;
	v3 =	vadd.f32 v3, v18  }
0x2b2: {  	v31 =	vld [tilespmem:s28+$0xFFFFEBE0];
	v15 =	vunpack.i.u.bf16.f32 v2;
	v2 =	vunpack.i.l.bf16.f32 v2;
	v10 =	vadd.bf16 v12, v10  }
0x2b3: {  	v11 =	vld [tilespmem:s28+$0xFFFFFED0];
	v12 =	vmul.bf16 v37, v40;
	v2 =	vadd.f32 v2, v15;
	v15 =	vmul.bf16 v29, v32  }
0x2b4: {  	v34 =	vld [tilespmem:s28+$0xFFFFEBD0];
	v38 =	vmul.bf16 v60, v4;
	v17 =	vunpack.i.u.bf16.f32 v10;
	v10 =	vunpack.i.l.bf16.f32 v10  }
0x2b5: {  	v8 =	vld [tilespmem:s28+$0xFFFFFEE0];
	v17 =	vadd.f32 v10, v17;
	v10 =	vmul.bf16 v53, v54;
	v12 =	vadd.bf16 v15, v12  }
0x2b6: {  	v9 =	vld [tilespmem:s28+$0xFFFFEAE0];
	v29 =	vperm.xlane v3, v63;
	v15 =	vperm.xlane v0, v63  }
0x2b7: {  	p0 =	sne.s32 s30, $0x100;
	v14 =	vld [tilespmem:s28+$0xFFFFFE00];
	v53 =	vperm.xlane v2, v63;
	v23 =	vadd.bf16 v27, v10;
	v19 =	vadd.bf16 v12, v19  }
.Ltmp1:
0x2b8: {  	v16 =	vld [tilespmem:s28+$0xFFFFEA00];
	v10 =	vadd.f32 v15, v0;
	v12 =	vadd.f32 v29, v3;
	v3 =	vperm.xlane v17, v63;
	(pc) =	sbr.rel @p0 .LBB2_5-.Ltmp1, $4  }
0x2b9: {  	v18 =	vld [tilespmem:s28+$0xFFFFFDF0];
	v15 =	vadd.f32 v53, v2;
	v1 =	vadd.bf16 v1, v23;
	v23 =	vunpack.i.u.bf16.f32 v19  }
0x2ba: {  	v32 =	vld [tilespmem:s28+$0xFFFFFFD0];
	v19 =	vunpack.i.l.bf16.f32 v19;
	v17 =	vadd.f32 v3, v17;
	v3 =	vmul.bf16 v44, v47  }
0x2bb: {  	v27 =	vld [tilespmem:s28+$0xFFFFEC00];
	v19 =	vadd.f32 v19, v23;
	v54 =	vunpack.i.u.bf16.f32 v1;
	v1 =	vunpack.i.l.bf16.f32 v1  }
0x2bc: {  	s29 =	smov.u32 s30;
	s30 =	sadd.s32 $0x40, s30;
	v37 =	vmul.bf16 v61, v62;
	v29 =	vld [tilespmem:s28+$0xFFFFEBF0];
	v33 =	vadd.bf16 v3, v55;
	v23 =	vadd.f32 v1, v54  }
0x2bd: {  	v0 =	vadd.bf16 v36, v35;
	v1 =	vmul.bf16 v11, v13;
	v2 =	vmul.bf16 v8, v9  }
0x2be: {  	v24 =	vmul.bf16 v24, v25;
	v25 =	vmul.bf16 v21, v22;
	v3 =	vadd.bf16 v38, v37  }
0x2bf: {  	v4 =	vmul.bf16 v18, v20;
	v20 =	vmul.bf16 v14, v16;
	v1 =	vadd.bf16 v2, v1  }
0x2c0: {  	v0 =	vadd.bf16 v33, v0;
	v33 =	vmul.bf16 v32, v34;
	v34 =	vmul.bf16 v30, v31  }
0x2c1: {  	v2 =	vadd.bf16 v25, v24;
	v28 =	vmul.bf16 v28, v29;
	v29 =	vmul.bf16 v26, v27  }
0x2c2: {  	v4 =	vadd.bf16 v20, v4;
	v1 =	vadd.bf16 v3, v1  }
0x2c3: {  	v36 =	vperm.xlane v19, v63;
	v3 =	vadd.bf16 v34, v33;
	v35 =	vadd.bf16 v29, v28  }
0x2c4: {  	v37 =	vunpack.i.u.bf16.f32 v0;
	v0 =	vunpack.i.l.bf16.f32 v0;
	v2 =	vadd.bf16 v4, v2  }
0x2c5: {  	v38 =	vunpack.i.u.bf16.f32 v1;
	v1 =	vunpack.i.l.bf16.f32 v1;
	v3 =	vadd.bf16 v35, v3  }
0x2c6: {  	v0 =	vadd.f32 v0, v37;
	v1 =	vadd.f32 v1, v38;
	v39 =	vunpack.i.u.bf16.f32 v2  }
0x2c7: {  	v2 =	vunpack.i.l.bf16.f32 v2;
	v8 =	vunpack.i.u.bf16.f32 v3;
	v3 =	vunpack.i.l.bf16.f32 v3  }
0x2c8: {  	v47 =	vld [tilespmem:$0x1FFD0];
	v40 =	vperm.xlane v23, v63;
	v2 =	vadd.f32 v2, v39;
	v3 =	vadd.f32 v3, v8  }
0x2c9: {  	v41 =	vadd.f32 v36, v19;
	v42 =	vperm.xlane v0, v63;
	v43 =	vperm.xlane v1, v63  }
0x2ca: {  	v4 =	vadd.f32 v40, v23;
	v44 =	vperm.xlane v2, v63;
	v45 =	vperm.xlane v3, v63  }
0x2cb: {  	v10 =	vsel vm2, v10, v12;
	v0 =	vadd.f32 v42, v0;
	v1 =	vadd.f32 v43, v1  }
0x2cc: {  	v46 =	vsel vm2, v15, v17;
	v2 =	vadd.f32 v44, v2;
	v3 =	vadd.f32 v45, v3  }
0x2cd: {  	v56 =	vld [tilespmem:$0x1FFE0];
	v48 =	vperm.xlane v10, v47;
	v49 =	vperm.xlane v46, v47;
	v0 =	vsel vm2, v0, v1  }
0x2ce: {  	v4 =	vsel vm2, v41, v4;
	v53 =	vperm.xlane v0, v47;
	v50 =	vsel vm2, v2, v3  }
0x2cf: {  	v52 =	vadd.f32 v48, v10;
	v51 =	vperm.xlane v4, v47;
	v54 =	vperm.xlane v50, v47  }
0x2d0: {  	v9 =	vadd.f32 v49, v46;
	v0 =	vadd.f32 v53, v0  }
0x2d1: {  	v55 =	vsel vm0, v5, v6;
	v2 =	vadd.f32 v51, v4;
	v1 =	vadd.f32 v54, v50  }
0x2d2: {  	v5 =	vperm.xlane v55, v56;
	v3 =	vsel vm0, v7, v52  }
0x2d3: {  	v57 =	vperm.xlane v3, v56;
	v2 =	vsel vm0, v9, v2;
	v0 =	vsel vm0, v0, v1  }
0x2d4: {  	v60 =	vld [tilespmem:$0x1FFF0];
	v58 =	vperm.xlane v2, v56;
	v59 =	vperm.xlane v0, v56  }
0x2d5: {  	v4 =	vadd.f32 v5, v55;
	v1 =	vadd.f32 v57, v3  }
0x2d6: {  	v63 =	vld [tilespmem:$0x1FEE0];
	v2 =	vadd.f32 v58, v2;
	v0 =	vadd.f32 v59, v0;
	_ =	sdelay $0x1  }
0x2d7: {  	v1 =	vsel vm1, v4, v1;
	v0 =	vsel vm1, v2, v0  }
0x2d8: {  	p0 =	seq.s32 s25, $0x3D;
	v61 =	vperm.xlane v1, v60;
	v62 =	vperm.xlane v0, v60  }
.Ltmp2:
0x2d9: {  	_ = 	snop;
	(pc) =	sbr.rel @p0 .LBB2_8-.Ltmp2, $3  }
0x2da: {  	v1 =	vadd.f32 v61, v1;
	v0 =	vadd.f32 v62, v0;
	_ =	sdelay $0x1  }
0x2db: {  	s28 =	sshra.s32 s29, $0x2;
	v0 =	vsel vm3, v1, v0  }
0x2dc: {  	[tilespmem:v63+s28+$0x0 ss:$0x1] =	vst.idx.msk $0xffff, v0  }
.Ltmp3:
0x2dd: {  	(pc) =	sbr.rel .LBB2_2-.Ltmp3, $4  }
0x2de: {  	s28 =	sadd.s32 $0xF0, s26;
	s31 =	sadd.s32 $0x2800, s26  }
0x2df: {  	[tilespmem:s16], [sflag:$0x2] =	stream.indirect.gather [spmem:s1], $0x40, s28, s13, $0xb8;
	[tilespmem:$0x16170] =	vst v63  }
0x2e0: {  	s25 =	sadd.s32 $0x1, s25;
	s24 =	sadd.s32 $0xA0, s24;
	s23 =	sadd.s32 $0xA0, s23  }
0x2e1: {  	[tilespmem:s18], [sflag:$0x2] =	stream.indirect.gather [spmem:s1], $0x40, s31, s13, $0xb8;
	[tilespmem:$0x16170] =	vst v63  }
.LBB2_8:
0x2e2: {  	_ =	swait.ge [sflag:s19], $0x2800  }
0x2e3: {  	[sflag:s19] =	ssyncset.done $0x0  }
0x2e4: {  	s23 =	simm.s32 $0x6610;
	[sflag:s19] =	ssyncadd.s32 $0xFFFFD800  }
0x2e5: {  	v0 =	vld [tilespmem:s23+$0xFFFFFC40]  }
0x2e6: {  	v1 =	vld [tilespmem:s23+$0xFFFFE840]  }
0x2e7: {  	v2 =	vld [tilespmem:s23+$0xFFFFFC30]  }
0x2e8: {  	v3 =	vld [tilespmem:s23+$0xFFFFE830]  }
0x2e9: {  	v9 =	vld [tilespmem:s23+$0xFFFFFC20]  }
0x2ea: {  	v12 =	vld [tilespmem:s23+$0xFFFFE820]  }
0x2eb: {  	v22 =	vld [tilespmem:s23+$0xFFFFFC10]  }
0x2ec: {  	v26 =	vld [tilespmem:s23+$0xFFFFE810]  }
0x2ed: {  	v27 =	vld [tilespmem:s23+$0xFFFFFE40]  }
0x2ee: {  	v28 =	vld [tilespmem:s23+$0xFFFFEA40]  }
0x2ef: {  	v29 =	vld [tilespmem:s23+$0xFFFFFE30]  }
0x2f0: {  	v30 =	vld [tilespmem:s23+$0xFFFFEA30]  }
0x2f1: {  	v31 =	vld [tilespmem:s23+$0xFFFFFE20]  }
0x2f2: {  	v32 =	vld [tilespmem:s23+$0xFFFFEA20]  }
0x2f3: {  	v33 =	vld [tilespmem:s23+$0xFFFFFE10]  }
0x2f4: {  	v34 =	vld [tilespmem:s23+$0xFFFFEA10]  }
0x2f5: {  	v35 =	vld [tilespmem:s23+$0xFFFFFD40]  }
0x2f6: {  	v36 =	vld [tilespmem:s23+$0xFFFFE940]  }
0x2f7: {  	v37 =	vld [tilespmem:s23+$0xFFFFFD30]  }
0x2f8: {  	v38 =	vld [tilespmem:s23+$0xFFFFE930]  }
0x2f9: {  	v39 =	vld [tilespmem:s23+$0xFFFFFD20]  }
0x2fa: {  	v40 =	vld [tilespmem:s23+$0xFFFFE920]  }
0x2fb: {  	v41 =	vld [tilespmem:s23+$0xFFFFFD10]  }
0x2fc: {  	v42 =	vld [tilespmem:s23+$0xFFFFE910]  }
0x2fd: {  	v43 =	vld [tilespmem:s23+$0xFFFFFF40]  }
0x2fe: {  	v44 =	vld [tilespmem:s23+$0xFFFFEB40]  }
0x2ff: {  	v45 =	vld [tilespmem:s23+$0xFFFFFF30]  }
0x300: {  	v46 =	vld [tilespmem:s23+$0xFFFFEB30]  }
0x301: {  	v47 =	vld [tilespmem:s23+$0xFFFFFF20]  }
0x302: {  	v48 =	vld [tilespmem:s23+$0xFFFFEB20]  }
0x303: {  	v49 =	vld [tilespmem:s23+$0xFFFFFF10]  }
0x304: {  	v50 =	vld [tilespmem:s23+$0xFFFFEB10]  }
0x305: {  	v51 =	vld [tilespmem:s23+$0xFFFFFCC0]  }
0x306: {  	v52 =	vld [tilespmem:s23+$0xFFFFE8C0]  }
0x307: {  	v53 =	vld [tilespmem:s23+$0xFFFFFCB0]  }
0x308: {  	v54 =	vld [tilespmem:s23+$0xFFFFE8B0]  }
0x309: {  	v55 =	vld [tilespmem:s23+$0xFFFFFCA0]  }
0x30a: {  	v56 =	vld [tilespmem:s23+$0xFFFFE8A0]  }
0x30b: {  	v57 =	vld [tilespmem:s23+$0xFFFFFC90]  }
0x30c: {  	v58 =	vld [tilespmem:s23+$0xFFFFE890]  }
0x30d: {  	v59 =	vld [tilespmem:s23+$0xFFFFFEC0]  }
0x30e: {  	v60 =	vld [tilespmem:s23+$0xFFFFEAC0]  }
0x30f: {  	v61 =	vld [tilespmem:s23+$0xFFFFFEB0]  }
0x310: {  	v62 =	vld [tilespmem:s23+$0xFFFFEAB0]  }
0x311: {  	v63 =	vld [tilespmem:s23+$0xFFFFFEA0]  }
0x312: {  	v17 =	vld [tilespmem:s23+$0xFFFFEAA0]  }
0x313: {  	v5 =	vld [tilespmem:s23+$0xFFFFFE90]  }
0x314: {  	v4 =	vld [tilespmem:s23+$0xFFFFEA90]  }
0x315: {  	v11 =	vld [tilespmem:s23+$0xFFFFFDC0]  }
0x316: {  	v20 =	vld [tilespmem:s23+$0xFFFFE9C0]  }
0x317: {  	v7 =	vld [tilespmem:s23+$0xFFFFFDB0]  }
0x318: {  	v6 =	vld [tilespmem:s23+$0xFFFFE9B0]  }
0x319: {  	v10 =	vld [tilespmem:s23+$0xFFFFFDA0]  }
0x31a: {  	v18 =	vld [tilespmem:s23+$0xFFFFE9A0]  }
0x31b: {  	v23 =	vld [tilespmem:s23+$0xFFFFFD90]  }
0x31c: {  	v8 =	vld [tilespmem:s23+$0xFFFFE990]  }
0x31d: {  	v14 =	vld [tilespmem:s23+$0xFFFFFFC0]  }
0x31e: {  	v19 =	vld [tilespmem:s23+$0xFFFFEBC0]  }
0x31f: {  	v24 =	vld [tilespmem:s23+$0xFFFFFFB0]  }
0x320: {  	v13 =	vld [tilespmem:s23+$0xFFFFFFA0]  }
0x321: {  	v15 =	vld [tilespmem:s23+$0xFFFFEBA0]  }
0x322: {  	v16 =	vld [tilespmem:s23+$0xFFFFFC80]  }
0x323: {  	v21 =	vld [tilespmem:s23+$0xFFFFFF90]  }
0x324: {  	v25 =	vld [tilespmem:s23+$0xFFFFEB90]  }
0x325: {  	[tilespmem:$0x1FDA0] =	vst v10;
	v10 =	vld [tilespmem:s23+$0xFFFFEBB0]  }
0x326: {  	[tilespmem:$0x1FDB0] =	vst v13;
	v13 =	vld [tilespmem:s23+$0xFFFFE880]  }
0x327: {  	[tilespmem:$0x1FDD0] =	vst v16;
	v16 =	vld [tilespmem:s23+$0xFFFFE870]  }
0x328: {  	v3 =	vmul.bf16 v2, v3;
	v2 =	vld [tilespmem:s23+$0xFFFFFC50]  }
0x329: {  	v0 =	vmul.bf16 v0, v1;
	v1 =	vmul.bf16 v22, v26;
	v26 =	vld [tilespmem:s23+$0xFFFFE850]  }
0x32a: {  	v22 =	vmul.bf16 v9, v12;
	v9 =	vld [tilespmem:s23+$0xFFFFFE80]  }
0x32b: {  	v12 =	vld [tilespmem:s23+$0xFFFFEA80]  }
0x32c: {  	v28 =	vmul.bf16 v27, v28;
	v27 =	vld [tilespmem:s23+$0xFFFFFE70]  }
0x32d: {  	v29 =	vmul.bf16 v29, v30;
	v31 =	vmul.bf16 v31, v32;
	v32 =	vld [tilespmem:s23+$0xFFFFEA50]  }
0x32e: {  	v30 =	vmul.bf16 v33, v34;
	v33 =	vmul.bf16 v35, v36;
	v36 =	vld [tilespmem:s23+$0xFFFFE980]  }
0x32f: {  	v41 =	vmul.bf16 v41, v42;
	v42 =	vmul.bf16 v39, v40;
	v40 =	vld [tilespmem:s23+$0xFFFFE970]  }
0x330: {  	v45 =	vmul.bf16 v45, v46;
	v46 =	vmul.bf16 v43, v44;
	v44 =	vld [tilespmem:s23+$0xFFFFE960]  }
0x331: {  	v39 =	vld [tilespmem:s23+$0xFFFFFF80]  }
0x332: {  	v4 =	vmul.bf16 v5, v4;
	v5 =	vmul.bf16 v63, v17;
	v63 =	vld [tilespmem:$0x1FFC0]  }
0x333: {  	v49 =	vmul.bf16 v49, v50;
	v50 =	vmul.bf16 v47, v48;
	v47 =	vld [tilespmem:s23+$0xFFFFEB70]  }
0x334: {  	v43 =	vld [tilespmem:s23+$0xFFFFFF60]  }
0x335: {  	v14 =	vmul.bf16 v14, v19;
	v19 =	vld [tilespmem:s23+$0xFFFFE9F0]  }
0x336: {  	v0 =	vadd.bf16 v0, v3;
	v3 =	vadd.bf16 v31, v30;
	v30 =	vld [tilespmem:s23+$0xFFFFEA70]  }
0x337: {  	v1 =	vadd.bf16 v22, v1;
	v22 =	vadd.bf16 v28, v29;
	v28 =	vld [tilespmem:s23+$0xFFFFEA60]  }
0x338: {  	v29 =	vld [tilespmem:s23+$0xFFFFFE50]  }
0x339: {  	v53 =	vmul.bf16 v53, v54;
	v54 =	vmul.bf16 v51, v52;
	v34 =	vadd.bf16 v42, v41;
	v42 =	vld [tilespmem:s23+$0xFFFFFD60]  }
0x33a: {  	v7 =	vmul.bf16 v7, v6;
	v11 =	vmul.bf16 v11, v20;
	v41 =	vld [tilespmem:s23+$0xFFFFEB80]  }
0x33b: {  	v48 =	vmul.bf16 v57, v58;
	v35 =	vadd.bf16 v50, v49;
	v50 =	vmul.bf16 v61, v62;
	v62 =	vld [tilespmem:s23+$0xFFFFFCF0]  }
0x33c: {  	v31 =	vmul.bf16 v37, v38;
	v7 =	vadd.bf16 v11, v7;
	v11 =	vmul.bf16 v21, v25;
	v21 =	vld [tilespmem:s23+$0xFFFFE9E0]  }
0x33d: {  	v49 =	vmul.bf16 v55, v56;
	v37 =	vadd.bf16 v54, v53;
	v0 =	vadd.bf16 v0, v1;
	v1 =	vld [tilespmem:s23+$0xFFFFFE60]  }
0x33e: {  	v51 =	vmul.bf16 v59, v60;
	v31 =	vadd.bf16 v33, v31;
	v33 =	vadd.bf16 v46, v45;
	v46 =	vld [tilespmem:s23+$0xFFFFFD50]  }
0x33f: {  	v4 =	vadd.bf16 v5, v4;
	v17 =	vadd.bf16 v49, v48;
	v48 =	vld [tilespmem:s23+$0xFFFFEB60]  }
0x340: {  	v5 =	vadd.bf16 v51, v50;
	v45 =	vld [tilespmem:s23+$0xFFFFFF50];
	v31 =	vadd.bf16 v31, v34  }
0x341: {  	[tilespmem:$0x1FDE0] =	vst v13;
	v13 =	vld [tilespmem:s23+$0xFFFFFC70];
	v12 =	vmul.bf16 v9, v12;
	v33 =	vadd.bf16 v33, v35  }
0x342: {  	v50 =	vld [tilespmem:s23+$0xFFFFEB50];
	v17 =	vadd.bf16 v37, v17;
	v4 =	vadd.bf16 v5, v4;
	v53 =	vunpack.i.u.bf16.f32 v31  }
0x343: {  	v49 =	vld [tilespmem:s23+$0xFFFFFCE0];
	v31 =	vunpack.i.l.bf16.f32 v31;
	v54 =	vunpack.i.u.bf16.f32 v33;
	v33 =	vunpack.i.l.bf16.f32 v33  }
0x344: {  	v51 =	vld [tilespmem:s23+$0xFFFFE8D0];
	v55 =	vunpack.i.u.bf16.f32 v17;
	v5 =	vadd.f32 v31, v53;
	v31 =	vadd.f32 v33, v54  }
0x345: {  	v9 =	vld [tilespmem:s23+$0xFFFFFED0];
	v17 =	vunpack.i.l.bf16.f32 v17;
	v56 =	vunpack.i.u.bf16.f32 v4;
	v4 =	vunpack.i.l.bf16.f32 v4  }
0x346: {  	v17 =	vadd.f32 v17, v55;
	v4 =	vadd.f32 v4, v56;
	[tilespmem:$0x1FDC0] =	vst v13;
	v13 =	vld [tilespmem:s23+$0xFFFFFC60];
	v59 =	vperm.xlane v31, v63  }
0x347: {  	v10 =	vmul.bf16 v24, v10;
	v24 =	vld [tilespmem:s23+$0xFFFFE9D0];
	v58 =	vperm.xlane v5, v63  }
0x348: {  	v60 =	vperm.xlane v17, v63;
	v61 =	vperm.xlane v4, v63;
	v31 =	vadd.f32 v59, v31;
	v59 =	vld [tilespmem:$0x1FFD0]  }
0x349: {  	v3 =	vadd.bf16 v22, v3;
	v35 =	vld [tilespmem:s23+$0xFFFFE950];
	v5 =	vadd.f32 v58, v5  }
0x34a: {  	v37 =	vld [tilespmem:s23+$0xFFFFFF70];
	v17 =	vadd.f32 v60, v17;
	v4 =	vadd.f32 v61, v4  }
0x34b: {  	v22 =	vunpack.i.u.bf16.f32 v0;
	v0 =	vunpack.i.l.bf16.f32 v0;
	v38 =	vunpack.i.u.bf16.f32 v3;
	[tilespmem:$0x1FDF0] =	vst v13;
	v13 =	vld [tilespmem:s23+$0xFFFFE860]  }
0x34c: {  	v3 =	vunpack.i.l.bf16.f32 v3;
	v34 =	vld [tilespmem:s23+$0xFFFFE900];
	v5 =	vsel vm2, v5, v31;
	v17 =	vsel vm2, v17, v4  }
0x34d: {  	v0 =	vadd.f32 v0, v22;
	v22 =	vld [tilespmem:s23+$0xFFFFFD80];
	v6 =	vperm.xlane v5, v59;
	v20 =	vperm.xlane v17, v59  }
0x34e: {  	v3 =	vadd.f32 v3, v38;
	v38 =	vld [tilespmem:s23+$0xFFFFFD70]  }
0x34f: {  	v5 =	vadd.f32 v6, v5;
	v6 =	vadd.f32 v20, v17;
	v17 =	vld [tilespmem:$0x1FDB0]  }
0x350: {  	[tilespmem:$0x1FE00] =	vst v13;
	v13 =	vld [tilespmem:$0x1FDA0]  }
0x351: {  	v10 =	vadd.bf16 v14, v10;
	v14 =	vld [tilespmem:$0x1FDD0];
	v52 =	vperm.xlane v0, v63;
	v57 =	vperm.xlane v3, v63  }
0x352: {  	v53 =	vld [tilespmem:s23+$0xFFFFFF00]  }
0x353: {  	v54 =	vld [tilespmem:s23+$0xFFFFEB00];
	v0 =	vadd.f32 v52, v0;
	v3 =	vadd.f32 v57, v3  }
0x354: {  	v52 =	vld [tilespmem:s23+$0xFFFFFD00];
	v15 =	vmul.bf16 v17, v15  }
0x355: {  	v8 =	vmul.bf16 v23, v8;
	v0 =	vsel vm2, v0, v3;
	v3 =	vld [tilespmem:s23+$0xFFFFE8F0];
	v13 =	vmul.bf16 v13, v18  }
0x356: {  	v11 =	vadd.bf16 v15, v11;
	v15 =	vld [tilespmem:$0x1FDE0]  }
0x357: {  	v2 =	vmul.bf16 v2, v26;
	v8 =	vadd.bf16 v13, v8;
	v13 =	vld [tilespmem:$0x1FDC0]  }
0x358: {  	v26 =	vmul.bf16 v39, v41;
	v55 =	vld [tilespmem:s23+$0xFFFFFEF0];
	v31 =	vperm.xlane v0, v59  }
0x359: {  	v56 =	vld [tilespmem:s23+$0xFFFFEAF0];
	v1 =	vmul.bf16 v1, v28;
	v28 =	vmul.bf16 v43, v48  }
0x35a: {  	v25 =	vmul.bf16 v37, v47;
	v60 =	vmul.bf16 v62, v3;
	v4 =	vadd.f32 v31, v0;
	v31 =	vld [tilespmem:s23+$0xFFFFFCD0]  }
0x35b: {  	v62 =	vmul.bf16 v52, v34;
	v14 =	vmul.bf16 v14, v15;
	v15 =	vadd.bf16 v7, v8;
	v7 =	vld [tilespmem:$0x1FDF0]  }
0x35c: {  	v37 =	vmul.bf16 v53, v54;
	v13 =	vmul.bf16 v13, v16;
	v8 =	vld [tilespmem:$0x1FE00]  }
0x35d: {  	v0 =	vld [tilespmem:s23+$0xFFFFE8E0];
	v20 =	vmul.bf16 v46, v35;
	v33 =	vadd.bf16 v62, v60;
	v10 =	vadd.bf16 v10, v11  }
0x35e: {  	v17 =	vld [tilespmem:s23+$0xFFFFFDF0];
	v11 =	vadd.bf16 v14, v13;
	v13 =	vmul.bf16 v29, v32;
	v14 =	vmul.bf16 v27, v30  }
0x35f: {  	v34 =	vmul.bf16 v31, v51;
	v31 =	vld [tilespmem:s23+$0xFFFFFFD0];
	v16 =	vunpack.i.u.bf16.f32 v15;
	v15 =	vunpack.i.l.bf16.f32 v15  }
0x360: {  	v27 =	vmul.bf16 v45, v50;
	v29 =	vld [tilespmem:s23+$0xFFFFEBF0];
	v1 =	vadd.bf16 v1, v13;
	v14 =	vadd.bf16 v12, v14  }
0x361: {  	v30 =	vld [tilespmem:s23+$0xFFFFEBE0];
	v13 =	vunpack.i.u.bf16.f32 v10;
	v10 =	vunpack.i.l.bf16.f32 v10;
	v8 =	vmul.bf16 v7, v8  }
0x362: {  	v32 =	vld [tilespmem:s23+$0xFFFFEBD0];
	v1 =	vadd.bf16 v14, v1;
	v14 =	vmul.bf16 v22, v36;
	v22 =	vmul.bf16 v42, v44  }
0x363: {  	v16 =	vadd.f32 v15, v16;
	v15 =	vld [tilespmem:s23+$0xFFFFEA00];
	v13 =	vadd.f32 v10, v13;
	v10 =	vmul.bf16 v38, v40  }
0x364: {  	v12 =	vld [tilespmem:s23+$0xFFFFFE00];
	v2 =	vadd.bf16 v8, v2;
	v23 =	vunpack.i.u.bf16.f32 v1;
	v20 =	vadd.bf16 v22, v20  }
0x365: {  	v7 =	vld [tilespmem:s23+$0xFFFFFEE0];
	v1 =	vunpack.i.l.bf16.f32 v1;
	v10 =	vadd.bf16 v14, v10;
	v22 =	vadd.bf16 v28, v27  }
0x366: {  	v8 =	vld [tilespmem:s23+$0xFFFFEAE0];
	v14 =	vperm.xlane v16, v63;
	v27 =	vadd.bf16 v26, v25;
	v2 =	vadd.bf16 v11, v2  }
0x367: {  	v25 =	vld [tilespmem:s23+$0x0];
	v28 =	vperm.xlane v13, v63;
	v1 =	vadd.f32 v1, v23;
	v20 =	vadd.bf16 v10, v20  }
0x368: {  	v26 =	vld [tilespmem:s23+$0xFFFFEC00];
	v10 =	vadd.f32 v14, v16;
	v18 =	vunpack.i.u.bf16.f32 v2;
	v2 =	vunpack.i.l.bf16.f32 v2  }
0x369: {  	v35 =	vmul.bf16 v49, v0;
	v11 =	vld [tilespmem:s23+$0xFFFFEAD0];
	v22 =	vadd.bf16 v27, v22;
	v2 =	vadd.f32 v2, v18  }
0x36a: {  	v23 =	vld [tilespmem:s23+$0xFFFFFDD0];
	v13 =	vadd.f32 v28, v13;
	v16 =	vperm.xlane v1, v63;
	v28 =	vunpack.i.u.bf16.f32 v20  }
0x36b: {  	v18 =	vld [tilespmem:s23+$0xFFFFFDE0];
	v20 =	vunpack.i.l.bf16.f32 v20;
	v61 =	vunpack.i.u.bf16.f32 v22;
	v14 =	vperm.xlane v2, v63  }
0x36c: {  	v27 =	vld [tilespmem:s23+$0xFFFFFFF0];
	v3 =	vunpack.i.l.bf16.f32 v22;
	v20 =	vadd.f32 v20, v28;
	v16 =	vadd.f32 v16, v1  }
0x36d: {  	s24 =	simm.s32 $0x0;
	s25 =	simm.s32 $0x40;
	v36 =	vmul.bf16 v55, v56;
	v28 =	vld [tilespmem:s23+$0xFFFFFFE0];
	v22 =	vadd.f32 v3, v61;
	v14 =	vadd.f32 v14, v2  }
.LBB2_9:
0x36e: {  	v1 =	vmul.bf16 v9, v11;
	v2 =	vmul.bf16 v7, v8  }
0x36f: {  	v7 =	vmul.bf16 v17, v19;
	v8 =	vmul.bf16 v12, v15  }
0x370: {  	v52 =	vmul.bf16 v23, v24;
	v9 =	vmul.bf16 v18, v21  }
0x371: {  	v3 =	vadd.bf16 v37, v36;
	v11 =	vmul.bf16 v27, v29;
	v1 =	vadd.bf16 v2, v1  }
0x372: {  	v12 =	vmul.bf16 v25, v26;
	v2 =	vadd.bf16 v9, v52;
	v7 =	vadd.bf16 v8, v7  }
0x373: {  	v0 =	vadd.bf16 v35, v34;
	v1 =	vadd.bf16 v3, v1  }
0x374: {  	v15 =	vmul.bf16 v28, v30;
	v8 =	vadd.bf16 v12, v11;
	v2 =	vadd.bf16 v7, v2  }
0x375: {  	v3 =	vmul.bf16 v31, v32;
	v7 =	vunpack.i.u.bf16.f32 v1;
	v1 =	vunpack.i.l.bf16.f32 v1  }
0x376: {  	v1 =	vadd.f32 v1, v7;
	v7 =	vunpack.i.u.bf16.f32 v2;
	v2 =	vunpack.i.l.bf16.f32 v2  }
0x377: {  	v3 =	vadd.bf16 v15, v3;
	v2 =	vadd.f32 v2, v7  }
0x378: {  	v0 =	vadd.bf16 v33, v0  }
0x379: {  	v9 =	vperm.xlane v20, v63;
	v3 =	vadd.bf16 v8, v3;
	v12 =	vperm.xlane v2, v63  }
0x37a: {  	v11 =	vunpack.i.u.bf16.f32 v0;
	v0 =	vunpack.i.l.bf16.f32 v0;
	v7 =	vperm.xlane v22, v63  }
0x37b: {  	v8 =	vunpack.i.u.bf16.f32 v3;
	v3 =	vunpack.i.l.bf16.f32 v3;
	v2 =	vadd.f32 v12, v2;
	v12 =	vld [tilespmem:$0x1FFD0]  }
0x37c: {  	v0 =	vadd.f32 v0, v11;
	v3 =	vadd.f32 v3, v8  }
0x37d: {  	v7 =	vadd.f32 v7, v22;
	v8 =	vadd.f32 v9, v20  }
0x37e: {  	v15 =	vperm.xlane v3, v63  }
0x37f: {  	v11 =	vperm.xlane v1, v63;
	v9 =	vperm.xlane v0, v63;
	v7 =	vsel vm2, v8, v7  }
0x380: {  	v10 =	vsel vm2, v10, v13;
	v3 =	vadd.f32 v15, v3;
	v54 =	vperm.xlane v7, v12  }
0x381: {  	v1 =	vadd.f32 v11, v1;
	v0 =	vadd.f32 v9, v0;
	v9 =	vsel vm2, v14, v16  }
0x382: {  	v8 =	vperm.xlane v10, v12;
	v53 =	vsel vm2, v2, v3;
	v2 =	vadd.f32 v54, v7;
	v7 =	vld [tilespmem:$0x1FFE0]  }
0x383: {  	v0 =	vsel vm2, v0, v1;
	v11 =	vperm.xlane v9, v12  }
0x384: {  	v3 =	vadd.f32 v8, v10;
	v8 =	vperm.xlane v0, v12;
	v10 =	vperm.xlane v53, v12  }
0x385: {  	v9 =	vadd.f32 v11, v9  }
0x386: {  	v0 =	vadd.f32 v8, v0;
	v1 =	vadd.f32 v10, v53;
	v3 =	vsel vm0, v6, v3  }
0x387: {  	v4 =	vsel vm0, v4, v5;
	v55 =	vperm.xlane v3, v7  }
0x388: {  	v2 =	vsel vm0, v9, v2;
	v0 =	vsel vm0, v0, v1;
	v5 =	vperm.xlane v4, v7  }
0x389: {  	v6 =	vperm.xlane v2, v7;
	v7 =	vperm.xlane v0, v7;
	v1 =	vadd.f32 v55, v3;
	v3 =	vld [tilespmem:$0x1FFF0]  }
0x38a: {  	v4 =	vadd.f32 v5, v4  }
0x38b: {  	v2 =	vadd.f32 v6, v2;
	v0 =	vadd.f32 v7, v0;
	_ =	sdelay $0x1  }
0x38c: {  	v1 =	vsel vm1, v4, v1;
	v0 =	vsel vm1, v2, v0  }
0x38d: {  	v56 =	vperm.xlane v1, v3;
	v3 =	vperm.xlane v0, v3;
	_ =	sdelay $0x1  }
0x38e: {  	v1 =	vadd.f32 v56, v1;
	v0 =	vadd.f32 v3, v0;
	_ =	sdelay $0x1  }
0x38f: {  	s26 =	sshra.s32 s24, $0x2;
	v0 =	vsel vm3, v1, v0  }
0x390: {  	s23 =	sadd.s32 $0x400, s23;
	[tilespmem:s26+$0xC4E0] =	vst v0  }
0x391: {  	v23 =	vld [tilespmem:s23+$0xFFFFFC40]  }
0x392: {  	v26 =	vld [tilespmem:s23+$0xFFFFE840]  }
0x393: {  	v29 =	vld [tilespmem:s23+$0xFFFFFC30]  }
0x394: {  	v32 =	vld [tilespmem:s23+$0xFFFFE830]  }
0x395: {  	v27 =	vld [tilespmem:s23+$0xFFFFFC20]  }
0x396: {  	v30 =	vld [tilespmem:s23+$0xFFFFE820]  }
0x397: {  	v34 =	vld [tilespmem:s23+$0xFFFFFC10]  }
0x398: {  	v8 =	vld [tilespmem:s23+$0xFFFFE810]  }
0x399: {  	v33 =	vld [tilespmem:s23+$0xFFFFFE40]  }
0x39a: {  	v35 =	vld [tilespmem:s23+$0xFFFFEA40]  }
0x39b: {  	v6 =	vld [tilespmem:s23+$0xFFFFFE30]  }
0x39c: {  	v4 =	vld [tilespmem:s23+$0xFFFFEA30]  }
0x39d: {  	v7 =	vld [tilespmem:s23+$0xFFFFFE20]  }
0x39e: {  	v37 =	vld [tilespmem:s23+$0xFFFFEA20]  }
0x39f: {  	v56 =	vld [tilespmem:s23+$0xFFFFFE10]  }
0x3a0: {  	v57 =	vld [tilespmem:s23+$0xFFFFEA10]  }
0x3a1: {  	v28 =	vld [tilespmem:s23+$0xFFFFFD40]  }
0x3a2: {  	v31 =	vld [tilespmem:s23+$0xFFFFE940]  }
0x3a3: {  	v39 =	vld [tilespmem:s23+$0xFFFFFD30]  }
0x3a4: {  	v40 =	vld [tilespmem:s23+$0xFFFFE930]  }
0x3a5: {  	v36 =	vld [tilespmem:s23+$0xFFFFFD20]  }
0x3a6: {  	v38 =	vld [tilespmem:s23+$0xFFFFE920]  }
0x3a7: {  	v42 =	vld [tilespmem:s23+$0xFFFFFD10]  }
0x3a8: {  	v45 =	vld [tilespmem:s23+$0xFFFFE910]  }
0x3a9: {  	v41 =	vld [tilespmem:s23+$0xFFFFFF40]  }
0x3aa: {  	v43 =	vld [tilespmem:s23+$0xFFFFEB40]  }
0x3ab: {  	v47 =	vld [tilespmem:s23+$0xFFFFFF30]  }
0x3ac: {  	v49 =	vld [tilespmem:s23+$0xFFFFEB30]  }
0x3ad: {  	v44 =	vld [tilespmem:s23+$0xFFFFFF20]  }
0x3ae: {  	v46 =	vld [tilespmem:s23+$0xFFFFEB20]  }
0x3af: {  	v50 =	vld [tilespmem:s23+$0xFFFFFF10]  }
0x3b0: {  	v53 =	vld [tilespmem:s23+$0xFFFFEB10]  }
0x3b1: {  	v48 =	vld [tilespmem:s23+$0xFFFFFCC0]  }
0x3b2: {  	v51 =	vld [tilespmem:s23+$0xFFFFE8C0]  }
0x3b3: {  	v55 =	vld [tilespmem:s23+$0xFFFFFCB0]  }
0x3b4: {  	v58 =	vld [tilespmem:s23+$0xFFFFE8B0]  }
0x3b5: {  	v52 =	vld [tilespmem:s23+$0xFFFFFCA0]  }
0x3b6: {  	v54 =	vld [tilespmem:s23+$0xFFFFE8A0]  }
0x3b7: {  	v59 =	vld [tilespmem:s23+$0xFFFFFC90]  }
0x3b8: {  	v60 =	vld [tilespmem:s23+$0xFFFFE890]  }
0x3b9: {  	v61 =	vld [tilespmem:s23+$0xFFFFFEC0]  }
0x3ba: {  	v62 =	vld [tilespmem:s23+$0xFFFFEAC0]  }
0x3bb: {  	v63 =	vld [tilespmem:s23+$0xFFFFFEB0]  }
0x3bc: {  	v2 =	vld [tilespmem:s23+$0xFFFFEAB0]  }
0x3bd: {  	v5 =	vld [tilespmem:s23+$0xFFFFFEA0]  }
0x3be: {  	v3 =	vld [tilespmem:s23+$0xFFFFEAA0]  }
0x3bf: {  	v1 =	vld [tilespmem:s23+$0xFFFFFE90]  }
0x3c0: {  	v0 =	vld [tilespmem:s23+$0xFFFFEA90]  }
0x3c1: {  	v9 =	vld [tilespmem:s23+$0xFFFFFDC0]  }
0x3c2: {  	v10 =	vld [tilespmem:s23+$0xFFFFE9B0]  }
0x3c3: {  	v16 =	vld [tilespmem:s23+$0xFFFFE990]  }
0x3c4: {  	v11 =	vld [tilespmem:s23+$0xFFFFFFC0]  }
0x3c5: {  	v14 =	vld [tilespmem:s23+$0xFFFFEBC0]  }
0x3c6: {  	v19 =	vld [tilespmem:s23+$0xFFFFFFB0]  }
0x3c7: {  	v22 =	vld [tilespmem:s23+$0xFFFFEBB0]  }
0x3c8: {  	v13 =	vld [tilespmem:s23+$0xFFFFFFA0]  }
0x3c9: {  	v17 =	vld [tilespmem:s23+$0xFFFFEBA0]  }
0x3ca: {  	v21 =	vld [tilespmem:s23+$0xFFFFFF90]  }
0x3cb: {  	v25 =	vld [tilespmem:s23+$0xFFFFEB90]  }
0x3cc: {  	v15 =	vld [tilespmem:s23+$0xFFFFE880]  }
0x3cd: {  	v20 =	vld [tilespmem:s23+$0xFFFFFC70]  }
0x3ce: {  	v24 =	vld [tilespmem:s23+$0xFFFFE870]  }
0x3cf: {  	v18 =	vld [tilespmem:s23+$0xFFFFFC60]  }
0x3d0: {  	[tilespmem:$0x1FD50] =	vst v9;
	v9 =	vld [tilespmem:s23+$0xFFFFE9C0]  }
0x3d1: {  	[tilespmem:$0x1FD90] =	vst v11;
	v11 =	vld [tilespmem:s23+$0xFFFFFC80]  }
0x3d2: {  	v29 =	vmul.bf16 v29, v32;
	v32 =	vmul.bf16 v23, v26;
	v23 =	vld [tilespmem:s23+$0xFFFFE860]  }
0x3d3: {  	v8 =	vmul.bf16 v34, v8;
	v34 =	vmul.bf16 v27, v30;
	v27 =	vld [tilespmem:s23+$0xFFFFFC50]  }
0x3d4: {  	v30 =	vld [tilespmem:s23+$0xFFFFE850]  }
0x3d5: {  	v26 =	vld [tilespmem:s23+$0xFFFFFE80]  }
0x3d6: {  	v4 =	vmul.bf16 v6, v4;
	v6 =	vmul.bf16 v33, v35;
	v33 =	vld [tilespmem:s23+$0xFFFFFE70]  }
0x3d7: {  	v35 =	vld [tilespmem:s23+$0xFFFFEA60]  }
0x3d8: {  	v7 =	vmul.bf16 v7, v37;
	v37 =	vld [tilespmem:s23+$0xFFFFFE50]  }
0x3d9: {  	v31 =	vmul.bf16 v28, v31;
	v28 =	vld [tilespmem:s23+$0xFFFFFD80]  }
0x3da: {  	v36 =	vmul.bf16 v36, v38;
	v38 =	vld [tilespmem:s23+$0xFFFFFD60]  }
0x3db: {  	v57 =	vmul.bf16 v56, v57;
	v2 =	vmul.bf16 v63, v2;
	v63 =	vld [tilespmem:$0x1FFC0]  }
0x3dc: {  	v47 =	vmul.bf16 v47, v49;
	v56 =	vmul.bf16 v41, v43;
	v41 =	vld [tilespmem:s23+$0xFFFFE960]  }
0x3dd: {  	v49 =	vmul.bf16 v44, v46;
	v44 =	vld [tilespmem:s23+$0xFFFFFF80];
	v8 =	vadd.bf16 v34, v8;
	v32 =	vadd.bf16 v32, v29  }
0x3de: {  	v0 =	vmul.bf16 v1, v0;
	v1 =	vld [tilespmem:s23+$0xFFFFFF70];
	v7 =	vadd.bf16 v7, v57;
	v4 =	vadd.bf16 v6, v4  }
0x3df: {  	v51 =	vmul.bf16 v48, v51;
	v46 =	vld [tilespmem:s23+$0xFFFFE900];
	v6 =	vadd.bf16 v32, v8  }
0x3e0: {  	v48 =	vld [tilespmem:s23+$0xFFFFFCF0];
	v57 =	vmul.bf16 v50, v53;
	v43 =	vadd.bf16 v56, v47;
	v4 =	vadd.bf16 v4, v7  }
0x3e1: {  	v29 =	vld [tilespmem:s23+$0xFFFFEA80];
	v50 =	vmul.bf16 v55, v58;
	v7 =	vunpack.i.u.bf16.f32 v6;
	v6 =	vunpack.i.l.bf16.f32 v6  }
0x3e2: {  	v34 =	vld [tilespmem:s23+$0xFFFFEA70];
	v6 =	vadd.f32 v6, v7;
	v7 =	vunpack.i.u.bf16.f32 v4;
	v4 =	vunpack.i.l.bf16.f32 v4  }
0x3e3: {  	v47 =	vld [tilespmem:s23+$0xFFFFEB80];
	v8 =	vmul.bf16 v39, v40;
	v4 =	vadd.f32 v4, v7;
	v7 =	vmul.bf16 v42, v45  }
0x3e4: {  	v53 =	vmul.bf16 v59, v60;
	v55 =	vmul.bf16 v52, v54;
	[tilespmem:$0x1FD60] =	vst v9;
	v9 =	vld [tilespmem:s23+$0xFFFFFDB0]  }
0x3e5: {  	v52 =	vld [tilespmem:s23+$0xFFFFFF50];
	v8 =	vadd.bf16 v31, v8;
	v7 =	vadd.bf16 v36, v7  }
0x3e6: {  	v56 =	vmul.bf16 v5, v3;
	v54 =	vld [tilespmem:s23+$0xFFFFE8F0];
	v3 =	vadd.bf16 v55, v53;
	v5 =	vadd.bf16 v51, v50  }
0x3e7: {  	v32 =	vld [tilespmem:s23+$0xFFFFFE60];
	v7 =	vadd.bf16 v8, v7;
	v8 =	vmul.bf16 v61, v62  }
0x3e8: {  	v40 =	vld [tilespmem:s23+$0xFFFFEA50];
	v3 =	vadd.bf16 v5, v3;
	v42 =	vadd.bf16 v49, v57  }
0x3e9: {  	[tilespmem:$0x1FD40] =	vst v9;
	v9 =	vld [tilespmem:s23+$0xFFFFFDA0];
	v57 =	vadd.bf16 v8, v2;
	v8 =	vunpack.i.u.bf16.f32 v7;
	v7 =	vunpack.i.l.bf16.f32 v7  }
0x3ea: {  	v39 =	vld [tilespmem:s23+$0xFFFFE970];
	v7 =	vadd.f32 v7, v8;
	v8 =	vunpack.i.u.bf16.f32 v3;
	v3 =	vunpack.i.l.bf16.f32 v3  }
0x3eb: {  	v50 =	vld [tilespmem:s23+$0xFFFFFF60];
	v58 =	vperm.xlane v6, v63;
	v3 =	vadd.f32 v3, v8;
	v8 =	vperm.xlane v4, v63  }
0x3ec: {  	v0 =	vadd.bf16 v56, v0;
	v51 =	vld [tilespmem:s23+$0xFFFFEB60]  }
0x3ed: {  	v53 =	vld [tilespmem:s23+$0xFFFFEB50];
	v2 =	vadd.f32 v58, v6;
	v4 =	vadd.f32 v8, v4  }
0x3ee: {  	v43 =	vadd.bf16 v43, v42;
	[tilespmem:$0x1FD70] =	vst v9;
	v9 =	vld [tilespmem:s23+$0xFFFFE9A0]  }
0x3ef: {  	v0 =	vadd.bf16 v57, v0;
	v2 =	vsel vm2, v2, v4;
	v4 =	vld [tilespmem:$0x1FD40]  }
0x3f0: {  	v55 =	vld [tilespmem:s23+$0xFFFFFCE0];
	v5 =	vunpack.i.u.bf16.f32 v43;
	v43 =	vunpack.i.l.bf16.f32 v43  }
0x3f1: {  	v56 =	vld [tilespmem:s23+$0xFFFFE8E0];
	v5 =	vadd.f32 v43, v5;
	v59 =	vunpack.i.u.bf16.f32 v0;
	v0 =	vunpack.i.l.bf16.f32 v0  }
0x3f2: {  	v31 =	vld [tilespmem:s23+$0xFFFFE980];
	v8 =	vperm.xlane v3, v63;
	v0 =	vadd.f32 v0, v59  }
0x3f3: {  	v60 =	vperm.xlane v5, v63;
	v6 =	vperm.xlane v7, v63;
	[tilespmem:$0x1FD80] =	vst v9;
	v9 =	vld [tilespmem:s23+$0xFFFFFD90]  }
0x3f4: {  	v3 =	vadd.f32 v8, v3;
	v61 =	vperm.xlane v0, v63;
	v8 =	vmul.bf16 v4, v10;
	v4 =	vld [tilespmem:$0x1FD50]  }
0x3f5: {  	v5 =	vadd.f32 v60, v5;
	v10 =	vld [tilespmem:$0x1FD60]  }
0x3f6: {  	v45 =	vld [tilespmem:s23+$0xFFFFE950];
	v6 =	vadd.f32 v6, v7;
	v0 =	vadd.f32 v61, v0  }
0x3f7: {  	v49 =	vld [tilespmem:s23+$0xFFFFEB70]  }
0x3f8: {  	v36 =	vld [tilespmem:s23+$0xFFFFFD70];
	v5 =	vsel vm2, v6, v5;
	v0 =	vsel vm2, v3, v0;
	v3 =	vperm.xlane v2, v12  }
0x3f9: {  	v6 =	vperm.xlane v5, v12;
	v62 =	vmul.bf16 v9, v16;
	v9 =	vld [tilespmem:$0x1FD80]  }
0x3fa: {  	v10 =	vmul.bf16 v4, v10;
	v4 =	vadd.f32 v3, v2;
	v3 =	vld [tilespmem:$0x1FD70]  }
0x3fb: {  	v5 =	vadd.f32 v6, v5;
	v6 =	vld [tilespmem:$0x1FD90]  }
0x3fc: {  	v42 =	vld [tilespmem:s23+$0xFFFFFD50]  }
0x3fd: {  	v54 =	vmul.bf16 v48, v54;
	v1 =	vmul.bf16 v1, v49;
	v60 =	vld [tilespmem:s23+$0xFFFFEB00]  }
0x3fe: {  	v59 =	vld [tilespmem:s23+$0xFFFFFF00];
	v7 =	vperm.xlane v0, v12;
	v12 =	vmul.bf16 v19, v22  }
0x3ff: {  	v43 =	vld [tilespmem:s23+$0xFFFFFD00];
	v22 =	vmul.bf16 v38, v41;
	v3 =	vmul.bf16 v3, v9  }
0x400: {  	v58 =	vld [tilespmem:s23+$0xFFFFE8D0];
	v9 =	vmul.bf16 v6, v14;
	v6 =	vadd.f32 v7, v0;
	v7 =	vmul.bf16 v21, v25  }
0x401: {  	v57 =	vld [tilespmem:s23+$0xFFFFFCD0];
	v0 =	vadd.bf16 v10, v8;
	v8 =	vmul.bf16 v13, v17;
	v10 =	vmul.bf16 v18, v23  }
0x402: {  	v61 =	vld [tilespmem:s23+$0xFFFFFEF0];
	v14 =	vmul.bf16 v37, v40;
	v25 =	vmul.bf16 v44, v47  }
0x403: {  	v19 =	vld [tilespmem:s23+$0xFFFFE9F0];
	v37 =	vmul.bf16 v59, v60;
	v2 =	vadd.bf16 v3, v62;
	v3 =	vadd.bf16 v9, v12  }
0x404: {  	v17 =	vld [tilespmem:s23+$0xFFFFFDF0];
	v7 =	vadd.bf16 v8, v7;
	v8 =	vmul.bf16 v20, v24;
	v9 =	vmul.bf16 v11, v15  }
0x405: {  	v18 =	vld [tilespmem:s23+$0xFFFFFDE0];
	v12 =	vmul.bf16 v26, v29;
	v15 =	vmul.bf16 v32, v35  }
0x406: {  	v21 =	vld [tilespmem:s23+$0xFFFFE9E0];
	v20 =	vmul.bf16 v42, v45;
	v26 =	vmul.bf16 v50, v51  }
0x407: {  	v23 =	vld [tilespmem:s23+$0xFFFFFDD0];
	v1 =	vadd.bf16 v25, v1;
	v0 =	vadd.bf16 v0, v2;
	v2 =	vmul.bf16 v27, v30  }
0x408: {  	v62 =	vld [tilespmem:s23+$0xFFFFEAF0];
	v35 =	vmul.bf16 v55, v56;
	v3 =	vadd.bf16 v3, v7;
	v11 =	vadd.bf16 v9, v8  }
0x409: {  	v24 =	vld [tilespmem:s23+$0xFFFFE9D0];
	v14 =	vadd.bf16 v15, v14;
	v2 =	vadd.bf16 v10, v2;
	v10 =	vmul.bf16 v33, v34  }
0x40a: {  	v25 =	vld [tilespmem:s23+$0x0];
	v20 =	vadd.bf16 v22, v20;
	v13 =	vunpack.i.u.bf16.f32 v0;
	v0 =	vunpack.i.l.bf16.f32 v0  }
0x40b: {  	v29 =	vld [tilespmem:s23+$0xFFFFEBF0];
	v16 =	vunpack.i.u.bf16.f32 v3;
	v2 =	vadd.bf16 v11, v2;
	v10 =	vadd.bf16 v12, v10  }
0x40c: {  	v32 =	vld [tilespmem:s23+$0xFFFFEBD0];
	v3 =	vunpack.i.l.bf16.f32 v3;
	v34 =	vmul.bf16 v57, v58;
	v0 =	vadd.f32 v0, v13  }
0x40d: {  	v7 =	vld [tilespmem:s23+$0xFFFFFEE0];
	v13 =	vunpack.i.u.bf16.f32 v2;
	v2 =	vunpack.i.l.bf16.f32 v2;
	v10 =	vadd.bf16 v10, v14  }
0x40e: {  	v8 =	vld [tilespmem:s23+$0xFFFFEAE0];
	v14 =	vmul.bf16 v28, v31;
	v2 =	vadd.f32 v2, v13;
	v13 =	vmul.bf16 v36, v39  }
0x40f: {  	v9 =	vld [tilespmem:s23+$0xFFFFFED0];
	v3 =	vadd.f32 v3, v16;
	v16 =	vunpack.i.u.bf16.f32 v10;
	v10 =	vunpack.i.l.bf16.f32 v10  }
0x410: {  	v15 =	vld [tilespmem:s23+$0xFFFFEA00];
	v16 =	vadd.f32 v10, v16;
	v10 =	vmul.bf16 v52, v53;
	v13 =	vadd.bf16 v14, v13  }
0x411: {  	v27 =	vld [tilespmem:s23+$0xFFFFFFF0];
	v28 =	vperm.xlane v3, v63;
	v14 =	vperm.xlane v0, v63  }
0x412: {  	p0 =	sne.s32 s25, $0x100;
	v30 =	vld [tilespmem:s23+$0xFFFFEBE0];
	v52 =	vperm.xlane v2, v63;
	v22 =	vadd.bf16 v26, v10;
	v20 =	vadd.bf16 v13, v20  }
.Ltmp4:
0x413: {  	v11 =	vld [tilespmem:s23+$0xFFFFEAD0];
	v10 =	vadd.f32 v14, v0;
	v13 =	vadd.f32 v28, v3;
	v3 =	vperm.xlane v16, v63;
	(pc) =	sbr.rel @p0 .LBB2_9-.Ltmp4, $4  }
0x414: {  	v12 =	vld [tilespmem:s23+$0xFFFFFE00];
	v14 =	vadd.f32 v52, v2;
	v1 =	vadd.bf16 v1, v22;
	v22 =	vunpack.i.u.bf16.f32 v20  }
0x415: {  	v31 =	vld [tilespmem:s23+$0xFFFFFFD0];
	v20 =	vunpack.i.l.bf16.f32 v20;
	v16 =	vadd.f32 v3, v16;
	v3 =	vmul.bf16 v43, v46  }
0x416: {  	v26 =	vld [tilespmem:s23+$0xFFFFEC00];
	v20 =	vadd.f32 v20, v22;
	v53 =	vunpack.i.u.bf16.f32 v1;
	v1 =	vunpack.i.l.bf16.f32 v1  }
0x417: {  	s24 =	smov.u32 s25;
	s25 =	sadd.s32 $0x40, s25;
	v36 =	vmul.bf16 v61, v62;
	v28 =	vld [tilespmem:s23+$0xFFFFFFE0];
	v33 =	vadd.bf16 v3, v54;
	v22 =	vadd.f32 v1, v53  }
0x418: {  	v1 =	vmul.bf16 v9, v11  }
0x419: {  	v2 =	vmul.bf16 v7, v8;
	v62 =	vmul.bf16 v17, v19  }
0x41a: {  	v0 =	vadd.bf16 v35, v34;
	v23 =	vmul.bf16 v23, v24;
	v24 =	vmul.bf16 v18, v21  }
0x41b: {  	v3 =	vadd.bf16 v37, v36;
	v19 =	vmul.bf16 v12, v15;
	v1 =	vadd.bf16 v2, v1  }
0x41c: {  	v0 =	vadd.bf16 v33, v0;
	v33 =	vmul.bf16 v27, v29;
	v35 =	vmul.bf16 v31, v32  }
0x41d: {  	v2 =	vadd.bf16 v24, v23;
	v34 =	vmul.bf16 v25, v26;
	v36 =	vmul.bf16 v28, v30  }
0x41e: {  	v7 =	vadd.bf16 v19, v62;
	v1 =	vadd.bf16 v3, v1  }
0x41f: {  	v38 =	vperm.xlane v20, v63;
	v37 =	vadd.bf16 v34, v33;
	v3 =	vadd.bf16 v36, v35  }
0x420: {  	v39 =	vunpack.i.u.bf16.f32 v0;
	v0 =	vunpack.i.l.bf16.f32 v0;
	v2 =	vadd.bf16 v7, v2  }
0x421: {  	v40 =	vunpack.i.u.bf16.f32 v1;
	v1 =	vunpack.i.l.bf16.f32 v1;
	v3 =	vadd.bf16 v37, v3  }
0x422: {  	v0 =	vadd.f32 v0, v39;
	v1 =	vadd.f32 v1, v40;
	v41 =	vunpack.i.u.bf16.f32 v2  }
0x423: {  	v2 =	vunpack.i.l.bf16.f32 v2;
	v8 =	vunpack.i.u.bf16.f32 v3;
	v3 =	vunpack.i.l.bf16.f32 v3  }
0x424: {  	v49 =	vld [tilespmem:$0x1FFD0];
	v42 =	vperm.xlane v22, v63;
	v2 =	vadd.f32 v2, v41;
	v3 =	vadd.f32 v3, v8  }
0x425: {  	v43 =	vadd.f32 v38, v20;
	v44 =	vperm.xlane v0, v63;
	v45 =	vperm.xlane v1, v63  }
0x426: {  	v7 =	vadd.f32 v42, v22;
	v46 =	vperm.xlane v2, v63;
	v47 =	vperm.xlane v3, v63  }
0x427: {  	v10 =	vsel vm2, v10, v13;
	v0 =	vadd.f32 v44, v0;
	v1 =	vadd.f32 v45, v1  }
0x428: {  	v48 =	vsel vm2, v14, v16;
	v2 =	vadd.f32 v46, v2;
	v3 =	vadd.f32 v47, v3  }
0x429: {  	v57 =	vld [tilespmem:$0x1FFE0];
	v50 =	vperm.xlane v10, v49;
	v51 =	vperm.xlane v48, v49;
	v0 =	vsel vm2, v0, v1  }
0x42a: {  	v7 =	vsel vm2, v43, v7;
	v55 =	vperm.xlane v0, v49;
	v52 =	vsel vm2, v2, v3  }
0x42b: {  	v54 =	vadd.f32 v50, v10;
	v53 =	vperm.xlane v7, v49;
	v56 =	vperm.xlane v52, v49  }
0x42c: {  	v9 =	vadd.f32 v51, v48;
	v0 =	vadd.f32 v55, v0  }
0x42d: {  	v4 =	vsel vm0, v4, v5;
	v2 =	vadd.f32 v53, v7;
	v1 =	vadd.f32 v56, v52  }
0x42e: {  	v5 =	vperm.xlane v4, v57;
	v3 =	vsel vm0, v6, v54  }
0x42f: {  	v58 =	vperm.xlane v3, v57;
	v2 =	vsel vm0, v9, v2;
	v0 =	vsel vm0, v0, v1  }
0x430: {  	v61 =	vld [tilespmem:$0x1FFF0];
	v59 =	vperm.xlane v2, v57;
	v60 =	vperm.xlane v0, v57  }
0x431: {  	v4 =	vadd.f32 v5, v4;
	v1 =	vadd.f32 v58, v3  }
0x432: {  	v2 =	vadd.f32 v59, v2;
	v0 =	vadd.f32 v60, v0;
	_ =	sdelay $0x1  }
0x433: {  	v1 =	vsel vm1, v4, v1;
	v0 =	vsel vm1, v2, v0  }
0x434: {  	v62 =	vperm.xlane v1, v61;
	v63 =	vperm.xlane v0, v61;
	_ =	sdelay $0x1  }
0x435: {  	v1 =	vadd.f32 v62, v1;
	v0 =	vadd.f32 v63, v0  }
0x436: {  	s22 =	sadd.s32 $0x1, s22  }
0x437: {  	s23 =	sshra.s32 s24, $0x2;
	p0 =	sne.s32 s22, s9;
	v0 =	vsel vm3, v1, v0  }
.Ltmp5:
0x438: {  	[tilespmem:s23+$0xC4E0] =	vst v0;
	(pc) =	sbr.rel @p0 .LBB2_1-.Ltmp5, $4  }
0x439: {  	[hbm4b:s8+s3] =	stream.linear.scatter [tilespmem:s21], [sflag:$0x3], $0x2710, $0x38;
	[tilespmem:$0x16170] =	vst v63  }
0x43a: {  	_ =	swait.ge [sflag:s11], $0x2710  }
0x43b: {  	[sflag:s11] =	ssyncset.done $0x0  }
0x43c: {  	[sflag:s11] =	ssyncadd.s32 $0xFFFFD8F0  }
0x43d: {  	_ =	sfence.sel $0x180000  }
0x43e: {  	[bflag:$0x0] =	sbarrier.arrive $0xFFFF  }
0x43f: {  	p0 =	sne.s32 s2, $0x0;
	_ =	strace $0x90000047  }
0x440: {  	s0 =	sadd.s32 @!p0 $0x100000, s0;
	[bflag:$0x2] =	sbarrier.arrive $0xFFFF  }
0x441: {  	[sflag:s0] =	ssyncadd.tile.s32 @!p0 $0x1;
	_ =	shalt  }
.Lfunc_end2:
_tile_overlayer_lowered:
.L_overlay_start_2:
0x442: {  	(tag) =	ssettag $0x2  }
0x443: {  	s0 =	rddreg [dreg:$0x0];
	s2 =	stileid.u32  }
0x444: {  	s1 =	rddreg [dreg:$0x1];
	p0 =	sne.s32 s2, $0x0  }
0x445: {  	s3 =	rddreg [dreg:$0x2];
	[bflag:$0x3] =	sbarrier.arrive $0xFFFF;
	s2 =	simm.s32 @!p0 $0x1C03  }
0x446: {  	[timem:s3], [sflag:s2] =	dma.local @!p0 [hbm:s0], s1  }
0x447: {  	s0 =	simm.s32 @!p0 $0x3  }
0x448: {  	_ =	swait.ge @!p0 [sflag:s0], s1  }
0x449: {  	s1 =	ssub.s32 @!p0 $0x0, s1;
	[sflag:s0] =	ssyncset.done @!p0 $0x0  }
0x44a: {  	[sflag:s0] =	ssyncadd.s32 @!p0 s1  }
0x44b: {  	[bflag:$0x3] =	sbarrier.arrive $0xFFFF  }
0x44c: {  	_ =	shalt  }

</sc_bundles>
